<compile_context>
chip_gen: v7x
topology: tpu7x:2x2x1
jax: 0.10.2.dev20260603
libtpu: 0.0.44.dev20260713+nightly
codegen_flags: <defaults>
</compile_context>

<pallas_src>
import functools

import jax
import jax.numpy as jnp
import numpy as np
from jax import lax
from jax.experimental import pallas as pl
from jax.experimental.pallas import tpu as pltpu
from jax.experimental.pallas import tpu_sc as plsc

B, N, K = 4, 100000, 16
NP = 100352
C = 12544
NCH = NP // C
PAD_LABEL = 17

SHIFT = 18
LO = int(np.float32(1e-6).view(np.uint32)) >> SHIFT
HI = int(np.float32(2.0).view(np.uint32)) >> SHIFT
NB = ((HI - LO + 1) + 15) // 16 * 16
REP = 16
SC_CH = 6272


def _stats_body(off_ref, crd_ref, sig_ref, seed_ref, lab_ref, out_ref):
    c = pl.program_id(1)
    emb = jnp.tanh(off_ref[0]) + crd_ref[0]
    sig = sig_ref[0]
    sm = jax.nn.sigmoid(seed_ref[0])
    lab = lab_ref[0]
    ones = jnp.ones_like(sm)
    sig2 = jnp.sum(sig * sig, axis=0, keepdims=True)
    feat = jnp.concatenate([ones, emb, sig, sig2, sm * sm], axis=0)
    colv = (lax.broadcasted_iota(jnp.int32, (1, C), 1) + c * C) < N
    feat = jnp.where(colv, feat, 0.0)
    cls = lax.broadcasted_iota(jnp.int32, (17, 1), 0)
    oh = ((lab == cls) & colv).astype(jnp.float32)
    stats = lax.dot_general(feat, oh, (((1,), (1,)), ((), ())),
                            preferred_element_type=jnp.float32)

    @pl.when(c == 0)
    def _():
        out_ref[0] = stats

    @pl.when(c != 0)
    def _():
        out_ref[0] = out_ref[0] + stats


_stats_call = pl.pallas_call(
    _stats_body,
    grid=(B, NCH),
    in_specs=[
        pl.BlockSpec((1, 3, C), lambda b, c: (b, 0, c)),
        pl.BlockSpec((1, 3, C), lambda b, c: (b, 0, c)),
        pl.BlockSpec((1, 3, C), lambda b, c: (b, 0, c)),
        pl.BlockSpec((1, 1, C), lambda b, c: (b, 0, c)),
        pl.BlockSpec((1, 1, C), lambda b, c: (b, 0, c)),
    ],
    out_specs=pl.BlockSpec((1, 9, 17), lambda b, c: (b, 0, 0)),
    out_shape=jax.ShapeDtypeStruct((B, 9, 17), jnp.float32),
)


def _probs_body(off_ref, crd_ref, seed_ref, lab_ref, st_ref, e_ref, sl_ref):
    c = pl.program_id(1)
    st = st_ref[0]
    cnt = st[1:17, 0:1]
    denom = jnp.maximum(cnt, 1.0)
    center = st[1:17, 1:4] / denom
    sexp = jnp.exp(10.0 * st[1:17, 4:7] / denom)

    emb = jnp.tanh(off_ref[0]) + crd_ref[0]
    x = jnp.zeros((K, C), jnp.float32)
    for d in range(3):
        diff = emb[d:d + 1, :] - center[:, d:d + 1]
        x = x + sexp[:, d:d + 1] * (diff * diff)
    p = jnp.exp(-x)

    lab = lab_ref[0]
    kk = lax.broadcasted_iota(jnp.int32, (K, 1), 0) + 1
    valid = (lax.broadcasted_iota(jnp.int32, (1, C), 1) + c * C) < N
    is_pos = (lab == kk) & valid
    mag = jnp.where(is_pos, 2.0 - 2.0 * p,
                    jnp.where(valid, 2.0 * p, 0.0))
    bits = lax.bitcast_convert_type(mag, jnp.int32)
    t = jnp.clip(lax.shift_right_logical(bits, SHIFT) - LO, 0, NB - 1)
    sgn = jnp.where(is_pos, 0, 1)
    lp = lax.broadcasted_iota(jnp.int32, (1, C), 1) & 15
    idx = (t + sgn * NB) * REP + lp
    e_ref[0] = idx[:, :C // 2] | (idx[:, C // 2:] << 16)

    sm = jax.nn.sigmoid(seed_ref[0])
    dif = sm - p
    stt = jnp.sum(jnp.where(is_pos, dif * dif, 0.0), axis=1, keepdims=True)

    @pl.when(c == 0)
    def _():
        sl_ref[0] = jnp.broadcast_to(stt, (K, 128))

    @pl.when(c != 0)
    def _():
        sl_ref[0] = sl_ref[0] + stt


_probs_call = pl.pallas_call(
    _probs_body,
    grid=(B, NCH),
    in_specs=[
        pl.BlockSpec((1, 3, C), lambda b, c: (b, 0, c)),
        pl.BlockSpec((1, 3, C), lambda b, c: (b, 0, c)),
        pl.BlockSpec((1, 1, C), lambda b, c: (b, 0, c)),
        pl.BlockSpec((1, 1, C), lambda b, c: (b, 0, c)),
        pl.BlockSpec((1, 17, 9), lambda b, c: (b, 0, 0)),
    ],
    out_specs=[
        pl.BlockSpec((1, K, C // 2), lambda b, c: (b, 0, c)),
        pl.BlockSpec((1, K, 128), lambda b, c: (b, 0, 0)),
    ],
    out_shape=[
        jax.ShapeDtypeStruct((B, K, NP // 2), jnp.int32),
        jax.ShapeDtypeStruct((B, K, 128), jnp.float32),
    ],
)


def _gsum16(ref, row0, lane):
    acc = jnp.zeros((16,), jnp.float32)
    base = (row0 + lane) * REP
    for l in range(REP):
        acc = acc + plsc.load_gather(ref, [base + l])
    return acc


_ZUNROLL = 8
_HUNROLL = 16
_TUNROLL = 4


def _sc_body(e_hbm, out_hbm, cnt_h, buf0, buf1, res, sem0, sem1):
    lane = lax.iota(jnp.int32, 16)
    zeros = jnp.zeros((16,), jnp.float32)
    ones = jnp.ones((16,), jnp.float32)
    wid = lax.axis_index("s") * 2 + lax.axis_index("c")
    res[...] = zeros
    bufs = (buf0, buf1)
    sems = (sem0, sem1)
    npw = NP // 2
    nch = npw // SC_CH

    for pair_i in range(2):
        pair = wid * 2 + pair_i

        @plsc.parallel_loop(0, 2 * NB, unroll=_ZUNROLL)
        def _(i):
            cnt_h[pl.ds(i * 16, 16)] = zeros

        def run_hist(buf):
            @plsc.parallel_loop(0, SC_CH // 16, unroll=_HUNROLL)
            def _(i):
                packed = buf[pl.ds(i * 16, 16)]
                ia = lax.bitwise_and(packed, 0xFFFF)
                ib = lax.shift_right_logical(packed, 16)
                plsc.addupdate_scatter(cnt_h, [ia], ones)
                plsc.addupdate_scatter(cnt_h, [ib], ones)

        bb = pair // K
        kk = lax.rem(pair, K)
        copies = [None, None]
        copies[0] = pltpu.async_copy(
            e_hbm.at[bb, kk, pl.ds(0, SC_CH)], buf0, sem0)
        for c in range(nch):
            if c + 1 < nch:
                copies[(c + 1) % 2] = pltpu.async_copy(
                    e_hbm.at[bb, kk, pl.ds((c + 1) * SC_CH, SC_CH)],
                    bufs[(c + 1) % 2], sems[(c + 1) % 2])
            copies[c % 2].wait()
            run_hist(bufs[c % 2])

        def tot_body(i, carry):
            gp, gn = carry
            gp = gp + cnt_h[pl.ds(i * 16, 16)]
            gn = gn + cnt_h[pl.ds(NB * REP + i * 16, 16)]
            return gp, gn

        gp, gn = plsc.parallel_loop(
            0, NB, unroll=_TUNROLL, carry=(zeros, zeros))(tot_body)
        G = jnp.sum(gp)
        Nn = jnp.sum(gn)

        half = jnp.int32(1 << (SHIFT - 1))

        def comb_body(ch, carry):
            cp, cn, acc = carry
            t0 = ch * 16
            Hp = _gsum16(cnt_h, t0, lane)
            Hn = _gsum16(cnt_h, NB + t0, lane)
            midbits = lax.shift_left(LO + t0 + lane, SHIFT) | half
            mid = lax.bitcast_convert_type(midbits, jnp.float32)
            cpi = cp + plsc.cumsum(Hp)
            cni = cn + plsc.cumsum(Hn)
            a = Nn - cni
            pbar = (G - cpi) + 0.5 * Hp
            pos_c = Hp * mid / jnp.maximum(G + a + 0.5 * Hn, 1.0)
            neg_c = (Hn * mid * (G - pbar) /
                     (jnp.maximum(G + a, 1.0) * jnp.maximum(G + a + Hn, 1.0)))
            return (cp + jnp.sum(Hp), cn + jnp.sum(Hn), acc + pos_c + neg_c)

        _, _, acc = lax.fori_loop(0, NB // 16, comb_body, (0.0, 0.0, zeros))
        lov = jnp.sum(acc)
        res[...] = res[...] + jnp.where(lane == pair_i, lov, 0.0)

    pltpu.sync_copy(res, out_hbm.at[wid])


@functools.cache
def _make_sc_call():
    return pl.kernel(
        _sc_body,
        out_type=jax.ShapeDtypeStruct((32, 16), jnp.float32),
        mesh=plsc.VectorSubcoreMesh(core_axis_name="c", subcore_axis_name="s",
                                    num_cores=2, num_subcores=16),
        compiler_params=pltpu.CompilerParams(needs_layout_passes=False),
        scratch_types=[
            pltpu.VMEM((2 * NB * REP,), jnp.float32),
            pltpu.VMEM((SC_CH,), jnp.int32),
            pltpu.VMEM((SC_CH,), jnp.int32),
            pltpu.VMEM((16,), jnp.float32),
            pltpu.SemaphoreType.DMA,
            pltpu.SemaphoreType.DMA,
        ],
    )


def _final_body(st_ref, sl_ref, lov_ref, out_ref):
    s = st_ref[...]
    cnt = s[:, 0, 1:17]
    presf = (cnt > 0.0).astype(jnp.float32)
    denom = jnp.maximum(cnt, 1.0)
    sigk = s[:, 4:7, 1:17] / denom[:, None, :]
    smooth_k = ((s[:, 7, 1:17] - cnt * jnp.sum(sigk * sigk, axis=1))
                / (denom * 3.0))
    st = sl_ref[:, :, 0]
    seed_bg = s[:, 8, 0]
    lov = lov_ref[...]
    oc = jnp.maximum(jnp.sum(presf, axis=1), 1.0)
    inst = jnp.sum(presf * lov, axis=1) / oc
    smooth = jnp.sum(presf * smooth_k, axis=1) / oc
    seed = (seed_bg + jnp.sum(presf * st, axis=1)) / float(N)
    tot = jnp.sum(inst + 10.0 * smooth + 10.0 * seed) / float(B)
    out_ref[...] = jnp.reshape(tot, (1, 1))


_final_call = pl.pallas_call(
    _final_body,
    in_specs=[
        pl.BlockSpec((B, 9, 17), lambda: (0, 0, 0)),
        pl.BlockSpec((B, K, 128), lambda: (0, 0, 0)),
        pl.BlockSpec((B, K), lambda: (0, 0)),
    ],
    out_specs=pl.BlockSpec((1, 1), lambda: (0, 0)),
    out_shape=jax.ShapeDtypeStruct((1, 1), jnp.float32),
)


def kernel(offsets_F, coords_C, sigmas_F, seeds_F, labels):
    off_t = jnp.swapaxes(offsets_F, 1, 2)
    crd_t = jnp.swapaxes(coords_C, 1, 2)
    sig_t = jnp.swapaxes(sigmas_F, 1, 2)
    seed2 = seeds_F.reshape(B, 1, N)
    lab2 = labels.reshape(B, 1, N)

    stats = _stats_call(off_t, crd_t, sig_t, seed2, lab2)
    stats_t = jnp.swapaxes(stats, 1, 2)
    e_arr, seedterm = _probs_call(off_t, crd_t, seed2, lab2, stats_t)
    lov_raw = _make_sc_call()(e_arr)
    lov = lov_raw[:, :2].reshape(B, K)
    total = _final_call(stats, seedterm, lov)
    return total.reshape(())

# --- scband reference (transcript-rebuilt; emitter-appended) ---
"""Pipeline reference for scband-spatial-embedding-loss-420906795566 (READ-ONLY COPY).

The authoritative reference and input builder live on the scoring server;
editing this copy changes nothing except your own understanding.
"""

import jax, jax.numpy as jnp
import numpy as np

B, N, K = 4, 100000, 16


def lovasz_hinge_flat(logits, gt_mask):
    signs = 2.0 * gt_mask.astype(jnp.float32) - 1.0
    errors = 1.0 - logits * signs
    order = jnp.argsort(-errors)
    errors_sorted = errors[order]
    gt_sorted = gt_mask[order].astype(jnp.float32)
    gts = jnp.sum(gt_sorted)
    intersection = gts - jnp.cumsum(gt_sorted)
    union = gts + jnp.cumsum(1.0 - gt_sorted)
    jaccard = 1.0 - intersection / jnp.maximum(union, 1.0)
    jaccard = jnp.concatenate([jaccard[:1], jaccard[1:] - jaccard[:-1]])
    return jnp.sum(jax.nn.relu(errors_sorted) * jaccard)


def setup_inputs(seed: int = 0) -> dict:
    key = jax.random.key(seed)
    k1, k2, k3, k4, k5 = jax.random.split(key, 5)
    return {
        "offsets_F": jax.random.normal(k1, (B, N, 3), dtype=jnp.float32),
        "coords_C": jax.random.normal(k2, (B, N, 3), dtype=jnp.float32),
        "sigmas_F": jax.random.normal(k3, (B, N, 3), dtype=jnp.float32),
        "seeds_F": jax.random.normal(k4, (B, N, 1), dtype=jnp.float32),
        "labels": jax.random.randint(k5, (B, N), 0, 17, dtype=jnp.int32),
    }


def reference(offsets_F, coords_C, sigmas_F, seeds_F, labels):
    w_foreground, w_instance, w_smooth, w_seed = 1.0, 1.0, 10.0, 10.0
    total = 0.0
    for b in range(B):
        spatial_emb = jnp.tanh(offsets_F[b]) + coords_C[b]  # [N,3]
        sigma = sigmas_F[b]  # [N,3]
        seed_map = jax.nn.sigmoid(seeds_F[b][:, 0])  # [N]
        inst = labels[b] - 1  # -1 is background, 0..K-1 are instances
        bg = inst == -1
        seed_loss = jnp.sum(jnp.where(bg, (seed_map - 0.0) ** 2, 0.0))
        smooth_loss = 0.0
        instance_loss = 0.0
        obj_count = 0.0
        for k in range(K):
            mask = inst == k
            cnt = jnp.sum(mask.astype(jnp.float32))
            present = (cnt > 0).astype(jnp.float32)
            denom = jnp.maximum(cnt, 1.0)
            m3 = mask[:, None]
            center_k = jnp.sum(jnp.where(m3, spatial_emb, 0.0), axis=0) / denom  # [3]
            sigma_k = jnp.sum(jnp.where(m3, sigma, 0.0), axis=0) / denom  # [3]
            smooth_k = jnp.sum(jnp.where(m3, (sigma - jax.lax.stop_gradient(sigma_k)) ** 2, 0.0)) / (denom * 3.0)
            sigma_exp = jnp.exp(sigma_k * 10.0)
            probs = jnp.exp(-1.0 * jnp.sum(sigma_exp * (spatial_emb - center_k) ** 2, axis=1))  # [N]
            logits = 2.0 * probs - 1.0
            il = lovasz_hinge_flat(logits, mask)
            instance_loss = instance_loss + present * il
            smooth_loss = smooth_loss + present * smooth_k
            seed_loss = seed_loss + present * w_foreground * jnp.sum(
                jnp.where(mask, (seed_map - jax.lax.stop_gradient(probs)) ** 2, 0.0))
            obj_count = obj_count + present
        oc = jnp.maximum(obj_count, 1.0)
        instance_loss = instance_loss / oc
        smooth_loss = smooth_loss / oc
        seed_loss = seed_loss / float(N)
        total = total + w_instance * instance_loss + w_smooth * smooth_loss + w_seed * seed_loss
    return total / float(B) + jnp.sum(offsets_F) * 0.0

if __name__ == "__main__":
    import jax
    _d = setup_inputs()
    print(jax.jit(kernel)(*tuple(_d.values())))

</pallas_src>

<mosaic_0001>
#map = affine_map<(d0, d1) -> (0, 0, 0)>
#map1 = affine_map<(d0, d1) -> (0, 0)>
module attributes {stable_mosaic.version = 14 : i64} {
  func.func @_sc_body(%arg0: i32, %arg1: i32, %arg2: memref<4x16x50176xi32, #tpu.memory_space<hbm>>, %arg3: memref<32x16xf32, #tpu.memory_space<hbm>>, %arg4: memref<21504xf32, #tpu.memory_space<vmem>>, %arg5: memref<6272xi32, #tpu.memory_space<vmem>>, %arg6: memref<6272xi32, #tpu.memory_space<vmem>>, %arg7: memref<16xf32, #tpu.memory_space<vmem>>, %arg8: memref<!tpu.dma_semaphore, #tpu.memory_space<semaphore_mem>>, %arg9: memref<!tpu.dma_semaphore, #tpu.memory_space<semaphore_mem>>) attributes {dimension_semantics = [#tpu.dimension_semantics<core_parallel>, #tpu.dimension_semantics<subcore_parallel>], iteration_bounds = array<i64: 2, 16>, scalar_prefetch = 0 : i64, scratch_operands = 6 : i64, tpu.core_type = #tpu.core_type<sc_vector_subcore>, window_params = [{transform_indices = #map}, {transform_indices = #map1}]} {
    %iota3A = tpu.iota {dimensions = array<i32: 0>} : vector<16xi32>
    %broadcast_in_dim3A = arith.constant 0.000000e+00 : f32
    %broadcast_in_dim3A_0 = vector.broadcast %broadcast_in_dim3A : f32 to vector<16xf32>
    %broadcast_in_dim3A_1 = arith.constant 1.000000e+00 : f32
    %broadcast_in_dim3A_2 = vector.broadcast %broadcast_in_dim3A_1 : f32 to vector<16xf32>
    %mul3A = arith.constant 2 : i32
    %mul3A_3 = arith.muli %arg1, %mul3A : i32
    %add3A = arith.addi %mul3A_3, %arg0 : i32
    %swap3A = arith.constant 0 : index
    %swap3A_4 = tpu.vector_load %arg7[%swap3A] {strides = array<i32>} : memref<16xf32, #tpu.memory_space<vmem>>, vector<16xf32>,
    tpu.vector_store %arg7[%swap3A], %broadcast_in_dim3A_0 {strides = array<i32>} : memref<16xf32, #tpu.memory_space<vmem>>, vector<16xf32>,
    %mul3A_5 = arith.constant 2 : i32
    %mul3A_6 = arith.muli %add3A, %mul3A_5 : i32
    %add3A_7 = arith.constant 0 : i32
    %add3A_8 = arith.addi %mul3A_6, %add3A_7 : i32
    %parallel_loop3A = arith.constant 0 : i32
    %parallel_loop3A_9 = arith.constant 1344 : i32
    %parallel_loop3A_10 = arith.constant 1 : i32
    scf.for %parallel_loop3A_370 = %parallel_loop3A to %parallel_loop3A_9 step %parallel_loop3A_10  : i32 {
      %parallel_loop3A_371 = arith.constant 16 : i32
      %parallel_loop3A_372 = arith.muli %parallel_loop3A_370, %parallel_loop3A_371 : i32
      %parallel_loop3A_373 = arith.index_cast %parallel_loop3A_372 : i32 to index
      %parallel_loop3A_374 = tpu.vector_load %arg4[%parallel_loop3A_373] {strides = array<i32>} : memref<21504xf32, #tpu.memory_space<vmem>>, vector<16xf32>,
      tpu.vector_store %arg4[%parallel_loop3A_373], %broadcast_in_dim3A_0 {strides = array<i32>} : memref<21504xf32, #tpu.memory_space<vmem>>, vector<16xf32>,
    } {sc.loop_unroll_factor = 8 : i64, sc.parallel_access}
    %jit3A = arith.constant 16 : i32
    %div3A = arith.divsi %add3A_8, %jit3A : i32
    %sign3A = arith.constant 0 : i32
    %sign3A_11 = arith.cmpi sgt, %add3A_8, %sign3A : i32
    %sign3A_12 = arith.extui %sign3A_11 : i1 to i32
    %sign3A_13 = arith.constant 0 : i32
    %sign3A_14 = arith.cmpi slt, %add3A_8, %sign3A_13 : i32
    %sign3A_15 = arith.extui %sign3A_14 : i1 to i32
    %sign3A_16 = arith.subi %sign3A_12, %sign3A_15 : i32
    %sign3A_17 = arith.constant 0 : i32
    %sign3A_18 = arith.cmpi sgt, %jit3A, %sign3A_17 : i32
    %sign3A_19 = arith.extui %sign3A_18 : i1 to i32
    %sign3A_20 = arith.constant 0 : i32
    %sign3A_21 = arith.cmpi slt, %jit3A, %sign3A_20 : i32
    %sign3A_22 = arith.extui %sign3A_21 : i1 to i32
    %sign3A_23 = arith.subi %sign3A_19, %sign3A_22 : i32
    %ne3A = arith.cmpi ne, %sign3A_16, %sign3A_23 : i32
    %rem3A = arith.remsi %add3A_8, %jit3A : i32
    %ne3A_24 = arith.constant 0 : i32
    %ne3A_25 = arith.cmpi ne, %rem3A, %ne3A_24 : i32
    %and3A = arith.andi %ne3A, %ne3A_25 : i1
    %sub3A = arith.constant 1 : i32
    %sub3A_26 = arith.subi %div3A, %sub3A : i32
    %select_n3A = arith.select %and3A, %sub3A_26, %div3A : i32
    %rem3A_27 = arith.constant 16 : i32
    %rem3A_28 = arith.remsi %add3A_8, %rem3A_27 : i32
    %dma_start3A = arith.constant 0 : i32
    %dma_start3A_29 = tpu.memref_slice %arg2[%select_n3A, %rem3A_28, %dma_start3A] : memref<4x16x50176xi32, #tpu.memory_space<hbm>> -> memref<1x1x6272xi32, #tpu.memory_space<hbm>>
    %dma_start3A_30 = tpu.memref_squeeze %dma_start3A_29 : memref<1x1x6272xi32, #tpu.memory_space<hbm>> -> memref<6272xi32, #tpu.memory_space<hbm>>
    %dma_start3A_31 = arith.constant 0 : i32
    %dma_start3A_32 = tpu.memref_slice %arg2[%select_n3A, %rem3A_28, %dma_start3A_31] : memref<4x16x50176xi32, #tpu.memory_space<hbm>> -> memref<1x1x6272xi32, #tpu.memory_space<hbm>>
    %dma_start3A_33 = tpu.memref_squeeze %dma_start3A_32 : memref<1x1x6272xi32, #tpu.memory_space<hbm>> -> memref<6272xi32, #tpu.memory_space<hbm>>
    tpu.enqueue_dma source(%dma_start3A_33 : memref<6272xi32, #tpu.memory_space<hbm>>) target(%arg5 : memref<6272xi32, #tpu.memory_space<vmem>>) target_semaphore(%arg8 : memref<!tpu.dma_semaphore, #tpu.memory_space<semaphore_mem>>)
    %dma_start3A_34 = arith.constant 6272 : i32
    %dma_start3A_35 = tpu.memref_slice %arg2[%select_n3A, %rem3A_28, %dma_start3A_34] : memref<4x16x50176xi32, #tpu.memory_space<hbm>> -> memref<1x1x6272xi32, #tpu.memory_space<hbm>>
    %dma_start3A_36 = tpu.memref_squeeze %dma_start3A_35 : memref<1x1x6272xi32, #tpu.memory_space<hbm>> -> memref<6272xi32, #tpu.memory_space<hbm>>
    %dma_start3A_37 = arith.constant 6272 : i32
    %dma_start3A_38 = tpu.memref_slice %arg2[%select_n3A, %rem3A_28, %dma_start3A_37] : memref<4x16x50176xi32, #tpu.memory_space<hbm>> -> memref<1x1x6272xi32, #tpu.memory_space<hbm>>
    %dma_start3A_39 = tpu.memref_squeeze %dma_start3A_38 : memref<1x1x6272xi32, #tpu.memory_space<hbm>> -> memref<6272xi32, #tpu.memory_space<hbm>>
    tpu.enqueue_dma source(%dma_start3A_39 : memref<6272xi32, #tpu.memory_space<hbm>>) target(%arg6 : memref<6272xi32, #tpu.memory_space<vmem>>) target_semaphore(%arg9 : memref<!tpu.dma_semaphore, #tpu.memory_space<semaphore_mem>>)
    %dma_wait3A = arith.constant 0 : i32
    %dma_wait3A_40 = tpu.memref_slice %arg2[%select_n3A, %rem3A_28, %dma_wait3A] : memref<4x16x50176xi32, #tpu.memory_space<hbm>> -> memref<1x1x6272xi32, #tpu.memory_space<hbm>>
    %dma_wait3A_41 = tpu.memref_squeeze %dma_wait3A_40 : memref<1x1x6272xi32, #tpu.memory_space<hbm>> -> memref<6272xi32, #tpu.memory_space<hbm>>
    %dma_wait3A_42 = arith.constant 0 : i32
    %dma_wait3A_43 = tpu.memref_slice %arg2[%select_n3A, %rem3A_28, %dma_wait3A_42] : memref<4x16x50176xi32, #tpu.memory_space<hbm>> -> memref<1x1x6272xi32, #tpu.memory_space<hbm>>
    %dma_wait3A_44 = tpu.memref_squeeze %dma_wait3A_43 : memref<1x1x6272xi32, #tpu.memory_space<hbm>> -> memref<6272xi32, #tpu.memory_space<hbm>>
    tpu.wait_dma2 semaphore(%arg8 : memref<!tpu.dma_semaphore, #tpu.memory_space<semaphore_mem>>) src(%dma_wait3A_44 : memref<6272xi32, #tpu.memory_space<hbm>>) dst(%arg5 : memref<6272xi32, #tpu.memory_space<vmem>>)
    %parallel_loop3A_45 = arith.constant 0 : i32
    %parallel_loop3A_46 = arith.constant 392 : i32
    %parallel_loop3A_47 = arith.constant 1 : i32
    scf.for %parallel_loop3A_370 = %parallel_loop3A_45 to %parallel_loop3A_46 step %parallel_loop3A_47  : i32 {
      %parallel_loop3A_371 = arith.constant 16 : i32
      %parallel_loop3A_372 = arith.muli %parallel_loop3A_370, %parallel_loop3A_371 : i32
      %parallel_loop3A_373 = arith.index_cast %parallel_loop3A_372 : i32 to index
      %parallel_loop3A_374 = tpu.vector_load %arg5[%parallel_loop3A_373] {strides = array<i32>} : memref<6272xi32, #tpu.memory_space<vmem>>, vector<16xi32>,
      %parallel_loop3A_375 = arith.constant 65535 : i32
      %parallel_loop3A_376 = vector.broadcast %parallel_loop3A_375 : i32 to vector<16xi32>
      %parallel_loop3A_377 = arith.andi %parallel_loop3A_374, %parallel_loop3A_376 : vector<16xi32>
      %parallel_loop3A_378 = arith.constant 16 : i32
      %parallel_loop3A_379 = vector.broadcast %parallel_loop3A_378 : i32 to vector<16xi32>
      %parallel_loop3A_380 = arith.shrui %parallel_loop3A_374, %parallel_loop3A_379 : vector<16xi32>
      tpu.vector_store_idx %arg4[%parallel_loop3A_377], %broadcast_in_dim3A_2 {add = true} : memref<21504xf32, #tpu.memory_space<vmem>>[vector<16xi32>], vector<16xf32>,
      tpu.vector_store_idx %arg4[%parallel_loop3A_380], %broadcast_in_dim3A_2 {add = true} : memref<21504xf32, #tpu.memory_space<vmem>>[vector<16xi32>], vector<16xf32>,
    } {sc.loop_unroll_factor = 16 : i64, sc.parallel_access}
    %dma_start3A_48 = arith.constant 12544 : i32
    %dma_start3A_49 = tpu.memref_slice %arg2[%select_n3A, %rem3A_28, %dma_start3A_48] : memref<4x16x50176xi32, #tpu.memory_space<hbm>> -> memref<1x1x6272xi32, #tpu.memory_space<hbm>>
    %dma_start3A_50 = tpu.memref_squeeze %dma_start3A_49 : memref<1x1x6272xi32, #tpu.memory_space<hbm>> -> memref<6272xi32, #tpu.memory_space<hbm>>
    %dma_start3A_51 = arith.constant 12544 : i32
    %dma_start3A_52 = tpu.memref_slice %arg2[%select_n3A, %rem3A_28, %dma_start3A_51] : memref<4x16x50176xi32, #tpu.memory_space<hbm>> -> memref<1x1x6272xi32, #tpu.memory_space<hbm>>
    %dma_start3A_53 = tpu.memref_squeeze %dma_start3A_52 : memref<1x1x6272xi32, #tpu.memory_space<hbm>> -> memref<6272xi32, #tpu.memory_space<hbm>>
    tpu.enqueue_dma source(%dma_start3A_53 : memref<6272xi32, #tpu.memory_space<hbm>>) target(%arg5 : memref<6272xi32, #tpu.memory_space<vmem>>) target_semaphore(%arg8 : memref<!tpu.dma_semaphore, #tpu.memory_space<semaphore_mem>>)
    %dma_wait3A_54 = arith.constant 6272 : i32
    %dma_wait3A_55 = tpu.memref_slice %arg2[%select_n3A, %rem3A_28, %dma_wait3A_54] : memref<4x16x50176xi32, #tpu.memory_space<hbm>> -> memref<1x1x6272xi32, #tpu.memory_space<hbm>>
    %dma_wait3A_56 = tpu.memref_squeeze %dma_wait3A_55 : memref<1x1x6272xi32, #tpu.memory_space<hbm>> -> memref<6272xi32, #tpu.memory_space<hbm>>
    %dma_wait3A_57 = arith.constant 6272 : i32
    %dma_wait3A_58 = tpu.memref_slice %arg2[%select_n3A, %rem3A_28, %dma_wait3A_57] : memref<4x16x50176xi32, #tpu.memory_space<hbm>> -> memref<1x1x6272xi32, #tpu.memory_space<hbm>>
    %dma_wait3A_59 = tpu.memref_squeeze %dma_wait3A_58 : memref<1x1x6272xi32, #tpu.memory_space<hbm>> -> memref<6272xi32, #tpu.memory_space<hbm>>
    tpu.wait_dma2 semaphore(%arg9 : memref<!tpu.dma_semaphore, #tpu.memory_space<semaphore_mem>>) src(%dma_wait3A_59 : memref<6272xi32, #tpu.memory_space<hbm>>) dst(%arg6 : memref<6272xi32, #tpu.memory_space<vmem>>)
    %parallel_loop3A_60 = arith.constant 0 : i32
    %parallel_loop3A_61 = arith.constant 392 : i32
    %parallel_loop3A_62 = arith.constant 1 : i32
    scf.for %parallel_loop3A_370 = %parallel_loop3A_60 to %parallel_loop3A_61 step %parallel_loop3A_62  : i32 {
      %parallel_loop3A_371 = arith.constant 16 : i32
      %parallel_loop3A_372 = arith.muli %parallel_loop3A_370, %parallel_loop3A_371 : i32
      %parallel_loop3A_373 = arith.index_cast %parallel_loop3A_372 : i32 to index
      %parallel_loop3A_374 = tpu.vector_load %arg6[%parallel_loop3A_373] {strides = array<i32>} : memref<6272xi32, #tpu.memory_space<vmem>>, vector<16xi32>,
      %parallel_loop3A_375 = arith.constant 65535 : i32
      %parallel_loop3A_376 = vector.broadcast %parallel_loop3A_375 : i32 to vector<16xi32>
      %parallel_loop3A_377 = arith.andi %parallel_loop3A_374, %parallel_loop3A_376 : vector<16xi32>
      %parallel_loop3A_378 = arith.constant 16 : i32
      %parallel_loop3A_379 = vector.broadcast %parallel_loop3A_378 : i32 to vector<16xi32>
      %parallel_loop3A_380 = arith.shrui %parallel_loop3A_374, %parallel_loop3A_379 : vector<16xi32>
      tpu.vector_store_idx %arg4[%parallel_loop3A_377], %broadcast_in_dim3A_2 {add = true} : memref<21504xf32, #tpu.memory_space<vmem>>[vector<16xi32>], vector<16xf32>,
      tpu.vector_store_idx %arg4[%parallel_loop3A_380], %broadcast_in_dim3A_2 {add = true} : memref<21504xf32, #tpu.memory_space<vmem>>[vector<16xi32>], vector<16xf32>,
    } {sc.loop_unroll_factor = 16 : i64, sc.parallel_access}
    %dma_start3A_63 = arith.constant 18816 : i32
    %dma_start3A_64 = tpu.memref_slice %arg2[%select_n3A, %rem3A_28, %dma_start3A_63] : memref<4x16x50176xi32, #tpu.memory_space<hbm>> -> memref<1x1x6272xi32, #tpu.memory_space<hbm>>
    %dma_start3A_65 = tpu.memref_squeeze %dma_start3A_64 : memref<1x1x6272xi32, #tpu.memory_space<hbm>> -> memref<6272xi32, #tpu.memory_space<hbm>>
    %dma_start3A_66 = arith.constant 18816 : i32
    %dma_start3A_67 = tpu.memref_slice %arg2[%select_n3A, %rem3A_28, %dma_start3A_66] : memref<4x16x50176xi32, #tpu.memory_space<hbm>> -> memref<1x1x6272xi32, #tpu.memory_space<hbm>>
    %dma_start3A_68 = tpu.memref_squeeze %dma_start3A_67 : memref<1x1x6272xi32, #tpu.memory_space<hbm>> -> memref<6272xi32, #tpu.memory_space<hbm>>
    tpu.enqueue_dma source(%dma_start3A_68 : memref<6272xi32, #tpu.memory_space<hbm>>) target(%arg6 : memref<6272xi32, #tpu.memory_space<vmem>>) target_semaphore(%arg9 : memref<!tpu.dma_semaphore, #tpu.memory_space<semaphore_mem>>)
    %dma_wait3A_69 = arith.constant 12544 : i32
    %dma_wait3A_70 = tpu.memref_slice %arg2[%select_n3A, %rem3A_28, %dma_wait3A_69] : memref<4x16x50176xi32, #tpu.memory_space<hbm>> -> memref<1x1x6272xi32, #tpu.memory_space<hbm>>
    %dma_wait3A_71 = tpu.memref_squeeze %dma_wait3A_70 : memref<1x1x6272xi32, #tpu.memory_space<hbm>> -> memref<6272xi32, #tpu.memory_space<hbm>>
    %dma_wait3A_72 = arith.constant 12544 : i32
    %dma_wait3A_73 = tpu.memref_slice %arg2[%select_n3A, %rem3A_28, %dma_wait3A_72] : memref<4x16x50176xi32, #tpu.memory_space<hbm>> -> memref<1x1x6272xi32, #tpu.memory_space<hbm>>
    %dma_wait3A_74 = tpu.memref_squeeze %dma_wait3A_73 : memref<1x1x6272xi32, #tpu.memory_space<hbm>> -> memref<6272xi32, #tpu.memory_space<hbm>>
    tpu.wait_dma2 semaphore(%arg8 : memref<!tpu.dma_semaphore, #tpu.memory_space<semaphore_mem>>) src(%dma_wait3A_74 : memref<6272xi32, #tpu.memory_space<hbm>>) dst(%arg5 : memref<6272xi32, #tpu.memory_space<vmem>>)
    %parallel_loop3A_75 = arith.constant 0 : i32
    %parallel_loop3A_76 = arith.constant 392 : i32
    %parallel_loop3A_77 = arith.constant 1 : i32
    scf.for %parallel_loop3A_370 = %parallel_loop3A_75 to %parallel_loop3A_76 step %parallel_loop3A_77  : i32 {
      %parallel_loop3A_371 = arith.constant 16 : i32
      %parallel_loop3A_372 = arith.muli %parallel_loop3A_370, %parallel_loop3A_371 : i32
      %parallel_loop3A_373 = arith.index_cast %parallel_loop3A_372 : i32 to index
      %parallel_loop3A_374 = tpu.vector_load %arg5[%parallel_loop3A_373] {strides = array<i32>} : memref<6272xi32, #tpu.memory_space<vmem>>, vector<16xi32>,
      %parallel_loop3A_375 = arith.constant 65535 : i32
      %parallel_loop3A_376 = vector.broadcast %parallel_loop3A_375 : i32 to vector<16xi32>
      %parallel_loop3A_377 = arith.andi %parallel_loop3A_374, %parallel_loop3A_376 : vector<16xi32>
      %parallel_loop3A_378 = arith.constant 16 : i32
      %parallel_loop3A_379 = vector.broadcast %parallel_loop3A_378 : i32 to vector<16xi32>
      %parallel_loop3A_380 = arith.shrui %parallel_loop3A_374, %parallel_loop3A_379 : vector<16xi32>
      tpu.vector_store_idx %arg4[%parallel_loop3A_377], %broadcast_in_dim3A_2 {add = true} : memref<21504xf32, #tpu.memory_space<vmem>>[vector<16xi32>], vector<16xf32>,
      tpu.vector_store_idx %arg4[%parallel_loop3A_380], %broadcast_in_dim3A_2 {add = true} : memref<21504xf32, #tpu.memory_space<vmem>>[vector<16xi32>], vector<16xf32>,
    } {sc.loop_unroll_factor = 16 : i64, sc.parallel_access}
    %dma_start3A_78 = arith.constant 25088 : i32
    %dma_start3A_79 = tpu.memref_slice %arg2[%select_n3A, %rem3A_28, %dma_start3A_78] : memref<4x16x50176xi32, #tpu.memory_space<hbm>> -> memref<1x1x6272xi32, #tpu.memory_space<hbm>>
    %dma_start3A_80 = tpu.memref_squeeze %dma_start3A_79 : memref<1x1x6272xi32, #tpu.memory_space<hbm>> -> memref<6272xi32, #tpu.memory_space<hbm>>
    %dma_start3A_81 = arith.constant 25088 : i32
    %dma_start3A_82 = tpu.memref_slice %arg2[%select_n3A, %rem3A_28, %dma_start3A_81] : memref<4x16x50176xi32, #tpu.memory_space<hbm>> -> memref<1x1x6272xi32, #tpu.memory_space<hbm>>
    %dma_start3A_83 = tpu.memref_squeeze %dma_start3A_82 : memref<1x1x6272xi32, #tpu.memory_space<hbm>> -> memref<6272xi32, #tpu.memory_space<hbm>>
    tpu.enqueue_dma source(%dma_start3A_83 : memref<6272xi32, #tpu.memory_space<hbm>>) target(%arg5 : memref<6272xi32, #tpu.memory_space<vmem>>) target_semaphore(%arg8 : memref<!tpu.dma_semaphore, #tpu.memory_space<semaphore_mem>>)
    %dma_wait3A_84 = arith.constant 18816 : i32
    %dma_wait3A_85 = tpu.memref_slice %arg2[%select_n3A, %rem3A_28, %dma_wait3A_84] : memref<4x16x50176xi32, #tpu.memory_space<hbm>> -> memref<1x1x6272xi32, #tpu.memory_space<hbm>>
    %dma_wait3A_86 = tpu.memref_squeeze %dma_wait3A_85 : memref<1x1x6272xi32, #tpu.memory_space<hbm>> -> memref<6272xi32, #tpu.memory_space<hbm>>
    %dma_wait3A_87 = arith.constant 18816 : i32
    %dma_wait3A_88 = tpu.memref_slice %arg2[%select_n3A, %rem3A_28, %dma_wait3A_87] : memref<4x16x50176xi32, #tpu.memory_space<hbm>> -> memref<1x1x6272xi32, #tpu.memory_space<hbm>>
    %dma_wait3A_89 = tpu.memref_squeeze %dma_wait3A_88 : memref<1x1x6272xi32, #tpu.memory_space<hbm>> -> memref<6272xi32, #tpu.memory_space<hbm>>
    tpu.wait_dma2 semaphore(%arg9 : memref<!tpu.dma_semaphore, #tpu.memory_space<semaphore_mem>>) src(%dma_wait3A_89 : memref<6272xi32, #tpu.memory_space<hbm>>) dst(%arg6 : memref<6272xi32, #tpu.memory_space<vmem>>)
    %parallel_loop3A_90 = arith.constant 0 : i32
    %parallel_loop3A_91 = arith.constant 392 : i32
    %parallel_loop3A_92 = arith.constant 1 : i32
    scf.for %parallel_loop3A_370 = %parallel_loop3A_90 to %parallel_loop3A_91 step %parallel_loop3A_92  : i32 {
      %parallel_loop3A_371 = arith.constant 16 : i32
      %parallel_loop3A_372 = arith.muli %parallel_loop3A_370, %parallel_loop3A_371 : i32
      %parallel_loop3A_373 = arith.index_cast %parallel_loop3A_372 : i32 to index
      %parallel_loop3A_374 = tpu.vector_load %arg6[%parallel_loop3A_373] {strides = array<i32>} : memref<6272xi32, #tpu.memory_space<vmem>>, vector<16xi32>,
      %parallel_loop3A_375 = arith.constant 65535 : i32
      %parallel_loop3A_376 = vector.broadcast %parallel_loop3A_375 : i32 to vector<16xi32>
      %parallel_loop3A_377 = arith.andi %parallel_loop3A_374, %parallel_loop3A_376 : vector<16xi32>
      %parallel_loop3A_378 = arith.constant 16 : i32
      %parallel_loop3A_379 = vector.broadcast %parallel_loop3A_378 : i32 to vector<16xi32>
      %parallel_loop3A_380 = arith.shrui %parallel_loop3A_374, %parallel_loop3A_379 : vector<16xi32>
      tpu.vector_store_idx %arg4[%parallel_loop3A_377], %broadcast_in_dim3A_2 {add = true} : memref<21504xf32, #tpu.memory_space<vmem>>[vector<16xi32>], vector<16xf32>,
      tpu.vector_store_idx %arg4[%parallel_loop3A_380], %broadcast_in_dim3A_2 {add = true} : memref<21504xf32, #tpu.memory_space<vmem>>[vector<16xi32>], vector<16xf32>,
    } {sc.loop_unroll_factor = 16 : i64, sc.parallel_access}
    %dma_start3A_93 = arith.constant 31360 : i32
    %dma_start3A_94 = tpu.memref_slice %arg2[%select_n3A, %rem3A_28, %dma_start3A_93] : memref<4x16x50176xi32, #tpu.memory_space<hbm>> -> memref<1x1x6272xi32, #tpu.memory_space<hbm>>
    %dma_start3A_95 = tpu.memref_squeeze %dma_start3A_94 : memref<1x1x6272xi32, #tpu.memory_space<hbm>> -> memref<6272xi32, #tpu.memory_space<hbm>>
    %dma_start3A_96 = arith.constant 31360 : i32
    %dma_start3A_97 = tpu.memref_slice %arg2[%select_n3A, %rem3A_28, %dma_start3A_96] : memref<4x16x50176xi32, #tpu.memory_space<hbm>> -> memref<1x1x6272xi32, #tpu.memory_space<hbm>>
    %dma_start3A_98 = tpu.memref_squeeze %dma_start3A_97 : memref<1x1x6272xi32, #tpu.memory_space<hbm>> -> memref<6272xi32, #tpu.memory_space<hbm>>
    tpu.enqueue_dma source(%dma_start3A_98 : memref<6272xi32, #tpu.memory_space<hbm>>) target(%arg6 : memref<6272xi32, #tpu.memory_space<vmem>>) target_semaphore(%arg9 : memref<!tpu.dma_semaphore, #tpu.memory_space<semaphore_mem>>)
    %dma_wait3A_99 = arith.constant 25088 : i32
    %dma_wait3A_100 = tpu.memref_slice %arg2[%select_n3A, %rem3A_28, %dma_wait3A_99] : memref<4x16x50176xi32, #tpu.memory_space<hbm>> -> memref<1x1x6272xi32, #tpu.memory_space<hbm>>
    %dma_wait3A_101 = tpu.memref_squeeze %dma_wait3A_100 : memref<1x1x6272xi32, #tpu.memory_space<hbm>> -> memref<6272xi32, #tpu.memory_space<hbm>>
    %dma_wait3A_102 = arith.constant 25088 : i32
    %dma_wait3A_103 = tpu.memref_slice %arg2[%select_n3A, %rem3A_28, %dma_wait3A_102] : memref<4x16x50176xi32, #tpu.memory_space<hbm>> -> memref<1x1x6272xi32, #tpu.memory_space<hbm>>
    %dma_wait3A_104 = tpu.memref_squeeze %dma_wait3A_103 : memref<1x1x6272xi32, #tpu.memory_space<hbm>> -> memref<6272xi32, #tpu.memory_space<hbm>>
    tpu.wait_dma2 semaphore(%arg8 : memref<!tpu.dma_semaphore, #tpu.memory_space<semaphore_mem>>) src(%dma_wait3A_104 : memref<6272xi32, #tpu.memory_space<hbm>>) dst(%arg5 : memref<6272xi32, #tpu.memory_space<vmem>>)
    %parallel_loop3A_105 = arith.constant 0 : i32
    %parallel_loop3A_106 = arith.constant 392 : i32
    %parallel_loop3A_107 = arith.constant 1 : i32
    scf.for %parallel_loop3A_370 = %parallel_loop3A_105 to %parallel_loop3A_106 step %parallel_loop3A_107  : i32 {
      %parallel_loop3A_371 = arith.constant 16 : i32
      %parallel_loop3A_372 = arith.muli %parallel_loop3A_370, %parallel_loop3A_371 : i32
      %parallel_loop3A_373 = arith.index_cast %parallel_loop3A_372 : i32 to index
      %parallel_loop3A_374 = tpu.vector_load %arg5[%parallel_loop3A_373] {strides = array<i32>} : memref<6272xi32, #tpu.memory_space<vmem>>, vector<16xi32>,
      %parallel_loop3A_375 = arith.constant 65535 : i32
      %parallel_loop3A_376 = vector.broadcast %parallel_loop3A_375 : i32 to vector<16xi32>
      %parallel_loop3A_377 = arith.andi %parallel_loop3A_374, %parallel_loop3A_376 : vector<16xi32>
      %parallel_loop3A_378 = arith.constant 16 : i32
      %parallel_loop3A_379 = vector.broadcast %parallel_loop3A_378 : i32 to vector<16xi32>
      %parallel_loop3A_380 = arith.shrui %parallel_loop3A_374, %parallel_loop3A_379 : vector<16xi32>
      tpu.vector_store_idx %arg4[%parallel_loop3A_377], %broadcast_in_dim3A_2 {add = true} : memref<21504xf32, #tpu.memory_space<vmem>>[vector<16xi32>], vector<16xf32>,
      tpu.vector_store_idx %arg4[%parallel_loop3A_380], %broadcast_in_dim3A_2 {add = true} : memref<21504xf32, #tpu.memory_space<vmem>>[vector<16xi32>], vector<16xf32>,
    } {sc.loop_unroll_factor = 16 : i64, sc.parallel_access}
    %dma_start3A_108 = arith.constant 37632 : i32
    %dma_start3A_109 = tpu.memref_slice %arg2[%select_n3A, %rem3A_28, %dma_start3A_108] : memref<4x16x50176xi32, #tpu.memory_space<hbm>> -> memref<1x1x6272xi32, #tpu.memory_space<hbm>>
    %dma_start3A_110 = tpu.memref_squeeze %dma_start3A_109 : memref<1x1x6272xi32, #tpu.memory_space<hbm>> -> memref<6272xi32, #tpu.memory_space<hbm>>
    %dma_start3A_111 = arith.constant 37632 : i32
    %dma_start3A_112 = tpu.memref_slice %arg2[%select_n3A, %rem3A_28, %dma_start3A_111] : memref<4x16x50176xi32, #tpu.memory_space<hbm>> -> memref<1x1x6272xi32, #tpu.memory_space<hbm>>
    %dma_start3A_113 = tpu.memref_squeeze %dma_start3A_112 : memref<1x1x6272xi32, #tpu.memory_space<hbm>> -> memref<6272xi32, #tpu.memory_space<hbm>>
    tpu.enqueue_dma source(%dma_start3A_113 : memref<6272xi32, #tpu.memory_space<hbm>>) target(%arg5 : memref<6272xi32, #tpu.memory_space<vmem>>) target_semaphore(%arg8 : memref<!tpu.dma_semaphore, #tpu.memory_space<semaphore_mem>>)
    %dma_wait3A_114 = arith.constant 31360 : i32
    %dma_wait3A_115 = tpu.memref_slice %arg2[%select_n3A, %rem3A_28, %dma_wait3A_114] : memref<4x16x50176xi32, #tpu.memory_space<hbm>> -> memref<1x1x6272xi32, #tpu.memory_space<hbm>>
    %dma_wait3A_116 = tpu.memref_squeeze %dma_wait3A_115 : memref<1x1x6272xi32, #tpu.memory_space<hbm>> -> memref<6272xi32, #tpu.memory_space<hbm>>
    %dma_wait3A_117 = arith.constant 31360 : i32
    %dma_wait3A_118 = tpu.memref_slice %arg2[%select_n3A, %rem3A_28, %dma_wait3A_117] : memref<4x16x50176xi32, #tpu.memory_space<hbm>> -> memref<1x1x6272xi32, #tpu.memory_space<hbm>>
    %dma_wait3A_119 = tpu.memref_squeeze %dma_wait3A_118 : memref<1x1x6272xi32, #tpu.memory_space<hbm>> -> memref<6272xi32, #tpu.memory_space<hbm>>
    tpu.wait_dma2 semaphore(%arg9 : memref<!tpu.dma_semaphore, #tpu.memory_space<semaphore_mem>>) src(%dma_wait3A_119 : memref<6272xi32, #tpu.memory_space<hbm>>) dst(%arg6 : memref<6272xi32, #tpu.memory_space<vmem>>)
    %parallel_loop3A_120 = arith.constant 0 : i32
    %parallel_loop3A_121 = arith.constant 392 : i32
    %parallel_loop3A_122 = arith.constant 1 : i32
    scf.for %parallel_loop3A_370 = %parallel_loop3A_120 to %parallel_loop3A_121 step %parallel_loop3A_122  : i32 {
      %parallel_loop3A_371 = arith.constant 16 : i32
      %parallel_loop3A_372 = arith.muli %parallel_loop3A_370, %parallel_loop3A_371 : i32
      %parallel_loop3A_373 = arith.index_cast %parallel_loop3A_372 : i32 to index
      %parallel_loop3A_374 = tpu.vector_load %arg6[%parallel_loop3A_373] {strides = array<i32>} : memref<6272xi32, #tpu.memory_space<vmem>>, vector<16xi32>,
      %parallel_loop3A_375 = arith.constant 65535 : i32
      %parallel_loop3A_376 = vector.broadcast %parallel_loop3A_375 : i32 to vector<16xi32>
      %parallel_loop3A_377 = arith.andi %parallel_loop3A_374, %parallel_loop3A_376 : vector<16xi32>
      %parallel_loop3A_378 = arith.constant 16 : i32
      %parallel_loop3A_379 = vector.broadcast %parallel_loop3A_378 : i32 to vector<16xi32>
      %parallel_loop3A_380 = arith.shrui %parallel_loop3A_374, %parallel_loop3A_379 : vector<16xi32>
      tpu.vector_store_idx %arg4[%parallel_loop3A_377], %broadcast_in_dim3A_2 {add = true} : memref<21504xf32, #tpu.memory_space<vmem>>[vector<16xi32>], vector<16xf32>,
      tpu.vector_store_idx %arg4[%parallel_loop3A_380], %broadcast_in_dim3A_2 {add = true} : memref<21504xf32, #tpu.memory_space<vmem>>[vector<16xi32>], vector<16xf32>,
    } {sc.loop_unroll_factor = 16 : i64, sc.parallel_access}
    %dma_start3A_123 = arith.constant 43904 : i32
    %dma_start3A_124 = tpu.memref_slice %arg2[%select_n3A, %rem3A_28, %dma_start3A_123] : memref<4x16x50176xi32, #tpu.memory_space<hbm>> -> memref<1x1x6272xi32, #tpu.memory_space<hbm>>
    %dma_start3A_125 = tpu.memref_squeeze %dma_start3A_124 : memref<1x1x6272xi32, #tpu.memory_space<hbm>> -> memref<6272xi32, #tpu.memory_space<hbm>>
    %dma_start3A_126 = arith.constant 43904 : i32
    %dma_start3A_127 = tpu.memref_slice %arg2[%select_n3A, %rem3A_28, %dma_start3A_126] : memref<4x16x50176xi32, #tpu.memory_space<hbm>> -> memref<1x1x6272xi32, #tpu.memory_space<hbm>>
    %dma_start3A_128 = tpu.memref_squeeze %dma_start3A_127 : memref<1x1x6272xi32, #tpu.memory_space<hbm>> -> memref<6272xi32, #tpu.memory_space<hbm>>
    tpu.enqueue_dma source(%dma_start3A_128 : memref<6272xi32, #tpu.memory_space<hbm>>) target(%arg6 : memref<6272xi32, #tpu.memory_space<vmem>>) target_semaphore(%arg9 : memref<!tpu.dma_semaphore, #tpu.memory_space<semaphore_mem>>)
    %dma_wait3A_129 = arith.constant 37632 : i32
    %dma_wait3A_130 = tpu.memref_slice %arg2[%select_n3A, %rem3A_28, %dma_wait3A_129] : memref<4x16x50176xi32, #tpu.memory_space<hbm>> -> memref<1x1x6272xi32, #tpu.memory_space<hbm>>
    %dma_wait3A_131 = tpu.memref_squeeze %dma_wait3A_130 : memref<1x1x6272xi32, #tpu.memory_space<hbm>> -> memref<6272xi32, #tpu.memory_space<hbm>>
    %dma_wait3A_132 = arith.constant 37632 : i32
    %dma_wait3A_133 = tpu.memref_slice %arg2[%select_n3A, %rem3A_28, %dma_wait3A_132] : memref<4x16x50176xi32, #tpu.memory_space<hbm>> -> memref<1x1x6272xi32, #tpu.memory_space<hbm>>
    %dma_wait3A_134 = tpu.memref_squeeze %dma_wait3A_133 : memref<1x1x6272xi32, #tpu.memory_space<hbm>> -> memref<6272xi32, #tpu.memory_space<hbm>>
    tpu.wait_dma2 semaphore(%arg8 : memref<!tpu.dma_semaphore, #tpu.memory_space<semaphore_mem>>) src(%dma_wait3A_134 : memref<6272xi32, #tpu.memory_space<hbm>>) dst(%arg5 : memref<6272xi32, #tpu.memory_space<vmem>>)
    %parallel_loop3A_135 = arith.constant 0 : i32
    %parallel_loop3A_136 = arith.constant 392 : i32
    %parallel_loop3A_137 = arith.constant 1 : i32
    scf.for %parallel_loop3A_370 = %parallel_loop3A_135 to %parallel_loop3A_136 step %parallel_loop3A_137  : i32 {
      %parallel_loop3A_371 = arith.constant 16 : i32
      %parallel_loop3A_372 = arith.muli %parallel_loop3A_370, %parallel_loop3A_371 : i32
      %parallel_loop3A_373 = arith.index_cast %parallel_loop3A_372 : i32 to index
      %parallel_loop3A_374 = tpu.vector_load %arg5[%parallel_loop3A_373] {strides = array<i32>} : memref<6272xi32, #tpu.memory_space<vmem>>, vector<16xi32>,
      %parallel_loop3A_375 = arith.constant 65535 : i32
      %parallel_loop3A_376 = vector.broadcast %parallel_loop3A_375 : i32 to vector<16xi32>
      %parallel_loop3A_377 = arith.andi %parallel_loop3A_374, %parallel_loop3A_376 : vector<16xi32>
      %parallel_loop3A_378 = arith.constant 16 : i32
      %parallel_loop3A_379 = vector.broadcast %parallel_loop3A_378 : i32 to vector<16xi32>
      %parallel_loop3A_380 = arith.shrui %parallel_loop3A_374, %parallel_loop3A_379 : vector<16xi32>
      tpu.vector_store_idx %arg4[%parallel_loop3A_377], %broadcast_in_dim3A_2 {add = true} : memref<21504xf32, #tpu.memory_space<vmem>>[vector<16xi32>], vector<16xf32>,
      tpu.vector_store_idx %arg4[%parallel_loop3A_380], %broadcast_in_dim3A_2 {add = true} : memref<21504xf32, #tpu.memory_space<vmem>>[vector<16xi32>], vector<16xf32>,
    } {sc.loop_unroll_factor = 16 : i64, sc.parallel_access}
    %dma_wait3A_138 = arith.constant 43904 : i32
    %dma_wait3A_139 = tpu.memref_slice %arg2[%select_n3A, %rem3A_28, %dma_wait3A_138] : memref<4x16x50176xi32, #tpu.memory_space<hbm>> -> memref<1x1x6272xi32, #tpu.memory_space<hbm>>
    %dma_wait3A_140 = tpu.memref_squeeze %dma_wait3A_139 : memref<1x1x6272xi32, #tpu.memory_space<hbm>> -> memref<6272xi32, #tpu.memory_space<hbm>>
    %dma_wait3A_141 = arith.constant 43904 : i32
    %dma_wait3A_142 = tpu.memref_slice %arg2[%select_n3A, %rem3A_28, %dma_wait3A_141] : memref<4x16x50176xi32, #tpu.memory_space<hbm>> -> memref<1x1x6272xi32, #tpu.memory_space<hbm>>
    %dma_wait3A_143 = tpu.memref_squeeze %dma_wait3A_142 : memref<1x1x6272xi32, #tpu.memory_space<hbm>> -> memref<6272xi32, #tpu.memory_space<hbm>>
    tpu.wait_dma2 semaphore(%arg9 : memref<!tpu.dma_semaphore, #tpu.memory_space<semaphore_mem>>) src(%dma_wait3A_143 : memref<6272xi32, #tpu.memory_space<hbm>>) dst(%arg6 : memref<6272xi32, #tpu.memory_space<vmem>>)
    %parallel_loop3A_144 = arith.constant 0 : i32
    %parallel_loop3A_145 = arith.constant 392 : i32
    %parallel_loop3A_146 = arith.constant 1 : i32
    scf.for %parallel_loop3A_370 = %parallel_loop3A_144 to %parallel_loop3A_145 step %parallel_loop3A_146  : i32 {
      %parallel_loop3A_371 = arith.constant 16 : i32
      %parallel_loop3A_372 = arith.muli %parallel_loop3A_370, %parallel_loop3A_371 : i32
      %parallel_loop3A_373 = arith.index_cast %parallel_loop3A_372 : i32 to index
      %parallel_loop3A_374 = tpu.vector_load %arg6[%parallel_loop3A_373] {strides = array<i32>} : memref<6272xi32, #tpu.memory_space<vmem>>, vector<16xi32>,
      %parallel_loop3A_375 = arith.constant 65535 : i32
      %parallel_loop3A_376 = vector.broadcast %parallel_loop3A_375 : i32 to vector<16xi32>
      %parallel_loop3A_377 = arith.andi %parallel_loop3A_374, %parallel_loop3A_376 : vector<16xi32>
      %parallel_loop3A_378 = arith.constant 16 : i32
      %parallel_loop3A_379 = vector.broadcast %parallel_loop3A_378 : i32 to vector<16xi32>
      %parallel_loop3A_380 = arith.shrui %parallel_loop3A_374, %parallel_loop3A_379 : vector<16xi32>
      tpu.vector_store_idx %arg4[%parallel_loop3A_377], %broadcast_in_dim3A_2 {add = true} : memref<21504xf32, #tpu.memory_space<vmem>>[vector<16xi32>], vector<16xf32>,
      tpu.vector_store_idx %arg4[%parallel_loop3A_380], %broadcast_in_dim3A_2 {add = true} : memref<21504xf32, #tpu.memory_space<vmem>>[vector<16xi32>], vector<16xf32>,
    } {sc.loop_unroll_factor = 16 : i64, sc.parallel_access}
    %parallel_loop3A_147 = arith.constant 0 : i32
    %parallel_loop3A_148 = arith.constant 672 : i32
    %parallel_loop3A_149 = arith.constant 1 : i32
    %parallel_loop3A_150:2 = scf.for %parallel_loop3A_370 = %parallel_loop3A_147 to %parallel_loop3A_148 step %parallel_loop3A_149 iter_args(%parallel_loop3A_371 = %broadcast_in_dim3A_0, %parallel_loop3A_372 = %broadcast_in_dim3A_0) -> (vector<16xf32>, vector<16xf32>)  : i32 {
      %parallel_loop3A_373 = arith.constant 16 : i32
      %parallel_loop3A_374 = arith.muli %parallel_loop3A_370, %parallel_loop3A_373 : i32
      %parallel_loop3A_375 = arith.index_cast %parallel_loop3A_374 : i32 to index
      %parallel_loop3A_376 = tpu.vector_load %arg4[%parallel_loop3A_375] {strides = array<i32>} : memref<21504xf32, #tpu.memory_space<vmem>>, vector<16xf32>,
      %parallel_loop3A_377 = arith.addf %parallel_loop3A_371, %parallel_loop3A_376 : vector<16xf32>
      %parallel_loop3A_378 = arith.constant 16 : i32
      %parallel_loop3A_379 = arith.muli %parallel_loop3A_370, %parallel_loop3A_378 : i32
      %parallel_loop3A_380 = arith.constant 10752 : i32
      %parallel_loop3A_381 = arith.addi %parallel_loop3A_380, %parallel_loop3A_379 : i32
      %parallel_loop3A_382 = arith.index_cast %parallel_loop3A_381 : i32 to index
      %parallel_loop3A_383 = tpu.vector_load %arg4[%parallel_loop3A_382] {strides = array<i32>} : memref<21504xf32, #tpu.memory_space<vmem>>, vector<16xf32>,
      %parallel_loop3A_384 = arith.addf %parallel_loop3A_372, %parallel_loop3A_383 : vector<16xf32>
      scf.yield %parallel_loop3A_377, %parallel_loop3A_384 : vector<16xf32>, vector<16xf32>
    } {sc.loop_unroll_factor = 4 : i64, sc.parallel_access}
    %reduce_sum3A = arith.constant true
    %reduce_sum3A_151 = vector.broadcast %reduce_sum3A : i1 to vector<16xi1>
    %reduce_sum3A_152 = tpu.scan <sum>, %parallel_loop3A_150#0 masked %reduce_sum3A_151 : vector<16xf32>, vector<16xi1> -> vector<16xf32>
    %reduce_sum3A_153 = vector.extract %reduce_sum3A_152[15] : f32 from vector<16xf32>
    %reduce_sum3A_154 = arith.constant true
    %reduce_sum3A_155 = vector.broadcast %reduce_sum3A_154 : i1 to vector<16xi1>
    %reduce_sum3A_156 = tpu.scan <sum>, %parallel_loop3A_150#1 masked %reduce_sum3A_155 : vector<16xf32>, vector<16xi1> -> vector<16xf32>
    %reduce_sum3A_157 = vector.extract %reduce_sum3A_156[15] : f32 from vector<16xf32>
    %scan3A = arith.constant 131072 : i32
    %scan3A_158 = arith.constant 0.000000e+00 : f32
    %scan3A_159 = arith.constant 0.000000e+00 : f32
    %scan3A_160 = arith.constant 0 : i32
    %scan3A_161 = arith.constant 42 : i32
    %scan3A_162 = arith.addi %scan3A_160, %scan3A_161 : i32
    %scan3A_163 = arith.constant 1 : i32
    %scan3A_164:3 = scf.for %scan3A_370 = %scan3A_160 to %scan3A_162 step %scan3A_163 iter_args(%scan3A_371 = %scan3A_158, %scan3A_372 = %scan3A_159, %scan3A_373 = %broadcast_in_dim3A_0) -> (f32, f32, vector<16xf32>)  : i32 {
      %mul3A_374 = arith.constant 16 : i32
      %mul3A_375 = arith.muli %scan3A_370, %mul3A_374 : i32
      %broadcast_in_dim3A_376 = arith.constant 0.000000e+00 : f32
      %broadcast_in_dim3A_377 = vector.broadcast %broadcast_in_dim3A_376 : f32 to vector<16xf32>
      %add3A_378 = vector.broadcast %mul3A_375 : i32 to vector<16xi32>
      %add3A_379 = arith.addi %add3A_378, %iota3A : vector<16xi32>
      %mul3A_380 = arith.constant 16 : i32
      %mul3A_381 = vector.broadcast %mul3A_380 : i32 to vector<16xi32>
      %mul3A_382 = arith.muli %add3A_379, %mul3A_381 : vector<16xi32>
      %add3A_383 = arith.constant 0 : i32
      %add3A_384 = vector.broadcast %add3A_383 : i32 to vector<16xi32>
      %add3A_385 = arith.addi %mul3A_382, %add3A_384 : vector<16xi32>
      %gather3A = tpu.vector_load_idx %arg4[%add3A_385] : memref<21504xf32, #tpu.memory_space<vmem>>[vector<16xi32>], vector<16xf32>,
      %add3A_386 = arith.addf %broadcast_in_dim3A_377, %gather3A : vector<16xf32>
      %add3A_387 = arith.constant 1 : i32
      %add3A_388 = vector.broadcast %add3A_387 : i32 to vector<16xi32>
      %add3A_389 = arith.addi %mul3A_382, %add3A_388 : vector<16xi32>
      %gather3A_390 = tpu.vector_load_idx %arg4[%add3A_389] : memref<21504xf32, #tpu.memory_space<vmem>>[vector<16xi32>], vector<16xf32>,
      %add3A_391 = arith.addf %add3A_386, %gather3A_390 : vector<16xf32>
      %add3A_392 = arith.constant 2 : i32
      %add3A_393 = vector.broadcast %add3A_392 : i32 to vector<16xi32>
      %add3A_394 = arith.addi %mul3A_382, %add3A_393 : vector<16xi32>
      %gather3A_395 = tpu.vector_load_idx %arg4[%add3A_394] : memref<21504xf32, #tpu.memory_space<vmem>>[vector<16xi32>], vector<16xf32>,
      %add3A_396 = arith.addf %add3A_391, %gather3A_395 : vector<16xf32>
      %add3A_397 = arith.constant 3 : i32
      %add3A_398 = vector.broadcast %add3A_397 : i32 to vector<16xi32>
      %add3A_399 = arith.addi %mul3A_382, %add3A_398 : vector<16xi32>
      %gather3A_400 = tpu.vector_load_idx %arg4[%add3A_399] : memref<21504xf32, #tpu.memory_space<vmem>>[vector<16xi32>], vector<16xf32>,
      %add3A_401 = arith.addf %add3A_396, %gather3A_400 : vector<16xf32>
      %add3A_402 = arith.constant 4 : i32
      %add3A_403 = vector.broadcast %add3A_402 : i32 to vector<16xi32>
      %add3A_404 = arith.addi %mul3A_382, %add3A_403 : vector<16xi32>
      %gather3A_405 = tpu.vector_load_idx %arg4[%add3A_404] : memref<21504xf32, #tpu.memory_space<vmem>>[vector<16xi32>], vector<16xf32>,
      %add3A_406 = arith.addf %add3A_401, %gather3A_405 : vector<16xf32>
      %add3A_407 = arith.constant 5 : i32
      %add3A_408 = vector.broadcast %add3A_407 : i32 to vector<16xi32>
      %add3A_409 = arith.addi %mul3A_382, %add3A_408 : vector<16xi32>
      %gather3A_410 = tpu.vector_load_idx %arg4[%add3A_409] : memref<21504xf32, #tpu.memory_space<vmem>>[vector<16xi32>], vector<16xf32>,
      %add3A_411 = arith.addf %add3A_406, %gather3A_410 : vector<16xf32>
      %add3A_412 = arith.constant 6 : i32
      %add3A_413 = vector.broadcast %add3A_412 : i32 to vector<16xi32>
      %add3A_414 = arith.addi %mul3A_382, %add3A_413 : vector<16xi32>
      %gather3A_415 = tpu.vector_load_idx %arg4[%add3A_414] : memref<21504xf32, #tpu.memory_space<vmem>>[vector<16xi32>], vector<16xf32>,
      %add3A_416 = arith.addf %add3A_411, %gather3A_415 : vector<16xf32>
      %add3A_417 = arith.constant 7 : i32
      %add3A_418 = vector.broadcast %add3A_417 : i32 to vector<16xi32>
      %add3A_419 = arith.addi %mul3A_382, %add3A_418 : vector<16xi32>
      %gather3A_420 = tpu.vector_load_idx %arg4[%add3A_419] : memref<21504xf32, #tpu.memory_space<vmem>>[vector<16xi32>], vector<16xf32>,
      %add3A_421 = arith.addf %add3A_416, %gather3A_420 : vector<16xf32>
      %add3A_422 = arith.constant 8 : i32
      %add3A_423 = vector.broadcast %add3A_422 : i32 to vector<16xi32>
      %add3A_424 = arith.addi %mul3A_382, %add3A_423 : vector<16xi32>
      %gather3A_425 = tpu.vector_load_idx %arg4[%add3A_424] : memref<21504xf32, #tpu.memory_space<vmem>>[vector<16xi32>], vector<16xf32>,
      %add3A_426 = arith.addf %add3A_421, %gather3A_425 : vector<16xf32>
      %add3A_427 = arith.constant 9 : i32
      %add3A_428 = vector.broadcast %add3A_427 : i32 to vector<16xi32>
      %add3A_429 = arith.addi %mul3A_382, %add3A_428 : vector<16xi32>
      %gather3A_430 = tpu.vector_load_idx %arg4[%add3A_429] : memref<21504xf32, #tpu.memory_space<vmem>>[vector<16xi32>], vector<16xf32>,
      %add3A_431 = arith.addf %add3A_426, %gather3A_430 : vector<16xf32>
      %add3A_432 = arith.constant 10 : i32
      %add3A_433 = vector.broadcast %add3A_432 : i32 to vector<16xi32>
      %add3A_434 = arith.addi %mul3A_382, %add3A_433 : vector<16xi32>
      %gather3A_435 = tpu.vector_load_idx %arg4[%add3A_434] : memref<21504xf32, #tpu.memory_space<vmem>>[vector<16xi32>], vector<16xf32>,
      %add3A_436 = arith.addf %add3A_431, %gather3A_435 : vector<16xf32>
      %add3A_437 = arith.constant 11 : i32
      %add3A_438 = vector.broadcast %add3A_437 : i32 to vector<16xi32>
      %add3A_439 = arith.addi %mul3A_382, %add3A_438 : vector<16xi32>
      %gather3A_440 = tpu.vector_load_idx %arg4[%add3A_439] : memref<21504xf32, #tpu.memory_space<vmem>>[vector<16xi32>], vector<16xf32>,
      %add3A_441 = arith.addf %add3A_436, %gather3A_440 : vector<16xf32>
      %add3A_442 = arith.constant 12 : i32
      %add3A_443 = vector.broadcast %add3A_442 : i32 to vector<16xi32>
      %add3A_444 = arith.addi %mul3A_382, %add3A_443 : vector<16xi32>
      %gather3A_445 = tpu.vector_load_idx %arg4[%add3A_444] : memref<21504xf32, #tpu.memory_space<vmem>>[vector<16xi32>], vector<16xf32>,
      %add3A_446 = arith.addf %add3A_441, %gather3A_445 : vector<16xf32>
      %add3A_447 = arith.constant 13 : i32
      %add3A_448 = vector.broadcast %add3A_447 : i32 to vector<16xi32>
      %add3A_449 = arith.addi %mul3A_382, %add3A_448 : vector<16xi32>
      %gather3A_450 = tpu.vector_load_idx %arg4[%add3A_449] : memref<21504xf32, #tpu.memory_space<vmem>>[vector<16xi32>], vector<16xf32>,
      %add3A_451 = arith.addf %add3A_446, %gather3A_450 : vector<16xf32>
      %add3A_452 = arith.constant 14 : i32
      %add3A_453 = vector.broadcast %add3A_452 : i32 to vector<16xi32>
      %add3A_454 = arith.addi %mul3A_382, %add3A_453 : vector<16xi32>
      %gather3A_455 = tpu.vector_load_idx %arg4[%add3A_454] : memref<21504xf32, #tpu.memory_space<vmem>>[vector<16xi32>], vector<16xf32>,
      %add3A_456 = arith.addf %add3A_451, %gather3A_455 : vector<16xf32>
      %add3A_457 = arith.constant 15 : i32
      %add3A_458 = vector.broadcast %add3A_457 : i32 to vector<16xi32>
      %add3A_459 = arith.addi %mul3A_382, %add3A_458 : vector<16xi32>
      %gather3A_460 = tpu.vector_load_idx %arg4[%add3A_459] : memref<21504xf32, #tpu.memory_space<vmem>>[vector<16xi32>], vector<16xf32>,
      %add3A_461 = arith.addf %add3A_456, %gather3A_460 : vector<16xf32>
      %add3A_462 = arith.constant 672 : i32
      %add3A_463 = arith.addi %add3A_462, %mul3A_375 : i32
      %broadcast_in_dim3A_464 = arith.constant 0.000000e+00 : f32
      %broadcast_in_dim3A_465 = vector.broadcast %broadcast_in_dim3A_464 : f32 to vector<16xf32>
      %add3A_466 = vector.broadcast %add3A_463 : i32 to vector<16xi32>
      %add3A_467 = arith.addi %add3A_466, %iota3A : vector<16xi32>
      %mul3A_468 = arith.constant 16 : i32
      %mul3A_469 = vector.broadcast %mul3A_468 : i32 to vector<16xi32>
      %mul3A_470 = arith.muli %add3A_467, %mul3A_469 : vector<16xi32>
      %add3A_471 = arith.constant 0 : i32
      %add3A_472 = vector.broadcast %add3A_471 : i32 to vector<16xi32>
      %add3A_473 = arith.addi %mul3A_470, %add3A_472 : vector<16xi32>
      %gather3A_474 = tpu.vector_load_idx %arg4[%add3A_473] : memref<21504xf32, #tpu.memory_space<vmem>>[vector<16xi32>], vector<16xf32>,
      %add3A_475 = arith.addf %broadcast_in_dim3A_465, %gather3A_474 : vector<16xf32>
      %add3A_476 = arith.constant 1 : i32
      %add3A_477 = vector.broadcast %add3A_476 : i32 to vector<16xi32>
      %add3A_478 = arith.addi %mul3A_470, %add3A_477 : vector<16xi32>
      %gather3A_479 = tpu.vector_load_idx %arg4[%add3A_478] : memref<21504xf32, #tpu.memory_space<vmem>>[vector<16xi32>], vector<16xf32>,
      %add3A_480 = arith.addf %add3A_475, %gather3A_479 : vector<16xf32>
      %add3A_481 = arith.constant 2 : i32
      %add3A_482 = vector.broadcast %add3A_481 : i32 to vector<16xi32>
      %add3A_483 = arith.addi %mul3A_470, %add3A_482 : vector<16xi32>
      %gather3A_484 = tpu.vector_load_idx %arg4[%add3A_483] : memref<21504xf32, #tpu.memory_space<vmem>>[vector<16xi32>], vector<16xf32>,
      %add3A_485 = arith.addf %add3A_480, %gather3A_484 : vector<16xf32>
      %add3A_486 = arith.constant 3 : i32
      %add3A_487 = vector.broadcast %add3A_486 : i32 to vector<16xi32>
      %add3A_488 = arith.addi %mul3A_470, %add3A_487 : vector<16xi32>
      %gather3A_489 = tpu.vector_load_idx %arg4[%add3A_488] : memref<21504xf32, #tpu.memory_space<vmem>>[vector<16xi32>], vector<16xf32>,
      %add3A_490 = arith.addf %add3A_485, %gather3A_489 : vector<16xf32>
      %add3A_491 = arith.constant 4 : i32
      %add3A_492 = vector.broadcast %add3A_491 : i32 to vector<16xi32>
      %add3A_493 = arith.addi %mul3A_470, %add3A_492 : vector<16xi32>
      %gather3A_494 = tpu.vector_load_idx %arg4[%add3A_493] : memref<21504xf32, #tpu.memory_space<vmem>>[vector<16xi32>], vector<16xf32>,
      %add3A_495 = arith.addf %add3A_490, %gather3A_494 : vector<16xf32>
      %add3A_496 = arith.constant 5 : i32
      %add3A_497 = vector.broadcast %add3A_496 : i32 to vector<16xi32>
      %add3A_498 = arith.addi %mul3A_470, %add3A_497 : vector<16xi32>
      %gather3A_499 = tpu.vector_load_idx %arg4[%add3A_498] : memref<21504xf32, #tpu.memory_space<vmem>>[vector<16xi32>], vector<16xf32>,
      %add3A_500 = arith.addf %add3A_495, %gather3A_499 : vector<16xf32>
      %add3A_501 = arith.constant 6 : i32
      %add3A_502 = vector.broadcast %add3A_501 : i32 to vector<16xi32>
      %add3A_503 = arith.addi %mul3A_470, %add3A_502 : vector<16xi32>
      %gather3A_504 = tpu.vector_load_idx %arg4[%add3A_503] : memref<21504xf32, #tpu.memory_space<vmem>>[vector<16xi32>], vector<16xf32>,
      %add3A_505 = arith.addf %add3A_500, %gather3A_504 : vector<16xf32>
      %add3A_506 = arith.constant 7 : i32
      %add3A_507 = vector.broadcast %add3A_506 : i32 to vector<16xi32>
      %add3A_508 = arith.addi %mul3A_470, %add3A_507 : vector<16xi32>
      %gather3A_509 = tpu.vector_load_idx %arg4[%add3A_508] : memref<21504xf32, #tpu.memory_space<vmem>>[vector<16xi32>], vector<16xf32>,
      %add3A_510 = arith.addf %add3A_505, %gather3A_509 : vector<16xf32>
      %add3A_511 = arith.constant 8 : i32
      %add3A_512 = vector.broadcast %add3A_511 : i32 to vector<16xi32>
      %add3A_513 = arith.addi %mul3A_470, %add3A_512 : vector<16xi32>
      %gather3A_514 = tpu.vector_load_idx %arg4[%add3A_513] : memref<21504xf32, #tpu.memory_space<vmem>>[vector<16xi32>], vector<16xf32>,
      %add3A_515 = arith.addf %add3A_510, %gather3A_514 : vector<16xf32>
      %add3A_516 = arith.constant 9 : i32
      %add3A_517 = vector.broadcast %add3A_516 : i32 to vector<16xi32>
      %add3A_518 = arith.addi %mul3A_470, %add3A_517 : vector<16xi32>
      %gather3A_519 = tpu.vector_load_idx %arg4[%add3A_518] : memref<21504xf32, #tpu.memory_space<vmem>>[vector<16xi32>], vector<16xf32>,
      %add3A_520 = arith.addf %add3A_515, %gather3A_519 : vector<16xf32>
      %add3A_521 = arith.constant 10 : i32
      %add3A_522 = vector.broadcast %add3A_521 : i32 to vector<16xi32>
      %add3A_523 = arith.addi %mul3A_470, %add3A_522 : vector<16xi32>
      %gather3A_524 = tpu.vector_load_idx %arg4[%add3A_523] : memref<21504xf32, #tpu.memory_space<vmem>>[vector<16xi32>], vector<16xf32>,
      %add3A_525 = arith.addf %add3A_520, %gather3A_524 : vector<16xf32>
      %add3A_526 = arith.constant 11 : i32
      %add3A_527 = vector.broadcast %add3A_526 : i32 to vector<16xi32>
      %add3A_528 = arith.addi %mul3A_470, %add3A_527 : vector<16xi32>
      %gather3A_529 = tpu.vector_load_idx %arg4[%add3A_528] : memref<21504xf32, #tpu.memory_space<vmem>>[vector<16xi32>], vector<16xf32>,
      %add3A_530 = arith.addf %add3A_525, %gather3A_529 : vector<16xf32>
      %add3A_531 = arith.constant 12 : i32
      %add3A_532 = vector.broadcast %add3A_531 : i32 to vector<16xi32>
      %add3A_533 = arith.addi %mul3A_470, %add3A_532 : vector<16xi32>
      %gather3A_534 = tpu.vector_load_idx %arg4[%add3A_533] : memref<21504xf32, #tpu.memory_space<vmem>>[vector<16xi32>], vector<16xf32>,
      %add3A_535 = arith.addf %add3A_530, %gather3A_534 : vector<16xf32>
      %add3A_536 = arith.constant 13 : i32
      %add3A_537 = vector.broadcast %add3A_536 : i32 to vector<16xi32>
      %add3A_538 = arith.addi %mul3A_470, %add3A_537 : vector<16xi32>
      %gather3A_539 = tpu.vector_load_idx %arg4[%add3A_538] : memref<21504xf32, #tpu.memory_space<vmem>>[vector<16xi32>], vector<16xf32>,
      %add3A_540 = arith.addf %add3A_535, %gather3A_539 : vector<16xf32>
      %add3A_541 = arith.constant 14 : i32
      %add3A_542 = vector.broadcast %add3A_541 : i32 to vector<16xi32>
      %add3A_543 = arith.addi %mul3A_470, %add3A_542 : vector<16xi32>
      %gather3A_544 = tpu.vector_load_idx %arg4[%add3A_543] : memref<21504xf32, #tpu.memory_space<vmem>>[vector<16xi32>], vector<16xf32>,
      %add3A_545 = arith.addf %add3A_540, %gather3A_544 : vector<16xf32>
      %add3A_546 = arith.constant 15 : i32
      %add3A_547 = vector.broadcast %add3A_546 : i32 to vector<16xi32>
      %add3A_548 = arith.addi %mul3A_470, %add3A_547 : vector<16xi32>
      %gather3A_549 = tpu.vector_load_idx %arg4[%add3A_548] : memref<21504xf32, #tpu.memory_space<vmem>>[vector<16xi32>], vector<16xf32>,
      %add3A_550 = arith.addf %add3A_545, %gather3A_549 : vector<16xf32>
      %add3A_551 = arith.constant 3425 : i32
      %add3A_552 = arith.addi %add3A_551, %mul3A_375 : i32
      %add3A_553 = vector.broadcast %add3A_552 : i32 to vector<16xi32>
      %add3A_554 = arith.addi %add3A_553, %iota3A : vector<16xi32>
      %shift_left3A = arith.constant 18 : i32
      %shift_left3A_555 = vector.broadcast %shift_left3A : i32 to vector<16xi32>
      %shift_left3A_556 = arith.shli %add3A_554, %shift_left3A_555 : vector<16xi32>
      %or3A = vector.broadcast %scan3A : i32 to vector<16xi32>
      %or3A_557 = arith.ori %shift_left3A_556, %or3A : vector<16xi32>
      %bitcast_convert_type3A = tpu.bitcast %or3A_557 : vector<16xi32> -> vector<16xf32>
      %broadcast_in_dim3A_558 = arith.constant true
      %broadcast_in_dim3A_559 = vector.broadcast %broadcast_in_dim3A_558 : i1 to vector<16xi1>
      %masked_cumsum3A = tpu.scan <sum>, %add3A_461 masked %broadcast_in_dim3A_559 : vector<16xf32>, vector<16xi1> -> vector<16xf32>
      %add3A_560 = vector.broadcast %scan3A_371 : f32 to vector<16xf32>
      %add3A_561 = arith.addf %add3A_560, %masked_cumsum3A : vector<16xf32>
      %broadcast_in_dim3A_562 = arith.constant true
      %broadcast_in_dim3A_563 = vector.broadcast %broadcast_in_dim3A_562 : i1 to vector<16xi1>
      %masked_cumsum3A_564 = tpu.scan <sum>, %add3A_550 masked %broadcast_in_dim3A_563 : vector<16xf32>, vector<16xi1> -> vector<16xf32>
      %add3A_565 = vector.broadcast %scan3A_372 : f32 to vector<16xf32>
      %add3A_566 = arith.addf %add3A_565, %masked_cumsum3A_564 : vector<16xf32>
      %sub3A_567 = vector.broadcast %reduce_sum3A_157 : f32 to vector<16xf32>
      %sub3A_568 = arith.subf %sub3A_567, %add3A_566 : vector<16xf32>
      %sub3A_569 = vector.broadcast %reduce_sum3A_153 : f32 to vector<16xf32>
      %sub3A_570 = arith.subf %sub3A_569, %add3A_561 : vector<16xf32>
      %mul3A_571 = arith.constant 5.000000e-01 : f32
      %mul3A_572 = vector.broadcast %mul3A_571 : f32 to vector<16xf32>
      %mul3A_573 = arith.mulf %mul3A_572, %add3A_461 : vector<16xf32>
      %add3A_574 = arith.addf %sub3A_570, %mul3A_573 : vector<16xf32>
      %mul3A_575 = arith.mulf %add3A_461, %bitcast_convert_type3A : vector<16xf32>
      %add3A_576 = vector.broadcast %reduce_sum3A_153 : f32 to vector<16xf32>
      %add3A_577 = arith.addf %add3A_576, %sub3A_568 : vector<16xf32>
      %mul3A_578 = arith.constant 5.000000e-01 : f32
      %mul3A_579 = vector.broadcast %mul3A_578 : f32 to vector<16xf32>
      %mul3A_580 = arith.mulf %mul3A_579, %add3A_550 : vector<16xf32>
      %add3A_581 = arith.addf %add3A_577, %mul3A_580 : vector<16xf32>
      %max3A = arith.constant 1.000000e+00 : f32
      %max3A_582 = vector.broadcast %max3A : f32 to vector<16xf32>
      %max3A_583 = arith.maximumf %add3A_581, %max3A_582 : vector<16xf32>
      %div3A_584 = arith.divf %mul3A_575, %max3A_583 : vector<16xf32>
      %mul3A_585 = arith.mulf %add3A_550, %bitcast_convert_type3A : vector<16xf32>
      %sub3A_586 = vector.broadcast %reduce_sum3A_153 : f32 to vector<16xf32>
      %sub3A_587 = arith.subf %sub3A_586, %add3A_574 : vector<16xf32>
      %mul3A_588 = arith.mulf %mul3A_585, %sub3A_587 : vector<16xf32>
      %add3A_589 = vector.broadcast %reduce_sum3A_153 : f32 to vector<16xf32>
      %add3A_590 = arith.addf %add3A_589, %sub3A_568 : vector<16xf32>
      %max3A_591 = arith.constant 1.000000e+00 : f32
      %max3A_592 = vector.broadcast %max3A_591 : f32 to vector<16xf32>
      %max3A_593 = arith.maximumf %add3A_590, %max3A_592 : vector<16xf32>
      %add3A_594 = vector.broadcast %reduce_sum3A_153 : f32 to vector<16xf32>
      %add3A_595 = arith.addf %add3A_594, %sub3A_568 : vector<16xf32>
      %add3A_596 = arith.addf %add3A_595, %add3A_550 : vector<16xf32>
      %max3A_597 = arith.constant 1.000000e+00 : f32
      %max3A_598 = vector.broadcast %max3A_597 : f32 to vector<16xf32>
      %max3A_599 = arith.maximumf %add3A_596, %max3A_598 : vector<16xf32>
      %mul3A_600 = arith.mulf %max3A_593, %max3A_599 : vector<16xf32>
      %div3A_601 = arith.divf %mul3A_588, %mul3A_600 : vector<16xf32>
      %reduce_sum3A_602 = arith.constant true
      %reduce_sum3A_603 = vector.broadcast %reduce_sum3A_602 : i1 to vector<16xi1>
      %reduce_sum3A_604 = tpu.scan <sum>, %add3A_461 masked %reduce_sum3A_603 : vector<16xf32>, vector<16xi1> -> vector<16xf32>
      %reduce_sum3A_605 = vector.extract %reduce_sum3A_604[15] : f32 from vector<16xf32>
      %add3A_606 = arith.addf %scan3A_371, %reduce_sum3A_605 : f32
      %reduce_sum3A_607 = arith.constant true
      %reduce_sum3A_608 = vector.broadcast %reduce_sum3A_607 : i1 to vector<16xi1>
      %reduce_sum3A_609 = tpu.scan <sum>, %add3A_550 masked %reduce_sum3A_608 : vector<16xf32>, vector<16xi1> -> vector<16xf32>
      %reduce_sum3A_610 = vector.extract %reduce_sum3A_609[15] : f32 from vector<16xf32>
      %add3A_611 = arith.addf %scan3A_372, %reduce_sum3A_610 : f32
      %add3A_612 = arith.addf %scan3A_373, %div3A_584 : vector<16xf32>
      %add3A_613 = arith.addf %add3A_612, %div3A_601 : vector<16xf32>
      scf.yield %add3A_606, %add3A_611, %add3A_613 : f32, f32, vector<16xf32>
    }
    %scan3A_165 = arith.constant 42 : i32
    %reduce_sum3A_166 = arith.constant true
    %reduce_sum3A_167 = vector.broadcast %reduce_sum3A_166 : i1 to vector<16xi1>
    %reduce_sum3A_168 = tpu.scan <sum>, %scan3A_164#2 masked %reduce_sum3A_167 : vector<16xf32>, vector<16xi1> -> vector<16xf32>
    %reduce_sum3A_169 = vector.extract %reduce_sum3A_168[15] : f32 from vector<16xf32>
    %get3A = arith.constant 0 : index
    %get3A_170 = tpu.vector_load %arg7[%get3A] {strides = array<i32>} : memref<16xf32, #tpu.memory_space<vmem>>, vector<16xf32>,
    %eq3A = arith.constant 0 : i32
    %eq3A_171 = vector.broadcast %eq3A : i32 to vector<16xi32>
    %eq3A_172 = arith.cmpi eq, %iota3A, %eq3A_171 : vector<16xi32>
    %jit3A_173 = arith.constant 0.000000e+00 : f32
    %broadcast_in_dim3A_174 = vector.broadcast %reduce_sum3A_169 : f32 to vector<16xf32>
    %broadcast_in_dim3A_175 = vector.broadcast %jit3A_173 : f32 to vector<16xf32>
    %select_n3A_176 = arith.select %eq3A_172, %broadcast_in_dim3A_174, %broadcast_in_dim3A_175 : vector<16xi1>, vector<16xf32>
    %add3A_177 = arith.addf %get3A_170, %select_n3A_176 : vector<16xf32>
    %swap3A_178 = arith.constant 0 : index
    %swap3A_179 = tpu.vector_load %arg7[%swap3A_178] {strides = array<i32>} : memref<16xf32, #tpu.memory_space<vmem>>, vector<16xf32>,
    tpu.vector_store %arg7[%swap3A_178], %add3A_177 {strides = array<i32>} : memref<16xf32, #tpu.memory_space<vmem>>, vector<16xf32>,
    %mul3A_180 = arith.constant 2 : i32
    %mul3A_181 = arith.muli %add3A, %mul3A_180 : i32
    %add3A_182 = arith.constant 1 : i32
    %add3A_183 = arith.addi %mul3A_181, %add3A_182 : i32
    %parallel_loop3A_184 = arith.constant 0 : i32
    %parallel_loop3A_185 = arith.constant 1344 : i32
    %parallel_loop3A_186 = arith.constant 1 : i32
    scf.for %parallel_loop3A_370 = %parallel_loop3A_184 to %parallel_loop3A_185 step %parallel_loop3A_186  : i32 {
      %parallel_loop3A_371 = arith.constant 16 : i32
      %parallel_loop3A_372 = arith.muli %parallel_loop3A_370, %parallel_loop3A_371 : i32
      %parallel_loop3A_373 = arith.index_cast %parallel_loop3A_372 : i32 to index
      %parallel_loop3A_374 = tpu.vector_load %arg4[%parallel_loop3A_373] {strides = array<i32>} : memref<21504xf32, #tpu.memory_space<vmem>>, vector<16xf32>,
      tpu.vector_store %arg4[%parallel_loop3A_373], %broadcast_in_dim3A_0 {strides = array<i32>} : memref<21504xf32, #tpu.memory_space<vmem>>, vector<16xf32>,
    } {sc.loop_unroll_factor = 8 : i64, sc.parallel_access}
    %jit3A_187 = arith.constant 16 : i32
    %div3A_188 = arith.divsi %add3A_183, %jit3A_187 : i32
    %sign3A_189 = arith.constant 0 : i32
    %sign3A_190 = arith.cmpi sgt, %add3A_183, %sign3A_189 : i32
    %sign3A_191 = arith.extui %sign3A_190 : i1 to i32
    %sign3A_192 = arith.constant 0 : i32
    %sign3A_193 = arith.cmpi slt, %add3A_183, %sign3A_192 : i32
    %sign3A_194 = arith.extui %sign3A_193 : i1 to i32
    %sign3A_195 = arith.subi %sign3A_191, %sign3A_194 : i32
    %sign3A_196 = arith.constant 0 : i32
    %sign3A_197 = arith.cmpi sgt, %jit3A_187, %sign3A_196 : i32
    %sign3A_198 = arith.extui %sign3A_197 : i1 to i32
    %sign3A_199 = arith.constant 0 : i32
    %sign3A_200 = arith.cmpi slt, %jit3A_187, %sign3A_199 : i32
    %sign3A_201 = arith.extui %sign3A_200 : i1 to i32
    %sign3A_202 = arith.subi %sign3A_198, %sign3A_201 : i32
    %ne3A_203 = arith.cmpi ne, %sign3A_195, %sign3A_202 : i32
    %rem3A_204 = arith.remsi %add3A_183, %jit3A_187 : i32
    %ne3A_205 = arith.constant 0 : i32
    %ne3A_206 = arith.cmpi ne, %rem3A_204, %ne3A_205 : i32
    %and3A_207 = arith.andi %ne3A_203, %ne3A_206 : i1
    %sub3A_208 = arith.constant 1 : i32
    %sub3A_209 = arith.subi %div3A_188, %sub3A_208 : i32
    %select_n3A_210 = arith.select %and3A_207, %sub3A_209, %div3A_188 : i32
    %rem3A_211 = arith.constant 16 : i32
    %rem3A_212 = arith.remsi %add3A_183, %rem3A_211 : i32
    %dma_start3A_213 = arith.constant 0 : i32
    %dma_start3A_214 = tpu.memref_slice %arg2[%select_n3A_210, %rem3A_212, %dma_start3A_213] : memref<4x16x50176xi32, #tpu.memory_space<hbm>> -> memref<1x1x6272xi32, #tpu.memory_space<hbm>>
    %dma_start3A_215 = tpu.memref_squeeze %dma_start3A_214 : memref<1x1x6272xi32, #tpu.memory_space<hbm>> -> memref<6272xi32, #tpu.memory_space<hbm>>
    %dma_start3A_216 = arith.constant 0 : i32
    %dma_start3A_217 = tpu.memref_slice %arg2[%select_n3A_210, %rem3A_212, %dma_start3A_216] : memref<4x16x50176xi32, #tpu.memory_space<hbm>> -> memref<1x1x6272xi32, #tpu.memory_space<hbm>>
    %dma_start3A_218 = tpu.memref_squeeze %dma_start3A_217 : memref<1x1x6272xi32, #tpu.memory_space<hbm>> -> memref<6272xi32, #tpu.memory_space<hbm>>
    tpu.enqueue_dma source(%dma_start3A_218 : memref<6272xi32, #tpu.memory_space<hbm>>) target(%arg5 : memref<6272xi32, #tpu.memory_space<vmem>>) target_semaphore(%arg8 : memref<!tpu.dma_semaphore, #tpu.memory_space<semaphore_mem>>)
    %dma_start3A_219 = arith.constant 6272 : i32
    %dma_start3A_220 = tpu.memref_slice %arg2[%select_n3A_210, %rem3A_212, %dma_start3A_219] : memref<4x16x50176xi32, #tpu.memory_space<hbm>> -> memref<1x1x6272xi32, #tpu.memory_space<hbm>>
    %dma_start3A_221 = tpu.memref_squeeze %dma_start3A_220 : memref<1x1x6272xi32, #tpu.memory_space<hbm>> -> memref<6272xi32, #tpu.memory_space<hbm>>
    %dma_start3A_222 = arith.constant 6272 : i32
    %dma_start3A_223 = tpu.memref_slice %arg2[%select_n3A_210, %rem3A_212, %dma_start3A_222] : memref<4x16x50176xi32, #tpu.memory_space<hbm>> -> memref<1x1x6272xi32, #tpu.memory_space<hbm>>
    %dma_start3A_224 = tpu.memref_squeeze %dma_start3A_223 : memref<1x1x6272xi32, #tpu.memory_space<hbm>> -> memref<6272xi32, #tpu.memory_space<hbm>>
    tpu.enqueue_dma source(%dma_start3A_224 : memref<6272xi32, #tpu.memory_space<hbm>>) target(%arg6 : memref<6272xi32, #tpu.memory_space<vmem>>) target_semaphore(%arg9 : memref<!tpu.dma_semaphore, #tpu.memory_space<semaphore_mem>>)
    %dma_wait3A_225 = arith.constant 0 : i32
    %dma_wait3A_226 = tpu.memref_slice %arg2[%select_n3A_210, %rem3A_212, %dma_wait3A_225] : memref<4x16x50176xi32, #tpu.memory_space<hbm>> -> memref<1x1x6272xi32, #tpu.memory_space<hbm>>
    %dma_wait3A_227 = tpu.memref_squeeze %dma_wait3A_226 : memref<1x1x6272xi32, #tpu.memory_space<hbm>> -> memref<6272xi32, #tpu.memory_space<hbm>>
    %dma_wait3A_228 = arith.constant 0 : i32
    %dma_wait3A_229 = tpu.memref_slice %arg2[%select_n3A_210, %rem3A_212, %dma_wait3A_228] : memref<4x16x50176xi32, #tpu.memory_space<hbm>> -> memref<1x1x6272xi32, #tpu.memory_space<hbm>>
    %dma_wait3A_230 = tpu.memref_squeeze %dma_wait3A_229 : memref<1x1x6272xi32, #tpu.memory_space<hbm>> -> memref<6272xi32, #tpu.memory_space<hbm>>
    tpu.wait_dma2 semaphore(%arg8 : memref<!tpu.dma_semaphore, #tpu.memory_space<semaphore_mem>>) src(%dma_wait3A_230 : memref<6272xi32, #tpu.memory_space<hbm>>) dst(%arg5 : memref<6272xi32, #tpu.memory_space<vmem>>)
    %parallel_loop3A_231 = arith.constant 0 : i32
    %parallel_loop3A_232 = arith.constant 392 : i32
    %parallel_loop3A_233 = arith.constant 1 : i32
    scf.for %parallel_loop3A_370 = %parallel_loop3A_231 to %parallel_loop3A_232 step %parallel_loop3A_233  : i32 {
      %parallel_loop3A_371 = arith.constant 16 : i32
      %parallel_loop3A_372 = arith.muli %parallel_loop3A_370, %parallel_loop3A_371 : i32
      %parallel_loop3A_373 = arith.index_cast %parallel_loop3A_372 : i32 to index
      %parallel_loop3A_374 = tpu.vector_load %arg5[%parallel_loop3A_373] {strides = array<i32>} : memref<6272xi32, #tpu.memory_space<vmem>>, vector<16xi32>,
      %parallel_loop3A_375 = arith.constant 65535 : i32
      %parallel_loop3A_376 = vector.broadcast %parallel_loop3A_375 : i32 to vector<16xi32>
      %parallel_loop3A_377 = arith.andi %parallel_loop3A_374, %parallel_loop3A_376 : vector<16xi32>
      %parallel_loop3A_378 = arith.constant 16 : i32
      %parallel_loop3A_379 = vector.broadcast %parallel_loop3A_378 : i32 to vector<16xi32>
      %parallel_loop3A_380 = arith.shrui %parallel_loop3A_374, %parallel_loop3A_379 : vector<16xi32>
      tpu.vector_store_idx %arg4[%parallel_loop3A_377], %broadcast_in_dim3A_2 {add = true} : memref<21504xf32, #tpu.memory_space<vmem>>[vector<16xi32>], vector<16xf32>,
      tpu.vector_store_idx %arg4[%parallel_loop3A_380], %broadcast_in_dim3A_2 {add = true} : memref<21504xf32, #tpu.memory_space<vmem>>[vector<16xi32>], vector<16xf32>,
    } {sc.loop_unroll_factor = 16 : i64, sc.parallel_access}
    %dma_start3A_234 = arith.constant 12544 : i32
    %dma_start3A_235 = tpu.memref_slice %arg2[%select_n3A_210, %rem3A_212, %dma_start3A_234] : memref<4x16x50176xi32, #tpu.memory_space<hbm>> -> memref<1x1x6272xi32, #tpu.memory_space<hbm>>
    %dma_start3A_236 = tpu.memref_squeeze %dma_start3A_235 : memref<1x1x6272xi32, #tpu.memory_space<hbm>> -> memref<6272xi32, #tpu.memory_space<hbm>>
    %dma_start3A_237 = arith.constant 12544 : i32
    %dma_start3A_238 = tpu.memref_slice %arg2[%select_n3A_210, %rem3A_212, %dma_start3A_237] : memref<4x16x50176xi32, #tpu.memory_space<hbm>> -> memref<1x1x6272xi32, #tpu.memory_space<hbm>>
    %dma_start3A_239 = tpu.memref_squeeze %dma_start3A_238 : memref<1x1x6272xi32, #tpu.memory_space<hbm>> -> memref<6272xi32, #tpu.memory_space<hbm>>
    tpu.enqueue_dma source(%dma_start3A_239 : memref<6272xi32, #tpu.memory_space<hbm>>) target(%arg5 : memref<6272xi32, #tpu.memory_space<vmem>>) target_semaphore(%arg8 : memref<!tpu.dma_semaphore, #tpu.memory_space<semaphore_mem>>)
    %dma_wait3A_240 = arith.constant 6272 : i32
    %dma_wait3A_241 = tpu.memref_slice %arg2[%select_n3A_210, %rem3A_212, %dma_wait3A_240] : memref<4x16x50176xi32, #tpu.memory_space<hbm>> -> memref<1x1x6272xi32, #tpu.memory_space<hbm>>
    %dma_wait3A_242 = tpu.memref_squeeze %dma_wait3A_241 : memref<1x1x6272xi32, #tpu.memory_space<hbm>> -> memref<6272xi32, #tpu.memory_space<hbm>>
    %dma_wait3A_243 = arith.constant 6272 : i32
    %dma_wait3A_244 = tpu.memref_slice %arg2[%select_n3A_210, %rem3A_212, %dma_wait3A_243] : memref<4x16x50176xi32, #tpu.memory_space<hbm>> -> memref<1x1x6272xi32, #tpu.memory_space<hbm>>
    %dma_wait3A_245 = tpu.memref_squeeze %dma_wait3A_244 : memref<1x1x6272xi32, #tpu.memory_space<hbm>> -> memref<6272xi32, #tpu.memory_space<hbm>>
    tpu.wait_dma2 semaphore(%arg9 : memref<!tpu.dma_semaphore, #tpu.memory_space<semaphore_mem>>) src(%dma_wait3A_245 : memref<6272xi32, #tpu.memory_space<hbm>>) dst(%arg6 : memref<6272xi32, #tpu.memory_space<vmem>>)
    %parallel_loop3A_246 = arith.constant 0 : i32
    %parallel_loop3A_247 = arith.constant 392 : i32
    %parallel_loop3A_248 = arith.constant 1 : i32
    scf.for %parallel_loop3A_370 = %parallel_loop3A_246 to %parallel_loop3A_247 step %parallel_loop3A_248  : i32 {
      %parallel_loop3A_371 = arith.constant 16 : i32
      %parallel_loop3A_372 = arith.muli %parallel_loop3A_370, %parallel_loop3A_371 : i32
      %parallel_loop3A_373 = arith.index_cast %parallel_loop3A_372 : i32 to index
      %parallel_loop3A_374 = tpu.vector_load %arg6[%parallel_loop3A_373] {strides = array<i32>} : memref<6272xi32, #tpu.memory_space<vmem>>, vector<16xi32>,
      %parallel_loop3A_375 = arith.constant 65535 : i32
      %parallel_loop3A_376 = vector.broadcast %parallel_loop3A_375 : i32 to vector<16xi32>
      %parallel_loop3A_377 = arith.andi %parallel_loop3A_374, %parallel_loop3A_376 : vector<16xi32>
      %parallel_loop3A_378 = arith.constant 16 : i32
      %parallel_loop3A_379 = vector.broadcast %parallel_loop3A_378 : i32 to vector<16xi32>
      %parallel_loop3A_380 = arith.shrui %parallel_loop3A_374, %parallel_loop3A_379 : vector<16xi32>
      tpu.vector_store_idx %arg4[%parallel_loop3A_377], %broadcast_in_dim3A_2 {add = true} : memref<21504xf32, #tpu.memory_space<vmem>>[vector<16xi32>], vector<16xf32>,
      tpu.vector_store_idx %arg4[%parallel_loop3A_380], %broadcast_in_dim3A_2 {add = true} : memref<21504xf32, #tpu.memory_space<vmem>>[vector<16xi32>], vector<16xf32>,
    } {sc.loop_unroll_factor = 16 : i64, sc.parallel_access}
    %dma_start3A_249 = arith.constant 18816 : i32
    %dma_start3A_250 = tpu.memref_slice %arg2[%select_n3A_210, %rem3A_212, %dma_start3A_249] : memref<4x16x50176xi32, #tpu.memory_space<hbm>> -> memref<1x1x6272xi32, #tpu.memory_space<hbm>>
    %dma_start3A_251 = tpu.memref_squeeze %dma_start3A_250 : memref<1x1x6272xi32, #tpu.memory_space<hbm>> -> memref<6272xi32, #tpu.memory_space<hbm>>
    %dma_start3A_252 = arith.constant 18816 : i32
    %dma_start3A_253 = tpu.memref_slice %arg2[%select_n3A_210, %rem3A_212, %dma_start3A_252] : memref<4x16x50176xi32, #tpu.memory_space<hbm>> -> memref<1x1x6272xi32, #tpu.memory_space<hbm>>
    %dma_start3A_254 = tpu.memref_squeeze %dma_start3A_253 : memref<1x1x6272xi32, #tpu.memory_space<hbm>> -> memref<6272xi32, #tpu.memory_space<hbm>>
    tpu.enqueue_dma source(%dma_start3A_254 : memref<6272xi32, #tpu.memory_space<hbm>>) target(%arg6 : memref<6272xi32, #tpu.memory_space<vmem>>) target_semaphore(%arg9 : memref<!tpu.dma_semaphore, #tpu.memory_space<semaphore_mem>>)
    %dma_wait3A_255 = arith.constant 12544 : i32
    %dma_wait3A_256 = tpu.memref_slice %arg2[%select_n3A_210, %rem3A_212, %dma_wait3A_255] : memref<4x16x50176xi32, #tpu.memory_space<hbm>> -> memref<1x1x6272xi32, #tpu.memory_space<hbm>>
    %dma_wait3A_257 = tpu.memref_squeeze %dma_wait3A_256 : memref<1x1x6272xi32, #tpu.memory_space<hbm>> -> memref<6272xi32, #tpu.memory_space<hbm>>
    %dma_wait3A_258 = arith.constant 12544 : i32
    %dma_wait3A_259 = tpu.memref_slice %arg2[%select_n3A_210, %rem3A_212, %dma_wait3A_258] : memref<4x16x50176xi32, #tpu.memory_space<hbm>> -> memref<1x1x6272xi32, #tpu.memory_space<hbm>>
    %dma_wait3A_260 = tpu.memref_squeeze %dma_wait3A_259 : memref<1x1x6272xi32, #tpu.memory_space<hbm>> -> memref<6272xi32, #tpu.memory_space<hbm>>
    tpu.wait_dma2 semaphore(%arg8 : memref<!tpu.dma_semaphore, #tpu.memory_space<semaphore_mem>>) src(%dma_wait3A_260 : memref<6272xi32, #tpu.memory_space<hbm>>) dst(%arg5 : memref<6272xi32, #tpu.memory_space<vmem>>)
    %parallel_loop3A_261 = arith.constant 0 : i32
    %parallel_loop3A_262 = arith.constant 392 : i32
    %parallel_loop3A_263 = arith.constant 1 : i32
    scf.for %parallel_loop3A_370 = %parallel_loop3A_261 to %parallel_loop3A_262 step %parallel_loop3A_263  : i32 {
      %parallel_loop3A_371 = arith.constant 16 : i32
      %parallel_loop3A_372 = arith.muli %parallel_loop3A_370, %parallel_loop3A_371 : i32
      %parallel_loop3A_373 = arith.index_cast %parallel_loop3A_372 : i32 to index
      %parallel_loop3A_374 = tpu.vector_load %arg5[%parallel_loop3A_373] {strides = array<i32>} : memref<6272xi32, #tpu.memory_space<vmem>>, vector<16xi32>,
      %parallel_loop3A_375 = arith.constant 65535 : i32
      %parallel_loop3A_376 = vector.broadcast %parallel_loop3A_375 : i32 to vector<16xi32>
      %parallel_loop3A_377 = arith.andi %parallel_loop3A_374, %parallel_loop3A_376 : vector<16xi32>
      %parallel_loop3A_378 = arith.constant 16 : i32
      %parallel_loop3A_379 = vector.broadcast %parallel_loop3A_378 : i32 to vector<16xi32>
      %parallel_loop3A_380 = arith.shrui %parallel_loop3A_374, %parallel_loop3A_379 : vector<16xi32>
      tpu.vector_store_idx %arg4[%parallel_loop3A_377], %broadcast_in_dim3A_2 {add = true} : memref<21504xf32, #tpu.memory_space<vmem>>[vector<16xi32>], vector<16xf32>,
      tpu.vector_store_idx %arg4[%parallel_loop3A_380], %broadcast_in_dim3A_2 {add = true} : memref<21504xf32, #tpu.memory_space<vmem>>[vector<16xi32>], vector<16xf32>,
    } {sc.loop_unroll_factor = 16 : i64, sc.parallel_access}
    %dma_start3A_264 = arith.constant 25088 : i32
    %dma_start3A_265 = tpu.memref_slice %arg2[%select_n3A_210, %rem3A_212, %dma_start3A_264] : memref<4x16x50176xi32, #tpu.memory_space<hbm>> -> memref<1x1x6272xi32, #tpu.memory_space<hbm>>
    %dma_start3A_266 = tpu.memref_squeeze %dma_start3A_265 : memref<1x1x6272xi32, #tpu.memory_space<hbm>> -> memref<6272xi32, #tpu.memory_space<hbm>>
    %dma_start3A_267 = arith.constant 25088 : i32
    %dma_start3A_268 = tpu.memref_slice %arg2[%select_n3A_210, %rem3A_212, %dma_start3A_267] : memref<4x16x50176xi32, #tpu.memory_space<hbm>> -> memref<1x1x6272xi32, #tpu.memory_space<hbm>>
    %dma_start3A_269 = tpu.memref_squeeze %dma_start3A_268 : memref<1x1x6272xi32, #tpu.memory_space<hbm>> -> memref<6272xi32, #tpu.memory_space<hbm>>
    tpu.enqueue_dma source(%dma_start3A_269 : memref<6272xi32, #tpu.memory_space<hbm>>) target(%arg5 : memref<6272xi32, #tpu.memory_space<vmem>>) target_semaphore(%arg8 : memref<!tpu.dma_semaphore, #tpu.memory_space<semaphore_mem>>)
    %dma_wait3A_270 = arith.constant 18816 : i32
    %dma_wait3A_271 = tpu.memref_slice %arg2[%select_n3A_210, %rem3A_212, %dma_wait3A_270] : memref<4x16x50176xi32, #tpu.memory_space<hbm>> -> memref<1x1x6272xi32, #tpu.memory_space<hbm>>
    %dma_wait3A_272 = tpu.memref_squeeze %dma_wait3A_271 : memref<1x1x6272xi32, #tpu.memory_space<hbm>> -> memref<6272xi32, #tpu.memory_space<hbm>>
    %dma_wait3A_273 = arith.constant 18816 : i32
    %dma_wait3A_274 = tpu.memref_slice %arg2[%select_n3A_210, %rem3A_212, %dma_wait3A_273] : memref<4x16x50176xi32, #tpu.memory_space<hbm>> -> memref<1x1x6272xi32, #tpu.memory_space<hbm>>
    %dma_wait3A_275 = tpu.memref_squeeze %dma_wait3A_274 : memref<1x1x6272xi32, #tpu.memory_space<hbm>> -> memref<6272xi32, #tpu.memory_space<hbm>>
    tpu.wait_dma2 semaphore(%arg9 : memref<!tpu.dma_semaphore, #tpu.memory_space<semaphore_mem>>) src(%dma_wait3A_275 : memref<6272xi32, #tpu.memory_space<hbm>>) dst(%arg6 : memref<6272xi32, #tpu.memory_space<vmem>>)
    %parallel_loop3A_276 = arith.constant 0 : i32
    %parallel_loop3A_277 = arith.constant 392 : i32
    %parallel_loop3A_278 = arith.constant 1 : i32
    scf.for %parallel_loop3A_370 = %parallel_loop3A_276 to %parallel_loop3A_277 step %parallel_loop3A_278  : i32 {
      %parallel_loop3A_371 = arith.constant 16 : i32
      %parallel_loop3A_372 = arith.muli %parallel_loop3A_370, %parallel_loop3A_371 : i32
      %parallel_loop3A_373 = arith.index_cast %parallel_loop3A_372 : i32 to index
      %parallel_loop3A_374 = tpu.vector_load %arg6[%parallel_loop3A_373] {strides = array<i32>} : memref<6272xi32, #tpu.memory_space<vmem>>, vector<16xi32>,
      %parallel_loop3A_375 = arith.constant 65535 : i32
      %parallel_loop3A_376 = vector.broadcast %parallel_loop3A_375 : i32 to vector<16xi32>
      %parallel_loop3A_377 = arith.andi %parallel_loop3A_374, %parallel_loop3A_376 : vector<16xi32>
      %parallel_loop3A_378 = arith.constant 16 : i32
      %parallel_loop3A_379 = vector.broadcast %parallel_loop3A_378 : i32 to vector<16xi32>
      %parallel_loop3A_380 = arith.shrui %parallel_loop3A_374, %parallel_loop3A_379 : vector<16xi32>
      tpu.vector_store_idx %arg4[%parallel_loop3A_377], %broadcast_in_dim3A_2 {add = true} : memref<21504xf32, #tpu.memory_space<vmem>>[vector<16xi32>], vector<16xf32>,
      tpu.vector_store_idx %arg4[%parallel_loop3A_380], %broadcast_in_dim3A_2 {add = true} : memref<21504xf32, #tpu.memory_space<vmem>>[vector<16xi32>], vector<16xf32>,
    } {sc.loop_unroll_factor = 16 : i64, sc.parallel_access}
    %dma_start3A_279 = arith.constant 31360 : i32
    %dma_start3A_280 = tpu.memref_slice %arg2[%select_n3A_210, %rem3A_212, %dma_start3A_279] : memref<4x16x50176xi32, #tpu.memory_space<hbm>> -> memref<1x1x6272xi32, #tpu.memory_space<hbm>>
    %dma_start3A_281 = tpu.memref_squeeze %dma_start3A_280 : memref<1x1x6272xi32, #tpu.memory_space<hbm>> -> memref<6272xi32, #tpu.memory_space<hbm>>
    %dma_start3A_282 = arith.constant 31360 : i32
    %dma_start3A_283 = tpu.memref_slice %arg2[%select_n3A_210, %rem3A_212, %dma_start3A_282] : memref<4x16x50176xi32, #tpu.memory_space<hbm>> -> memref<1x1x6272xi32, #tpu.memory_space<hbm>>
    %dma_start3A_284 = tpu.memref_squeeze %dma_start3A_283 : memref<1x1x6272xi32, #tpu.memory_space<hbm>> -> memref<6272xi32, #tpu.memory_space<hbm>>
    tpu.enqueue_dma source(%dma_start3A_284 : memref<6272xi32, #tpu.memory_space<hbm>>) target(%arg6 : memref<6272xi32, #tpu.memory_space<vmem>>) target_semaphore(%arg9 : memref<!tpu.dma_semaphore, #tpu.memory_space<semaphore_mem>>)
    %dma_wait3A_285 = arith.constant 25088 : i32
    %dma_wait3A_286 = tpu.memref_slice %arg2[%select_n3A_210, %rem3A_212, %dma_wait3A_285] : memref<4x16x50176xi32, #tpu.memory_space<hbm>> -> memref<1x1x6272xi32, #tpu.memory_space<hbm>>
    %dma_wait3A_287 = tpu.memref_squeeze %dma_wait3A_286 : memref<1x1x6272xi32, #tpu.memory_space<hbm>> -> memref<6272xi32, #tpu.memory_space<hbm>>
    %dma_wait3A_288 = arith.constant 25088 : i32
    %dma_wait3A_289 = tpu.memref_slice %arg2[%select_n3A_210, %rem3A_212, %dma_wait3A_288] : memref<4x16x50176xi32, #tpu.memory_space<hbm>> -> memref<1x1x6272xi32, #tpu.memory_space<hbm>>
    %dma_wait3A_290 = tpu.memref_squeeze %dma_wait3A_289 : memref<1x1x6272xi32, #tpu.memory_space<hbm>> -> memref<6272xi32, #tpu.memory_space<hbm>>
    tpu.wait_dma2 semaphore(%arg8 : memref<!tpu.dma_semaphore, #tpu.memory_space<semaphore_mem>>) src(%dma_wait3A_290 : memref<6272xi32, #tpu.memory_space<hbm>>) dst(%arg5 : memref<6272xi32, #tpu.memory_space<vmem>>)
    %parallel_loop3A_291 = arith.constant 0 : i32
    %parallel_loop3A_292 = arith.constant 392 : i32
    %parallel_loop3A_293 = arith.constant 1 : i32
    scf.for %parallel_loop3A_370 = %parallel_loop3A_291 to %parallel_loop3A_292 step %parallel_loop3A_293  : i32 {
      %parallel_loop3A_371 = arith.constant 16 : i32
      %parallel_loop3A_372 = arith.muli %parallel_loop3A_370, %parallel_loop3A_371 : i32
      %parallel_loop3A_373 = arith.index_cast %parallel_loop3A_372 : i32 to index
      %parallel_loop3A_374 = tpu.vector_load %arg5[%parallel_loop3A_373] {strides = array<i32>} : memref<6272xi32, #tpu.memory_space<vmem>>, vector<16xi32>,
      %parallel_loop3A_375 = arith.constant 65535 : i32
      %parallel_loop3A_376 = vector.broadcast %parallel_loop3A_375 : i32 to vector<16xi32>
      %parallel_loop3A_377 = arith.andi %parallel_loop3A_374, %parallel_loop3A_376 : vector<16xi32>
      %parallel_loop3A_378 = arith.constant 16 : i32
      %parallel_loop3A_379 = vector.broadcast %parallel_loop3A_378 : i32 to vector<16xi32>
      %parallel_loop3A_380 = arith.shrui %parallel_loop3A_374, %parallel_loop3A_379 : vector<16xi32>
      tpu.vector_store_idx %arg4[%parallel_loop3A_377], %broadcast_in_dim3A_2 {add = true} : memref<21504xf32, #tpu.memory_space<vmem>>[vector<16xi32>], vector<16xf32>,
      tpu.vector_store_idx %arg4[%parallel_loop3A_380], %broadcast_in_dim3A_2 {add = true} : memref<21504xf32, #tpu.memory_space<vmem>>[vector<16xi32>], vector<16xf32>,
    } {sc.loop_unroll_factor = 16 : i64, sc.parallel_access}
    %dma_start3A_294 = arith.constant 37632 : i32
    %dma_start3A_295 = tpu.memref_slice %arg2[%select_n3A_210, %rem3A_212, %dma_start3A_294] : memref<4x16x50176xi32, #tpu.memory_space<hbm>> -> memref<1x1x6272xi32, #tpu.memory_space<hbm>>
    %dma_start3A_296 = tpu.memref_squeeze %dma_start3A_295 : memref<1x1x6272xi32, #tpu.memory_space<hbm>> -> memref<6272xi32, #tpu.memory_space<hbm>>
    %dma_start3A_297 = arith.constant 37632 : i32
    %dma_start3A_298 = tpu.memref_slice %arg2[%select_n3A_210, %rem3A_212, %dma_start3A_297] : memref<4x16x50176xi32, #tpu.memory_space<hbm>> -> memref<1x1x6272xi32, #tpu.memory_space<hbm>>
    %dma_start3A_299 = tpu.memref_squeeze %dma_start3A_298 : memref<1x1x6272xi32, #tpu.memory_space<hbm>> -> memref<6272xi32, #tpu.memory_space<hbm>>
    tpu.enqueue_dma source(%dma_start3A_299 : memref<6272xi32, #tpu.memory_space<hbm>>) target(%arg5 : memref<6272xi32, #tpu.memory_space<vmem>>) target_semaphore(%arg8 : memref<!tpu.dma_semaphore, #tpu.memory_space<semaphore_mem>>)
    %dma_wait3A_300 = arith.constant 31360 : i32
    %dma_wait3A_301 = tpu.memref_slice %arg2[%select_n3A_210, %rem3A_212, %dma_wait3A_300] : memref<4x16x50176xi32, #tpu.memory_space<hbm>> -> memref<1x1x6272xi32, #tpu.memory_space<hbm>>
    %dma_wait3A_302 = tpu.memref_squeeze %dma_wait3A_301 : memref<1x1x6272xi32, #tpu.memory_space<hbm>> -> memref<6272xi32, #tpu.memory_space<hbm>>
    %dma_wait3A_303 = arith.constant 31360 : i32
    %dma_wait3A_304 = tpu.memref_slice %arg2[%select_n3A_210, %rem3A_212, %dma_wait3A_303] : memref<4x16x50176xi32, #tpu.memory_space<hbm>> -> memref<1x1x6272xi32, #tpu.memory_space<hbm>>
    %dma_wait3A_305 = tpu.memref_squeeze %dma_wait3A_304 : memref<1x1x6272xi32, #tpu.memory_space<hbm>> -> memref<6272xi32, #tpu.memory_space<hbm>>
    tpu.wait_dma2 semaphore(%arg9 : memref<!tpu.dma_semaphore, #tpu.memory_space<semaphore_mem>>) src(%dma_wait3A_305 : memref<6272xi32, #tpu.memory_space<hbm>>) dst(%arg6 : memref<6272xi32, #tpu.memory_space<vmem>>)
    %parallel_loop3A_306 = arith.constant 0 : i32
    %parallel_loop3A_307 = arith.constant 392 : i32
    %parallel_loop3A_308 = arith.constant 1 : i32
    scf.for %parallel_loop3A_370 = %parallel_loop3A_306 to %parallel_loop3A_307 step %parallel_loop3A_308  : i32 {
      %parallel_loop3A_371 = arith.constant 16 : i32
      %parallel_loop3A_372 = arith.muli %parallel_loop3A_370, %parallel_loop3A_371 : i32
      %parallel_loop3A_373 = arith.index_cast %parallel_loop3A_372 : i32 to index
      %parallel_loop3A_374 = tpu.vector_load %arg6[%parallel_loop3A_373] {strides = array<i32>} : memref<6272xi32, #tpu.memory_space<vmem>>, vector<16xi32>,
      %parallel_loop3A_375 = arith.constant 65535 : i32
      %parallel_loop3A_376 = vector.broadcast %parallel_loop3A_375 : i32 to vector<16xi32>
      %parallel_loop3A_377 = arith.andi %parallel_loop3A_374, %parallel_loop3A_376 : vector<16xi32>
      %parallel_loop3A_378 = arith.constant 16 : i32
      %parallel_loop3A_379 = vector.broadcast %parallel_loop3A_378 : i32 to vector<16xi32>
      %parallel_loop3A_380 = arith.shrui %parallel_loop3A_374, %parallel_loop3A_379 : vector<16xi32>
      tpu.vector_store_idx %arg4[%parallel_loop3A_377], %broadcast_in_dim3A_2 {add = true} : memref<21504xf32, #tpu.memory_space<vmem>>[vector<16xi32>], vector<16xf32>,
      tpu.vector_store_idx %arg4[%parallel_loop3A_380], %broadcast_in_dim3A_2 {add = true} : memref<21504xf32, #tpu.memory_space<vmem>>[vector<16xi32>], vector<16xf32>,
    } {sc.loop_unroll_factor = 16 : i64, sc.parallel_access}
    %dma_start3A_309 = arith.constant 43904 : i32
    %dma_start3A_310 = tpu.memref_slice %arg2[%select_n3A_210, %rem3A_212, %dma_start3A_309] : memref<4x16x50176xi32, #tpu.memory_space<hbm>> -> memref<1x1x6272xi32, #tpu.memory_space<hbm>>
    %dma_start3A_311 = tpu.memref_squeeze %dma_start3A_310 : memref<1x1x6272xi32, #tpu.memory_space<hbm>> -> memref<6272xi32, #tpu.memory_space<hbm>>
    %dma_start3A_312 = arith.constant 43904 : i32
    %dma_start3A_313 = tpu.memref_slice %arg2[%select_n3A_210, %rem3A_212, %dma_start3A_312] : memref<4x16x50176xi32, #tpu.memory_space<hbm>> -> memref<1x1x6272xi32, #tpu.memory_space<hbm>>
    %dma_start3A_314 = tpu.memref_squeeze %dma_start3A_313 : memref<1x1x6272xi32, #tpu.memory_space<hbm>> -> memref<6272xi32, #tpu.memory_space<hbm>>
    tpu.enqueue_dma source(%dma_start3A_314 : memref<6272xi32, #tpu.memory_space<hbm>>) target(%arg6 : memref<6272xi32, #tpu.memory_space<vmem>>) target_semaphore(%arg9 : memref<!tpu.dma_semaphore, #tpu.memory_space<semaphore_mem>>)
    %dma_wait3A_315 = arith.constant 37632 : i32
    %dma_wait3A_316 = tpu.memref_slice %arg2[%select_n3A_210, %rem3A_212, %dma_wait3A_315] : memref<4x16x50176xi32, #tpu.memory_space<hbm>> -> memref<1x1x6272xi32, #tpu.memory_space<hbm>>
    %dma_wait3A_317 = tpu.memref_squeeze %dma_wait3A_316 : memref<1x1x6272xi32, #tpu.memory_space<hbm>> -> memref<6272xi32, #tpu.memory_space<hbm>>
    %dma_wait3A_318 = arith.constant 37632 : i32
    %dma_wait3A_319 = tpu.memref_slice %arg2[%select_n3A_210, %rem3A_212, %dma_wait3A_318] : memref<4x16x50176xi32, #tpu.memory_space<hbm>> -> memref<1x1x6272xi32, #tpu.memory_space<hbm>>
    %dma_wait3A_320 = tpu.memref_squeeze %dma_wait3A_319 : memref<1x1x6272xi32, #tpu.memory_space<hbm>> -> memref<6272xi32, #tpu.memory_space<hbm>>
    tpu.wait_dma2 semaphore(%arg8 : memref<!tpu.dma_semaphore, #tpu.memory_space<semaphore_mem>>) src(%dma_wait3A_320 : memref<6272xi32, #tpu.memory_space<hbm>>) dst(%arg5 : memref<6272xi32, #tpu.memory_space<vmem>>)
    %parallel_loop3A_321 = arith.constant 0 : i32
    %parallel_loop3A_322 = arith.constant 392 : i32
    %parallel_loop3A_323 = arith.constant 1 : i32
    scf.for %parallel_loop3A_370 = %parallel_loop3A_321 to %parallel_loop3A_322 step %parallel_loop3A_323  : i32 {
      %parallel_loop3A_371 = arith.constant 16 : i32
      %parallel_loop3A_372 = arith.muli %parallel_loop3A_370, %parallel_loop3A_371 : i32
      %parallel_loop3A_373 = arith.index_cast %parallel_loop3A_372 : i32 to index
      %parallel_loop3A_374 = tpu.vector_load %arg5[%parallel_loop3A_373] {strides = array<i32>} : memref<6272xi32, #tpu.memory_space<vmem>>, vector<16xi32>,
      %parallel_loop3A_375 = arith.constant 65535 : i32
      %parallel_loop3A_376 = vector.broadcast %parallel_loop3A_375 : i32 to vector<16xi32>
      %parallel_loop3A_377 = arith.andi %parallel_loop3A_374, %parallel_loop3A_376 : vector<16xi32>
      %parallel_loop3A_378 = arith.constant 16 : i32
      %parallel_loop3A_379 = vector.broadcast %parallel_loop3A_378 : i32 to vector<16xi32>
      %parallel_loop3A_380 = arith.shrui %parallel_loop3A_374, %parallel_loop3A_379 : vector<16xi32>
      tpu.vector_store_idx %arg4[%parallel_loop3A_377], %broadcast_in_dim3A_2 {add = true} : memref<21504xf32, #tpu.memory_space<vmem>>[vector<16xi32>], vector<16xf32>,
      tpu.vector_store_idx %arg4[%parallel_loop3A_380], %broadcast_in_dim3A_2 {add = true} : memref<21504xf32, #tpu.memory_space<vmem>>[vector<16xi32>], vector<16xf32>,
    } {sc.loop_unroll_factor = 16 : i64, sc.parallel_access}
    %dma_wait3A_324 = arith.constant 43904 : i32
    %dma_wait3A_325 = tpu.memref_slice %arg2[%select_n3A_210, %rem3A_212, %dma_wait3A_324] : memref<4x16x50176xi32, #tpu.memory_space<hbm>> -> memref<1x1x6272xi32, #tpu.memory_space<hbm>>
    %dma_wait3A_326 = tpu.memref_squeeze %dma_wait3A_325 : memref<1x1x6272xi32, #tpu.memory_space<hbm>> -> memref<6272xi32, #tpu.memory_space<hbm>>
    %dma_wait3A_327 = arith.constant 43904 : i32
    %dma_wait3A_328 = tpu.memref_slice %arg2[%select_n3A_210, %rem3A_212, %dma_wait3A_327] : memref<4x16x50176xi32, #tpu.memory_space<hbm>> -> memref<1x1x6272xi32, #tpu.memory_space<hbm>>
    %dma_wait3A_329 = tpu.memref_squeeze %dma_wait3A_328 : memref<1x1x6272xi32, #tpu.memory_space<hbm>> -> memref<6272xi32, #tpu.memory_space<hbm>>
    tpu.wait_dma2 semaphore(%arg9 : memref<!tpu.dma_semaphore, #tpu.memory_space<semaphore_mem>>) src(%dma_wait3A_329 : memref<6272xi32, #tpu.memory_space<hbm>>) dst(%arg6 : memref<6272xi32, #tpu.memory_space<vmem>>)
    %parallel_loop3A_330 = arith.constant 0 : i32
    %parallel_loop3A_331 = arith.constant 392 : i32
    %parallel_loop3A_332 = arith.constant 1 : i32
    scf.for %parallel_loop3A_370 = %parallel_loop3A_330 to %parallel_loop3A_331 step %parallel_loop3A_332  : i32 {
      %parallel_loop3A_371 = arith.constant 16 : i32
      %parallel_loop3A_372 = arith.muli %parallel_loop3A_370, %parallel_loop3A_371 : i32
      %parallel_loop3A_373 = arith.index_cast %parallel_loop3A_372 : i32 to index
      %parallel_loop3A_374 = tpu.vector_load %arg6[%parallel_loop3A_373] {strides = array<i32>} : memref<6272xi32, #tpu.memory_space<vmem>>, vector<16xi32>,
      %parallel_loop3A_375 = arith.constant 65535 : i32
      %parallel_loop3A_376 = vector.broadcast %parallel_loop3A_375 : i32 to vector<16xi32>
      %parallel_loop3A_377 = arith.andi %parallel_loop3A_374, %parallel_loop3A_376 : vector<16xi32>
      %parallel_loop3A_378 = arith.constant 16 : i32
      %parallel_loop3A_379 = vector.broadcast %parallel_loop3A_378 : i32 to vector<16xi32>
      %parallel_loop3A_380 = arith.shrui %parallel_loop3A_374, %parallel_loop3A_379 : vector<16xi32>
      tpu.vector_store_idx %arg4[%parallel_loop3A_377], %broadcast_in_dim3A_2 {add = true} : memref<21504xf32, #tpu.memory_space<vmem>>[vector<16xi32>], vector<16xf32>,
      tpu.vector_store_idx %arg4[%parallel_loop3A_380], %broadcast_in_dim3A_2 {add = true} : memref<21504xf32, #tpu.memory_space<vmem>>[vector<16xi32>], vector<16xf32>,
    } {sc.loop_unroll_factor = 16 : i64, sc.parallel_access}
    %parallel_loop3A_333 = arith.constant 0 : i32
    %parallel_loop3A_334 = arith.constant 672 : i32
    %parallel_loop3A_335 = arith.constant 1 : i32
    %parallel_loop3A_336:2 = scf.for %parallel_loop3A_370 = %parallel_loop3A_333 to %parallel_loop3A_334 step %parallel_loop3A_335 iter_args(%parallel_loop3A_371 = %broadcast_in_dim3A_0, %parallel_loop3A_372 = %broadcast_in_dim3A_0) -> (vector<16xf32>, vector<16xf32>)  : i32 {
      %parallel_loop3A_373 = arith.constant 16 : i32
      %parallel_loop3A_374 = arith.muli %parallel_loop3A_370, %parallel_loop3A_373 : i32
      %parallel_loop3A_375 = arith.index_cast %parallel_loop3A_374 : i32 to index
      %parallel_loop3A_376 = tpu.vector_load %arg4[%parallel_loop3A_375] {strides = array<i32>} : memref<21504xf32, #tpu.memory_space<vmem>>, vector<16xf32>,
      %parallel_loop3A_377 = arith.addf %parallel_loop3A_371, %parallel_loop3A_376 : vector<16xf32>
      %parallel_loop3A_378 = arith.constant 16 : i32
      %parallel_loop3A_379 = arith.muli %parallel_loop3A_370, %parallel_loop3A_378 : i32
      %parallel_loop3A_380 = arith.constant 10752 : i32
      %parallel_loop3A_381 = arith.addi %parallel_loop3A_380, %parallel_loop3A_379 : i32
      %parallel_loop3A_382 = arith.index_cast %parallel_loop3A_381 : i32 to index
      %parallel_loop3A_383 = tpu.vector_load %arg4[%parallel_loop3A_382] {strides = array<i32>} : memref<21504xf32, #tpu.memory_space<vmem>>, vector<16xf32>,
      %parallel_loop3A_384 = arith.addf %parallel_loop3A_372, %parallel_loop3A_383 : vector<16xf32>
      scf.yield %parallel_loop3A_377, %parallel_loop3A_384 : vector<16xf32>, vector<16xf32>
    } {sc.loop_unroll_factor = 4 : i64, sc.parallel_access}
    %reduce_sum3A_337 = arith.constant true
    %reduce_sum3A_338 = vector.broadcast %reduce_sum3A_337 : i1 to vector<16xi1>
    %reduce_sum3A_339 = tpu.scan <sum>, %parallel_loop3A_336#0 masked %reduce_sum3A_338 : vector<16xf32>, vector<16xi1> -> vector<16xf32>
    %reduce_sum3A_340 = vector.extract %reduce_sum3A_339[15] : f32 from vector<16xf32>
    %reduce_sum3A_341 = arith.constant true
    %reduce_sum3A_342 = vector.broadcast %reduce_sum3A_341 : i1 to vector<16xi1>
    %reduce_sum3A_343 = tpu.scan <sum>, %parallel_loop3A_336#1 masked %reduce_sum3A_342 : vector<16xf32>, vector<16xi1> -> vector<16xf32>
    %reduce_sum3A_344 = vector.extract %reduce_sum3A_343[15] : f32 from vector<16xf32>
    %scan3A_345 = arith.constant 131072 : i32
    %scan3A_346 = arith.constant 0.000000e+00 : f32
    %scan3A_347 = arith.constant 0.000000e+00 : f32
    %scan3A_348 = arith.constant 0 : i32
    %scan3A_349 = arith.constant 42 : i32
    %scan3A_350 = arith.addi %scan3A_348, %scan3A_349 : i32
    %scan3A_351 = arith.constant 1 : i32
    %scan3A_352:3 = scf.for %scan3A_370 = %scan3A_348 to %scan3A_350 step %scan3A_351 iter_args(%scan3A_371 = %scan3A_346, %scan3A_372 = %scan3A_347, %scan3A_373 = %broadcast_in_dim3A_0) -> (f32, f32, vector<16xf32>)  : i32 {
      %mul3A_374 = arith.constant 16 : i32
      %mul3A_375 = arith.muli %scan3A_370, %mul3A_374 : i32
      %broadcast_in_dim3A_376 = arith.constant 0.000000e+00 : f32
      %broadcast_in_dim3A_377 = vector.broadcast %broadcast_in_dim3A_376 : f32 to vector<16xf32>
      %add3A_378 = vector.broadcast %mul3A_375 : i32 to vector<16xi32>
      %add3A_379 = arith.addi %add3A_378, %iota3A : vector<16xi32>
      %mul3A_380 = arith.constant 16 : i32
      %mul3A_381 = vector.broadcast %mul3A_380 : i32 to vector<16xi32>
      %mul3A_382 = arith.muli %add3A_379, %mul3A_381 : vector<16xi32>
      %add3A_383 = arith.constant 0 : i32
      %add3A_384 = vector.broadcast %add3A_383 : i32 to vector<16xi32>
      %add3A_385 = arith.addi %mul3A_382, %add3A_384 : vector<16xi32>
      %gather3A = tpu.vector_load_idx %arg4[%add3A_385] : memref<21504xf32, #tpu.memory_space<vmem>>[vector<16xi32>], vector<16xf32>,
      %add3A_386 = arith.addf %broadcast_in_dim3A_377, %gather3A : vector<16xf32>
      %add3A_387 = arith.constant 1 : i32
      %add3A_388 = vector.broadcast %add3A_387 : i32 to vector<16xi32>
      %add3A_389 = arith.addi %mul3A_382, %add3A_388 : vector<16xi32>
      %gather3A_390 = tpu.vector_load_idx %arg4[%add3A_389] : memref<21504xf32, #tpu.memory_space<vmem>>[vector<16xi32>], vector<16xf32>,
      %add3A_391 = arith.addf %add3A_386, %gather3A_390 : vector<16xf32>
      %add3A_392 = arith.constant 2 : i32
      %add3A_393 = vector.broadcast %add3A_392 : i32 to vector<16xi32>
      %add3A_394 = arith.addi %mul3A_382, %add3A_393 : vector<16xi32>
      %gather3A_395 = tpu.vector_load_idx %arg4[%add3A_394] : memref<21504xf32, #tpu.memory_space<vmem>>[vector<16xi32>], vector<16xf32>,
      %add3A_396 = arith.addf %add3A_391, %gather3A_395 : vector<16xf32>
      %add3A_397 = arith.constant 3 : i32
      %add3A_398 = vector.broadcast %add3A_397 : i32 to vector<16xi32>
      %add3A_399 = arith.addi %mul3A_382, %add3A_398 : vector<16xi32>
      %gather3A_400 = tpu.vector_load_idx %arg4[%add3A_399] : memref<21504xf32, #tpu.memory_space<vmem>>[vector<16xi32>], vector<16xf32>,
      %add3A_401 = arith.addf %add3A_396, %gather3A_400 : vector<16xf32>
      %add3A_402 = arith.constant 4 : i32
      %add3A_403 = vector.broadcast %add3A_402 : i32 to vector<16xi32>
      %add3A_404 = arith.addi %mul3A_382, %add3A_403 : vector<16xi32>
      %gather3A_405 = tpu.vector_load_idx %arg4[%add3A_404] : memref<21504xf32, #tpu.memory_space<vmem>>[vector<16xi32>], vector<16xf32>,
      %add3A_406 = arith.addf %add3A_401, %gather3A_405 : vector<16xf32>
      %add3A_407 = arith.constant 5 : i32
      %add3A_408 = vector.broadcast %add3A_407 : i32 to vector<16xi32>
      %add3A_409 = arith.addi %mul3A_382, %add3A_408 : vector<16xi32>
      %gather3A_410 = tpu.vector_load_idx %arg4[%add3A_409] : memref<21504xf32, #tpu.memory_space<vmem>>[vector<16xi32>], vector<16xf32>,
      %add3A_411 = arith.addf %add3A_406, %gather3A_410 : vector<16xf32>
      %add3A_412 = arith.constant 6 : i32
      %add3A_413 = vector.broadcast %add3A_412 : i32 to vector<16xi32>
      %add3A_414 = arith.addi %mul3A_382, %add3A_413 : vector<16xi32>
      %gather3A_415 = tpu.vector_load_idx %arg4[%add3A_414] : memref<21504xf32, #tpu.memory_space<vmem>>[vector<16xi32>], vector<16xf32>,
      %add3A_416 = arith.addf %add3A_411, %gather3A_415 : vector<16xf32>
      %add3A_417 = arith.constant 7 : i32
      %add3A_418 = vector.broadcast %add3A_417 : i32 to vector<16xi32>
      %add3A_419 = arith.addi %mul3A_382, %add3A_418 : vector<16xi32>
      %gather3A_420 = tpu.vector_load_idx %arg4[%add3A_419] : memref<21504xf32, #tpu.memory_space<vmem>>[vector<16xi32>], vector<16xf32>,
      %add3A_421 = arith.addf %add3A_416, %gather3A_420 : vector<16xf32>
      %add3A_422 = arith.constant 8 : i32
      %add3A_423 = vector.broadcast %add3A_422 : i32 to vector<16xi32>
      %add3A_424 = arith.addi %mul3A_382, %add3A_423 : vector<16xi32>
      %gather3A_425 = tpu.vector_load_idx %arg4[%add3A_424] : memref<21504xf32, #tpu.memory_space<vmem>>[vector<16xi32>], vector<16xf32>,
      %add3A_426 = arith.addf %add3A_421, %gather3A_425 : vector<16xf32>
      %add3A_427 = arith.constant 9 : i32
      %add3A_428 = vector.broadcast %add3A_427 : i32 to vector<16xi32>
      %add3A_429 = arith.addi %mul3A_382, %add3A_428 : vector<16xi32>
      %gather3A_430 = tpu.vector_load_idx %arg4[%add3A_429] : memref<21504xf32, #tpu.memory_space<vmem>>[vector<16xi32>], vector<16xf32>,
      %add3A_431 = arith.addf %add3A_426, %gather3A_430 : vector<16xf32>
      %add3A_432 = arith.constant 10 : i32
      %add3A_433 = vector.broadcast %add3A_432 : i32 to vector<16xi32>
      %add3A_434 = arith.addi %mul3A_382, %add3A_433 : vector<16xi32>
      %gather3A_435 = tpu.vector_load_idx %arg4[%add3A_434] : memref<21504xf32, #tpu.memory_space<vmem>>[vector<16xi32>], vector<16xf32>,
      %add3A_436 = arith.addf %add3A_431, %gather3A_435 : vector<16xf32>
      %add3A_437 = arith.constant 11 : i32
      %add3A_438 = vector.broadcast %add3A_437 : i32 to vector<16xi32>
      %add3A_439 = arith.addi %mul3A_382, %add3A_438 : vector<16xi32>
      %gather3A_440 = tpu.vector_load_idx %arg4[%add3A_439] : memref<21504xf32, #tpu.memory_space<vmem>>[vector<16xi32>], vector<16xf32>,
      %add3A_441 = arith.addf %add3A_436, %gather3A_440 : vector<16xf32>
      %add3A_442 = arith.constant 12 : i32
      %add3A_443 = vector.broadcast %add3A_442 : i32 to vector<16xi32>
      %add3A_444 = arith.addi %mul3A_382, %add3A_443 : vector<16xi32>
      %gather3A_445 = tpu.vector_load_idx %arg4[%add3A_444] : memref<21504xf32, #tpu.memory_space<vmem>>[vector<16xi32>], vector<16xf32>,
      %add3A_446 = arith.addf %add3A_441, %gather3A_445 : vector<16xf32>
      %add3A_447 = arith.constant 13 : i32
      %add3A_448 = vector.broadcast %add3A_447 : i32 to vector<16xi32>
      %add3A_449 = arith.addi %mul3A_382, %add3A_448 : vector<16xi32>
      %gather3A_450 = tpu.vector_load_idx %arg4[%add3A_449] : memref<21504xf32, #tpu.memory_space<vmem>>[vector<16xi32>], vector<16xf32>,
      %add3A_451 = arith.addf %add3A_446, %gather3A_450 : vector<16xf32>
      %add3A_452 = arith.constant 14 : i32
      %add3A_453 = vector.broadcast %add3A_452 : i32 to vector<16xi32>
      %add3A_454 = arith.addi %mul3A_382, %add3A_453 : vector<16xi32>
      %gather3A_455 = tpu.vector_load_idx %arg4[%add3A_454] : memref<21504xf32, #tpu.memory_space<vmem>>[vector<16xi32>], vector<16xf32>,
      %add3A_456 = arith.addf %add3A_451, %gather3A_455 : vector<16xf32>
      %add3A_457 = arith.constant 15 : i32
      %add3A_458 = vector.broadcast %add3A_457 : i32 to vector<16xi32>
      %add3A_459 = arith.addi %mul3A_382, %add3A_458 : vector<16xi32>
      %gather3A_460 = tpu.vector_load_idx %arg4[%add3A_459] : memref<21504xf32, #tpu.memory_space<vmem>>[vector<16xi32>], vector<16xf32>,
      %add3A_461 = arith.addf %add3A_456, %gather3A_460 : vector<16xf32>
      %add3A_462 = arith.constant 672 : i32
      %add3A_463 = arith.addi %add3A_462, %mul3A_375 : i32
      %broadcast_in_dim3A_464 = arith.constant 0.000000e+00 : f32
      %broadcast_in_dim3A_465 = vector.broadcast %broadcast_in_dim3A_464 : f32 to vector<16xf32>
      %add3A_466 = vector.broadcast %add3A_463 : i32 to vector<16xi32>
      %add3A_467 = arith.addi %add3A_466, %iota3A : vector<16xi32>
      %mul3A_468 = arith.constant 16 : i32
      %mul3A_469 = vector.broadcast %mul3A_468 : i32 to vector<16xi32>
      %mul3A_470 = arith.muli %add3A_467, %mul3A_469 : vector<16xi32>
      %add3A_471 = arith.constant 0 : i32
      %add3A_472 = vector.broadcast %add3A_471 : i32 to vector<16xi32>
      %add3A_473 = arith.addi %mul3A_470, %add3A_472 : vector<16xi32>
      %gather3A_474 = tpu.vector_load_idx %arg4[%add3A_473] : memref<21504xf32, #tpu.memory_space<vmem>>[vector<16xi32>], vector<16xf32>,
      %add3A_475 = arith.addf %broadcast_in_dim3A_465, %gather3A_474 : vector<16xf32>
      %add3A_476 = arith.constant 1 : i32
      %add3A_477 = vector.broadcast %add3A_476 : i32 to vector<16xi32>
      %add3A_478 = arith.addi %mul3A_470, %add3A_477 : vector<16xi32>
      %gather3A_479 = tpu.vector_load_idx %arg4[%add3A_478] : memref<21504xf32, #tpu.memory_space<vmem>>[vector<16xi32>], vector<16xf32>,
      %add3A_480 = arith.addf %add3A_475, %gather3A_479 : vector<16xf32>
      %add3A_481 = arith.constant 2 : i32
      %add3A_482 = vector.broadcast %add3A_481 : i32 to vector<16xi32>
      %add3A_483 = arith.addi %mul3A_470, %add3A_482 : vector<16xi32>
      %gather3A_484 = tpu.vector_load_idx %arg4[%add3A_483] : memref<21504xf32, #tpu.memory_space<vmem>>[vector<16xi32>], vector<16xf32>,
      %add3A_485 = arith.addf %add3A_480, %gather3A_484 : vector<16xf32>
      %add3A_486 = arith.constant 3 : i32
      %add3A_487 = vector.broadcast %add3A_486 : i32 to vector<16xi32>
      %add3A_488 = arith.addi %mul3A_470, %add3A_487 : vector<16xi32>
      %gather3A_489 = tpu.vector_load_idx %arg4[%add3A_488] : memref<21504xf32, #tpu.memory_space<vmem>>[vector<16xi32>], vector<16xf32>,
      %add3A_490 = arith.addf %add3A_485, %gather3A_489 : vector<16xf32>
      %add3A_491 = arith.constant 4 : i32
      %add3A_492 = vector.broadcast %add3A_491 : i32 to vector<16xi32>
      %add3A_493 = arith.addi %mul3A_470, %add3A_492 : vector<16xi32>
      %gather3A_494 = tpu.vector_load_idx %arg4[%add3A_493] : memref<21504xf32, #tpu.memory_space<vmem>>[vector<16xi32>], vector<16xf32>,
      %add3A_495 = arith.addf %add3A_490, %gather3A_494 : vector<16xf32>
      %add3A_496 = arith.constant 5 : i32
      %add3A_497 = vector.broadcast %add3A_496 : i32 to vector<16xi32>
      %add3A_498 = arith.addi %mul3A_470, %add3A_497 : vector<16xi32>
      %gather3A_499 = tpu.vector_load_idx %arg4[%add3A_498] : memref<21504xf32, #tpu.memory_space<vmem>>[vector<16xi32>], vector<16xf32>,
      %add3A_500 = arith.addf %add3A_495, %gather3A_499 : vector<16xf32>
      %add3A_501 = arith.constant 6 : i32
      %add3A_502 = vector.broadcast %add3A_501 : i32 to vector<16xi32>
      %add3A_503 = arith.addi %mul3A_470, %add3A_502 : vector<16xi32>
      %gather3A_504 = tpu.vector_load_idx %arg4[%add3A_503] : memref<21504xf32, #tpu.memory_space<vmem>>[vector<16xi32>], vector<16xf32>,
      %add3A_505 = arith.addf %add3A_500, %gather3A_504 : vector<16xf32>
      %add3A_506 = arith.constant 7 : i32
      %add3A_507 = vector.broadcast %add3A_506 : i32 to vector<16xi32>
      %add3A_508 = arith.addi %mul3A_470, %add3A_507 : vector<16xi32>
      %gather3A_509 = tpu.vector_load_idx %arg4[%add3A_508] : memref<21504xf32, #tpu.memory_space<vmem>>[vector<16xi32>], vector<16xf32>,
      %add3A_510 = arith.addf %add3A_505, %gather3A_509 : vector<16xf32>
      %add3A_511 = arith.constant 8 : i32
      %add3A_512 = vector.broadcast %add3A_511 : i32 to vector<16xi32>
      %add3A_513 = arith.addi %mul3A_470, %add3A_512 : vector<16xi32>
      %gather3A_514 = tpu.vector_load_idx %arg4[%add3A_513] : memref<21504xf32, #tpu.memory_space<vmem>>[vector<16xi32>], vector<16xf32>,
      %add3A_515 = arith.addf %add3A_510, %gather3A_514 : vector<16xf32>
      %add3A_516 = arith.constant 9 : i32
      %add3A_517 = vector.broadcast %add3A_516 : i32 to vector<16xi32>
      %add3A_518 = arith.addi %mul3A_470, %add3A_517 : vector<16xi32>
      %gather3A_519 = tpu.vector_load_idx %arg4[%add3A_518] : memref<21504xf32, #tpu.memory_space<vmem>>[vector<16xi32>], vector<16xf32>,
      %add3A_520 = arith.addf %add3A_515, %gather3A_519 : vector<16xf32>
      %add3A_521 = arith.constant 10 : i32
      %add3A_522 = vector.broadcast %add3A_521 : i32 to vector<16xi32>
      %add3A_523 = arith.addi %mul3A_470, %add3A_522 : vector<16xi32>
      %gather3A_524 = tpu.vector_load_idx %arg4[%add3A_523] : memref<21504xf32, #tpu.memory_space<vmem>>[vector<16xi32>], vector<16xf32>,
      %add3A_525 = arith.addf %add3A_520, %gather3A_524 : vector<16xf32>
      %add3A_526 = arith.constant 11 : i32
      %add3A_527 = vector.broadcast %add3A_526 : i32 to vector<16xi32>
      %add3A_528 = arith.addi %mul3A_470, %add3A_527 : vector<16xi32>
      %gather3A_529 = tpu.vector_load_idx %arg4[%add3A_528] : memref<21504xf32, #tpu.memory_space<vmem>>[vector<16xi32>], vector<16xf32>,
      %add3A_530 = arith.addf %add3A_525, %gather3A_529 : vector<16xf32>
      %add3A_531 = arith.constant 12 : i32
      %add3A_532 = vector.broadcast %add3A_531 : i32 to vector<16xi32>
      %add3A_533 = arith.addi %mul3A_470, %add3A_532 : vector<16xi32>
      %gather3A_534 = tpu.vector_load_idx %arg4[%add3A_533] : memref<21504xf32, #tpu.memory_space<vmem>>[vector<16xi32>], vector<16xf32>,
      %add3A_535 = arith.addf %add3A_530, %gather3A_534 : vector<16xf32>
      %add3A_536 = arith.constant 13 : i32
      %add3A_537 = vector.broadcast %add3A_536 : i32 to vector<16xi32>
      %add3A_538 = arith.addi %mul3A_470, %add3A_537 : vector<16xi32>
      %gather3A_539 = tpu.vector_load_idx %arg4[%add3A_538] : memref<21504xf32, #tpu.memory_space<vmem>>[vector<16xi32>], vector<16xf32>,
      %add3A_540 = arith.addf %add3A_535, %gather3A_539 : vector<16xf32>
      %add3A_541 = arith.constant 14 : i32
      %add3A_542 = vector.broadcast %add3A_541 : i32 to vector<16xi32>
      %add3A_543 = arith.addi %mul3A_470, %add3A_542 : vector<16xi32>
      %gather3A_544 = tpu.vector_load_idx %arg4[%add3A_543] : memref<21504xf32, #tpu.memory_space<vmem>>[vector<16xi32>], vector<16xf32>,
      %add3A_545 = arith.addf %add3A_540, %gather3A_544 : vector<16xf32>
      %add3A_546 = arith.constant 15 : i32
      %add3A_547 = vector.broadcast %add3A_546 : i32 to vector<16xi32>
      %add3A_548 = arith.addi %mul3A_470, %add3A_547 : vector<16xi32>
      %gather3A_549 = tpu.vector_load_idx %arg4[%add3A_548] : memref<21504xf32, #tpu.memory_space<vmem>>[vector<16xi32>], vector<16xf32>,
      %add3A_550 = arith.addf %add3A_545, %gather3A_549 : vector<16xf32>
      %add3A_551 = arith.constant 3425 : i32
      %add3A_552 = arith.addi %add3A_551, %mul3A_375 : i32
      %add3A_553 = vector.broadcast %add3A_552 : i32 to vector<16xi32>
      %add3A_554 = arith.addi %add3A_553, %iota3A : vector<16xi32>
      %shift_left3A = arith.constant 18 : i32
      %shift_left3A_555 = vector.broadcast %shift_left3A : i32 to vector<16xi32>
      %shift_left3A_556 = arith.shli %add3A_554, %shift_left3A_555 : vector<16xi32>
      %or3A = vector.broadcast %scan3A_345 : i32 to vector<16xi32>
      %or3A_557 = arith.ori %shift_left3A_556, %or3A : vector<16xi32>
      %bitcast_convert_type3A = tpu.bitcast %or3A_557 : vector<16xi32> -> vector<16xf32>
      %broadcast_in_dim3A_558 = arith.constant true
      %broadcast_in_dim3A_559 = vector.broadcast %broadcast_in_dim3A_558 : i1 to vector<16xi1>
      %masked_cumsum3A = tpu.scan <sum>, %add3A_461 masked %broadcast_in_dim3A_559 : vector<16xf32>, vector<16xi1> -> vector<16xf32>
      %add3A_560 = vector.broadcast %scan3A_371 : f32 to vector<16xf32>
      %add3A_561 = arith.addf %add3A_560, %masked_cumsum3A : vector<16xf32>
      %broadcast_in_dim3A_562 = arith.constant true
      %broadcast_in_dim3A_563 = vector.broadcast %broadcast_in_dim3A_562 : i1 to vector<16xi1>
      %masked_cumsum3A_564 = tpu.scan <sum>, %add3A_550 masked %broadcast_in_dim3A_563 : vector<16xf32>, vector<16xi1> -> vector<16xf32>
      %add3A_565 = vector.broadcast %scan3A_372 : f32 to vector<16xf32>
      %add3A_566 = arith.addf %add3A_565, %masked_cumsum3A_564 : vector<16xf32>
      %sub3A_567 = vector.broadcast %reduce_sum3A_344 : f32 to vector<16xf32>
      %sub3A_568 = arith.subf %sub3A_567, %add3A_566 : vector<16xf32>
      %sub3A_569 = vector.broadcast %reduce_sum3A_340 : f32 to vector<16xf32>
      %sub3A_570 = arith.subf %sub3A_569, %add3A_561 : vector<16xf32>
      %mul3A_571 = arith.constant 5.000000e-01 : f32
      %mul3A_572 = vector.broadcast %mul3A_571 : f32 to vector<16xf32>
      %mul3A_573 = arith.mulf %mul3A_572, %add3A_461 : vector<16xf32>
      %add3A_574 = arith.addf %sub3A_570, %mul3A_573 : vector<16xf32>
      %mul3A_575 = arith.mulf %add3A_461, %bitcast_convert_type3A : vector<16xf32>
      %add3A_576 = vector.broadcast %reduce_sum3A_340 : f32 to vector<16xf32>
      %add3A_577 = arith.addf %add3A_576, %sub3A_568 : vector<16xf32>
      %mul3A_578 = arith.constant 5.000000e-01 : f32
      %mul3A_579 = vector.broadcast %mul3A_578 : f32 to vector<16xf32>
      %mul3A_580 = arith.mulf %mul3A_579, %add3A_550 : vector<16xf32>
      %add3A_581 = arith.addf %add3A_577, %mul3A_580 : vector<16xf32>
      %max3A = arith.constant 1.000000e+00 : f32
      %max3A_582 = vector.broadcast %max3A : f32 to vector<16xf32>
      %max3A_583 = arith.maximumf %add3A_581, %max3A_582 : vector<16xf32>
      %div3A_584 = arith.divf %mul3A_575, %max3A_583 : vector<16xf32>
      %mul3A_585 = arith.mulf %add3A_550, %bitcast_convert_type3A : vector<16xf32>
      %sub3A_586 = vector.broadcast %reduce_sum3A_340 : f32 to vector<16xf32>
      %sub3A_587 = arith.subf %sub3A_586, %add3A_574 : vector<16xf32>
      %mul3A_588 = arith.mulf %mul3A_585, %sub3A_587 : vector<16xf32>
      %add3A_589 = vector.broadcast %reduce_sum3A_340 : f32 to vector<16xf32>
      %add3A_590 = arith.addf %add3A_589, %sub3A_568 : vector<16xf32>
      %max3A_591 = arith.constant 1.000000e+00 : f32
      %max3A_592 = vector.broadcast %max3A_591 : f32 to vector<16xf32>
      %max3A_593 = arith.maximumf %add3A_590, %max3A_592 : vector<16xf32>
      %add3A_594 = vector.broadcast %reduce_sum3A_340 : f32 to vector<16xf32>
      %add3A_595 = arith.addf %add3A_594, %sub3A_568 : vector<16xf32>
      %add3A_596 = arith.addf %add3A_595, %add3A_550 : vector<16xf32>
      %max3A_597 = arith.constant 1.000000e+00 : f32
      %max3A_598 = vector.broadcast %max3A_597 : f32 to vector<16xf32>
      %max3A_599 = arith.maximumf %add3A_596, %max3A_598 : vector<16xf32>
      %mul3A_600 = arith.mulf %max3A_593, %max3A_599 : vector<16xf32>
      %div3A_601 = arith.divf %mul3A_588, %mul3A_600 : vector<16xf32>
      %reduce_sum3A_602 = arith.constant true
      %reduce_sum3A_603 = vector.broadcast %reduce_sum3A_602 : i1 to vector<16xi1>
      %reduce_sum3A_604 = tpu.scan <sum>, %add3A_461 masked %reduce_sum3A_603 : vector<16xf32>, vector<16xi1> -> vector<16xf32>
      %reduce_sum3A_605 = vector.extract %reduce_sum3A_604[15] : f32 from vector<16xf32>
      %add3A_606 = arith.addf %scan3A_371, %reduce_sum3A_605 : f32
      %reduce_sum3A_607 = arith.constant true
      %reduce_sum3A_608 = vector.broadcast %reduce_sum3A_607 : i1 to vector<16xi1>
      %reduce_sum3A_609 = tpu.scan <sum>, %add3A_550 masked %reduce_sum3A_608 : vector<16xf32>, vector<16xi1> -> vector<16xf32>
      %reduce_sum3A_610 = vector.extract %reduce_sum3A_609[15] : f32 from vector<16xf32>
      %add3A_611 = arith.addf %scan3A_372, %reduce_sum3A_610 : f32
      %add3A_612 = arith.addf %scan3A_373, %div3A_584 : vector<16xf32>
      %add3A_613 = arith.addf %add3A_612, %div3A_601 : vector<16xf32>
      scf.yield %add3A_606, %add3A_611, %add3A_613 : f32, f32, vector<16xf32>
    }
    %scan3A_353 = arith.constant 42 : i32
    %reduce_sum3A_354 = arith.constant true
    %reduce_sum3A_355 = vector.broadcast %reduce_sum3A_354 : i1 to vector<16xi1>
    %reduce_sum3A_356 = tpu.scan <sum>, %scan3A_352#2 masked %reduce_sum3A_355 : vector<16xf32>, vector<16xi1> -> vector<16xf32>
    %reduce_sum3A_357 = vector.extract %reduce_sum3A_356[15] : f32 from vector<16xf32>
    %get3A_358 = arith.constant 0 : index
    %get3A_359 = tpu.vector_load %arg7[%get3A_358] {strides = array<i32>} : memref<16xf32, #tpu.memory_space<vmem>>, vector<16xf32>,
    %eq3A_360 = arith.constant 1 : i32
    %eq3A_361 = vector.broadcast %eq3A_360 : i32 to vector<16xi32>
    %eq3A_362 = arith.cmpi eq, %iota3A, %eq3A_361 : vector<16xi32>
    %jit3A_363 = arith.constant 0.000000e+00 : f32
    %broadcast_in_dim3A_364 = vector.broadcast %reduce_sum3A_357 : f32 to vector<16xf32>
    %broadcast_in_dim3A_365 = vector.broadcast %jit3A_363 : f32 to vector<16xf32>
    %select_n3A_366 = arith.select %eq3A_362, %broadcast_in_dim3A_364, %broadcast_in_dim3A_365 : vector<16xi1>, vector<16xf32>
    %add3A_367 = arith.addf %get3A_359, %select_n3A_366 : vector<16xf32>
    %swap3A_368 = arith.constant 0 : index
    %swap3A_369 = tpu.vector_load %arg7[%swap3A_368] {strides = array<i32>} : memref<16xf32, #tpu.memory_space<vmem>>, vector<16xf32>,
    tpu.vector_store %arg7[%swap3A_368], %add3A_367 {strides = array<i32>} : memref<16xf32, #tpu.memory_space<vmem>>, vector<16xf32>,
    "tpu.region"() ({
      %run_scoped3A = tpu.sem_alloc : memref<!tpu.dma_semaphore, #tpu.memory_space<semaphore_mem>>
      %dma_start3A_370 = arith.constant 0 : i32
      %dma_start3A_371 = tpu.memref_slice %arg3[%add3A, %dma_start3A_370] : memref<32x16xf32, #tpu.memory_space<hbm>> -> memref<1x16xf32, #tpu.memory_space<hbm>>
      %dma_start3A_372 = tpu.memref_squeeze %dma_start3A_371 : memref<1x16xf32, #tpu.memory_space<hbm>> -> memref<16xf32, #tpu.memory_space<hbm>>
      %dma_start3A_373 = arith.constant 0 : i32
      %dma_start3A_374 = tpu.memref_slice %arg3[%add3A, %dma_start3A_373] : memref<32x16xf32, #tpu.memory_space<hbm>> -> memref<1x16xf32, #tpu.memory_space<hbm>>
      %dma_start3A_375 = tpu.memref_squeeze %dma_start3A_374 : memref<1x16xf32, #tpu.memory_space<hbm>> -> memref<16xf32, #tpu.memory_space<hbm>>
      tpu.enqueue_dma source(%arg7 : memref<16xf32, #tpu.memory_space<vmem>>) target(%dma_start3A_375 : memref<16xf32, #tpu.memory_space<hbm>>) target_semaphore(%run_scoped3A : memref<!tpu.dma_semaphore, #tpu.memory_space<semaphore_mem>>)
      %dma_wait3A_376 = arith.constant 0 : i32
      %dma_wait3A_377 = tpu.memref_slice %arg3[%add3A, %dma_wait3A_376] : memref<32x16xf32, #tpu.memory_space<hbm>> -> memref<1x16xf32, #tpu.memory_space<hbm>>
      %dma_wait3A_378 = tpu.memref_squeeze %dma_wait3A_377 : memref<1x16xf32, #tpu.memory_space<hbm>> -> memref<16xf32, #tpu.memory_space<hbm>>
      %dma_wait3A_379 = arith.constant 0 : i32
      %dma_wait3A_380 = tpu.memref_slice %arg3[%add3A, %dma_wait3A_379] : memref<32x16xf32, #tpu.memory_space<hbm>> -> memref<1x16xf32, #tpu.memory_space<hbm>>
      %dma_wait3A_381 = tpu.memref_squeeze %dma_wait3A_380 : memref<1x16xf32, #tpu.memory_space<hbm>> -> memref<16xf32, #tpu.memory_space<hbm>>
      tpu.wait_dma2 semaphore(%run_scoped3A : memref<!tpu.dma_semaphore, #tpu.memory_space<semaphore_mem>>) src(%arg7 : memref<16xf32, #tpu.memory_space<vmem>>) dst(%dma_wait3A_381 : memref<16xf32, #tpu.memory_space<hbm>>)
      tpu.yield
    }) : () -> ()
    return
  }
}

module attributes {stable_mosaic.version = 14 : i64} {
  func.func @_stats_body(%arg0: i32, %arg1: i32, %arg2: memref<1x3x12544xf32, #tpu.memory_space<vmem>>, %arg3: memref<1x3x12544xf32, #tpu.memory_space<vmem>>, %arg4: memref<1x3x12544xf32, #tpu.memory_space<vmem>>, %arg5: memref<1x1x12544xf32, #tpu.memory_space<vmem>>, %arg6: memref<1x1x12544xi32, #tpu.memory_space<vmem>>, %arg7: memref<1x9x17xf32, #tpu.memory_space<vmem>>) attributes {dimension_semantics = [#tpu.dimension_semantics<arbitrary>, #tpu.dimension_semantics<arbitrary>], iteration_bounds = array<i64: 4, 8>, scalar_prefetch = 0 : i64, scratch_operands = 0 : i64, tpu.core_type = #tpu.core_type<tc>, window_params = [{transform_indices = @transform_0, window_bounds = array<i64: 1, 3, 12544>}, {transform_indices = @transform_1, window_bounds = array<i64: 1, 3, 12544>}, {transform_indices = @transform_2, window_bounds = array<i64: 1, 3, 12544>}, {transform_indices = @transform_3, window_bounds = array<i64: 1, 1, 12544>}, {transform_indices = @transform_4, window_bounds = array<i64: 1, 1, 12544>}, {transform_indices = @transform_5, window_bounds = array<i64: 1, 9, 17>}]} {
    %get3A = arith.constant 0 : index
    %get3A_0 = arith.constant 0 : index
    %get3A_1 = arith.constant 0 : index
    %get3A_2 = vector.load %arg2[%get3A, %get3A_0, %get3A_1] : memref<1x3x12544xf32, #tpu.memory_space<vmem>>, vector<1x3x12544xf32>
    %get3A_3 = vector.shape_cast %get3A_2 : vector<1x3x12544xf32> to vector<3x12544xf32>
    %tanh3A = math.tanh %get3A_3 : vector<3x12544xf32>
    %get3A_4 = arith.constant 0 : index
    %get3A_5 = arith.constant 0 : index
    %get3A_6 = arith.constant 0 : index
    %get3A_7 = vector.load %arg3[%get3A_4, %get3A_5, %get3A_6] : memref<1x3x12544xf32, #tpu.memory_space<vmem>>, vector<1x3x12544xf32>
    %get3A_8 = vector.shape_cast %get3A_7 : vector<1x3x12544xf32> to vector<3x12544xf32>
    %add3A = arith.addf %tanh3A, %get3A_8 : vector<3x12544xf32>
    %get3A_9 = arith.constant 0 : index
    %get3A_10 = arith.constant 0 : index
    %get3A_11 = arith.constant 0 : index
    %get3A_12 = vector.load %arg4[%get3A_9, %get3A_10, %get3A_11] : memref<1x3x12544xf32, #tpu.memory_space<vmem>>, vector<1x3x12544xf32>
    %get3A_13 = vector.shape_cast %get3A_12 : vector<1x3x12544xf32> to vector<3x12544xf32>
    %get3A_14 = arith.constant 0 : index
    %get3A_15 = arith.constant 0 : index
    %get3A_16 = arith.constant 0 : index
    %get3A_17 = vector.load %arg5[%get3A_14, %get3A_15, %get3A_16] : memref<1x1x12544xf32, #tpu.memory_space<vmem>>, vector<1x1x12544xf32>
    %get3A_18 = vector.shape_cast %get3A_17 : vector<1x1x12544xf32> to vector<1x12544xf32>
    %logistic3A = arith.negf %get3A_18 : vector<1x12544xf32>
    %logistic3A_19 = math.exp %logistic3A : vector<1x12544xf32>
    %logistic3A_20 = arith.constant 1.000000e+00 : f32
    %logistic3A_21 = vector.broadcast %logistic3A_20 : f32 to vector<1x12544xf32>
    %logistic3A_22 = arith.addf %logistic3A_21, %logistic3A_19 : vector<1x12544xf32>
    %logistic3A_23 = arith.divf %logistic3A_21, %logistic3A_22 : vector<1x12544xf32>
    %get3A_24 = arith.constant 0 : index
    %get3A_25 = arith.constant 0 : index
    %get3A_26 = arith.constant 0 : index
    %get3A_27 = vector.load %arg6[%get3A_24, %get3A_25, %get3A_26] : memref<1x1x12544xi32, #tpu.memory_space<vmem>>, vector<1x1x12544xi32>
    %get3A_28 = vector.shape_cast %get3A_27 : vector<1x1x12544xi32> to vector<1x12544xi32>
    %broadcast_in_dim3A = arith.constant 1.000000e+00 : f32
    %broadcast_in_dim3A_29 = vector.broadcast %broadcast_in_dim3A : f32 to vector<1x12544xf32>
    %mul3A = arith.mulf %get3A_13, %get3A_13 : vector<3x12544xf32>
    %reduce_sum3A = arith.constant dense<0.000000e+00> : vector<12544xf32>
    %reduce_sum3A_30 = vector.multi_reduction <add>, %mul3A, %reduce_sum3A [0] : vector<3x12544xf32> to vector<12544xf32>
    %broadcast_in_dim3A_31 = vector.shape_cast %reduce_sum3A_30 : vector<12544xf32> to vector<1x12544xf32>
    %mul3A_32 = arith.mulf %logistic3A_23, %logistic3A_23 : vector<1x12544xf32>
    %concatenate3A = tpu.concatenate %broadcast_in_dim3A_29, %add3A, %get3A_13, %broadcast_in_dim3A_31, %mul3A_32 in 0 : vector<1x12544xf32>, vector<3x12544xf32>, vector<3x12544xf32>, vector<1x12544xf32>, vector<1x12544xf32> -> vector<9x12544xf32>
    %iota3A = tpu.iota {dimensions = array<i32: 1>} : vector<1x12544xi32>
    %mul3A_33 = arith.constant 12544 : i32
    %mul3A_34 = arith.muli %arg1, %mul3A_33 : i32
    %add3A_35 = vector.broadcast %mul3A_34 : i32 to vector<1x12544xi32>
    %add3A_36 = arith.addi %iota3A, %add3A_35 : vector<1x12544xi32>
    %lt3A = arith.constant 100000 : i32
    %lt3A_37 = vector.broadcast %lt3A : i32 to vector<1x12544xi32>
    %lt3A_38 = arith.cmpi slt, %add3A_36, %lt3A_37 : vector<1x12544xi32>
    %jit3A = arith.constant 0.000000e+00 : f32
    %broadcast_in_dim3A_39 = vector.shape_cast %lt3A_38 : vector<1x12544xi1> to vector<1x12544xi1>
    %broadcast_in_dim3A_40 = vector.broadcast %broadcast_in_dim3A_39 : vector<1x12544xi1> to vector<9x12544xi1>
    %broadcast_in_dim3A_41 = vector.broadcast %jit3A : f32 to vector<9x12544xf32>
    %select_n3A = arith.select %broadcast_in_dim3A_40, %concatenate3A, %broadcast_in_dim3A_41 : vector<9x12544xi1>, vector<9x12544xf32>
    %iota3A_42 = tpu.iota {dimensions = array<i32: 0>} : vector<17x1xi32>
    %eq3A = vector.broadcast %get3A_28 : vector<1x12544xi32> to vector<17x12544xi32>
    %eq3A_43 = vector.broadcast %iota3A_42 : vector<17x1xi32> to vector<17x12544xi32>
    %eq3A_44 = arith.cmpi eq, %eq3A, %eq3A_43 : vector<17x12544xi32>
    %and3A = vector.broadcast %lt3A_38 : vector<1x12544xi1> to vector<17x12544xi1>
    %and3A_45 = arith.andi %eq3A_44, %and3A : vector<17x12544xi1>
    %convert_element_type3A = arith.extui %and3A_45 : vector<17x12544xi1> to vector<17x12544xi32>
    %convert_element_type3A_46 = arith.sitofp %convert_element_type3A : vector<17x12544xi32> to vector<17x12544xf32>
    %dot_general3A = arith.constant dense<0.000000e+00> : vector<9x17xf32>
    %dot_general3A_47 = tpu.matmul %select_n3A, %convert_element_type3A_46, %dot_general3A {dimension_numbers = #tpu.dot_dimension_numbers<[1], [1], [0], [0], [0, 0, 1, 0], [], []>, transpose_lhs_hint = false} : vector<9x12544xf32>, vector<17x12544xf32>, vector<9x17xf32> -> vector<9x17xf32>
    %eq3A_48 = arith.constant 0 : i32
    %eq3A_49 = arith.cmpi eq, %arg1, %eq3A_48 : i32
    %convert_element_type3A_50 = arith.extui %eq3A_49 : i1 to i32
    %cond3A = arith.constant 0 : i32
    %cond3A_51 = arith.cmpi ne, %convert_element_type3A_50, %cond3A : i32
    scf.if %cond3A_51 {
      %swap3A = arith.constant 0 : index
      %swap3A_56 = arith.constant 0 : index
      %swap3A_57 = arith.constant 0 : index
      %swap3A_58 = vector.load %arg7[%swap3A, %swap3A_56, %swap3A_57] : memref<1x9x17xf32, #tpu.memory_space<vmem>>, vector<1x9x17xf32>
      %swap3A_59 = vector.shape_cast %swap3A_58 : vector<1x9x17xf32> to vector<9x17xf32>
      %swap3A_60 = vector.shape_cast %dot_general3A_47 : vector<9x17xf32> to vector<1x9x17xf32>
      tpu.vector_store %arg7[%swap3A, %swap3A_56, %swap3A_57], %swap3A_60 {strides = array<i32>} : memref<1x9x17xf32, #tpu.memory_space<vmem>>, vector<1x9x17xf32>,
    } else {
    }
    %ne3A = arith.constant 0 : i32
    %ne3A_52 = arith.cmpi ne, %arg1, %ne3A : i32
    %convert_element_type3A_53 = arith.extui %ne3A_52 : i1 to i32
    %cond3A_54 = arith.constant 0 : i32
    %cond3A_55 = arith.cmpi ne, %convert_element_type3A_53, %cond3A_54 : i32
    scf.if %cond3A_55 {
      %get3A_56 = arith.constant 0 : index
      %get3A_57 = arith.constant 0 : index
      %get3A_58 = arith.constant 0 : index
      %get3A_59 = vector.load %arg7[%get3A_56, %get3A_57, %get3A_58] : memref<1x9x17xf32, #tpu.memory_space<vmem>>, vector<1x9x17xf32>
      %get3A_60 = vector.shape_cast %get3A_59 : vector<1x9x17xf32> to vector<9x17xf32>
      %add3A_61 = arith.addf %get3A_60, %dot_general3A_47 : vector<9x17xf32>
      %swap3A = arith.constant 0 : index
      %swap3A_62 = arith.constant 0 : index
      %swap3A_63 = arith.constant 0 : index
      %swap3A_64 = vector.load %arg7[%swap3A, %swap3A_62, %swap3A_63] : memref<1x9x17xf32, #tpu.memory_space<vmem>>, vector<1x9x17xf32>
      %swap3A_65 = vector.shape_cast %swap3A_64 : vector<1x9x17xf32> to vector<9x17xf32>
      %swap3A_66 = vector.shape_cast %add3A_61 : vector<9x17xf32> to vector<1x9x17xf32>
      tpu.vector_store %arg7[%swap3A, %swap3A_62, %swap3A_63], %swap3A_66 {strides = array<i32>} : memref<1x9x17xf32, #tpu.memory_space<vmem>>, vector<1x9x17xf32>,
    } else {
    }
    return
  }
  func.func @transform_0(%arg0: i32, %arg1: i32) -> (i32, i32, i32) {
    %c0_i32 = arith.constant 0 : i32
    %c0_i32_0 = arith.constant 0 : i32
    return %arg0, %c0_i32, %arg1 : i32, i32, i32
  }
  func.func @transform_1(%arg0: i32, %arg1: i32) -> (i32, i32, i32) {
    %c0_i32 = arith.constant 0 : i32
    %c0_i32_0 = arith.constant 0 : i32
    return %arg0, %c0_i32, %arg1 : i32, i32, i32
  }
  func.func @transform_2(%arg0: i32, %arg1: i32) -> (i32, i32, i32) {
    %c0_i32 = arith.constant 0 : i32
    %c0_i32_0 = arith.constant 0 : i32
    return %arg0, %c0_i32, %arg1 : i32, i32, i32
  }
  func.func @transform_3(%arg0: i32, %arg1: i32) -> (i32, i32, i32) {
    %c0_i32 = arith.constant 0 : i32
    %c0_i32_0 = arith.constant 0 : i32
    return %arg0, %c0_i32, %arg1 : i32, i32, i32
  }
  func.func @transform_4(%arg0: i32, %arg1: i32) -> (i32, i32, i32) {
    %c0_i32 = arith.constant 0 : i32
    %c0_i32_0 = arith.constant 0 : i32
    return %arg0, %c0_i32, %arg1 : i32, i32, i32
  }
  func.func @transform_5(%arg0: i32, %arg1: i32) -> (i32, i32, i32) {
    %c0_i32 = arith.constant 0 : i32
    %c0_i32_0 = arith.constant 0 : i32
    %c0_i32_1 = arith.constant 0 : i32
    return %arg0, %c0_i32, %c0_i32_0 : i32, i32, i32
  }
}

module attributes {stable_mosaic.version = 14 : i64} {
  func.func @_probs_body(%arg0: i32, %arg1: i32, %arg2: memref<1x3x12544xf32, #tpu.memory_space<vmem>>, %arg3: memref<1x3x12544xf32, #tpu.memory_space<vmem>>, %arg4: memref<1x1x12544xf32, #tpu.memory_space<vmem>>, %arg5: memref<1x1x12544xi32, #tpu.memory_space<vmem>>, %arg6: memref<1x17x9xf32, #tpu.memory_space<vmem>>, %arg7: memref<1x16x6272xi32, #tpu.memory_space<vmem>>, %arg8: memref<1x16x128xf32, #tpu.memory_space<vmem>>) attributes {dimension_semantics = [#tpu.dimension_semantics<arbitrary>, #tpu.dimension_semantics<arbitrary>], iteration_bounds = array<i64: 4, 8>, scalar_prefetch = 0 : i64, scratch_operands = 0 : i64, tpu.core_type = #tpu.core_type<tc>, window_params = [{transform_indices = @transform_0, window_bounds = array<i64: 1, 3, 12544>}, {transform_indices = @transform_1, window_bounds = array<i64: 1, 3, 12544>}, {transform_indices = @transform_2, window_bounds = array<i64: 1, 1, 12544>}, {transform_indices = @transform_3, window_bounds = array<i64: 1, 1, 12544>}, {transform_indices = @transform_4, window_bounds = array<i64: 1, 17, 9>}, {transform_indices = @transform_5, window_bounds = array<i64: 1, 16, 6272>}, {transform_indices = @transform_6, window_bounds = array<i64: 1, 16, 128>}]} {
    %get3A = arith.constant 0 : index
    %get3A_0 = arith.constant 0 : index
    %get3A_1 = arith.constant 0 : index
    %get3A_2 = vector.load %arg6[%get3A, %get3A_0, %get3A_1] : memref<1x17x9xf32, #tpu.memory_space<vmem>>, vector<1x17x9xf32>
    %get3A_3 = vector.shape_cast %get3A_2 : vector<1x17x9xf32> to vector<17x9xf32>
    %slice3A = vector.extract_strided_slice %get3A_3 {offsets = [1, 0], sizes = [16, 1], strides = [1, 1]} : vector<17x9xf32> to vector<16x1xf32>
    %max3A = arith.constant 1.000000e+00 : f32
    %max3A_4 = vector.broadcast %max3A : f32 to vector<16x1xf32>
    %max3A_5 = arith.maximumf %slice3A, %max3A_4 : vector<16x1xf32>
    %slice3A_6 = vector.extract_strided_slice %get3A_3 {offsets = [1, 1], sizes = [16, 3], strides = [1, 1]} : vector<17x9xf32> to vector<16x3xf32>
    %div3A = vector.broadcast %max3A_5 : vector<16x1xf32> to vector<16x3xf32>
    %div3A_7 = arith.divf %slice3A_6, %div3A : vector<16x3xf32>
    %slice3A_8 = vector.extract_strided_slice %get3A_3 {offsets = [1, 4], sizes = [16, 3], strides = [1, 1]} : vector<17x9xf32> to vector<16x3xf32>
    %mul3A = arith.constant 1.000000e+01 : f32
    %mul3A_9 = vector.broadcast %mul3A : f32 to vector<16x3xf32>
    %mul3A_10 = arith.mulf %mul3A_9, %slice3A_8 : vector<16x3xf32>
    %div3A_11 = vector.broadcast %max3A_5 : vector<16x1xf32> to vector<16x3xf32>
    %div3A_12 = arith.divf %mul3A_10, %div3A_11 : vector<16x3xf32>
    %exp3A = math.exp %div3A_12 : vector<16x3xf32>
    %get3A_13 = arith.constant 0 : index
    %get3A_14 = arith.constant 0 : index
    %get3A_15 = arith.constant 0 : index
    %get3A_16 = vector.load %arg2[%get3A_13, %get3A_14, %get3A_15] : memref<1x3x12544xf32, #tpu.memory_space<vmem>>, vector<1x3x12544xf32>
    %get3A_17 = vector.shape_cast %get3A_16 : vector<1x3x12544xf32> to vector<3x12544xf32>
    %tanh3A = math.tanh %get3A_17 : vector<3x12544xf32>
    %get3A_18 = arith.constant 0 : index
    %get3A_19 = arith.constant 0 : index
    %get3A_20 = arith.constant 0 : index
    %get3A_21 = vector.load %arg3[%get3A_18, %get3A_19, %get3A_20] : memref<1x3x12544xf32, #tpu.memory_space<vmem>>, vector<1x3x12544xf32>
    %get3A_22 = vector.shape_cast %get3A_21 : vector<1x3x12544xf32> to vector<3x12544xf32>
    %add3A = arith.addf %tanh3A, %get3A_22 : vector<3x12544xf32>
    %broadcast_in_dim3A = arith.constant 0.000000e+00 : f32
    %broadcast_in_dim3A_23 = vector.broadcast %broadcast_in_dim3A : f32 to vector<16x12544xf32>
    %slice3A_24 = vector.extract_strided_slice %add3A {offsets = [0, 0], sizes = [1, 12544], strides = [1, 1]} : vector<3x12544xf32> to vector<1x12544xf32>
    %slice3A_25 = vector.extract_strided_slice %div3A_7 {offsets = [0, 0], sizes = [16, 1], strides = [1, 1]} : vector<16x3xf32> to vector<16x1xf32>
    %sub3A = vector.broadcast %slice3A_24 : vector<1x12544xf32> to vector<16x12544xf32>
    %sub3A_26 = vector.broadcast %slice3A_25 : vector<16x1xf32> to vector<16x12544xf32>
    %sub3A_27 = arith.subf %sub3A, %sub3A_26 : vector<16x12544xf32>
    %slice3A_28 = vector.extract_strided_slice %exp3A {offsets = [0, 0], sizes = [16, 1], strides = [1, 1]} : vector<16x3xf32> to vector<16x1xf32>
    %mul3A_29 = arith.mulf %sub3A_27, %sub3A_27 : vector<16x12544xf32>
    %mul3A_30 = vector.broadcast %slice3A_28 : vector<16x1xf32> to vector<16x12544xf32>
    %mul3A_31 = arith.mulf %mul3A_30, %mul3A_29 : vector<16x12544xf32>
    %add3A_32 = arith.addf %broadcast_in_dim3A_23, %mul3A_31 : vector<16x12544xf32>
    %slice3A_33 = vector.extract_strided_slice %add3A {offsets = [1, 0], sizes = [1, 12544], strides = [1, 1]} : vector<3x12544xf32> to vector<1x12544xf32>
    %slice3A_34 = vector.extract_strided_slice %div3A_7 {offsets = [0, 1], sizes = [16, 1], strides = [1, 1]} : vector<16x3xf32> to vector<16x1xf32>
    %sub3A_35 = vector.broadcast %slice3A_33 : vector<1x12544xf32> to vector<16x12544xf32>
    %sub3A_36 = vector.broadcast %slice3A_34 : vector<16x1xf32> to vector<16x12544xf32>
    %sub3A_37 = arith.subf %sub3A_35, %sub3A_36 : vector<16x12544xf32>
    %slice3A_38 = vector.extract_strided_slice %exp3A {offsets = [0, 1], sizes = [16, 1], strides = [1, 1]} : vector<16x3xf32> to vector<16x1xf32>
    %mul3A_39 = arith.mulf %sub3A_37, %sub3A_37 : vector<16x12544xf32>
    %mul3A_40 = vector.broadcast %slice3A_38 : vector<16x1xf32> to vector<16x12544xf32>
    %mul3A_41 = arith.mulf %mul3A_40, %mul3A_39 : vector<16x12544xf32>
    %add3A_42 = arith.addf %add3A_32, %mul3A_41 : vector<16x12544xf32>
    %slice3A_43 = vector.extract_strided_slice %add3A {offsets = [2, 0], sizes = [1, 12544], strides = [1, 1]} : vector<3x12544xf32> to vector<1x12544xf32>
    %slice3A_44 = vector.extract_strided_slice %div3A_7 {offsets = [0, 2], sizes = [16, 1], strides = [1, 1]} : vector<16x3xf32> to vector<16x1xf32>
    %sub3A_45 = vector.broadcast %slice3A_43 : vector<1x12544xf32> to vector<16x12544xf32>
    %sub3A_46 = vector.broadcast %slice3A_44 : vector<16x1xf32> to vector<16x12544xf32>
    %sub3A_47 = arith.subf %sub3A_45, %sub3A_46 : vector<16x12544xf32>
    %slice3A_48 = vector.extract_strided_slice %exp3A {offsets = [0, 2], sizes = [16, 1], strides = [1, 1]} : vector<16x3xf32> to vector<16x1xf32>
    %mul3A_49 = arith.mulf %sub3A_47, %sub3A_47 : vector<16x12544xf32>
    %mul3A_50 = vector.broadcast %slice3A_48 : vector<16x1xf32> to vector<16x12544xf32>
    %mul3A_51 = arith.mulf %mul3A_50, %mul3A_49 : vector<16x12544xf32>
    %add3A_52 = arith.addf %add3A_42, %mul3A_51 : vector<16x12544xf32>
    %neg3A = arith.constant 0.000000e+00 : f32
    %neg3A_53 = vector.broadcast %neg3A : f32 to vector<16x12544xf32>
    %neg3A_54 = arith.subf %neg3A_53, %add3A_52 : vector<16x12544xf32>
    %exp3A_55 = math.exp %neg3A_54 : vector<16x12544xf32>
    %get3A_56 = arith.constant 0 : index
    %get3A_57 = arith.constant 0 : index
    %get3A_58 = arith.constant 0 : index
    %get3A_59 = vector.load %arg5[%get3A_56, %get3A_57, %get3A_58] : memref<1x1x12544xi32, #tpu.memory_space<vmem>>, vector<1x1x12544xi32>
    %get3A_60 = vector.shape_cast %get3A_59 : vector<1x1x12544xi32> to vector<1x12544xi32>
    %iota3A = tpu.iota {dimensions = array<i32: 0>} : vector<16x1xi32>
    %add3A_61 = arith.constant 1 : i32
    %add3A_62 = vector.broadcast %add3A_61 : i32 to vector<16x1xi32>
    %add3A_63 = arith.addi %iota3A, %add3A_62 : vector<16x1xi32>
    %iota3A_64 = tpu.iota {dimensions = array<i32: 1>} : vector<1x12544xi32>
    %mul3A_65 = arith.constant 12544 : i32
    %mul3A_66 = arith.muli %arg1, %mul3A_65 : i32
    %add3A_67 = vector.broadcast %mul3A_66 : i32 to vector<1x12544xi32>
    %add3A_68 = arith.addi %iota3A_64, %add3A_67 : vector<1x12544xi32>
    %lt3A = arith.constant 100000 : i32
    %lt3A_69 = vector.broadcast %lt3A : i32 to vector<1x12544xi32>
    %lt3A_70 = arith.cmpi slt, %add3A_68, %lt3A_69 : vector<1x12544xi32>
    %eq3A = vector.broadcast %get3A_60 : vector<1x12544xi32> to vector<16x12544xi32>
    %eq3A_71 = vector.broadcast %add3A_63 : vector<16x1xi32> to vector<16x12544xi32>
    %eq3A_72 = arith.cmpi eq, %eq3A, %eq3A_71 : vector<16x12544xi32>
    %and3A = vector.broadcast %lt3A_70 : vector<1x12544xi1> to vector<16x12544xi1>
    %and3A_73 = arith.andi %eq3A_72, %and3A : vector<16x12544xi1>
    %mul3A_74 = arith.constant 2.000000e+00 : f32
    %mul3A_75 = vector.broadcast %mul3A_74 : f32 to vector<16x12544xf32>
    %mul3A_76 = arith.mulf %mul3A_75, %exp3A_55 : vector<16x12544xf32>
    %sub3A_77 = arith.constant 2.000000e+00 : f32
    %sub3A_78 = vector.broadcast %sub3A_77 : f32 to vector<16x12544xf32>
    %sub3A_79 = arith.subf %sub3A_78, %mul3A_76 : vector<16x12544xf32>
    %mul3A_80 = arith.constant 2.000000e+00 : f32
    %mul3A_81 = vector.broadcast %mul3A_80 : f32 to vector<16x12544xf32>
    %mul3A_82 = arith.mulf %mul3A_81, %exp3A_55 : vector<16x12544xf32>
    %jit3A = arith.constant 0.000000e+00 : f32
    %broadcast_in_dim3A_83 = vector.shape_cast %lt3A_70 : vector<1x12544xi1> to vector<1x12544xi1>
    %broadcast_in_dim3A_84 = vector.broadcast %broadcast_in_dim3A_83 : vector<1x12544xi1> to vector<16x12544xi1>
    %broadcast_in_dim3A_85 = vector.broadcast %jit3A : f32 to vector<16x12544xf32>
    %select_n3A = arith.select %broadcast_in_dim3A_84, %mul3A_82, %broadcast_in_dim3A_85 : vector<16x12544xi1>, vector<16x12544xf32>
    %select_n3A_86 = arith.select %and3A_73, %sub3A_79, %select_n3A : vector<16x12544xi1>, vector<16x12544xf32>
    %bitcast_convert_type3A = tpu.bitcast %select_n3A_86 : vector<16x12544xf32> -> vector<16x12544xi32>
    %shift_right_logical3A = arith.constant 18 : i32
    %shift_right_logical3A_87 = vector.broadcast %shift_right_logical3A : i32 to vector<16x12544xi32>
    %shift_right_logical3A_88 = arith.shrui %bitcast_convert_type3A, %shift_right_logical3A_87 : vector<16x12544xi32>
    %sub3A_89 = arith.constant 3425 : i32
    %sub3A_90 = vector.broadcast %sub3A_89 : i32 to vector<16x12544xi32>
    %sub3A_91 = arith.subi %shift_right_logical3A_88, %sub3A_90 : vector<16x12544xi32>
    %jit3A_92 = arith.constant 0 : i32
    %jit3A_93 = arith.constant 671 : i32
    %max3A_94 = vector.broadcast %jit3A_92 : i32 to vector<16x12544xi32>
    %max3A_95 = arith.maxsi %max3A_94, %sub3A_91 : vector<16x12544xi32>
    %min3A = vector.broadcast %jit3A_93 : i32 to vector<16x12544xi32>
    %min3A_96 = arith.minsi %min3A, %max3A_95 : vector<16x12544xi32>
    %jit3A_97 = arith.constant 0 : i32
    %jit3A_98 = arith.constant 1 : i32
    %broadcast_in_dim3A_99 = vector.broadcast %jit3A_97 : i32 to vector<16x12544xi32>
    %broadcast_in_dim3A_100 = vector.broadcast %jit3A_98 : i32 to vector<16x12544xi32>
    %select_n3A_101 = arith.select %and3A_73, %broadcast_in_dim3A_99, %broadcast_in_dim3A_100 : vector<16x12544xi1>, vector<16x12544xi32>
    %iota3A_102 = tpu.iota {dimensions = array<i32: 1>} : vector<1x12544xi32>
    %and3A_103 = arith.constant 15 : i32
    %and3A_104 = vector.broadcast %and3A_103 : i32 to vector<1x12544xi32>
    %and3A_105 = arith.andi %iota3A_102, %and3A_104 : vector<1x12544xi32>
    %mul3A_106 = arith.constant 672 : i32
    %mul3A_107 = vector.broadcast %mul3A_106 : i32 to vector<16x12544xi32>
    %mul3A_108 = arith.muli %select_n3A_101, %mul3A_107 : vector<16x12544xi32>
    %add3A_109 = arith.addi %min3A_96, %mul3A_108 : vector<16x12544xi32>
    %mul3A_110 = arith.constant 16 : i32
    %mul3A_111 = vector.broadcast %mul3A_110 : i32 to vector<16x12544xi32>
    %mul3A_112 = arith.muli %add3A_109, %mul3A_111 : vector<16x12544xi32>
    %add3A_113 = vector.broadcast %and3A_105 : vector<1x12544xi32> to vector<16x12544xi32>
    %add3A_114 = arith.addi %mul3A_112, %add3A_113 : vector<16x12544xi32>
    %slice3A_115 = vector.extract_strided_slice %add3A_114 {offsets = [0, 0], sizes = [16, 6272], strides = [1, 1]} : vector<16x12544xi32> to vector<16x6272xi32>
    %slice3A_116 = vector.extract_strided_slice %add3A_114 {offsets = [0, 6272], sizes = [16, 6272], strides = [1, 1]} : vector<16x12544xi32> to vector<16x6272xi32>
    %shift_left3A = arith.constant 16 : i32
    %shift_left3A_117 = vector.broadcast %shift_left3A : i32 to vector<16x6272xi32>
    %shift_left3A_118 = arith.shli %slice3A_116, %shift_left3A_117 : vector<16x6272xi32>
    %or3A = arith.ori %slice3A_115, %shift_left3A_118 : vector<16x6272xi32>
    %swap3A = arith.constant 0 : index
    %swap3A_119 = arith.constant 0 : index
    %swap3A_120 = arith.constant 0 : index
    %swap3A_121 = vector.load %arg7[%swap3A, %swap3A_119, %swap3A_120] : memref<1x16x6272xi32, #tpu.memory_space<vmem>>, vector<1x16x6272xi32>
    %swap3A_122 = vector.shape_cast %swap3A_121 : vector<1x16x6272xi32> to vector<16x6272xi32>
    %swap3A_123 = vector.shape_cast %or3A : vector<16x6272xi32> to vector<1x16x6272xi32>
    tpu.vector_store %arg7[%swap3A, %swap3A_119, %swap3A_120], %swap3A_123 {strides = array<i32>} : memref<1x16x6272xi32, #tpu.memory_space<vmem>>, vector<1x16x6272xi32>,
    %get3A_124 = arith.constant 0 : index
    %get3A_125 = arith.constant 0 : index
    %get3A_126 = arith.constant 0 : index
    %get3A_127 = vector.load %arg4[%get3A_124, %get3A_125, %get3A_126] : memref<1x1x12544xf32, #tpu.memory_space<vmem>>, vector<1x1x12544xf32>
    %get3A_128 = vector.shape_cast %get3A_127 : vector<1x1x12544xf32> to vector<1x12544xf32>
    %logistic3A = arith.negf %get3A_128 : vector<1x12544xf32>
    %logistic3A_129 = math.exp %logistic3A : vector<1x12544xf32>
    %logistic3A_130 = arith.constant 1.000000e+00 : f32
    %logistic3A_131 = vector.broadcast %logistic3A_130 : f32 to vector<1x12544xf32>
    %logistic3A_132 = arith.addf %logistic3A_131, %logistic3A_129 : vector<1x12544xf32>
    %logistic3A_133 = arith.divf %logistic3A_131, %logistic3A_132 : vector<1x12544xf32>
    %sub3A_134 = vector.broadcast %logistic3A_133 : vector<1x12544xf32> to vector<16x12544xf32>
    %sub3A_135 = arith.subf %sub3A_134, %exp3A_55 : vector<16x12544xf32>
    %mul3A_136 = arith.mulf %sub3A_135, %sub3A_135 : vector<16x12544xf32>
    %jit3A_137 = arith.constant 0.000000e+00 : f32
    %broadcast_in_dim3A_138 = vector.broadcast %jit3A_137 : f32 to vector<16x12544xf32>
    %select_n3A_139 = arith.select %and3A_73, %mul3A_136, %broadcast_in_dim3A_138 : vector<16x12544xi1>, vector<16x12544xf32>
    %reduce_sum3A = arith.constant dense<0.000000e+00> : vector<16xf32>
    %reduce_sum3A_140 = vector.multi_reduction <add>, %select_n3A_139, %reduce_sum3A [1] : vector<16x12544xf32> to vector<16xf32>
    %broadcast_in_dim3A_141 = vector.shape_cast %reduce_sum3A_140 : vector<16xf32> to vector<16x1xf32>
    %eq3A_142 = arith.constant 0 : i32
    %eq3A_143 = arith.cmpi eq, %arg1, %eq3A_142 : i32
    %convert_element_type3A = arith.extui %eq3A_143 : i1 to i32
    %cond3A = arith.constant 0 : i32
    %cond3A_144 = arith.cmpi ne, %convert_element_type3A, %cond3A : i32
    scf.if %cond3A_144 {
      %broadcast_in_dim3A_149 = vector.shape_cast %broadcast_in_dim3A_141 : vector<16x1xf32> to vector<16x1xf32>
      %broadcast_in_dim3A_150 = vector.broadcast %broadcast_in_dim3A_149 : vector<16x1xf32> to vector<16x128xf32>
      %swap3A_151 = arith.constant 0 : index
      %swap3A_152 = arith.constant 0 : index
      %swap3A_153 = arith.constant 0 : index
      %swap3A_154 = vector.load %arg8[%swap3A_151, %swap3A_152, %swap3A_153] : memref<1x16x128xf32, #tpu.memory_space<vmem>>, vector<1x16x128xf32>
      %swap3A_155 = vector.shape_cast %swap3A_154 : vector<1x16x128xf32> to vector<16x128xf32>
      %swap3A_156 = vector.shape_cast %broadcast_in_dim3A_150 : vector<16x128xf32> to vector<1x16x128xf32>
      tpu.vector_store %arg8[%swap3A_151, %swap3A_152, %swap3A_153], %swap3A_156 {strides = array<i32>} : memref<1x16x128xf32, #tpu.memory_space<vmem>>, vector<1x16x128xf32>,
    } else {
    }
    %ne3A = arith.constant 0 : i32
    %ne3A_145 = arith.cmpi ne, %arg1, %ne3A : i32
    %convert_element_type3A_146 = arith.extui %ne3A_145 : i1 to i32
    %cond3A_147 = arith.constant 0 : i32
    %cond3A_148 = arith.cmpi ne, %convert_element_type3A_146, %cond3A_147 : i32
    scf.if %cond3A_148 {
      %get3A_149 = arith.constant 0 : index
      %get3A_150 = arith.constant 0 : index
      %get3A_151 = arith.constant 0 : index
      %get3A_152 = vector.load %arg8[%get3A_149, %get3A_150, %get3A_151] : memref<1x16x128xf32, #tpu.memory_space<vmem>>, vector<1x16x128xf32>
      %get3A_153 = vector.shape_cast %get3A_152 : vector<1x16x128xf32> to vector<16x128xf32>
      %add3A_154 = vector.broadcast %broadcast_in_dim3A_141 : vector<16x1xf32> to vector<16x128xf32>
      %add3A_155 = arith.addf %get3A_153, %add3A_154 : vector<16x128xf32>
      %swap3A_156 = arith.constant 0 : index
      %swap3A_157 = arith.constant 0 : index
      %swap3A_158 = arith.constant 0 : index
      %swap3A_159 = vector.load %arg8[%swap3A_156, %swap3A_157, %swap3A_158] : memref<1x16x128xf32, #tpu.memory_space<vmem>>, vector<1x16x128xf32>
      %swap3A_160 = vector.shape_cast %swap3A_159 : vector<1x16x128xf32> to vector<16x128xf32>
      %swap3A_161 = vector.shape_cast %add3A_155 : vector<16x128xf32> to vector<1x16x128xf32>
      tpu.vector_store %arg8[%swap3A_156, %swap3A_157, %swap3A_158], %swap3A_161 {strides = array<i32>} : memref<1x16x128xf32, #tpu.memory_space<vmem>>, vector<1x16x128xf32>,
    } else {
    }
    return
  }
  func.func @transform_0(%arg0: i32, %arg1: i32) -> (i32, i32, i32) {
    %c0_i32 = arith.constant 0 : i32
    %c0_i32_0 = arith.constant 0 : i32
    return %arg0, %c0_i32, %arg1 : i32, i32, i32
  }
  func.func @transform_1(%arg0: i32, %arg1: i32) -> (i32, i32, i32) {
    %c0_i32 = arith.constant 0 : i32
    %c0_i32_0 = arith.constant 0 : i32
    return %arg0, %c0_i32, %arg1 : i32, i32, i32
  }
  func.func @transform_2(%arg0: i32, %arg1: i32) -> (i32, i32, i32) {
    %c0_i32 = arith.constant 0 : i32
    %c0_i32_0 = arith.constant 0 : i32
    return %arg0, %c0_i32, %arg1 : i32, i32, i32
  }
  func.func @transform_3(%arg0: i32, %arg1: i32) -> (i32, i32, i32) {
    %c0_i32 = arith.constant 0 : i32
    %c0_i32_0 = arith.constant 0 : i32
    return %arg0, %c0_i32, %arg1 : i32, i32, i32
  }
  func.func @transform_4(%arg0: i32, %arg1: i32) -> (i32, i32, i32) {
    %c0_i32 = arith.constant 0 : i32
    %c0_i32_0 = arith.constant 0 : i32
    %c0_i32_1 = arith.constant 0 : i32
    return %arg0, %c0_i32, %c0_i32_0 : i32, i32, i32
  }
  func.func @transform_5(%arg0: i32, %arg1: i32) -> (i32, i32, i32) {
    %c0_i32 = arith.constant 0 : i32
    %c0_i32_0 = arith.constant 0 : i32
    return %arg0, %c0_i32, %arg1 : i32, i32, i32
  }
  func.func @transform_6(%arg0: i32, %arg1: i32) -> (i32, i32, i32) {
    %c0_i32 = arith.constant 0 : i32
    %c0_i32_0 = arith.constant 0 : i32
    %c0_i32_1 = arith.constant 0 : i32
    return %arg0, %c0_i32, %c0_i32_0 : i32, i32, i32
  }
}

module attributes {stable_mosaic.version = 14 : i64} {
  func.func @_final_body(%arg0: memref<4x9x17xf32, #tpu.memory_space<vmem>>, %arg1: memref<4x16x128xf32, #tpu.memory_space<vmem>>, %arg2: memref<4x16xf32, #tpu.memory_space<vmem>>, %arg3: memref<1x1xf32, #tpu.memory_space<vmem>>) attributes {dimension_semantics = [], scalar_prefetch = 0 : i64, scratch_operands = 0 : i64, tpu.core_type = #tpu.core_type<tc>} {
    %get3A = arith.constant 0 : index
    %get3A_0 = arith.constant 0 : index
    %get3A_1 = arith.constant 0 : index
    %get3A_2 = vector.load %arg0[%get3A, %get3A_0, %get3A_1] : memref<4x9x17xf32, #tpu.memory_space<vmem>>, vector<4x9x17xf32>
    %slice3A = vector.extract_strided_slice %get3A_2 {offsets = [0, 0, 1], sizes = [4, 1, 16], strides = [1, 1, 1]} : vector<4x9x17xf32> to vector<4x1x16xf32>
    %squeeze3A = vector.shape_cast %slice3A : vector<4x1x16xf32> to vector<4x16xf32>
    %gt3A = arith.constant 0.000000e+00 : f32
    %gt3A_3 = vector.broadcast %gt3A : f32 to vector<4x16xf32>
    %gt3A_4 = arith.cmpf ogt, %squeeze3A, %gt3A_3 : vector<4x16xf32>
    %convert_element_type3A = arith.extui %gt3A_4 : vector<4x16xi1> to vector<4x16xi32>
    %convert_element_type3A_5 = arith.sitofp %convert_element_type3A : vector<4x16xi32> to vector<4x16xf32>
    %max3A = arith.constant 1.000000e+00 : f32
    %max3A_6 = vector.broadcast %max3A : f32 to vector<4x16xf32>
    %max3A_7 = arith.maximumf %squeeze3A, %max3A_6 : vector<4x16xf32>
    %slice3A_8 = vector.extract_strided_slice %get3A_2 {offsets = [0, 4, 1], sizes = [4, 3, 16], strides = [1, 1, 1]} : vector<4x9x17xf32> to vector<4x3x16xf32>
    %broadcast_in_dim3A = vector.shape_cast %max3A_7 : vector<4x16xf32> to vector<4x1x16xf32>
    %div3A = vector.broadcast %broadcast_in_dim3A : vector<4x1x16xf32> to vector<4x3x16xf32>
    %div3A_9 = arith.divf %slice3A_8, %div3A : vector<4x3x16xf32>
    %slice3A_10 = vector.extract_strided_slice %get3A_2 {offsets = [0, 7, 1], sizes = [4, 1, 16], strides = [1, 1, 1]} : vector<4x9x17xf32> to vector<4x1x16xf32>
    %squeeze3A_11 = vector.shape_cast %slice3A_10 : vector<4x1x16xf32> to vector<4x16xf32>
    %mul3A = arith.mulf %div3A_9, %div3A_9 : vector<4x3x16xf32>
    %reduce_sum3A = arith.constant dense<0.000000e+00> : vector<4x16xf32>
    %reduce_sum3A_12 = vector.multi_reduction <add>, %mul3A, %reduce_sum3A [1] : vector<4x3x16xf32> to vector<4x16xf32>
    %mul3A_13 = arith.mulf %squeeze3A, %reduce_sum3A_12 : vector<4x16xf32>
    %sub3A = arith.subf %squeeze3A_11, %mul3A_13 : vector<4x16xf32>
    %mul3A_14 = arith.constant 3.000000e+00 : f32
    %mul3A_15 = vector.broadcast %mul3A_14 : f32 to vector<4x16xf32>
    %mul3A_16 = arith.mulf %max3A_7, %mul3A_15 : vector<4x16xf32>
    %div3A_17 = arith.divf %sub3A, %mul3A_16 : vector<4x16xf32>
    %get3A_18 = arith.constant 0 : index
    %get3A_19 = arith.constant 0 : index
    %get3A_20 = arith.constant 0 : index
    %get3A_21 = vector.load %arg1[%get3A_18, %get3A_19, %get3A_20] : memref<4x16x128xf32, #tpu.memory_space<vmem>>, vector<4x16x1xf32>
    %get3A_22 = vector.shape_cast %get3A_21 : vector<4x16x1xf32> to vector<4x16xf32>
    %slice3A_23 = vector.extract_strided_slice %get3A_2 {offsets = [0, 8, 0], sizes = [4, 1, 1], strides = [1, 1, 1]} : vector<4x9x17xf32> to vector<4x1x1xf32>
    %squeeze3A_24 = vector.shape_cast %slice3A_23 : vector<4x1x1xf32> to vector<4xf32>
    %get3A_25 = arith.constant 0 : index
    %get3A_26 = arith.constant 0 : index
    %get3A_27 = vector.load %arg2[%get3A_25, %get3A_26] : memref<4x16xf32, #tpu.memory_space<vmem>>, vector<4x16xf32>
    %reduce_sum3A_28 = arith.constant dense<0.000000e+00> : vector<4xf32>
    %reduce_sum3A_29 = vector.multi_reduction <add>, %convert_element_type3A_5, %reduce_sum3A_28 [1] : vector<4x16xf32> to vector<4xf32>
    %max3A_30 = arith.constant 1.000000e+00 : f32
    %max3A_31 = vector.broadcast %max3A_30 : f32 to vector<4xf32>
    %max3A_32 = arith.maximumf %reduce_sum3A_29, %max3A_31 : vector<4xf32>
    %mul3A_33 = arith.mulf %convert_element_type3A_5, %get3A_27 : vector<4x16xf32>
    %reduce_sum3A_34 = arith.constant dense<0.000000e+00> : vector<4xf32>
    %reduce_sum3A_35 = vector.multi_reduction <add>, %mul3A_33, %reduce_sum3A_34 [1] : vector<4x16xf32> to vector<4xf32>
    %div3A_36 = arith.divf %reduce_sum3A_35, %max3A_32 : vector<4xf32>
    %mul3A_37 = arith.mulf %convert_element_type3A_5, %div3A_17 : vector<4x16xf32>
    %reduce_sum3A_38 = arith.constant dense<0.000000e+00> : vector<4xf32>
    %reduce_sum3A_39 = vector.multi_reduction <add>, %mul3A_37, %reduce_sum3A_38 [1] : vector<4x16xf32> to vector<4xf32>
    %div3A_40 = arith.divf %reduce_sum3A_39, %max3A_32 : vector<4xf32>
    %mul3A_41 = arith.mulf %convert_element_type3A_5, %get3A_22 : vector<4x16xf32>
    %reduce_sum3A_42 = arith.constant dense<0.000000e+00> : vector<4xf32>
    %reduce_sum3A_43 = vector.multi_reduction <add>, %mul3A_41, %reduce_sum3A_42 [1] : vector<4x16xf32> to vector<4xf32>
    %add3A = arith.addf %squeeze3A_24, %reduce_sum3A_43 : vector<4xf32>
    %div3A_44 = arith.constant 1.000000e+05 : f32
    %div3A_45 = vector.broadcast %div3A_44 : f32 to vector<4xf32>
    %div3A_46 = arith.divf %add3A, %div3A_45 : vector<4xf32>
    %mul3A_47 = arith.constant 1.000000e+01 : f32
    %mul3A_48 = vector.broadcast %mul3A_47 : f32 to vector<4xf32>
    %mul3A_49 = arith.mulf %mul3A_48, %div3A_40 : vector<4xf32>
    %add3A_50 = arith.addf %div3A_36, %mul3A_49 : vector<4xf32>
    %mul3A_51 = arith.constant 1.000000e+01 : f32
    %mul3A_52 = vector.broadcast %mul3A_51 : f32 to vector<4xf32>
    %mul3A_53 = arith.mulf %mul3A_52, %div3A_46 : vector<4xf32>
    %add3A_54 = arith.addf %add3A_50, %mul3A_53 : vector<4xf32>
    %reduce_sum3A_55 = vector.shape_cast %add3A_54 : vector<4xf32> to vector<1x4xf32>
    %reduce_sum3A_56 = arith.constant dense<0.000000e+00> : vector<1xf32>
    %reduce_sum3A_57 = vector.multi_reduction <add>, %reduce_sum3A_55, %reduce_sum3A_56 [1] : vector<1x4xf32> to vector<1xf32>
    %reduce_sum3A_58 = vector.shape_cast %reduce_sum3A_57 : vector<1xf32> to vector<1x1xf32>
    %reduce_sum3A_59 = vector.extract %reduce_sum3A_58[0, 0] : f32 from vector<1x1xf32>
    %div3A_60 = arith.constant 4.000000e+00 : f32
    %div3A_61 = arith.divf %reduce_sum3A_59, %div3A_60 : f32
    %reshape3A = vector.broadcast %div3A_61 : f32 to vector<1x1xf32>
    %swap3A = arith.constant 0 : index
    %swap3A_62 = arith.constant 0 : index
    %swap3A_63 = vector.load %arg3[%swap3A, %swap3A_62] : memref<1x1xf32, #tpu.memory_space<vmem>>, vector<1x1xf32>
    tpu.vector_store %arg3[%swap3A, %swap3A_62], %reshape3A {strides = array<i32>} : memref<1x1xf32, #tpu.memory_space<vmem>>, vector<1x1xf32>,
    return
  }
}

</mosaic_0001>

<sc_bundles>
// kernel: kernel.6.cloned.1.call-start
scs
__scs_entry_jumppad:
0x0: {  	(pc) =	sbr.rel $0x88, $3  }
0x1: {  	(tag) =	ssettag $0x0;
	lr =	simm.s32 $0x1  }
0x2: {  	[smem:$0x3F9C] =	sst lr;
	_ =	strace $0xD0000000  }
0x3: {  	_ = 	snop  }
0x4: {  	_ = 	snop  }
0x5: {  	_ = 	snop  }
0x6: {  	_ = 	snop  }
0x7: {  	_ = 	snop  }
__scs_overlays_trampoline_lowered:
0x8: {  	[smem:$0x3FAB] =	sst s0  }
0x9: {  	[smem:$0x3FAC] =	sst s1  }
0xa: {  	[smem:$0x3FAD] =	sst s2  }
0xb: {  	[smem:$0x3FAE] =	sst s3  }
0xc: {  	[smem:$0x3FAF] =	sst s4  }
0xd: {  	[smem:$0x3FB0] =	sst s5  }
0xe: {  	[smem:$0x3FB1] =	sst s6  }
0xf: {  	[smem:$0x3FB2] =	sst s7  }
0x10: {  	[smem:$0x3FB3] =	sst s8  }
0x11: {  	[smem:$0x3FB4] =	sst s9;
	s0 =	simm.s32 @!p0 $0x0  }
0x12: {  	s1 =	sld [smem:$0x3F9A];
	s0 =	simm.s32 @p0 $0x1  }
0x13: {  	[smem:$0x3FB5] =	sst s0;
	s0 =	simm.s32 @!p1 $0x0  }
0x14: {  	s2 =	sld [smem:$0x3F99];
	s0 =	simm.s32 @p1 $0x1  }
0x15: {  	[smem:$0x3FB6] =	sst s0;
	s0 =	simm.s32 @!p2 $0x0  }
0x16: {  	s3 =	sld [smem:$0x3FDB];
	s0 =	simm.s32 @p2 $0x1  }
0x17: {  	s4 =	simm.s32 $0x1BF5;
	[smem:$0x3FB8] =	sst s0  }
0x18: {  	s0 =	sld [smem:$0x3F9B];
	_ =	swait.ge [sflag:s4], $0x0  }
0x19: {  	s7 =	sld [smem:$0x3F9C]  }
0x1a: {  	s8 =	sadd.s32 $0xFFFFE003, lr  }
0x1b: {  	s9 =	sadd.s32 $0xFFFFFEF7, lr;
	s5 =	simm.s32 $0xFFFFFFFF;
	p2 =	slt.u32 s8, $0xFFFFF086  }
0x1c: {  	p1 =	slt.u32 s9, $0xF7A;
	s5 =	simm.s32 @!p2 $0x0  }
0x1d: {  	s5 =	simm.s32 @p1 $0x1;
	p0 =	seq.s32 s7, s2  }
0x1e: {  	s7 =	smul.u32 @!p0 $0xF7A, s2;
	p2 =	seq.s32 @!p0 s5, $0x0  }
0x1f: {  	s9 =	smul.u32 $0xF7A, s1;
	s8 =	simm.s32 @!p0 $0x1BF5;
	p2 =	por !p2, p0  }
0x20: {  	[sflag:s8] =	ssyncset.s32 @!p0 $0xFFFFF086;
	s6 =	sadd.s32 @!p0 s3, s7;
	s7 =	simm.s32 @!p0 $0x108  }
0x21: {  	s3 =	sadd.s32 s3, s9;
	s6 =	sadd.s32 @!p0 $0x88, s6;
	s7 =	simm.s32 @p2 $0x1082  }
0x22: {  	[simem:s7], [sflag:s8] =	dma.local @!p0 [hbm:s6], $0xF7A  }
0x23: {  	s9 =	sor.u32 $0xD0000000, s2;
	s6 =	simm.s32 $0x108;
	_ =	swait.ge @!p0 [sflag:s8], $0x0  }
0x24: {  	s3 =	sadd.s32 $0x88, s3;
	s6 =	simm.s32 @!p1 $0x1082;
	[sflag:s4] =	ssyncset.s32 $0xFFFFF086  }
0x25: {  	[simem:s6], [sflag:s4] =	dma.local [hbm:s3], $0xF7A  }
0x26: {  	[smem:$0x3F9C] =	sst s1;
	(tag) =	ssettag s2;
	_ =	strace s9  }
0x27: {  	s1 =	sld [smem:$0x3FAC]  }
0x28: {  	s2 =	sld [smem:$0x3FAD]  }
0x29: {  	s4 =	sld [smem:$0x3FAF]  }
0x2a: {  	p0 =	seq.s32 s5, $0x0;
	s5 =	sld [smem:$0x3FB0]  }
0x2b: {  	s6 =	sld [smem:$0x3FB1]  }
0x2c: {  	s7 =	sld [smem:$0x3FB2]  }
0x2d: {  	s3 =	simm.s32 $0x108;
	s8 =	sld [smem:$0x3FB3]  }
0x2e: {  	s3 =	simm.s32 @!p0 $0x1082;
	s9 =	sld [smem:$0x3FB4]  }
0x2f: {  	lr =	sadd.s32 s0, s3;
	s0 =	sld [smem:$0x3FAB]  }
0x30: {  	s3 =	sld [smem:$0x3FAE]  }
0x31: {  	[smem:$0x3FB7] =	sst s10  }
0x32: {  	s10 =	sld [smem:$0x3FB5];
	_ =	sdelay $0x3  }
0x33: {  	p0 =	seq.s32 s10, $0x1;
	s10 =	sld [smem:$0x3FB7];
	_ =	sdelay $0x3  }
0x34: {  	[smem:$0x3FB7] =	sst s10  }
0x35: {  	s10 =	sld [smem:$0x3FB6];
	_ =	sdelay $0x3  }
0x36: {  	p1 =	seq.s32 s10, $0x1;
	s10 =	sld [smem:$0x3FB7];
	_ =	sdelay $0x3  }
0x37: {  	[smem:$0x3FB7] =	sst s10  }
0x38: {  	s10 =	sld [smem:$0x3FB8]  }
0x39: {  	_ = 	snop;
	(pc) =	sbr.ind lr, $3  }
0x3a: {  	_ = 	snop  }
0x3b: {  	_ = 	snop  }
0x3c: {  	p2 =	seq.s32 s10, $0x1;
	s10 =	sld [smem:$0x3FB7]  }
0x3d: {  	_ =	shalt  }
0x3e: {  	_ =	shalt  }
0x3f: {  	_ =	shalt  }
0x40: {  	_ =	shalt  }
0x41: {  	_ =	shalt  }
0x42: {  	_ =	shalt  }
0x43: {  	_ =	shalt  }
0x44: {  	_ =	shalt  }
0x45: {  	_ =	shalt  }
0x46: {  	_ =	shalt  }
0x47: {  	_ =	shalt  }
0x48: {  	_ =	shalt  }
0x49: {  	_ =	shalt  }
0x4a: {  	_ =	shalt  }
0x4b: {  	_ =	shalt  }
0x4c: {  	_ =	shalt  }
0x4d: {  	_ =	shalt  }
0x4e: {  	_ =	shalt  }
0x4f: {  	_ =	shalt  }
0x50: {  	_ =	shalt  }
0x51: {  	_ =	shalt  }
0x52: {  	_ =	shalt  }
0x53: {  	_ =	shalt  }
0x54: {  	_ =	shalt  }
0x55: {  	_ =	shalt  }
0x56: {  	_ =	shalt  }
0x57: {  	_ =	shalt  }
0x58: {  	_ =	shalt  }
0x59: {  	_ =	shalt  }
0x5a: {  	_ =	shalt  }
0x5b: {  	_ =	shalt  }
0x5c: {  	_ =	shalt  }
0x5d: {  	_ =	shalt  }
0x5e: {  	_ =	shalt  }
0x5f: {  	_ =	shalt  }
0x60: {  	_ =	shalt  }
0x61: {  	_ =	shalt  }
0x62: {  	_ =	shalt  }
0x63: {  	_ =	shalt  }
0x64: {  	_ =	shalt  }
0x65: {  	_ =	shalt  }
0x66: {  	_ =	shalt  }
0x67: {  	_ =	shalt  }
0x68: {  	_ =	shalt  }
0x69: {  	_ =	shalt  }
0x6a: {  	_ =	shalt  }
0x6b: {  	_ =	shalt  }
0x6c: {  	_ =	shalt  }
0x6d: {  	_ =	shalt  }
0x6e: {  	_ =	shalt  }
0x6f: {  	_ =	shalt  }
0x70: {  	_ =	shalt  }
0x71: {  	_ =	shalt  }
0x72: {  	_ =	shalt  }
0x73: {  	_ =	shalt  }
0x74: {  	_ =	shalt  }
0x75: {  	_ =	shalt  }
0x76: {  	_ =	shalt  }
0x77: {  	_ =	shalt  }
0x78: {  	_ =	shalt  }
0x79: {  	_ =	shalt  }
0x7a: {  	_ =	shalt  }
0x7b: {  	_ =	shalt  }
0x7c: {  	_ =	shalt  }
0x7d: {  	_ =	shalt  }
0x7e: {  	_ =	shalt  }
0x7f: {  	_ =	shalt  }
0x80: {  	_ =	shalt  }
0x81: {  	_ =	shalt  }
0x82: {  	_ =	shalt  }
0x83: {  	_ =	shalt  }
0x84: {  	_ =	shalt  }
0x85: {  	_ =	shalt  }
0x86: {  	_ =	shalt  }
0x87: {  	_ =	shalt  }
.Lfunc_end0:
.L_simem_size_0:
called_computation_lowered:
.L_overlay_start_0:
0x88: {  	s2 =	sld [smem:$0x3FD9]  }
0x89: {  	s3 =	sld [smem:$0x3FFE];
	_ =	sdelay $0x1  }
0x8a: {  	s1 =	srdreg.scid  }
0x8b: {  	s0 =	sand.u32 $0x1, s1  }
0x8c: {  	s16 =	sshll.u32 s0, $0xA;
	s2 =	sadd.s32 s3, s2  }
0x8d: {  	s2 =	sadd.s32 s2, s16  }
0x8e: {  	[smem:$0x3FC3] =	sst s2  }
0x8f: {  	_ = 	snop  }
0x90: {  	(tm) =	ssettm $0x1  }
0x91: {  	s17 =	sld [smem:$0x3FFB];
	_ =	sdelay $0x3  }
0x92: {  	_ =	strace s17  }
0x93: {  	s2 =	sld [smem:$0x3FFC];
	_ =	sdelay $0x3  }
0x94: {  	_ =	strace s2  }
0x95: {  	s2 =	sld [smem:$0x3FFD];
	_ =	sdelay $0x3  }
0x96: {  	_ =	strace s2  }
0x97: {  	_ =	strace $0x8FFFFFFF  }
0x98: {  	s18 =	sld [smem:$0x3FDB];
	_ =	sdelay $0x1  }
0x99: {  	s19 =	simm.s32 $_scs_section_size  }
0x9a: {  	s4 =	simm.s32 $_size__tile_overlayer_lowered;
	s5 =	simm.s32 $_tile_overlayer_lowered  }
0x9b: {  	s22 =	simm.s32 $0x1BFF;
	s21 =	sshll.u32 s5, $0x1;
	s2 =	sadd.s32 s19, s18  }
0x9c: {  	s6 =	simm.s32 $0x0;
	s20 =	sshll.u32 s4, $0x1;
	s4 =	sadd.s32 s21, s2  }
0x9d: {  	[timem:s6], [sflag:s22] =	dma.local [hbm:s4], s20  }
0x9e: {  	_ =	swait.ge [sflag:s22], s20  }
0x9f: {  	s3 =	ssub.s32 $0x0, s20;
	[sflag:s22] =	ssyncset.done $0x0  }
0xa0: {  	[sflag:s22] =	ssyncadd.s32 s3;
	_ =	sdelay $0x1  }
0xa1: {  	s23 =	simm.s32 $0x1B8B  }
0xa2: {  	_ =	swait.ge [sflag:s23], $0x1  }
0xa3: {  	[sflag:s23] =	ssyncset.done $0x0  }
0xa4: {  	s25 =	simm.s32 $0x1B8E;
	s24 =	sld [smem:$0x3FFE];
	[sflag:s23] =	ssyncadd.s32 $0xFFFFFFFF  }
0xa5: {  	s26 =	simm.s32 $execute0_lowered;
	[smem:$0x3FD2] =	sst s25  }
0xa6: {  	s4 =	sshll.u32 s26, $0x1;
	_ =	strace $0x80000046;
	[dreg:$0x1] =	wrdreg $0xFFFFFFFF  }
0xa7: {  	s28 =	simm.s32 $_size_execute0_lowered;
	s2 =	sadd.s32 s2, s4;
	[dreg:$0x0] =	wrdreg $0x0  }
0xa8: {  	s4 =	sshll.u32 s28, $0x1;
	[dreg:$0x2] =	wrdreg s2  }
0xa9: {  	[dreg:$0x3] =	wrdreg s4  }
0xaa: {  	[dreg:$0x4] =	wrdreg $0xC0  }
0xab: {  	_ =	task [dreg:s6], $0x5FFFF  }
0xac: {  	[dreg:$0x1] =	wrdreg $0xFFFFFFFF  }
0xad: {  	[dreg:$0x0] =	wrdreg $0x60  }
0xae: {  	[dreg:$0x2] =	wrdreg s24  }
0xaf: {  	[dreg:$0x3] =	wrdreg $0x9  }
0xb0: {  	_ =	task.clear_ibuf [dreg:s6], $0x4FFFF;
	_ =	strace $0x90000046  }
0xb1: {  	s29 =	simm.s32 $0x9;
	_ =	strace $0x80000048  }
0xb2: {  	_ =	swait.ge [sflag:s29], $0x1  }
0xb3: {  	[sflag:s29] =	ssyncadd.s32 $0xFFFFFFFF  }
0xb4: {  	_ =	strace $0x90000048  }
0xb5: {  	_ =	sfence  }
0xb6: {  	s30 =	sld [smem:$0x0];
	_ =	sdelay $0x2  }
0xb7: {  	s31 =	sshll.u32 s1, $0xD;
	s1 =	sshrl.u32 s1, $0x2  }
0xb8: {  	s3 =	sand.u32 $0x4000, s31;
	s1 =	sadd.s32 s1, s30  }
0xb9: {  	s0 =	sor.u32 s3, s0;
	s1 =	sshll.u32 s1, $0x11  }
0xba: {  	s0 =	sor.u32 s1, s0  }
0xbb: {  	s0 =	sadd.s32 $0x8F2B, s0  }
0xbc: {  	[sflag:s0] =	ssyncadd.remote.s32 $0x1  }
0xbd: {  	_ =	sfence.sel $0xFFFF  }
0xbe: {  	[dreg:$0x0] =	wrdreg $0xFFFFFFFF;
	(pc) =	sbr.abs _section_cstart, $3  }
0xbf: {  	[dreg:$0x1] =	wrdreg $0xFFFFFFFF  }
0xc0: {  	_ =	task.clear_ibuf [dreg:s6], $0x2FFFF;
	_ =	strace $0x9FFFFFFF  }
0xc1: {  	(tm) =	ssettm $0x7FFFFFFF  }
tec
execute0_lowered:
.L_overlay_start_1:
0x0: {  	(tag) =	ssettag $0x1  }
0x1: {  	s1 =	rddreg [dreg:$0x0];
	s2 =	simm.s32 $0x0  }
0x2: {  	s0 =	srdreg.scid;
	s5 =	stileid.u32;
	s21 =	simm.s32 $0x80  }
0x3: {  	s29 =	simm.s32 $0x3;
	s30 =	simm.s32 $0x0;
	[smem:$0x7FF] =	sst s2  }
0x4: {  	s3 =	sand.u32 $0x1, s0;
	s22 =	sshrl.u32 s5, $0x2;
	s4 =	sshrl.u32 s5, $0x1  }
0x5: {  	s5 =	sshll.u32 s5, $0x1;
	s23 =	sadd.s32 $0x1400, s1;
	_ =	strace $0x80000047  }
0x6: {  	s4 =	sand.u32 $0x1, s4;
	s6 =	smul.u32 $0xC4000, s22;
	s5 =	sor.u32 s3, s5  }
0x7: {  	s3 =	ssub.s32 $0x2, s3;
	s22 =	simm.s32 $0x400;
	s4 =	smul.u32 $0x62000, s4  }
0x8: {  	s7 =	sshll.u32 s5, $0x4;
	s5 =	sshll.u32 s5, $0x8;
	s8 =	sshrl.u32 s3, $0x1  }
0x9: {  	s11 =	sand.u32 $0x300, s5;
	s1 =	sadd.s32 s7, s1;
	s10 =	sadd.s32 s6, s4  }
0xa: {  	s3 =	ssub.s32 s3, s8;
	s19 =	sor.u32 $0x80, s11;
	s4 =	sor.u32 s11, s10  }
0xb: {  	s12 =	sadd.s32 $0xC400, s10;
	s13 =	sadd.s32 $0x18800, s10;
	s14 =	sadd.s32 $0x24C00, s10  }
0xc: {  	s15 =	sadd.s32 $0x31000, s10;
	s16 =	sadd.s32 $0x3D400, s10;
	s17 =	sadd.s32 $0x49800, s10  }
0xd: {  	s18 =	sadd.s32 $0x55C00, s10;
	s10 =	sor.u32 s19, s10;
	s4 =	sshrl.u32 s4, $0x3  }
0xe: {  	s24 =	sor.u32 s11, s12;
	s5 =	sor.u32 s11, s13;
	s26 =	sor.u32 s11, s14  }
0xf: {  	s28 =	sor.u32 s11, s15;
	s31 =	sor.u32 s11, s16;
	s9 =	sor.u32 s11, s17  }
0x10: {  	s11 =	sor.u32 s11, s18;
	s20 =	sshrl.u32 s10, $0x3;
	s12 =	sor.u32 s19, s12  }
0x11: {  	s13 =	sor.u32 s19, s13;
	s14 =	sor.u32 s19, s14;
	s15 =	sor.u32 s19, s15  }
0x12: {  	s16 =	sor.u32 s19, s16;
	s17 =	sor.u32 s19, s17;
	s18 =	sor.u32 s19, s18  }
0x13: {  	s19 =	sadd.s32 $0x63400, s1;
	s4 =	sadd.s32 s23, s4;
	s5 =	sshrl.u32 s5, $0x3  }
0x14: {  	s6 =	sshrl.u32 s26, $0x3;
	s7 =	sshrl.u32 s28, $0x3;
	s8 =	sshrl.u32 s31, $0x3  }
0x15: {  	s9 =	sshrl.u32 s9, $0x3;
	s11 =	sshrl.u32 s11, $0x3;
	s12 =	sshrl.u32 s12, $0x3  }
0x16: {  	s13 =	sshrl.u32 s13, $0x3;
	s14 =	sshrl.u32 s14, $0x3;
	s15 =	sshrl.u32 s15, $0x3  }
0x17: {  	s16 =	sshrl.u32 s16, $0x3;
	s17 =	sshrl.u32 s17, $0x3;
	s18 =	sshrl.u32 s18, $0x3  }
0x18: {  	s26 =	simm.s32 $0x2;
	[dreg:$0x2] =	wrdreg s4;
	s4 =	sshrl.u32 s24, $0x3  }
0x19: {  	s25 =	sadd.s32 s23, s5;
	s6 =	sadd.s32 s23, s6;
	s7 =	sadd.s32 s23, s7  }
0x1a: {  	s8 =	sadd.s32 s23, s8;
	s9 =	sadd.s32 s23, s9;
	s10 =	sadd.s32 s23, s11  }
0x1b: {  	s11 =	sadd.s32 s23, s20;
	s12 =	sadd.s32 s23, s12;
	s13 =	sadd.s32 s23, s13  }
0x1c: {  	s14 =	sadd.s32 s23, s14;
	s15 =	sadd.s32 s23, s15;
	s16 =	sadd.s32 s23, s16  }
0x1d: {  	s17 =	sadd.s32 s23, s17;
	s18 =	sadd.s32 s23, s18;
	s20 =	smax.u32 s3, $0x1  }
0x1e: {  	v0 =	vimm.f32 $0.0e+00;
	v1 =	vimm.f32 $1.000000000e+00;
	s24 =	simm.s32 $0x6C80;
	s4 =	sadd.s32 s23, s4;
	[dreg:$0x4] =	wrdreg s25  }
0x1f: {  	v2 =	vlaneseq.u32;
	vm0 =	vcmask $0x704;
	vm1 =	vmmov $0x1;
	s23 =	simm.s32 $0x5400;
	s25 =	simm.s32 $0x1;
	[dreg:$0x3] =	wrdreg s4  }
.LBB2_1:
0x20: {  	[tilespmem:$0x8500] =	vst v0;
	s0 =	simm.s32 $0x40  }
0x21: {  	[tilespmem:s0+$0xFFFFFFC0] =	vst v0  }
0x22: {  	[tilespmem:s0+$0x30] =	vst v0  }
0x23: {  	[tilespmem:s0+$0x20] =	vst v0  }
0x24: {  	[tilespmem:s0+$0x10] =	vst v0  }
0x25: {  	[tilespmem:s0+$0x0] =	vst v0  }
0x26: {  	[tilespmem:s0+$0xFFFFFFF0] =	vst v0  }
0x27: {  	s1 =	simm.s32 $0x0;
	[tilespmem:s0+$0xFFFFFFE0] =	vst v0  }
.LBB2_2:
0x28: {  	s1 =	sadd.s32 $0x8, s1;
	[tilespmem:s0+$0xFFFFFFD0] =	vst v0;
	s0 =	sadd.s32 $0x80, s0  }
0x29: {  	[tilespmem:s0+$0xFFFFFFC0] =	vst v0;
	p0 =	slt.u32 s1, $0x538  }
0x2a: {  	[tilespmem:s0+$0x30] =	vst v0  }
.Ltmp0:
0x2b: {  	[tilespmem:s0+$0x20] =	vst v0;
	(pc) =	sbr.rel @p0 .LBB2_2-.Ltmp0, $4  }
0x2c: {  	[tilespmem:s0+$0x10] =	vst v0  }
0x2d: {  	[tilespmem:s0+$0x0] =	vst v0  }
0x2e: {  	[tilespmem:s0+$0xFFFFFFF0] =	vst v0  }
0x2f: {  	[tilespmem:s0+$0xFFFFFFE0] =	vst v0  }
0x30: {  	[tilespmem:s0+$0xFFFFFFD0] =	vst v0  }
0x31: {  	s0 =	rddreg [dreg:$0x2]  }
0x32: {  	[tilespmem:s23], [sflag:$0x1] =	stream.strided.gather [hbm4b:s0+s21], $0x1880, s22, s21, $0x38;
	[tilespmem:$0x8580] =	vst v63  }
0x33: {  	s31 =	rddreg [dreg:$0x3]  }
0x34: {  	[tilespmem:s24], [sflag:$0x2] =	stream.strided.gather [hbm4b:s31+s21], $0x1880, s22, s21, $0x38;
	[tilespmem:$0x8580] =	vst v63  }
0x35: {  	_ =	swait.ge [sflag:s25], $0x1880  }
0x36: {  	[sflag:s25] =	ssyncset.done $0x0  }
0x37: {  	s1 =	simm.s32 $0x5480;
	[sflag:s25] =	ssyncadd.s32 $0xFFFFE780  }
0x38: {  	v5 =	vld [tilespmem:s1+$0xFFFFFFF0]  }
0x39: {  	v4 =	vld [tilespmem:s1+$0x0]  }
0x3a: {  	v6 =	vld [tilespmem:s1+$0x10]  }
0x3b: {  	v7 =	vld [tilespmem:s1+$0x20]  }
0x3c: {  	v8 =	vld [tilespmem:s1+$0xFFFFFF80]  }
0x3d: {  	v9 =	vld [tilespmem:s1+$0x70]  }
0x3e: {  	v15 =	vld [tilespmem:s1+$0xFFFFFF90]  }
0x3f: {  	v3 =	vld [tilespmem:s1+$0xFFFFFFA0]  }
0x40: {  	v12 =	vld [tilespmem:s1+$0xFFFFFFB0]  }
0x41: {  	v11 =	vld [tilespmem:s1+$0xFFFFFFC0];
	v10 =	vand.u32 $0xFFFF, v8  }
0x42: {  	v13 =	vld [tilespmem:s1+$0x60];
	v8 =	vshrl.u32 v8, $0x10  }
0x43: {  	v16 =	vld [tilespmem:s1+$0x50];
	v14 =	vand.u32 $0xFFFF, v9  }
0x44: {  	v17 =	vld [tilespmem:s1+$0x40];
	v9 =	vshrl.u32 v9, $0x10  }
0x45: {  	s0 =	simm.s32 $0x0;
	v18 =	vld [tilespmem:s1+$0x30]  }
0x46: {  	[tilespmem:v10+s0+$0x0] =	vst.idx.add.f32.msk $0xffff, v1  }
0x47: {  	[tilespmem:v8+s0+$0x0] =	vst.idx.add.f32.msk $0xffff, v1;
	v8 =	vand.u32 $0xFFFF, v13  }
0x48: {  	v10 =	vshrl.u32 v13, $0x10;
	[tilespmem:v14+s0+$0x0] =	vst.idx.add.f32.msk $0xffff, v1;
	v13 =	vand.u32 $0xFFFF, v16  }
0x49: {  	[tilespmem:v9+s0+$0x0] =	vst.idx.add.f32.msk $0xffff, v1;
	v9 =	vshrl.u32 v16, $0x10;
	v16 =	vand.u32 $0xFFFF, v17  }
0x4a: {  	v19 =	vld [tilespmem:s1+$0xFFFFFFD0]  }
0x4b: {  	v14 =	vld [tilespmem:s1+$0xFFFFFFE0]  }
0x4c: {  	v17 =	vshrl.u32 v17, $0x10;
	[tilespmem:v8+s0+$0x0] =	vst.idx.add.f32.msk $0xffff, v1  }
0x4d: {  	v8 =	vand.u32 $0xFFFF, v18;
	[tilespmem:v13+s0+$0x0] =	vst.idx.add.f32.msk $0xffff, v1  }
0x4e: {  	v13 =	vand.u32 $0xFFFF, v7;
	[tilespmem:v16+s0+$0x0] =	vst.idx.add.f32.msk $0xffff, v1  }
0x4f: {  	v16 =	vand.u32 $0xFFFF, v4;
	[tilespmem:v10+s0+$0x0] =	vst.idx.add.f32.msk $0xffff, v1  }
0x50: {  	v10 =	vshrl.u32 v18, $0x10;
	[tilespmem:v9+s0+$0x0] =	vst.idx.add.f32.msk $0xffff, v1  }
0x51: {  	v9 =	vand.u32 $0xFFFF, v6;
	[tilespmem:v17+s0+$0x0] =	vst.idx.add.f32.msk $0xffff, v1  }
0x52: {  	v7 =	vshrl.u32 v7, $0x10;
	[tilespmem:v8+s0+$0x0] =	vst.idx.add.f32.msk $0xffff, v1  }
0x53: {  	v18 =	vand.u32 $0xFFFF, v5;
	[tilespmem:v13+s0+$0x0] =	vst.idx.add.f32.msk $0xffff, v1  }
0x54: {  	v17 =	vshrl.u32 v6, $0x10;
	[tilespmem:v16+s0+$0x0] =	vst.idx.add.f32.msk $0xffff, v1  }
0x55: {  	v6 =	vshrl.u32 v4, $0x10;
	[tilespmem:v10+s0+$0x0] =	vst.idx.add.f32.msk $0xffff, v1  }
0x56: {  	v4 =	vshrl.u32 v14, $0x10;
	v8 =	vand.u32 $0xFFFF, v14;
	v13 =	vshrl.u32 v5, $0x10;
	[tilespmem:v9+s0+$0x0] =	vst.idx.add.f32.msk $0xffff, v1  }
0x57: {  	v5 =	vshrl.u32 v11, $0x10;
	v16 =	vshrl.u32 v19, $0x10;
	v14 =	vshrl.u32 v12, $0x10;
	[tilespmem:v7+s0+$0x0] =	vst.idx.add.f32.msk $0xffff, v1  }
0x58: {  	v9 =	vand.u32 $0xFFFF, v19;
	v10 =	vand.u32 $0xFFFF, v11;
	v11 =	vand.u32 $0xFFFF, v12;
	[tilespmem:v18+s0+$0x0] =	vst.idx.add.f32.msk $0xffff, v1  }
0x59: {  	s3 =	simm.s32 $0x0;
	v7 =	vand.u32 $0xFFFF, v3;
	v12 =	vshrl.u32 v15, $0x10;
	v15 =	vand.u32 $0xFFFF, v15;
	[tilespmem:v17+s0+$0x0] =	vst.idx.add.f32.msk $0xffff, v1  }
.LBB2_4:
0x5a: {  	s3 =	sadd.s32 $0x10, s3;
	[tilespmem:v6+s0+$0x0] =	vst.idx.add.f32.msk $0xffff, v1;
	s1 =	sadd.s32 $0x100, s1  }
0x5b: {  	p0 =	slt.u32 s3, $0x170;
	[tilespmem:v13+s0+$0x0] =	vst.idx.add.f32.msk $0xffff, v1  }
0x5c: {  	[tilespmem:v8+s0+$0x0] =	vst.idx.add.f32.msk $0xffff, v1  }
0x5d: {  	v3 =	vshrl.u32 v3, $0x10;
	[tilespmem:v4+s0+$0x0] =	vst.idx.add.f32.msk $0xffff, v1  }
0x5e: {  	[tilespmem:v9+s0+$0x0] =	vst.idx.add.f32.msk $0xffff, v1  }
0x5f: {  	[tilespmem:v16+s0+$0x0] =	vst.idx.add.f32.msk $0xffff, v1  }
0x60: {  	[tilespmem:v10+s0+$0x0] =	vst.idx.add.f32.msk $0xffff, v1  }
0x61: {  	[tilespmem:v5+s0+$0x0] =	vst.idx.add.f32.msk $0xffff, v1  }
0x62: {  	[tilespmem:v11+s0+$0x0] =	vst.idx.add.f32.msk $0xffff, v1  }
0x63: {  	[tilespmem:v14+s0+$0x0] =	vst.idx.add.f32.msk $0xffff, v1  }
0x64: {  	[tilespmem:v7+s0+$0x0] =	vst.idx.add.f32.msk $0xffff, v1  }
0x65: {  	[tilespmem:v15+s0+$0x0] =	vst.idx.add.f32.msk $0xffff, v1  }
0x66: {  	[tilespmem:v12+s0+$0x0] =	vst.idx.add.f32.msk $0xffff, v1  }
0x67: {  	[tilespmem:v3+s0+$0x0] =	vst.idx.add.f32.msk $0xffff, v1  }
0x68: {  	v5 =	vld [tilespmem:s1+$0xFFFFFFF0]  }
0x69: {  	v4 =	vld [tilespmem:s1+$0x0]  }
0x6a: {  	v7 =	vld [tilespmem:s1+$0x10]  }
0x6b: {  	v6 =	vld [tilespmem:s1+$0x20]  }
0x6c: {  	v8 =	vld [tilespmem:s1+$0xFFFFFF80]  }
0x6d: {  	v9 =	vld [tilespmem:s1+$0x70]  }
0x6e: {  	v15 =	vld [tilespmem:s1+$0xFFFFFF90]  }
0x6f: {  	v3 =	vld [tilespmem:s1+$0xFFFFFFA0]  }
0x70: {  	v12 =	vld [tilespmem:s1+$0xFFFFFFB0]  }
0x71: {  	v10 =	vand.u32 $0xFFFF, v8;
	v11 =	vld [tilespmem:s1+$0xFFFFFFC0]  }
0x72: {  	v8 =	vshrl.u32 v8, $0x10;
	v13 =	vld [tilespmem:s1+$0x60];
	v14 =	vand.u32 $0xFFFF, v9  }
0x73: {  	v16 =	vld [tilespmem:s1+$0x50]  }
0x74: {  	v9 =	vshrl.u32 v9, $0x10;
	v17 =	vld [tilespmem:s1+$0x40]  }
0x75: {  	v18 =	vld [tilespmem:s1+$0x30]  }
0x76: {  	[tilespmem:v10+s0+$0x0] =	vst.idx.add.f32.msk $0xffff, v1  }
0x77: {  	[tilespmem:v8+s0+$0x0] =	vst.idx.add.f32.msk $0xffff, v1;
	v8 =	vand.u32 $0xFFFF, v13  }
0x78: {  	v13 =	vshrl.u32 v13, $0x10;
	v10 =	vand.u32 $0xFFFF, v16;
	[tilespmem:v14+s0+$0x0] =	vst.idx.add.f32.msk $0xffff, v1  }
0x79: {  	v16 =	vshrl.u32 v16, $0x10;
	v14 =	vand.u32 $0xFFFF, v17;
	[tilespmem:v9+s0+$0x0] =	vst.idx.add.f32.msk $0xffff, v1  }
0x7a: {  	v17 =	vshrl.u32 v17, $0x10;
	v9 =	vld [tilespmem:s1+$0xFFFFFFE0];
	v19 =	vand.u32 $0xFFFF, v18  }
0x7b: {  	v21 =	vand.u32 $0xFFFF, v6;
	v20 =	vld [tilespmem:s1+$0xFFFFFFD0]  }
0x7c: {  	v22 =	vand.u32 $0xFFFF, v7;
	v23 =	vshrl.u32 v6, $0x10;
	v18 =	vshrl.u32 v18, $0x10;
	[tilespmem:v8+s0+$0x0] =	vst.idx.add.f32.msk $0xffff, v1  }
0x7d: {  	v24 =	vand.u32 $0xFFFF, v4;
	v25 =	vshrl.u32 v7, $0x10;
	v6 =	vshrl.u32 v4, $0x10;
	[tilespmem:v13+s0+$0x0] =	vst.idx.add.f32.msk $0xffff, v1  }
0x7e: {  	v26 =	vand.u32 $0xFFFF, v5;
	[tilespmem:v10+s0+$0x0] =	vst.idx.add.f32.msk $0xffff, v1  }
0x7f: {  	v13 =	vshrl.u32 v5, $0x10;
	v4 =	vshrl.u32 v9, $0x10;
	v8 =	vand.u32 $0xFFFF, v9;
	[tilespmem:v16+s0+$0x0] =	vst.idx.add.f32.msk $0xffff, v1  }
0x80: {  	v9 =	vand.u32 $0xFFFF, v20;
	[tilespmem:v14+s0+$0x0] =	vst.idx.add.f32.msk $0xffff, v1  }
0x81: {  	v5 =	vshrl.u32 v11, $0x10;
	v10 =	vand.u32 $0xFFFF, v11;
	v16 =	vshrl.u32 v20, $0x10;
	[tilespmem:v17+s0+$0x0] =	vst.idx.add.f32.msk $0xffff, v1  }
0x82: {  	v11 =	vand.u32 $0xFFFF, v12;
	[tilespmem:v19+s0+$0x0] =	vst.idx.add.f32.msk $0xffff, v1  }
0x83: {  	v7 =	vand.u32 $0xFFFF, v3;
	v14 =	vshrl.u32 v12, $0x10;
	[tilespmem:v18+s0+$0x0] =	vst.idx.add.f32.msk $0xffff, v1  }
0x84: {  	v12 =	vshrl.u32 v15, $0x10;
	v15 =	vand.u32 $0xFFFF, v15;
	[tilespmem:v21+s0+$0x0] =	vst.idx.add.f32.msk $0xffff, v1  }
.Ltmp1:
0x85: {  	[tilespmem:v22+s0+$0x0] =	vst.idx.add.f32.msk $0xffff, v1;
	(pc) =	sbr.rel @p0 .LBB2_4-.Ltmp1, $4  }
0x86: {  	[tilespmem:v23+s0+$0x0] =	vst.idx.add.f32.msk $0xffff, v1  }
0x87: {  	[tilespmem:v24+s0+$0x0] =	vst.idx.add.f32.msk $0xffff, v1  }
0x88: {  	[tilespmem:v25+s0+$0x0] =	vst.idx.add.f32.msk $0xffff, v1  }
0x89: {  	[tilespmem:v26+s0+$0x0] =	vst.idx.add.f32.msk $0xffff, v1  }
0x8a: {  	_ =	sdelay $0x3  }
0x8b: {  	[tilespmem:v6+s0+$0x0] =	vst.idx.add.f32.msk $0xffff, v1  }
0x8c: {  	[tilespmem:v13+s0+$0x0] =	vst.idx.add.f32.msk $0xffff, v1  }
0x8d: {  	[tilespmem:v8+s0+$0x0] =	vst.idx.add.f32.msk $0xffff, v1  }
0x8e: {  	[tilespmem:v9+s0+$0x0] =	vst.idx.add.f32.msk $0xffff, v1  }
0x8f: {  	[tilespmem:v10+s0+$0x0] =	vst.idx.add.f32.msk $0xffff, v1  }
0x90: {  	[tilespmem:v11+s0+$0x0] =	vst.idx.add.f32.msk $0xffff, v1  }
0x91: {  	[tilespmem:v7+s0+$0x0] =	vst.idx.add.f32.msk $0xffff, v1  }
0x92: {  	[tilespmem:v15+s0+$0x0] =	vst.idx.add.f32.msk $0xffff, v1  }
0x93: {  	v3 =	vshrl.u32 v3, $0x10;
	[tilespmem:v4+s0+$0x0] =	vst.idx.add.f32.msk $0xffff, v1  }
0x94: {  	[tilespmem:v16+s0+$0x0] =	vst.idx.add.f32.msk $0xffff, v1  }
0x95: {  	[tilespmem:v5+s0+$0x0] =	vst.idx.add.f32.msk $0xffff, v1  }
0x96: {  	[tilespmem:v14+s0+$0x0] =	vst.idx.add.f32.msk $0xffff, v1  }
0x97: {  	[tilespmem:v12+s0+$0x0] =	vst.idx.add.f32.msk $0xffff, v1  }
0x98: {  	[tilespmem:v3+s0+$0x0] =	vst.idx.add.f32.msk $0xffff, v1  }
.LBB2_6:
0x99: {  	s1 =	sshra.s32 s0, $0x2  }
0x9a: {  	v3 =	vld [tilespmem:s1+$0x6C00];
	_ =	sdelay $0x4  }
0x9b: {  	v4 =	vand.u32 $0xFFFF, v3  }
0x9c: {  	p0 =	sne.s32 s0, $0x1C0;
	v3 =	vshrl.u32 v3, $0x10  }
.Ltmp2:
0x9d: {  	_ = 	snop;
	(pc) =	sbr.rel @p0 .LBB2_6-.Ltmp2, $3  }
0x9e: {  	_ =	sdelay $0x1  }
0x9f: {  	[tilespmem:v4+s2+$0x0] =	vst.idx.add.f32.msk $0xffff, v1  }
0xa0: {  	s0 =	sadd.s32 $0x40, s0;
	[tilespmem:v3+s2+$0x0] =	vst.idx.add.f32.msk $0xffff, v1  }
0xa1: {  	s0 =	rddreg [dreg:$0x4]  }
0xa2: {  	[tilespmem:s23], [sflag:$0x1] =	stream.strided.gather [hbm4b:s0+s21], $0x1880, s22, s21, $0x38;
	[tilespmem:$0x8580] =	vst v63  }
0xa3: {  	_ =	swait.ge [sflag:s26], $0x1880  }
0xa4: {  	[sflag:s26] =	ssyncset.done $0x0  }
0xa5: {  	s1 =	simm.s32 $0x6D00;
	[sflag:s26] =	ssyncadd.s32 $0xFFFFE780  }
0xa6: {  	v5 =	vld [tilespmem:s1+$0xFFFFFFF0]  }
0xa7: {  	v4 =	vld [tilespmem:s1+$0x0]  }
0xa8: {  	v6 =	vld [tilespmem:s1+$0x10]  }
0xa9: {  	v7 =	vld [tilespmem:s1+$0x20]  }
0xaa: {  	v8 =	vld [tilespmem:s1+$0xFFFFFF80]  }
0xab: {  	v9 =	vld [tilespmem:s1+$0x70]  }
0xac: {  	v15 =	vld [tilespmem:s1+$0xFFFFFF90]  }
0xad: {  	v3 =	vld [tilespmem:s1+$0xFFFFFFA0]  }
0xae: {  	v12 =	vld [tilespmem:s1+$0xFFFFFFB0]  }
0xaf: {  	v11 =	vld [tilespmem:s1+$0xFFFFFFC0];
	v10 =	vand.u32 $0xFFFF, v8  }
0xb0: {  	v13 =	vld [tilespmem:s1+$0x60];
	v8 =	vshrl.u32 v8, $0x10  }
0xb1: {  	v16 =	vld [tilespmem:s1+$0x50];
	v14 =	vand.u32 $0xFFFF, v9  }
0xb2: {  	v17 =	vld [tilespmem:s1+$0x40];
	v9 =	vshrl.u32 v9, $0x10  }
0xb3: {  	s0 =	simm.s32 $0x0;
	v18 =	vld [tilespmem:s1+$0x30]  }
0xb4: {  	[tilespmem:v10+s0+$0x0] =	vst.idx.add.f32.msk $0xffff, v1  }
0xb5: {  	[tilespmem:v8+s0+$0x0] =	vst.idx.add.f32.msk $0xffff, v1;
	v8 =	vand.u32 $0xFFFF, v13  }
0xb6: {  	v10 =	vshrl.u32 v13, $0x10;
	[tilespmem:v14+s0+$0x0] =	vst.idx.add.f32.msk $0xffff, v1;
	v13 =	vand.u32 $0xFFFF, v16  }
0xb7: {  	[tilespmem:v9+s0+$0x0] =	vst.idx.add.f32.msk $0xffff, v1;
	v9 =	vshrl.u32 v16, $0x10;
	v16 =	vand.u32 $0xFFFF, v17  }
0xb8: {  	v19 =	vld [tilespmem:s1+$0xFFFFFFD0]  }
0xb9: {  	v14 =	vld [tilespmem:s1+$0xFFFFFFE0]  }
0xba: {  	v17 =	vshrl.u32 v17, $0x10;
	[tilespmem:v8+s0+$0x0] =	vst.idx.add.f32.msk $0xffff, v1  }
0xbb: {  	v8 =	vand.u32 $0xFFFF, v18;
	[tilespmem:v13+s0+$0x0] =	vst.idx.add.f32.msk $0xffff, v1  }
0xbc: {  	v13 =	vand.u32 $0xFFFF, v7;
	[tilespmem:v16+s0+$0x0] =	vst.idx.add.f32.msk $0xffff, v1  }
0xbd: {  	v16 =	vand.u32 $0xFFFF, v4;
	[tilespmem:v10+s0+$0x0] =	vst.idx.add.f32.msk $0xffff, v1  }
0xbe: {  	v10 =	vshrl.u32 v18, $0x10;
	[tilespmem:v9+s0+$0x0] =	vst.idx.add.f32.msk $0xffff, v1  }
0xbf: {  	v9 =	vand.u32 $0xFFFF, v6;
	[tilespmem:v17+s0+$0x0] =	vst.idx.add.f32.msk $0xffff, v1  }
0xc0: {  	v7 =	vshrl.u32 v7, $0x10;
	[tilespmem:v8+s0+$0x0] =	vst.idx.add.f32.msk $0xffff, v1  }
0xc1: {  	v18 =	vand.u32 $0xFFFF, v5;
	[tilespmem:v13+s0+$0x0] =	vst.idx.add.f32.msk $0xffff, v1  }
0xc2: {  	v17 =	vshrl.u32 v6, $0x10;
	[tilespmem:v16+s0+$0x0] =	vst.idx.add.f32.msk $0xffff, v1  }
0xc3: {  	v6 =	vshrl.u32 v4, $0x10;
	[tilespmem:v10+s0+$0x0] =	vst.idx.add.f32.msk $0xffff, v1  }
0xc4: {  	v4 =	vshrl.u32 v14, $0x10;
	v8 =	vand.u32 $0xFFFF, v14;
	v13 =	vshrl.u32 v5, $0x10;
	[tilespmem:v9+s0+$0x0] =	vst.idx.add.f32.msk $0xffff, v1  }
0xc5: {  	v5 =	vshrl.u32 v11, $0x10;
	v16 =	vshrl.u32 v19, $0x10;
	v14 =	vshrl.u32 v12, $0x10;
	[tilespmem:v7+s0+$0x0] =	vst.idx.add.f32.msk $0xffff, v1  }
0xc6: {  	v9 =	vand.u32 $0xFFFF, v19;
	v10 =	vand.u32 $0xFFFF, v11;
	v11 =	vand.u32 $0xFFFF, v12;
	[tilespmem:v18+s0+$0x0] =	vst.idx.add.f32.msk $0xffff, v1  }
0xc7: {  	s3 =	simm.s32 $0x0;
	v7 =	vand.u32 $0xFFFF, v3;
	v12 =	vshrl.u32 v15, $0x10;
	v15 =	vand.u32 $0xFFFF, v15;
	[tilespmem:v17+s0+$0x0] =	vst.idx.add.f32.msk $0xffff, v1  }
.LBB2_8:
0xc8: {  	s3 =	sadd.s32 $0x10, s3;
	[tilespmem:v6+s0+$0x0] =	vst.idx.add.f32.msk $0xffff, v1;
	s1 =	sadd.s32 $0x100, s1  }
0xc9: {  	p0 =	slt.u32 s3, $0x170;
	[tilespmem:v13+s0+$0x0] =	vst.idx.add.f32.msk $0xffff, v1  }
0xca: {  	[tilespmem:v8+s0+$0x0] =	vst.idx.add.f32.msk $0xffff, v1  }
0xcb: {  	v3 =	vshrl.u32 v3, $0x10;
	[tilespmem:v4+s0+$0x0] =	vst.idx.add.f32.msk $0xffff, v1  }
0xcc: {  	[tilespmem:v9+s0+$0x0] =	vst.idx.add.f32.msk $0xffff, v1  }
0xcd: {  	[tilespmem:v16+s0+$0x0] =	vst.idx.add.f32.msk $0xffff, v1  }
0xce: {  	[tilespmem:v10+s0+$0x0] =	vst.idx.add.f32.msk $0xffff, v1  }
0xcf: {  	[tilespmem:v5+s0+$0x0] =	vst.idx.add.f32.msk $0xffff, v1  }
0xd0: {  	[tilespmem:v11+s0+$0x0] =	vst.idx.add.f32.msk $0xffff, v1  }
0xd1: {  	[tilespmem:v14+s0+$0x0] =	vst.idx.add.f32.msk $0xffff, v1  }
0xd2: {  	[tilespmem:v7+s0+$0x0] =	vst.idx.add.f32.msk $0xffff, v1  }
0xd3: {  	[tilespmem:v15+s0+$0x0] =	vst.idx.add.f32.msk $0xffff, v1  }
0xd4: {  	[tilespmem:v12+s0+$0x0] =	vst.idx.add.f32.msk $0xffff, v1  }
0xd5: {  	[tilespmem:v3+s0+$0x0] =	vst.idx.add.f32.msk $0xffff, v1  }
0xd6: {  	v5 =	vld [tilespmem:s1+$0xFFFFFFF0]  }
0xd7: {  	v4 =	vld [tilespmem:s1+$0x0]  }
0xd8: {  	v7 =	vld [tilespmem:s1+$0x10]  }
0xd9: {  	v6 =	vld [tilespmem:s1+$0x20]  }
0xda: {  	v8 =	vld [tilespmem:s1+$0xFFFFFF80]  }
0xdb: {  	v9 =	vld [tilespmem:s1+$0x70]  }
0xdc: {  	v15 =	vld [tilespmem:s1+$0xFFFFFF90]  }
0xdd: {  	v3 =	vld [tilespmem:s1+$0xFFFFFFA0]  }
0xde: {  	v12 =	vld [tilespmem:s1+$0xFFFFFFB0]  }
0xdf: {  	v10 =	vand.u32 $0xFFFF, v8;
	v11 =	vld [tilespmem:s1+$0xFFFFFFC0]  }
0xe0: {  	v8 =	vshrl.u32 v8, $0x10;
	v13 =	vld [tilespmem:s1+$0x60];
	v14 =	vand.u32 $0xFFFF, v9  }
0xe1: {  	v16 =	vld [tilespmem:s1+$0x50]  }
0xe2: {  	v9 =	vshrl.u32 v9, $0x10;
	v17 =	vld [tilespmem:s1+$0x40]  }
0xe3: {  	v18 =	vld [tilespmem:s1+$0x30]  }
0xe4: {  	[tilespmem:v10+s0+$0x0] =	vst.idx.add.f32.msk $0xffff, v1  }
0xe5: {  	[tilespmem:v8+s0+$0x0] =	vst.idx.add.f32.msk $0xffff, v1;
	v8 =	vand.u32 $0xFFFF, v13  }
0xe6: {  	v13 =	vshrl.u32 v13, $0x10;
	v10 =	vand.u32 $0xFFFF, v16;
	[tilespmem:v14+s0+$0x0] =	vst.idx.add.f32.msk $0xffff, v1  }
0xe7: {  	v16 =	vshrl.u32 v16, $0x10;
	v14 =	vand.u32 $0xFFFF, v17;
	[tilespmem:v9+s0+$0x0] =	vst.idx.add.f32.msk $0xffff, v1  }
0xe8: {  	v17 =	vshrl.u32 v17, $0x10;
	v9 =	vld [tilespmem:s1+$0xFFFFFFE0];
	v19 =	vand.u32 $0xFFFF, v18  }
0xe9: {  	v21 =	vand.u32 $0xFFFF, v6;
	v20 =	vld [tilespmem:s1+$0xFFFFFFD0]  }
0xea: {  	v22 =	vand.u32 $0xFFFF, v7;
	v23 =	vshrl.u32 v6, $0x10;
	v18 =	vshrl.u32 v18, $0x10;
	[tilespmem:v8+s0+$0x0] =	vst.idx.add.f32.msk $0xffff, v1  }
0xeb: {  	v24 =	vand.u32 $0xFFFF, v4;
	v25 =	vshrl.u32 v7, $0x10;
	v6 =	vshrl.u32 v4, $0x10;
	[tilespmem:v13+s0+$0x0] =	vst.idx.add.f32.msk $0xffff, v1  }
0xec: {  	v26 =	vand.u32 $0xFFFF, v5;
	[tilespmem:v10+s0+$0x0] =	vst.idx.add.f32.msk $0xffff, v1  }
0xed: {  	v13 =	vshrl.u32 v5, $0x10;
	v4 =	vshrl.u32 v9, $0x10;
	v8 =	vand.u32 $0xFFFF, v9;
	[tilespmem:v16+s0+$0x0] =	vst.idx.add.f32.msk $0xffff, v1  }
0xee: {  	v9 =	vand.u32 $0xFFFF, v20;
	[tilespmem:v14+s0+$0x0] =	vst.idx.add.f32.msk $0xffff, v1  }
0xef: {  	v5 =	vshrl.u32 v11, $0x10;
	v10 =	vand.u32 $0xFFFF, v11;
	v16 =	vshrl.u32 v20, $0x10;
	[tilespmem:v17+s0+$0x0] =	vst.idx.add.f32.msk $0xffff, v1  }
0xf0: {  	v11 =	vand.u32 $0xFFFF, v12;
	[tilespmem:v19+s0+$0x0] =	vst.idx.add.f32.msk $0xffff, v1  }
0xf1: {  	v7 =	vand.u32 $0xFFFF, v3;
	v14 =	vshrl.u32 v12, $0x10;
	[tilespmem:v18+s0+$0x0] =	vst.idx.add.f32.msk $0xffff, v1  }
0xf2: {  	v12 =	vshrl.u32 v15, $0x10;
	v15 =	vand.u32 $0xFFFF, v15;
	[tilespmem:v21+s0+$0x0] =	vst.idx.add.f32.msk $0xffff, v1  }
.Ltmp3:
0xf3: {  	[tilespmem:v22+s0+$0x0] =	vst.idx.add.f32.msk $0xffff, v1;
	(pc) =	sbr.rel @p0 .LBB2_8-.Ltmp3, $4  }
0xf4: {  	[tilespmem:v23+s0+$0x0] =	vst.idx.add.f32.msk $0xffff, v1  }
0xf5: {  	[tilespmem:v24+s0+$0x0] =	vst.idx.add.f32.msk $0xffff, v1  }
0xf6: {  	[tilespmem:v25+s0+$0x0] =	vst.idx.add.f32.msk $0xffff, v1  }
0xf7: {  	[tilespmem:v26+s0+$0x0] =	vst.idx.add.f32.msk $0xffff, v1  }
0xf8: {  	_ =	sdelay $0x3  }
0xf9: {  	[tilespmem:v6+s0+$0x0] =	vst.idx.add.f32.msk $0xffff, v1  }
0xfa: {  	[tilespmem:v13+s0+$0x0] =	vst.idx.add.f32.msk $0xffff, v1  }
0xfb: {  	[tilespmem:v8+s0+$0x0] =	vst.idx.add.f32.msk $0xffff, v1  }
0xfc: {  	[tilespmem:v9+s0+$0x0] =	vst.idx.add.f32.msk $0xffff, v1  }
0xfd: {  	[tilespmem:v10+s0+$0x0] =	vst.idx.add.f32.msk $0xffff, v1  }
0xfe: {  	[tilespmem:v11+s0+$0x0] =	vst.idx.add.f32.msk $0xffff, v1  }
0xff: {  	[tilespmem:v7+s0+$0x0] =	vst.idx.add.f32.msk $0xffff, v1  }
0x100: {  	[tilespmem:v15+s0+$0x0] =	vst.idx.add.f32.msk $0xffff, v1  }
0x101: {  	v3 =	vshrl.u32 v3, $0x10;
	[tilespmem:v4+s0+$0x0] =	vst.idx.add.f32.msk $0xffff, v1  }
0x102: {  	[tilespmem:v16+s0+$0x0] =	vst.idx.add.f32.msk $0xffff, v1  }
0x103: {  	[tilespmem:v5+s0+$0x0] =	vst.idx.add.f32.msk $0xffff, v1  }
0x104: {  	[tilespmem:v14+s0+$0x0] =	vst.idx.add.f32.msk $0xffff, v1  }
0x105: {  	[tilespmem:v12+s0+$0x0] =	vst.idx.add.f32.msk $0xffff, v1  }
0x106: {  	[tilespmem:v3+s0+$0x0] =	vst.idx.add.f32.msk $0xffff, v1  }
.LBB2_10:
0x107: {  	s1 =	sshra.s32 s0, $0x2  }
0x108: {  	v3 =	vld [tilespmem:s1+$0x8480];
	_ =	sdelay $0x4  }
0x109: {  	v4 =	vand.u32 $0xFFFF, v3  }
0x10a: {  	p0 =	sne.s32 s0, $0x1C0;
	v3 =	vshrl.u32 v3, $0x10  }
.Ltmp4:
0x10b: {  	_ = 	snop;
	(pc) =	sbr.rel @p0 .LBB2_10-.Ltmp4, $3  }
0x10c: {  	_ =	sdelay $0x1  }
0x10d: {  	[tilespmem:v4+s2+$0x0] =	vst.idx.add.f32.msk $0xffff, v1  }
0x10e: {  	s0 =	sadd.s32 $0x40, s0;
	[tilespmem:v3+s2+$0x0] =	vst.idx.add.f32.msk $0xffff, v1  }
0x10f: {  	[tilespmem:s24], [sflag:$0x2] =	stream.strided.gather [hbm4b:s6+s21], $0x1880, s22, s21, $0x38;
	[tilespmem:$0x8580] =	vst v63  }
0x110: {  	_ =	swait.ge [sflag:s25], $0x1880  }
0x111: {  	[sflag:s25] =	ssyncset.done $0x0  }
0x112: {  	s1 =	simm.s32 $0x5480;
	[sflag:s25] =	ssyncadd.s32 $0xFFFFE780  }
0x113: {  	v5 =	vld [tilespmem:s1+$0xFFFFFFF0]  }
0x114: {  	v4 =	vld [tilespmem:s1+$0x0]  }
0x115: {  	v6 =	vld [tilespmem:s1+$0x10]  }
0x116: {  	v7 =	vld [tilespmem:s1+$0x20]  }
0x117: {  	v8 =	vld [tilespmem:s1+$0xFFFFFF80]  }
0x118: {  	v9 =	vld [tilespmem:s1+$0x70]  }
0x119: {  	v15 =	vld [tilespmem:s1+$0xFFFFFF90]  }
0x11a: {  	v3 =	vld [tilespmem:s1+$0xFFFFFFA0]  }
0x11b: {  	v12 =	vld [tilespmem:s1+$0xFFFFFFB0]  }
0x11c: {  	v11 =	vld [tilespmem:s1+$0xFFFFFFC0];
	v10 =	vand.u32 $0xFFFF, v8  }
0x11d: {  	v13 =	vld [tilespmem:s1+$0x60];
	v8 =	vshrl.u32 v8, $0x10  }
0x11e: {  	v16 =	vld [tilespmem:s1+$0x50];
	v14 =	vand.u32 $0xFFFF, v9  }
0x11f: {  	v17 =	vld [tilespmem:s1+$0x40];
	v9 =	vshrl.u32 v9, $0x10  }
0x120: {  	s0 =	simm.s32 $0x0;
	v18 =	vld [tilespmem:s1+$0x30]  }
0x121: {  	[tilespmem:v10+s0+$0x0] =	vst.idx.add.f32.msk $0xffff, v1  }
0x122: {  	[tilespmem:v8+s0+$0x0] =	vst.idx.add.f32.msk $0xffff, v1;
	v8 =	vand.u32 $0xFFFF, v13  }
0x123: {  	v10 =	vshrl.u32 v13, $0x10;
	[tilespmem:v14+s0+$0x0] =	vst.idx.add.f32.msk $0xffff, v1;
	v13 =	vand.u32 $0xFFFF, v16  }
0x124: {  	[tilespmem:v9+s0+$0x0] =	vst.idx.add.f32.msk $0xffff, v1;
	v9 =	vshrl.u32 v16, $0x10;
	v16 =	vand.u32 $0xFFFF, v17  }
0x125: {  	v19 =	vld [tilespmem:s1+$0xFFFFFFD0]  }
0x126: {  	v14 =	vld [tilespmem:s1+$0xFFFFFFE0]  }
0x127: {  	v17 =	vshrl.u32 v17, $0x10;
	[tilespmem:v8+s0+$0x0] =	vst.idx.add.f32.msk $0xffff, v1  }
0x128: {  	v8 =	vand.u32 $0xFFFF, v18;
	[tilespmem:v13+s0+$0x0] =	vst.idx.add.f32.msk $0xffff, v1  }
0x129: {  	v13 =	vand.u32 $0xFFFF, v7;
	[tilespmem:v16+s0+$0x0] =	vst.idx.add.f32.msk $0xffff, v1  }
0x12a: {  	v16 =	vand.u32 $0xFFFF, v4;
	[tilespmem:v10+s0+$0x0] =	vst.idx.add.f32.msk $0xffff, v1  }
0x12b: {  	v10 =	vshrl.u32 v18, $0x10;
	[tilespmem:v9+s0+$0x0] =	vst.idx.add.f32.msk $0xffff, v1  }
0x12c: {  	v9 =	vand.u32 $0xFFFF, v6;
	[tilespmem:v17+s0+$0x0] =	vst.idx.add.f32.msk $0xffff, v1  }
0x12d: {  	v7 =	vshrl.u32 v7, $0x10;
	[tilespmem:v8+s0+$0x0] =	vst.idx.add.f32.msk $0xffff, v1  }
0x12e: {  	v18 =	vand.u32 $0xFFFF, v5;
	[tilespmem:v13+s0+$0x0] =	vst.idx.add.f32.msk $0xffff, v1  }
0x12f: {  	v17 =	vshrl.u32 v6, $0x10;
	[tilespmem:v16+s0+$0x0] =	vst.idx.add.f32.msk $0xffff, v1  }
0x130: {  	v6 =	vshrl.u32 v4, $0x10;
	[tilespmem:v10+s0+$0x0] =	vst.idx.add.f32.msk $0xffff, v1  }
0x131: {  	v4 =	vshrl.u32 v14, $0x10;
	v8 =	vand.u32 $0xFFFF, v14;
	v13 =	vshrl.u32 v5, $0x10;
	[tilespmem:v9+s0+$0x0] =	vst.idx.add.f32.msk $0xffff, v1  }
0x132: {  	v5 =	vshrl.u32 v11, $0x10;
	v16 =	vshrl.u32 v19, $0x10;
	v14 =	vshrl.u32 v12, $0x10;
	[tilespmem:v7+s0+$0x0] =	vst.idx.add.f32.msk $0xffff, v1  }
0x133: {  	v9 =	vand.u32 $0xFFFF, v19;
	v10 =	vand.u32 $0xFFFF, v11;
	v11 =	vand.u32 $0xFFFF, v12;
	[tilespmem:v18+s0+$0x0] =	vst.idx.add.f32.msk $0xffff, v1  }
0x134: {  	s3 =	simm.s32 $0x0;
	v7 =	vand.u32 $0xFFFF, v3;
	v12 =	vshrl.u32 v15, $0x10;
	v15 =	vand.u32 $0xFFFF, v15;
	[tilespmem:v17+s0+$0x0] =	vst.idx.add.f32.msk $0xffff, v1  }
.LBB2_12:
0x135: {  	s3 =	sadd.s32 $0x10, s3;
	[tilespmem:v6+s0+$0x0] =	vst.idx.add.f32.msk $0xffff, v1;
	s1 =	sadd.s32 $0x100, s1  }
0x136: {  	p0 =	slt.u32 s3, $0x170;
	[tilespmem:v13+s0+$0x0] =	vst.idx.add.f32.msk $0xffff, v1  }
0x137: {  	[tilespmem:v8+s0+$0x0] =	vst.idx.add.f32.msk $0xffff, v1  }
0x138: {  	v3 =	vshrl.u32 v3, $0x10;
	[tilespmem:v4+s0+$0x0] =	vst.idx.add.f32.msk $0xffff, v1  }
0x139: {  	[tilespmem:v9+s0+$0x0] =	vst.idx.add.f32.msk $0xffff, v1  }
0x13a: {  	[tilespmem:v16+s0+$0x0] =	vst.idx.add.f32.msk $0xffff, v1  }
0x13b: {  	[tilespmem:v10+s0+$0x0] =	vst.idx.add.f32.msk $0xffff, v1  }
0x13c: {  	[tilespmem:v5+s0+$0x0] =	vst.idx.add.f32.msk $0xffff, v1  }
0x13d: {  	[tilespmem:v11+s0+$0x0] =	vst.idx.add.f32.msk $0xffff, v1  }
0x13e: {  	[tilespmem:v14+s0+$0x0] =	vst.idx.add.f32.msk $0xffff, v1  }
0x13f: {  	[tilespmem:v7+s0+$0x0] =	vst.idx.add.f32.msk $0xffff, v1  }
0x140: {  	[tilespmem:v15+s0+$0x0] =	vst.idx.add.f32.msk $0xffff, v1  }
0x141: {  	[tilespmem:v12+s0+$0x0] =	vst.idx.add.f32.msk $0xffff, v1  }
0x142: {  	[tilespmem:v3+s0+$0x0] =	vst.idx.add.f32.msk $0xffff, v1  }
0x143: {  	v5 =	vld [tilespmem:s1+$0xFFFFFFF0]  }
0x144: {  	v4 =	vld [tilespmem:s1+$0x0]  }
0x145: {  	v7 =	vld [tilespmem:s1+$0x10]  }
0x146: {  	v6 =	vld [tilespmem:s1+$0x20]  }
0x147: {  	v8 =	vld [tilespmem:s1+$0xFFFFFF80]  }
0x148: {  	v9 =	vld [tilespmem:s1+$0x70]  }
0x149: {  	v15 =	vld [tilespmem:s1+$0xFFFFFF90]  }
0x14a: {  	v3 =	vld [tilespmem:s1+$0xFFFFFFA0]  }
0x14b: {  	v12 =	vld [tilespmem:s1+$0xFFFFFFB0]  }
0x14c: {  	v10 =	vand.u32 $0xFFFF, v8;
	v11 =	vld [tilespmem:s1+$0xFFFFFFC0]  }
0x14d: {  	v8 =	vshrl.u32 v8, $0x10;
	v13 =	vld [tilespmem:s1+$0x60];
	v14 =	vand.u32 $0xFFFF, v9  }
0x14e: {  	v16 =	vld [tilespmem:s1+$0x50]  }
0x14f: {  	v9 =	vshrl.u32 v9, $0x10;
	v17 =	vld [tilespmem:s1+$0x40]  }
0x150: {  	v18 =	vld [tilespmem:s1+$0x30]  }
0x151: {  	[tilespmem:v10+s0+$0x0] =	vst.idx.add.f32.msk $0xffff, v1  }
0x152: {  	[tilespmem:v8+s0+$0x0] =	vst.idx.add.f32.msk $0xffff, v1;
	v8 =	vand.u32 $0xFFFF, v13  }
0x153: {  	v13 =	vshrl.u32 v13, $0x10;
	v10 =	vand.u32 $0xFFFF, v16;
	[tilespmem:v14+s0+$0x0] =	vst.idx.add.f32.msk $0xffff, v1  }
0x154: {  	v16 =	vshrl.u32 v16, $0x10;
	v14 =	vand.u32 $0xFFFF, v17;
	[tilespmem:v9+s0+$0x0] =	vst.idx.add.f32.msk $0xffff, v1  }
0x155: {  	v17 =	vshrl.u32 v17, $0x10;
	v9 =	vld [tilespmem:s1+$0xFFFFFFE0];
	v19 =	vand.u32 $0xFFFF, v18  }
0x156: {  	v21 =	vand.u32 $0xFFFF, v6;
	v20 =	vld [tilespmem:s1+$0xFFFFFFD0]  }
0x157: {  	v22 =	vand.u32 $0xFFFF, v7;
	v23 =	vshrl.u32 v6, $0x10;
	v18 =	vshrl.u32 v18, $0x10;
	[tilespmem:v8+s0+$0x0] =	vst.idx.add.f32.msk $0xffff, v1  }
0x158: {  	v24 =	vand.u32 $0xFFFF, v4;
	v25 =	vshrl.u32 v7, $0x10;
	v6 =	vshrl.u32 v4, $0x10;
	[tilespmem:v13+s0+$0x0] =	vst.idx.add.f32.msk $0xffff, v1  }
0x159: {  	v26 =	vand.u32 $0xFFFF, v5;
	[tilespmem:v10+s0+$0x0] =	vst.idx.add.f32.msk $0xffff, v1  }
0x15a: {  	v13 =	vshrl.u32 v5, $0x10;
	v4 =	vshrl.u32 v9, $0x10;
	v8 =	vand.u32 $0xFFFF, v9;
	[tilespmem:v16+s0+$0x0] =	vst.idx.add.f32.msk $0xffff, v1  }
0x15b: {  	v9 =	vand.u32 $0xFFFF, v20;
	[tilespmem:v14+s0+$0x0] =	vst.idx.add.f32.msk $0xffff, v1  }
0x15c: {  	v5 =	vshrl.u32 v11, $0x10;
	v10 =	vand.u32 $0xFFFF, v11;
	v16 =	vshrl.u32 v20, $0x10;
	[tilespmem:v17+s0+$0x0] =	vst.idx.add.f32.msk $0xffff, v1  }
0x15d: {  	v11 =	vand.u32 $0xFFFF, v12;
	[tilespmem:v19+s0+$0x0] =	vst.idx.add.f32.msk $0xffff, v1  }
0x15e: {  	v7 =	vand.u32 $0xFFFF, v3;
	v14 =	vshrl.u32 v12, $0x10;
	[tilespmem:v18+s0+$0x0] =	vst.idx.add.f32.msk $0xffff, v1  }
0x15f: {  	v12 =	vshrl.u32 v15, $0x10;
	v15 =	vand.u32 $0xFFFF, v15;
	[tilespmem:v21+s0+$0x0] =	vst.idx.add.f32.msk $0xffff, v1  }
.Ltmp5:
0x160: {  	[tilespmem:v22+s0+$0x0] =	vst.idx.add.f32.msk $0xffff, v1;
	(pc) =	sbr.rel @p0 .LBB2_12-.Ltmp5, $4  }
0x161: {  	[tilespmem:v23+s0+$0x0] =	vst.idx.add.f32.msk $0xffff, v1  }
0x162: {  	[tilespmem:v24+s0+$0x0] =	vst.idx.add.f32.msk $0xffff, v1  }
0x163: {  	[tilespmem:v25+s0+$0x0] =	vst.idx.add.f32.msk $0xffff, v1  }
0x164: {  	[tilespmem:v26+s0+$0x0] =	vst.idx.add.f32.msk $0xffff, v1  }
0x165: {  	_ =	sdelay $0x3  }
0x166: {  	[tilespmem:v6+s0+$0x0] =	vst.idx.add.f32.msk $0xffff, v1  }
0x167: {  	[tilespmem:v13+s0+$0x0] =	vst.idx.add.f32.msk $0xffff, v1  }
0x168: {  	[tilespmem:v8+s0+$0x0] =	vst.idx.add.f32.msk $0xffff, v1  }
0x169: {  	[tilespmem:v9+s0+$0x0] =	vst.idx.add.f32.msk $0xffff, v1  }
0x16a: {  	[tilespmem:v10+s0+$0x0] =	vst.idx.add.f32.msk $0xffff, v1  }
0x16b: {  	[tilespmem:v11+s0+$0x0] =	vst.idx.add.f32.msk $0xffff, v1  }
0x16c: {  	[tilespmem:v7+s0+$0x0] =	vst.idx.add.f32.msk $0xffff, v1  }
0x16d: {  	[tilespmem:v15+s0+$0x0] =	vst.idx.add.f32.msk $0xffff, v1  }
0x16e: {  	v3 =	vshrl.u32 v3, $0x10;
	[tilespmem:v4+s0+$0x0] =	vst.idx.add.f32.msk $0xffff, v1  }
0x16f: {  	[tilespmem:v16+s0+$0x0] =	vst.idx.add.f32.msk $0xffff, v1  }
0x170: {  	[tilespmem:v5+s0+$0x0] =	vst.idx.add.f32.msk $0xffff, v1  }
0x171: {  	[tilespmem:v14+s0+$0x0] =	vst.idx.add.f32.msk $0xffff, v1  }
0x172: {  	[tilespmem:v12+s0+$0x0] =	vst.idx.add.f32.msk $0xffff, v1  }
0x173: {  	[tilespmem:v3+s0+$0x0] =	vst.idx.add.f32.msk $0xffff, v1  }
.LBB2_14:
0x174: {  	s1 =	sshra.s32 s0, $0x2  }
0x175: {  	v3 =	vld [tilespmem:s1+$0x6C00];
	_ =	sdelay $0x4  }
0x176: {  	v4 =	vand.u32 $0xFFFF, v3  }
0x177: {  	p0 =	sne.s32 s0, $0x1C0;
	v3 =	vshrl.u32 v3, $0x10  }
.Ltmp6:
0x178: {  	_ = 	snop;
	(pc) =	sbr.rel @p0 .LBB2_14-.Ltmp6, $3  }
0x179: {  	_ =	sdelay $0x1  }
0x17a: {  	[tilespmem:v4+s2+$0x0] =	vst.idx.add.f32.msk $0xffff, v1  }
0x17b: {  	s0 =	sadd.s32 $0x40, s0;
	[tilespmem:v3+s2+$0x0] =	vst.idx.add.f32.msk $0xffff, v1  }
0x17c: {  	[tilespmem:s23], [sflag:$0x1] =	stream.strided.gather [hbm4b:s7+s21], $0x1880, s22, s21, $0x38;
	[tilespmem:$0x8580] =	vst v63  }
0x17d: {  	_ =	swait.ge [sflag:s26], $0x1880  }
0x17e: {  	[sflag:s26] =	ssyncset.done $0x0  }
0x17f: {  	s1 =	simm.s32 $0x6D00;
	[sflag:s26] =	ssyncadd.s32 $0xFFFFE780  }
0x180: {  	v5 =	vld [tilespmem:s1+$0xFFFFFFF0]  }
0x181: {  	v4 =	vld [tilespmem:s1+$0x0]  }
0x182: {  	v6 =	vld [tilespmem:s1+$0x10]  }
0x183: {  	v7 =	vld [tilespmem:s1+$0x20]  }
0x184: {  	v8 =	vld [tilespmem:s1+$0xFFFFFF80]  }
0x185: {  	v9 =	vld [tilespmem:s1+$0x70]  }
0x186: {  	v15 =	vld [tilespmem:s1+$0xFFFFFF90]  }
0x187: {  	v3 =	vld [tilespmem:s1+$0xFFFFFFA0]  }
0x188: {  	v12 =	vld [tilespmem:s1+$0xFFFFFFB0]  }
0x189: {  	v11 =	vld [tilespmem:s1+$0xFFFFFFC0];
	v10 =	vand.u32 $0xFFFF, v8  }
0x18a: {  	v13 =	vld [tilespmem:s1+$0x60];
	v8 =	vshrl.u32 v8, $0x10  }
0x18b: {  	v16 =	vld [tilespmem:s1+$0x50];
	v14 =	vand.u32 $0xFFFF, v9  }
0x18c: {  	v17 =	vld [tilespmem:s1+$0x40];
	v9 =	vshrl.u32 v9, $0x10  }
0x18d: {  	s0 =	simm.s32 $0x0;
	v18 =	vld [tilespmem:s1+$0x30]  }
0x18e: {  	[tilespmem:v10+s0+$0x0] =	vst.idx.add.f32.msk $0xffff, v1  }
0x18f: {  	[tilespmem:v8+s0+$0x0] =	vst.idx.add.f32.msk $0xffff, v1;
	v8 =	vand.u32 $0xFFFF, v13  }
0x190: {  	v10 =	vshrl.u32 v13, $0x10;
	[tilespmem:v14+s0+$0x0] =	vst.idx.add.f32.msk $0xffff, v1;
	v13 =	vand.u32 $0xFFFF, v16  }
0x191: {  	[tilespmem:v9+s0+$0x0] =	vst.idx.add.f32.msk $0xffff, v1;
	v9 =	vshrl.u32 v16, $0x10;
	v16 =	vand.u32 $0xFFFF, v17  }
0x192: {  	v19 =	vld [tilespmem:s1+$0xFFFFFFD0]  }
0x193: {  	v14 =	vld [tilespmem:s1+$0xFFFFFFE0]  }
0x194: {  	v17 =	vshrl.u32 v17, $0x10;
	[tilespmem:v8+s0+$0x0] =	vst.idx.add.f32.msk $0xffff, v1  }
0x195: {  	v8 =	vand.u32 $0xFFFF, v18;
	[tilespmem:v13+s0+$0x0] =	vst.idx.add.f32.msk $0xffff, v1  }
0x196: {  	v13 =	vand.u32 $0xFFFF, v7;
	[tilespmem:v16+s0+$0x0] =	vst.idx.add.f32.msk $0xffff, v1  }
0x197: {  	v16 =	vand.u32 $0xFFFF, v4;
	[tilespmem:v10+s0+$0x0] =	vst.idx.add.f32.msk $0xffff, v1  }
0x198: {  	v10 =	vshrl.u32 v18, $0x10;
	[tilespmem:v9+s0+$0x0] =	vst.idx.add.f32.msk $0xffff, v1  }
0x199: {  	v9 =	vand.u32 $0xFFFF, v6;
	[tilespmem:v17+s0+$0x0] =	vst.idx.add.f32.msk $0xffff, v1  }
0x19a: {  	v7 =	vshrl.u32 v7, $0x10;
	[tilespmem:v8+s0+$0x0] =	vst.idx.add.f32.msk $0xffff, v1  }
0x19b: {  	v18 =	vand.u32 $0xFFFF, v5;
	[tilespmem:v13+s0+$0x0] =	vst.idx.add.f32.msk $0xffff, v1  }
0x19c: {  	v17 =	vshrl.u32 v6, $0x10;
	[tilespmem:v16+s0+$0x0] =	vst.idx.add.f32.msk $0xffff, v1  }
0x19d: {  	v6 =	vshrl.u32 v4, $0x10;
	[tilespmem:v10+s0+$0x0] =	vst.idx.add.f32.msk $0xffff, v1  }
0x19e: {  	v4 =	vshrl.u32 v14, $0x10;
	v8 =	vand.u32 $0xFFFF, v14;
	v13 =	vshrl.u32 v5, $0x10;
	[tilespmem:v9+s0+$0x0] =	vst.idx.add.f32.msk $0xffff, v1  }
0x19f: {  	v5 =	vshrl.u32 v11, $0x10;
	v16 =	vshrl.u32 v19, $0x10;
	v14 =	vshrl.u32 v12, $0x10;
	[tilespmem:v7+s0+$0x0] =	vst.idx.add.f32.msk $0xffff, v1  }
0x1a0: {  	v9 =	vand.u32 $0xFFFF, v19;
	v10 =	vand.u32 $0xFFFF, v11;
	v11 =	vand.u32 $0xFFFF, v12;
	[tilespmem:v18+s0+$0x0] =	vst.idx.add.f32.msk $0xffff, v1  }
0x1a1: {  	s3 =	simm.s32 $0x0;
	v7 =	vand.u32 $0xFFFF, v3;
	v12 =	vshrl.u32 v15, $0x10;
	v15 =	vand.u32 $0xFFFF, v15;
	[tilespmem:v17+s0+$0x0] =	vst.idx.add.f32.msk $0xffff, v1  }
.LBB2_16:
0x1a2: {  	s3 =	sadd.s32 $0x10, s3;
	[tilespmem:v6+s0+$0x0] =	vst.idx.add.f32.msk $0xffff, v1;
	s1 =	sadd.s32 $0x100, s1  }
0x1a3: {  	p0 =	slt.u32 s3, $0x170;
	[tilespmem:v13+s0+$0x0] =	vst.idx.add.f32.msk $0xffff, v1  }
0x1a4: {  	[tilespmem:v8+s0+$0x0] =	vst.idx.add.f32.msk $0xffff, v1  }
0x1a5: {  	v3 =	vshrl.u32 v3, $0x10;
	[tilespmem:v4+s0+$0x0] =	vst.idx.add.f32.msk $0xffff, v1  }
0x1a6: {  	[tilespmem:v9+s0+$0x0] =	vst.idx.add.f32.msk $0xffff, v1  }
0x1a7: {  	[tilespmem:v16+s0+$0x0] =	vst.idx.add.f32.msk $0xffff, v1  }
0x1a8: {  	[tilespmem:v10+s0+$0x0] =	vst.idx.add.f32.msk $0xffff, v1  }
0x1a9: {  	[tilespmem:v5+s0+$0x0] =	vst.idx.add.f32.msk $0xffff, v1  }
0x1aa: {  	[tilespmem:v11+s0+$0x0] =	vst.idx.add.f32.msk $0xffff, v1  }
0x1ab: {  	[tilespmem:v14+s0+$0x0] =	vst.idx.add.f32.msk $0xffff, v1  }
0x1ac: {  	[tilespmem:v7+s0+$0x0] =	vst.idx.add.f32.msk $0xffff, v1  }
0x1ad: {  	[tilespmem:v15+s0+$0x0] =	vst.idx.add.f32.msk $0xffff, v1  }
0x1ae: {  	[tilespmem:v12+s0+$0x0] =	vst.idx.add.f32.msk $0xffff, v1  }
0x1af: {  	[tilespmem:v3+s0+$0x0] =	vst.idx.add.f32.msk $0xffff, v1  }
0x1b0: {  	v5 =	vld [tilespmem:s1+$0xFFFFFFF0]  }
0x1b1: {  	v4 =	vld [tilespmem:s1+$0x0]  }
0x1b2: {  	v7 =	vld [tilespmem:s1+$0x10]  }
0x1b3: {  	v6 =	vld [tilespmem:s1+$0x20]  }
0x1b4: {  	v8 =	vld [tilespmem:s1+$0xFFFFFF80]  }
0x1b5: {  	v9 =	vld [tilespmem:s1+$0x70]  }
0x1b6: {  	v15 =	vld [tilespmem:s1+$0xFFFFFF90]  }
0x1b7: {  	v3 =	vld [tilespmem:s1+$0xFFFFFFA0]  }
0x1b8: {  	v12 =	vld [tilespmem:s1+$0xFFFFFFB0]  }
0x1b9: {  	v10 =	vand.u32 $0xFFFF, v8;
	v11 =	vld [tilespmem:s1+$0xFFFFFFC0]  }
0x1ba: {  	v8 =	vshrl.u32 v8, $0x10;
	v13 =	vld [tilespmem:s1+$0x60];
	v14 =	vand.u32 $0xFFFF, v9  }
0x1bb: {  	v16 =	vld [tilespmem:s1+$0x50]  }
0x1bc: {  	v9 =	vshrl.u32 v9, $0x10;
	v17 =	vld [tilespmem:s1+$0x40]  }
0x1bd: {  	v18 =	vld [tilespmem:s1+$0x30]  }
0x1be: {  	[tilespmem:v10+s0+$0x0] =	vst.idx.add.f32.msk $0xffff, v1  }
0x1bf: {  	[tilespmem:v8+s0+$0x0] =	vst.idx.add.f32.msk $0xffff, v1;
	v8 =	vand.u32 $0xFFFF, v13  }
0x1c0: {  	v13 =	vshrl.u32 v13, $0x10;
	v10 =	vand.u32 $0xFFFF, v16;
	[tilespmem:v14+s0+$0x0] =	vst.idx.add.f32.msk $0xffff, v1  }
0x1c1: {  	v16 =	vshrl.u32 v16, $0x10;
	v14 =	vand.u32 $0xFFFF, v17;
	[tilespmem:v9+s0+$0x0] =	vst.idx.add.f32.msk $0xffff, v1  }
0x1c2: {  	v17 =	vshrl.u32 v17, $0x10;
	v9 =	vld [tilespmem:s1+$0xFFFFFFE0];
	v19 =	vand.u32 $0xFFFF, v18  }
0x1c3: {  	v21 =	vand.u32 $0xFFFF, v6;
	v20 =	vld [tilespmem:s1+$0xFFFFFFD0]  }
0x1c4: {  	v22 =	vand.u32 $0xFFFF, v7;
	v23 =	vshrl.u32 v6, $0x10;
	v18 =	vshrl.u32 v18, $0x10;
	[tilespmem:v8+s0+$0x0] =	vst.idx.add.f32.msk $0xffff, v1  }
0x1c5: {  	v24 =	vand.u32 $0xFFFF, v4;
	v25 =	vshrl.u32 v7, $0x10;
	v6 =	vshrl.u32 v4, $0x10;
	[tilespmem:v13+s0+$0x0] =	vst.idx.add.f32.msk $0xffff, v1  }
0x1c6: {  	v26 =	vand.u32 $0xFFFF, v5;
	[tilespmem:v10+s0+$0x0] =	vst.idx.add.f32.msk $0xffff, v1  }
0x1c7: {  	v13 =	vshrl.u32 v5, $0x10;
	v4 =	vshrl.u32 v9, $0x10;
	v8 =	vand.u32 $0xFFFF, v9;
	[tilespmem:v16+s0+$0x0] =	vst.idx.add.f32.msk $0xffff, v1  }
0x1c8: {  	v9 =	vand.u32 $0xFFFF, v20;
	[tilespmem:v14+s0+$0x0] =	vst.idx.add.f32.msk $0xffff, v1  }
0x1c9: {  	v5 =	vshrl.u32 v11, $0x10;
	v10 =	vand.u32 $0xFFFF, v11;
	v16 =	vshrl.u32 v20, $0x10;
	[tilespmem:v17+s0+$0x0] =	vst.idx.add.f32.msk $0xffff, v1  }
0x1ca: {  	v11 =	vand.u32 $0xFFFF, v12;
	[tilespmem:v19+s0+$0x0] =	vst.idx.add.f32.msk $0xffff, v1  }
0x1cb: {  	v7 =	vand.u32 $0xFFFF, v3;
	v14 =	vshrl.u32 v12, $0x10;
	[tilespmem:v18+s0+$0x0] =	vst.idx.add.f32.msk $0xffff, v1  }
0x1cc: {  	v12 =	vshrl.u32 v15, $0x10;
	v15 =	vand.u32 $0xFFFF, v15;
	[tilespmem:v21+s0+$0x0] =	vst.idx.add.f32.msk $0xffff, v1  }
.Ltmp7:
0x1cd: {  	[tilespmem:v22+s0+$0x0] =	vst.idx.add.f32.msk $0xffff, v1;
	(pc) =	sbr.rel @p0 .LBB2_16-.Ltmp7, $4  }
0x1ce: {  	[tilespmem:v23+s0+$0x0] =	vst.idx.add.f32.msk $0xffff, v1  }
0x1cf: {  	[tilespmem:v24+s0+$0x0] =	vst.idx.add.f32.msk $0xffff, v1  }
0x1d0: {  	[tilespmem:v25+s0+$0x0] =	vst.idx.add.f32.msk $0xffff, v1  }
0x1d1: {  	[tilespmem:v26+s0+$0x0] =	vst.idx.add.f32.msk $0xffff, v1  }
0x1d2: {  	_ =	sdelay $0x3  }
0x1d3: {  	[tilespmem:v6+s0+$0x0] =	vst.idx.add.f32.msk $0xffff, v1  }
0x1d4: {  	[tilespmem:v13+s0+$0x0] =	vst.idx.add.f32.msk $0xffff, v1  }
0x1d5: {  	[tilespmem:v8+s0+$0x0] =	vst.idx.add.f32.msk $0xffff, v1  }
0x1d6: {  	[tilespmem:v9+s0+$0x0] =	vst.idx.add.f32.msk $0xffff, v1  }
0x1d7: {  	[tilespmem:v10+s0+$0x0] =	vst.idx.add.f32.msk $0xffff, v1  }
0x1d8: {  	[tilespmem:v11+s0+$0x0] =	vst.idx.add.f32.msk $0xffff, v1  }
0x1d9: {  	[tilespmem:v7+s0+$0x0] =	vst.idx.add.f32.msk $0xffff, v1  }
0x1da: {  	[tilespmem:v15+s0+$0x0] =	vst.idx.add.f32.msk $0xffff, v1  }
0x1db: {  	v3 =	vshrl.u32 v3, $0x10;
	[tilespmem:v4+s0+$0x0] =	vst.idx.add.f32.msk $0xffff, v1  }
0x1dc: {  	[tilespmem:v16+s0+$0x0] =	vst.idx.add.f32.msk $0xffff, v1  }
0x1dd: {  	[tilespmem:v5+s0+$0x0] =	vst.idx.add.f32.msk $0xffff, v1  }
0x1de: {  	[tilespmem:v14+s0+$0x0] =	vst.idx.add.f32.msk $0xffff, v1  }
0x1df: {  	[tilespmem:v12+s0+$0x0] =	vst.idx.add.f32.msk $0xffff, v1  }
0x1e0: {  	[tilespmem:v3+s0+$0x0] =	vst.idx.add.f32.msk $0xffff, v1  }
.LBB2_18:
0x1e1: {  	s1 =	sshra.s32 s0, $0x2  }
0x1e2: {  	v3 =	vld [tilespmem:s1+$0x8480];
	_ =	sdelay $0x4  }
0x1e3: {  	v4 =	vand.u32 $0xFFFF, v3  }
0x1e4: {  	p0 =	sne.s32 s0, $0x1C0;
	v3 =	vshrl.u32 v3, $0x10  }
.Ltmp8:
0x1e5: {  	_ = 	snop;
	(pc) =	sbr.rel @p0 .LBB2_18-.Ltmp8, $3  }
0x1e6: {  	_ =	sdelay $0x1  }
0x1e7: {  	[tilespmem:v4+s2+$0x0] =	vst.idx.add.f32.msk $0xffff, v1  }
0x1e8: {  	s0 =	sadd.s32 $0x40, s0;
	[tilespmem:v3+s2+$0x0] =	vst.idx.add.f32.msk $0xffff, v1  }
0x1e9: {  	[tilespmem:s24], [sflag:$0x2] =	stream.strided.gather [hbm4b:s8+s21], $0x1880, s22, s21, $0x38;
	[tilespmem:$0x8580] =	vst v63  }
0x1ea: {  	_ =	swait.ge [sflag:s25], $0x1880  }
0x1eb: {  	[sflag:s25] =	ssyncset.done $0x0  }
0x1ec: {  	s1 =	simm.s32 $0x5480;
	[sflag:s25] =	ssyncadd.s32 $0xFFFFE780  }
0x1ed: {  	v5 =	vld [tilespmem:s1+$0xFFFFFFF0]  }
0x1ee: {  	v4 =	vld [tilespmem:s1+$0x0]  }
0x1ef: {  	v6 =	vld [tilespmem:s1+$0x10]  }
0x1f0: {  	v7 =	vld [tilespmem:s1+$0x20]  }
0x1f1: {  	v8 =	vld [tilespmem:s1+$0xFFFFFF80]  }
0x1f2: {  	v9 =	vld [tilespmem:s1+$0x70]  }
0x1f3: {  	v15 =	vld [tilespmem:s1+$0xFFFFFF90]  }
0x1f4: {  	v3 =	vld [tilespmem:s1+$0xFFFFFFA0]  }
0x1f5: {  	v12 =	vld [tilespmem:s1+$0xFFFFFFB0]  }
0x1f6: {  	v11 =	vld [tilespmem:s1+$0xFFFFFFC0];
	v10 =	vand.u32 $0xFFFF, v8  }
0x1f7: {  	v13 =	vld [tilespmem:s1+$0x60];
	v8 =	vshrl.u32 v8, $0x10  }
0x1f8: {  	v16 =	vld [tilespmem:s1+$0x50];
	v14 =	vand.u32 $0xFFFF, v9  }
0x1f9: {  	v17 =	vld [tilespmem:s1+$0x40];
	v9 =	vshrl.u32 v9, $0x10  }
0x1fa: {  	s0 =	simm.s32 $0x0;
	v18 =	vld [tilespmem:s1+$0x30]  }
0x1fb: {  	[tilespmem:v10+s0+$0x0] =	vst.idx.add.f32.msk $0xffff, v1  }
0x1fc: {  	[tilespmem:v8+s0+$0x0] =	vst.idx.add.f32.msk $0xffff, v1;
	v8 =	vand.u32 $0xFFFF, v13  }
0x1fd: {  	v10 =	vshrl.u32 v13, $0x10;
	[tilespmem:v14+s0+$0x0] =	vst.idx.add.f32.msk $0xffff, v1;
	v13 =	vand.u32 $0xFFFF, v16  }
0x1fe: {  	[tilespmem:v9+s0+$0x0] =	vst.idx.add.f32.msk $0xffff, v1;
	v9 =	vshrl.u32 v16, $0x10;
	v16 =	vand.u32 $0xFFFF, v17  }
0x1ff: {  	v19 =	vld [tilespmem:s1+$0xFFFFFFD0]  }
0x200: {  	v14 =	vld [tilespmem:s1+$0xFFFFFFE0]  }
0x201: {  	v17 =	vshrl.u32 v17, $0x10;
	[tilespmem:v8+s0+$0x0] =	vst.idx.add.f32.msk $0xffff, v1  }
0x202: {  	v8 =	vand.u32 $0xFFFF, v18;
	[tilespmem:v13+s0+$0x0] =	vst.idx.add.f32.msk $0xffff, v1  }
0x203: {  	v13 =	vand.u32 $0xFFFF, v7;
	[tilespmem:v16+s0+$0x0] =	vst.idx.add.f32.msk $0xffff, v1  }
0x204: {  	v16 =	vand.u32 $0xFFFF, v4;
	[tilespmem:v10+s0+$0x0] =	vst.idx.add.f32.msk $0xffff, v1  }
0x205: {  	v10 =	vshrl.u32 v18, $0x10;
	[tilespmem:v9+s0+$0x0] =	vst.idx.add.f32.msk $0xffff, v1  }
0x206: {  	v9 =	vand.u32 $0xFFFF, v6;
	[tilespmem:v17+s0+$0x0] =	vst.idx.add.f32.msk $0xffff, v1  }
0x207: {  	v7 =	vshrl.u32 v7, $0x10;
	[tilespmem:v8+s0+$0x0] =	vst.idx.add.f32.msk $0xffff, v1  }
0x208: {  	v18 =	vand.u32 $0xFFFF, v5;
	[tilespmem:v13+s0+$0x0] =	vst.idx.add.f32.msk $0xffff, v1  }
0x209: {  	v17 =	vshrl.u32 v6, $0x10;
	[tilespmem:v16+s0+$0x0] =	vst.idx.add.f32.msk $0xffff, v1  }
0x20a: {  	v6 =	vshrl.u32 v4, $0x10;
	[tilespmem:v10+s0+$0x0] =	vst.idx.add.f32.msk $0xffff, v1  }
0x20b: {  	v4 =	vshrl.u32 v14, $0x10;
	v8 =	vand.u32 $0xFFFF, v14;
	v13 =	vshrl.u32 v5, $0x10;
	[tilespmem:v9+s0+$0x0] =	vst.idx.add.f32.msk $0xffff, v1  }
0x20c: {  	v5 =	vshrl.u32 v11, $0x10;
	v16 =	vshrl.u32 v19, $0x10;
	v14 =	vshrl.u32 v12, $0x10;
	[tilespmem:v7+s0+$0x0] =	vst.idx.add.f32.msk $0xffff, v1  }
0x20d: {  	v9 =	vand.u32 $0xFFFF, v19;
	v10 =	vand.u32 $0xFFFF, v11;
	v11 =	vand.u32 $0xFFFF, v12;
	[tilespmem:v18+s0+$0x0] =	vst.idx.add.f32.msk $0xffff, v1  }
0x20e: {  	s3 =	simm.s32 $0x0;
	v7 =	vand.u32 $0xFFFF, v3;
	v12 =	vshrl.u32 v15, $0x10;
	v15 =	vand.u32 $0xFFFF, v15;
	[tilespmem:v17+s0+$0x0] =	vst.idx.add.f32.msk $0xffff, v1  }
.LBB2_20:
0x20f: {  	s3 =	sadd.s32 $0x10, s3;
	[tilespmem:v6+s0+$0x0] =	vst.idx.add.f32.msk $0xffff, v1;
	s1 =	sadd.s32 $0x100, s1  }
0x210: {  	p0 =	slt.u32 s3, $0x170;
	[tilespmem:v13+s0+$0x0] =	vst.idx.add.f32.msk $0xffff, v1  }
0x211: {  	[tilespmem:v8+s0+$0x0] =	vst.idx.add.f32.msk $0xffff, v1  }
0x212: {  	v3 =	vshrl.u32 v3, $0x10;
	[tilespmem:v4+s0+$0x0] =	vst.idx.add.f32.msk $0xffff, v1  }
0x213: {  	[tilespmem:v9+s0+$0x0] =	vst.idx.add.f32.msk $0xffff, v1  }
0x214: {  	[tilespmem:v16+s0+$0x0] =	vst.idx.add.f32.msk $0xffff, v1  }
0x215: {  	[tilespmem:v10+s0+$0x0] =	vst.idx.add.f32.msk $0xffff, v1  }
0x216: {  	[tilespmem:v5+s0+$0x0] =	vst.idx.add.f32.msk $0xffff, v1  }
0x217: {  	[tilespmem:v11+s0+$0x0] =	vst.idx.add.f32.msk $0xffff, v1  }
0x218: {  	[tilespmem:v14+s0+$0x0] =	vst.idx.add.f32.msk $0xffff, v1  }
0x219: {  	[tilespmem:v7+s0+$0x0] =	vst.idx.add.f32.msk $0xffff, v1  }
0x21a: {  	[tilespmem:v15+s0+$0x0] =	vst.idx.add.f32.msk $0xffff, v1  }
0x21b: {  	[tilespmem:v12+s0+$0x0] =	vst.idx.add.f32.msk $0xffff, v1  }
0x21c: {  	[tilespmem:v3+s0+$0x0] =	vst.idx.add.f32.msk $0xffff, v1  }
0x21d: {  	v5 =	vld [tilespmem:s1+$0xFFFFFFF0]  }
0x21e: {  	v4 =	vld [tilespmem:s1+$0x0]  }
0x21f: {  	v7 =	vld [tilespmem:s1+$0x10]  }
0x220: {  	v6 =	vld [tilespmem:s1+$0x20]  }
0x221: {  	v8 =	vld [tilespmem:s1+$0xFFFFFF80]  }
0x222: {  	v9 =	vld [tilespmem:s1+$0x70]  }
0x223: {  	v15 =	vld [tilespmem:s1+$0xFFFFFF90]  }
0x224: {  	v3 =	vld [tilespmem:s1+$0xFFFFFFA0]  }
0x225: {  	v12 =	vld [tilespmem:s1+$0xFFFFFFB0]  }
0x226: {  	v10 =	vand.u32 $0xFFFF, v8;
	v11 =	vld [tilespmem:s1+$0xFFFFFFC0]  }
0x227: {  	v8 =	vshrl.u32 v8, $0x10;
	v13 =	vld [tilespmem:s1+$0x60];
	v14 =	vand.u32 $0xFFFF, v9  }
0x228: {  	v16 =	vld [tilespmem:s1+$0x50]  }
0x229: {  	v9 =	vshrl.u32 v9, $0x10;
	v17 =	vld [tilespmem:s1+$0x40]  }
0x22a: {  	v18 =	vld [tilespmem:s1+$0x30]  }
0x22b: {  	[tilespmem:v10+s0+$0x0] =	vst.idx.add.f32.msk $0xffff, v1  }
0x22c: {  	[tilespmem:v8+s0+$0x0] =	vst.idx.add.f32.msk $0xffff, v1;
	v8 =	vand.u32 $0xFFFF, v13  }
0x22d: {  	v13 =	vshrl.u32 v13, $0x10;
	v10 =	vand.u32 $0xFFFF, v16;
	[tilespmem:v14+s0+$0x0] =	vst.idx.add.f32.msk $0xffff, v1  }
0x22e: {  	v16 =	vshrl.u32 v16, $0x10;
	v14 =	vand.u32 $0xFFFF, v17;
	[tilespmem:v9+s0+$0x0] =	vst.idx.add.f32.msk $0xffff, v1  }
0x22f: {  	v17 =	vshrl.u32 v17, $0x10;
	v9 =	vld [tilespmem:s1+$0xFFFFFFE0];
	v19 =	vand.u32 $0xFFFF, v18  }
0x230: {  	v21 =	vand.u32 $0xFFFF, v6;
	v20 =	vld [tilespmem:s1+$0xFFFFFFD0]  }
0x231: {  	v22 =	vand.u32 $0xFFFF, v7;
	v23 =	vshrl.u32 v6, $0x10;
	v18 =	vshrl.u32 v18, $0x10;
	[tilespmem:v8+s0+$0x0] =	vst.idx.add.f32.msk $0xffff, v1  }
0x232: {  	v24 =	vand.u32 $0xFFFF, v4;
	v25 =	vshrl.u32 v7, $0x10;
	v6 =	vshrl.u32 v4, $0x10;
	[tilespmem:v13+s0+$0x0] =	vst.idx.add.f32.msk $0xffff, v1  }
0x233: {  	v26 =	vand.u32 $0xFFFF, v5;
	[tilespmem:v10+s0+$0x0] =	vst.idx.add.f32.msk $0xffff, v1  }
0x234: {  	v13 =	vshrl.u32 v5, $0x10;
	v4 =	vshrl.u32 v9, $0x10;
	v8 =	vand.u32 $0xFFFF, v9;
	[tilespmem:v16+s0+$0x0] =	vst.idx.add.f32.msk $0xffff, v1  }
0x235: {  	v9 =	vand.u32 $0xFFFF, v20;
	[tilespmem:v14+s0+$0x0] =	vst.idx.add.f32.msk $0xffff, v1  }
0x236: {  	v5 =	vshrl.u32 v11, $0x10;
	v10 =	vand.u32 $0xFFFF, v11;
	v16 =	vshrl.u32 v20, $0x10;
	[tilespmem:v17+s0+$0x0] =	vst.idx.add.f32.msk $0xffff, v1  }
0x237: {  	v11 =	vand.u32 $0xFFFF, v12;
	[tilespmem:v19+s0+$0x0] =	vst.idx.add.f32.msk $0xffff, v1  }
0x238: {  	v7 =	vand.u32 $0xFFFF, v3;
	v14 =	vshrl.u32 v12, $0x10;
	[tilespmem:v18+s0+$0x0] =	vst.idx.add.f32.msk $0xffff, v1  }
0x239: {  	v12 =	vshrl.u32 v15, $0x10;
	v15 =	vand.u32 $0xFFFF, v15;
	[tilespmem:v21+s0+$0x0] =	vst.idx.add.f32.msk $0xffff, v1  }
.Ltmp9:
0x23a: {  	[tilespmem:v22+s0+$0x0] =	vst.idx.add.f32.msk $0xffff, v1;
	(pc) =	sbr.rel @p0 .LBB2_20-.Ltmp9, $4  }
0x23b: {  	[tilespmem:v23+s0+$0x0] =	vst.idx.add.f32.msk $0xffff, v1  }
0x23c: {  	[tilespmem:v24+s0+$0x0] =	vst.idx.add.f32.msk $0xffff, v1  }
0x23d: {  	[tilespmem:v25+s0+$0x0] =	vst.idx.add.f32.msk $0xffff, v1  }
0x23e: {  	[tilespmem:v26+s0+$0x0] =	vst.idx.add.f32.msk $0xffff, v1  }
0x23f: {  	_ =	sdelay $0x3  }
0x240: {  	[tilespmem:v6+s0+$0x0] =	vst.idx.add.f32.msk $0xffff, v1  }
0x241: {  	[tilespmem:v13+s0+$0x0] =	vst.idx.add.f32.msk $0xffff, v1  }
0x242: {  	[tilespmem:v8+s0+$0x0] =	vst.idx.add.f32.msk $0xffff, v1  }
0x243: {  	[tilespmem:v9+s0+$0x0] =	vst.idx.add.f32.msk $0xffff, v1  }
0x244: {  	[tilespmem:v10+s0+$0x0] =	vst.idx.add.f32.msk $0xffff, v1  }
0x245: {  	[tilespmem:v11+s0+$0x0] =	vst.idx.add.f32.msk $0xffff, v1  }
0x246: {  	[tilespmem:v7+s0+$0x0] =	vst.idx.add.f32.msk $0xffff, v1  }
0x247: {  	[tilespmem:v15+s0+$0x0] =	vst.idx.add.f32.msk $0xffff, v1  }
0x248: {  	v3 =	vshrl.u32 v3, $0x10;
	[tilespmem:v4+s0+$0x0] =	vst.idx.add.f32.msk $0xffff, v1  }
0x249: {  	[tilespmem:v16+s0+$0x0] =	vst.idx.add.f32.msk $0xffff, v1  }
0x24a: {  	[tilespmem:v5+s0+$0x0] =	vst.idx.add.f32.msk $0xffff, v1  }
0x24b: {  	[tilespmem:v14+s0+$0x0] =	vst.idx.add.f32.msk $0xffff, v1  }
0x24c: {  	[tilespmem:v12+s0+$0x0] =	vst.idx.add.f32.msk $0xffff, v1  }
0x24d: {  	[tilespmem:v3+s0+$0x0] =	vst.idx.add.f32.msk $0xffff, v1  }
.LBB2_22:
0x24e: {  	s1 =	sshra.s32 s0, $0x2  }
0x24f: {  	v3 =	vld [tilespmem:s1+$0x6C00];
	_ =	sdelay $0x4  }
0x250: {  	v4 =	vand.u32 $0xFFFF, v3  }
0x251: {  	p0 =	sne.s32 s0, $0x1C0;
	v3 =	vshrl.u32 v3, $0x10  }
.Ltmp10:
0x252: {  	_ = 	snop;
	(pc) =	sbr.rel @p0 .LBB2_22-.Ltmp10, $3  }
0x253: {  	_ =	sdelay $0x1  }
0x254: {  	[tilespmem:v4+s2+$0x0] =	vst.idx.add.f32.msk $0xffff, v1  }
0x255: {  	s0 =	sadd.s32 $0x40, s0;
	[tilespmem:v3+s2+$0x0] =	vst.idx.add.f32.msk $0xffff, v1  }
0x256: {  	[tilespmem:s23], [sflag:$0x1] =	stream.strided.gather [hbm4b:s9+s21], $0x1880, s22, s21, $0x38;
	[tilespmem:$0x8580] =	vst v63  }
0x257: {  	_ =	swait.ge [sflag:s26], $0x1880  }
0x258: {  	[sflag:s26] =	ssyncset.done $0x0  }
0x259: {  	s1 =	simm.s32 $0x6D00;
	[sflag:s26] =	ssyncadd.s32 $0xFFFFE780  }
0x25a: {  	v5 =	vld [tilespmem:s1+$0xFFFFFFF0]  }
0x25b: {  	v4 =	vld [tilespmem:s1+$0x0]  }
0x25c: {  	v6 =	vld [tilespmem:s1+$0x10]  }
0x25d: {  	v7 =	vld [tilespmem:s1+$0x20]  }
0x25e: {  	v8 =	vld [tilespmem:s1+$0xFFFFFF80]  }
0x25f: {  	v9 =	vld [tilespmem:s1+$0x70]  }
0x260: {  	v15 =	vld [tilespmem:s1+$0xFFFFFF90]  }
0x261: {  	v3 =	vld [tilespmem:s1+$0xFFFFFFA0]  }
0x262: {  	v12 =	vld [tilespmem:s1+$0xFFFFFFB0]  }
0x263: {  	v11 =	vld [tilespmem:s1+$0xFFFFFFC0];
	v10 =	vand.u32 $0xFFFF, v8  }
0x264: {  	v13 =	vld [tilespmem:s1+$0x60];
	v8 =	vshrl.u32 v8, $0x10  }
0x265: {  	v16 =	vld [tilespmem:s1+$0x50];
	v14 =	vand.u32 $0xFFFF, v9  }
0x266: {  	v17 =	vld [tilespmem:s1+$0x40];
	v9 =	vshrl.u32 v9, $0x10  }
0x267: {  	s0 =	simm.s32 $0x0;
	v18 =	vld [tilespmem:s1+$0x30]  }
0x268: {  	[tilespmem:v10+s0+$0x0] =	vst.idx.add.f32.msk $0xffff, v1  }
0x269: {  	[tilespmem:v8+s0+$0x0] =	vst.idx.add.f32.msk $0xffff, v1;
	v8 =	vand.u32 $0xFFFF, v13  }
0x26a: {  	v10 =	vshrl.u32 v13, $0x10;
	[tilespmem:v14+s0+$0x0] =	vst.idx.add.f32.msk $0xffff, v1;
	v13 =	vand.u32 $0xFFFF, v16  }
0x26b: {  	[tilespmem:v9+s0+$0x0] =	vst.idx.add.f32.msk $0xffff, v1;
	v9 =	vshrl.u32 v16, $0x10;
	v16 =	vand.u32 $0xFFFF, v17  }
0x26c: {  	v19 =	vld [tilespmem:s1+$0xFFFFFFD0]  }
0x26d: {  	v14 =	vld [tilespmem:s1+$0xFFFFFFE0]  }
0x26e: {  	v17 =	vshrl.u32 v17, $0x10;
	[tilespmem:v8+s0+$0x0] =	vst.idx.add.f32.msk $0xffff, v1  }
0x26f: {  	v8 =	vand.u32 $0xFFFF, v18;
	[tilespmem:v13+s0+$0x0] =	vst.idx.add.f32.msk $0xffff, v1  }
0x270: {  	v13 =	vand.u32 $0xFFFF, v7;
	[tilespmem:v16+s0+$0x0] =	vst.idx.add.f32.msk $0xffff, v1  }
0x271: {  	v16 =	vand.u32 $0xFFFF, v4;
	[tilespmem:v10+s0+$0x0] =	vst.idx.add.f32.msk $0xffff, v1  }
0x272: {  	v10 =	vshrl.u32 v18, $0x10;
	[tilespmem:v9+s0+$0x0] =	vst.idx.add.f32.msk $0xffff, v1  }
0x273: {  	v9 =	vand.u32 $0xFFFF, v6;
	[tilespmem:v17+s0+$0x0] =	vst.idx.add.f32.msk $0xffff, v1  }
0x274: {  	v7 =	vshrl.u32 v7, $0x10;
	[tilespmem:v8+s0+$0x0] =	vst.idx.add.f32.msk $0xffff, v1  }
0x275: {  	v18 =	vand.u32 $0xFFFF, v5;
	[tilespmem:v13+s0+$0x0] =	vst.idx.add.f32.msk $0xffff, v1  }
0x276: {  	v17 =	vshrl.u32 v6, $0x10;
	[tilespmem:v16+s0+$0x0] =	vst.idx.add.f32.msk $0xffff, v1  }
0x277: {  	v6 =	vshrl.u32 v4, $0x10;
	[tilespmem:v10+s0+$0x0] =	vst.idx.add.f32.msk $0xffff, v1  }
0x278: {  	v4 =	vshrl.u32 v14, $0x10;
	v8 =	vand.u32 $0xFFFF, v14;
	v13 =	vshrl.u32 v5, $0x10;
	[tilespmem:v9+s0+$0x0] =	vst.idx.add.f32.msk $0xffff, v1  }
0x279: {  	v5 =	vshrl.u32 v11, $0x10;
	v16 =	vshrl.u32 v19, $0x10;
	v14 =	vshrl.u32 v12, $0x10;
	[tilespmem:v7+s0+$0x0] =	vst.idx.add.f32.msk $0xffff, v1  }
0x27a: {  	v9 =	vand.u32 $0xFFFF, v19;
	v10 =	vand.u32 $0xFFFF, v11;
	v11 =	vand.u32 $0xFFFF, v12;
	[tilespmem:v18+s0+$0x0] =	vst.idx.add.f32.msk $0xffff, v1  }
0x27b: {  	s3 =	simm.s32 $0x0;
	v7 =	vand.u32 $0xFFFF, v3;
	v12 =	vshrl.u32 v15, $0x10;
	v15 =	vand.u32 $0xFFFF, v15;
	[tilespmem:v17+s0+$0x0] =	vst.idx.add.f32.msk $0xffff, v1  }
.LBB2_24:
0x27c: {  	s3 =	sadd.s32 $0x10, s3;
	[tilespmem:v6+s0+$0x0] =	vst.idx.add.f32.msk $0xffff, v1;
	s1 =	sadd.s32 $0x100, s1  }
0x27d: {  	p0 =	slt.u32 s3, $0x170;
	[tilespmem:v13+s0+$0x0] =	vst.idx.add.f32.msk $0xffff, v1  }
0x27e: {  	[tilespmem:v8+s0+$0x0] =	vst.idx.add.f32.msk $0xffff, v1  }
0x27f: {  	v3 =	vshrl.u32 v3, $0x10;
	[tilespmem:v4+s0+$0x0] =	vst.idx.add.f32.msk $0xffff, v1  }
0x280: {  	[tilespmem:v9+s0+$0x0] =	vst.idx.add.f32.msk $0xffff, v1  }
0x281: {  	[tilespmem:v16+s0+$0x0] =	vst.idx.add.f32.msk $0xffff, v1  }
0x282: {  	[tilespmem:v10+s0+$0x0] =	vst.idx.add.f32.msk $0xffff, v1  }
0x283: {  	[tilespmem:v5+s0+$0x0] =	vst.idx.add.f32.msk $0xffff, v1  }
0x284: {  	[tilespmem:v11+s0+$0x0] =	vst.idx.add.f32.msk $0xffff, v1  }
0x285: {  	[tilespmem:v14+s0+$0x0] =	vst.idx.add.f32.msk $0xffff, v1  }
0x286: {  	[tilespmem:v7+s0+$0x0] =	vst.idx.add.f32.msk $0xffff, v1  }
0x287: {  	[tilespmem:v15+s0+$0x0] =	vst.idx.add.f32.msk $0xffff, v1  }
0x288: {  	[tilespmem:v12+s0+$0x0] =	vst.idx.add.f32.msk $0xffff, v1  }
0x289: {  	[tilespmem:v3+s0+$0x0] =	vst.idx.add.f32.msk $0xffff, v1  }
0x28a: {  	v5 =	vld [tilespmem:s1+$0xFFFFFFF0]  }
0x28b: {  	v4 =	vld [tilespmem:s1+$0x0]  }
0x28c: {  	v7 =	vld [tilespmem:s1+$0x10]  }
0x28d: {  	v6 =	vld [tilespmem:s1+$0x20]  }
0x28e: {  	v8 =	vld [tilespmem:s1+$0xFFFFFF80]  }
0x28f: {  	v9 =	vld [tilespmem:s1+$0x70]  }
0x290: {  	v15 =	vld [tilespmem:s1+$0xFFFFFF90]  }
0x291: {  	v3 =	vld [tilespmem:s1+$0xFFFFFFA0]  }
0x292: {  	v12 =	vld [tilespmem:s1+$0xFFFFFFB0]  }
0x293: {  	v10 =	vand.u32 $0xFFFF, v8;
	v11 =	vld [tilespmem:s1+$0xFFFFFFC0]  }
0x294: {  	v8 =	vshrl.u32 v8, $0x10;
	v13 =	vld [tilespmem:s1+$0x60];
	v14 =	vand.u32 $0xFFFF, v9  }
0x295: {  	v16 =	vld [tilespmem:s1+$0x50]  }
0x296: {  	v9 =	vshrl.u32 v9, $0x10;
	v17 =	vld [tilespmem:s1+$0x40]  }
0x297: {  	v18 =	vld [tilespmem:s1+$0x30]  }
0x298: {  	[tilespmem:v10+s0+$0x0] =	vst.idx.add.f32.msk $0xffff, v1  }
0x299: {  	[tilespmem:v8+s0+$0x0] =	vst.idx.add.f32.msk $0xffff, v1;
	v8 =	vand.u32 $0xFFFF, v13  }
0x29a: {  	v13 =	vshrl.u32 v13, $0x10;
	v10 =	vand.u32 $0xFFFF, v16;
	[tilespmem:v14+s0+$0x0] =	vst.idx.add.f32.msk $0xffff, v1  }
0x29b: {  	v16 =	vshrl.u32 v16, $0x10;
	v14 =	vand.u32 $0xFFFF, v17;
	[tilespmem:v9+s0+$0x0] =	vst.idx.add.f32.msk $0xffff, v1  }
0x29c: {  	v17 =	vshrl.u32 v17, $0x10;
	v9 =	vld [tilespmem:s1+$0xFFFFFFE0];
	v19 =	vand.u32 $0xFFFF, v18  }
0x29d: {  	v21 =	vand.u32 $0xFFFF, v6;
	v20 =	vld [tilespmem:s1+$0xFFFFFFD0]  }
0x29e: {  	v22 =	vand.u32 $0xFFFF, v7;
	v23 =	vshrl.u32 v6, $0x10;
	v18 =	vshrl.u32 v18, $0x10;
	[tilespmem:v8+s0+$0x0] =	vst.idx.add.f32.msk $0xffff, v1  }
0x29f: {  	v24 =	vand.u32 $0xFFFF, v4;
	v25 =	vshrl.u32 v7, $0x10;
	v6 =	vshrl.u32 v4, $0x10;
	[tilespmem:v13+s0+$0x0] =	vst.idx.add.f32.msk $0xffff, v1  }
0x2a0: {  	v26 =	vand.u32 $0xFFFF, v5;
	[tilespmem:v10+s0+$0x0] =	vst.idx.add.f32.msk $0xffff, v1  }
0x2a1: {  	v13 =	vshrl.u32 v5, $0x10;
	v4 =	vshrl.u32 v9, $0x10;
	v8 =	vand.u32 $0xFFFF, v9;
	[tilespmem:v16+s0+$0x0] =	vst.idx.add.f32.msk $0xffff, v1  }
0x2a2: {  	v9 =	vand.u32 $0xFFFF, v20;
	[tilespmem:v14+s0+$0x0] =	vst.idx.add.f32.msk $0xffff, v1  }
0x2a3: {  	v5 =	vshrl.u32 v11, $0x10;
	v10 =	vand.u32 $0xFFFF, v11;
	v16 =	vshrl.u32 v20, $0x10;
	[tilespmem:v17+s0+$0x0] =	vst.idx.add.f32.msk $0xffff, v1  }
0x2a4: {  	v11 =	vand.u32 $0xFFFF, v12;
	[tilespmem:v19+s0+$0x0] =	vst.idx.add.f32.msk $0xffff, v1  }
0x2a5: {  	v7 =	vand.u32 $0xFFFF, v3;
	v14 =	vshrl.u32 v12, $0x10;
	[tilespmem:v18+s0+$0x0] =	vst.idx.add.f32.msk $0xffff, v1  }
0x2a6: {  	v12 =	vshrl.u32 v15, $0x10;
	v15 =	vand.u32 $0xFFFF, v15;
	[tilespmem:v21+s0+$0x0] =	vst.idx.add.f32.msk $0xffff, v1  }
.Ltmp11:
0x2a7: {  	[tilespmem:v22+s0+$0x0] =	vst.idx.add.f32.msk $0xffff, v1;
	(pc) =	sbr.rel @p0 .LBB2_24-.Ltmp11, $4  }
0x2a8: {  	[tilespmem:v23+s0+$0x0] =	vst.idx.add.f32.msk $0xffff, v1  }
0x2a9: {  	[tilespmem:v24+s0+$0x0] =	vst.idx.add.f32.msk $0xffff, v1  }
0x2aa: {  	[tilespmem:v25+s0+$0x0] =	vst.idx.add.f32.msk $0xffff, v1  }
0x2ab: {  	[tilespmem:v26+s0+$0x0] =	vst.idx.add.f32.msk $0xffff, v1  }
0x2ac: {  	_ =	sdelay $0x3  }
0x2ad: {  	[tilespmem:v6+s0+$0x0] =	vst.idx.add.f32.msk $0xffff, v1  }
0x2ae: {  	[tilespmem:v13+s0+$0x0] =	vst.idx.add.f32.msk $0xffff, v1  }
0x2af: {  	[tilespmem:v8+s0+$0x0] =	vst.idx.add.f32.msk $0xffff, v1  }
0x2b0: {  	[tilespmem:v9+s0+$0x0] =	vst.idx.add.f32.msk $0xffff, v1  }
0x2b1: {  	[tilespmem:v10+s0+$0x0] =	vst.idx.add.f32.msk $0xffff, v1  }
0x2b2: {  	[tilespmem:v11+s0+$0x0] =	vst.idx.add.f32.msk $0xffff, v1  }
0x2b3: {  	[tilespmem:v7+s0+$0x0] =	vst.idx.add.f32.msk $0xffff, v1  }
0x2b4: {  	[tilespmem:v15+s0+$0x0] =	vst.idx.add.f32.msk $0xffff, v1  }
0x2b5: {  	v3 =	vshrl.u32 v3, $0x10;
	[tilespmem:v4+s0+$0x0] =	vst.idx.add.f32.msk $0xffff, v1  }
0x2b6: {  	[tilespmem:v16+s0+$0x0] =	vst.idx.add.f32.msk $0xffff, v1  }
0x2b7: {  	[tilespmem:v5+s0+$0x0] =	vst.idx.add.f32.msk $0xffff, v1  }
0x2b8: {  	[tilespmem:v14+s0+$0x0] =	vst.idx.add.f32.msk $0xffff, v1  }
0x2b9: {  	[tilespmem:v12+s0+$0x0] =	vst.idx.add.f32.msk $0xffff, v1  }
0x2ba: {  	[tilespmem:v3+s0+$0x0] =	vst.idx.add.f32.msk $0xffff, v1  }
.LBB2_26:
0x2bb: {  	s1 =	sshra.s32 s0, $0x2  }
0x2bc: {  	v3 =	vld [tilespmem:s1+$0x8480];
	_ =	sdelay $0x4  }
0x2bd: {  	v4 =	vand.u32 $0xFFFF, v3  }
0x2be: {  	p0 =	sne.s32 s0, $0x1C0;
	v3 =	vshrl.u32 v3, $0x10  }
.Ltmp12:
0x2bf: {  	_ = 	snop;
	(pc) =	sbr.rel @p0 .LBB2_26-.Ltmp12, $3  }
0x2c0: {  	_ =	sdelay $0x1  }
0x2c1: {  	[tilespmem:v4+s2+$0x0] =	vst.idx.add.f32.msk $0xffff, v1  }
0x2c2: {  	s0 =	sadd.s32 $0x40, s0;
	[tilespmem:v3+s2+$0x0] =	vst.idx.add.f32.msk $0xffff, v1  }
0x2c3: {  	[tilespmem:s24], [sflag:$0x2] =	stream.strided.gather [hbm4b:s10+s21], $0x1880, s22, s21, $0x38;
	[tilespmem:$0x8580] =	vst v63  }
0x2c4: {  	_ =	swait.ge [sflag:s25], $0x1880  }
0x2c5: {  	[sflag:s25] =	ssyncset.done $0x0  }
0x2c6: {  	s1 =	simm.s32 $0x5480;
	[sflag:s25] =	ssyncadd.s32 $0xFFFFE780  }
0x2c7: {  	v5 =	vld [tilespmem:s1+$0xFFFFFFF0]  }
0x2c8: {  	v4 =	vld [tilespmem:s1+$0x0]  }
0x2c9: {  	v6 =	vld [tilespmem:s1+$0x10]  }
0x2ca: {  	v7 =	vld [tilespmem:s1+$0x20]  }
0x2cb: {  	v8 =	vld [tilespmem:s1+$0xFFFFFF80]  }
0x2cc: {  	v9 =	vld [tilespmem:s1+$0x70]  }
0x2cd: {  	v15 =	vld [tilespmem:s1+$0xFFFFFF90]  }
0x2ce: {  	v3 =	vld [tilespmem:s1+$0xFFFFFFA0]  }
0x2cf: {  	v12 =	vld [tilespmem:s1+$0xFFFFFFB0]  }
0x2d0: {  	v11 =	vld [tilespmem:s1+$0xFFFFFFC0];
	v10 =	vand.u32 $0xFFFF, v8  }
0x2d1: {  	v13 =	vld [tilespmem:s1+$0x60];
	v8 =	vshrl.u32 v8, $0x10  }
0x2d2: {  	v16 =	vld [tilespmem:s1+$0x50];
	v14 =	vand.u32 $0xFFFF, v9  }
0x2d3: {  	v17 =	vld [tilespmem:s1+$0x40];
	v9 =	vshrl.u32 v9, $0x10  }
0x2d4: {  	s0 =	simm.s32 $0x0;
	v18 =	vld [tilespmem:s1+$0x30]  }
0x2d5: {  	[tilespmem:v10+s0+$0x0] =	vst.idx.add.f32.msk $0xffff, v1  }
0x2d6: {  	[tilespmem:v8+s0+$0x0] =	vst.idx.add.f32.msk $0xffff, v1;
	v8 =	vand.u32 $0xFFFF, v13  }
0x2d7: {  	v10 =	vshrl.u32 v13, $0x10;
	[tilespmem:v14+s0+$0x0] =	vst.idx.add.f32.msk $0xffff, v1;
	v13 =	vand.u32 $0xFFFF, v16  }
0x2d8: {  	[tilespmem:v9+s0+$0x0] =	vst.idx.add.f32.msk $0xffff, v1;
	v9 =	vshrl.u32 v16, $0x10;
	v16 =	vand.u32 $0xFFFF, v17  }
0x2d9: {  	v19 =	vld [tilespmem:s1+$0xFFFFFFD0]  }
0x2da: {  	v14 =	vld [tilespmem:s1+$0xFFFFFFE0]  }
0x2db: {  	v17 =	vshrl.u32 v17, $0x10;
	[tilespmem:v8+s0+$0x0] =	vst.idx.add.f32.msk $0xffff, v1  }
0x2dc: {  	v8 =	vand.u32 $0xFFFF, v18;
	[tilespmem:v13+s0+$0x0] =	vst.idx.add.f32.msk $0xffff, v1  }
0x2dd: {  	v13 =	vand.u32 $0xFFFF, v7;
	[tilespmem:v16+s0+$0x0] =	vst.idx.add.f32.msk $0xffff, v1  }
0x2de: {  	v16 =	vand.u32 $0xFFFF, v4;
	[tilespmem:v10+s0+$0x0] =	vst.idx.add.f32.msk $0xffff, v1  }
0x2df: {  	v10 =	vshrl.u32 v18, $0x10;
	[tilespmem:v9+s0+$0x0] =	vst.idx.add.f32.msk $0xffff, v1  }
0x2e0: {  	v9 =	vand.u32 $0xFFFF, v6;
	[tilespmem:v17+s0+$0x0] =	vst.idx.add.f32.msk $0xffff, v1  }
0x2e1: {  	v7 =	vshrl.u32 v7, $0x10;
	[tilespmem:v8+s0+$0x0] =	vst.idx.add.f32.msk $0xffff, v1  }
0x2e2: {  	v18 =	vand.u32 $0xFFFF, v5;
	[tilespmem:v13+s0+$0x0] =	vst.idx.add.f32.msk $0xffff, v1  }
0x2e3: {  	v17 =	vshrl.u32 v6, $0x10;
	[tilespmem:v16+s0+$0x0] =	vst.idx.add.f32.msk $0xffff, v1  }
0x2e4: {  	v6 =	vshrl.u32 v4, $0x10;
	[tilespmem:v10+s0+$0x0] =	vst.idx.add.f32.msk $0xffff, v1  }
0x2e5: {  	v4 =	vshrl.u32 v14, $0x10;
	v8 =	vand.u32 $0xFFFF, v14;
	v13 =	vshrl.u32 v5, $0x10;
	[tilespmem:v9+s0+$0x0] =	vst.idx.add.f32.msk $0xffff, v1  }
0x2e6: {  	v5 =	vshrl.u32 v11, $0x10;
	v16 =	vshrl.u32 v19, $0x10;
	v14 =	vshrl.u32 v12, $0x10;
	[tilespmem:v7+s0+$0x0] =	vst.idx.add.f32.msk $0xffff, v1  }
0x2e7: {  	v9 =	vand.u32 $0xFFFF, v19;
	v10 =	vand.u32 $0xFFFF, v11;
	v11 =	vand.u32 $0xFFFF, v12;
	[tilespmem:v18+s0+$0x0] =	vst.idx.add.f32.msk $0xffff, v1  }
0x2e8: {  	s3 =	simm.s32 $0x0;
	v7 =	vand.u32 $0xFFFF, v3;
	v12 =	vshrl.u32 v15, $0x10;
	v15 =	vand.u32 $0xFFFF, v15;
	[tilespmem:v17+s0+$0x0] =	vst.idx.add.f32.msk $0xffff, v1  }
.LBB2_28:
0x2e9: {  	s3 =	sadd.s32 $0x10, s3;
	[tilespmem:v6+s0+$0x0] =	vst.idx.add.f32.msk $0xffff, v1;
	s1 =	sadd.s32 $0x100, s1  }
0x2ea: {  	p0 =	slt.u32 s3, $0x170;
	[tilespmem:v13+s0+$0x0] =	vst.idx.add.f32.msk $0xffff, v1  }
0x2eb: {  	[tilespmem:v8+s0+$0x0] =	vst.idx.add.f32.msk $0xffff, v1  }
0x2ec: {  	v3 =	vshrl.u32 v3, $0x10;
	[tilespmem:v4+s0+$0x0] =	vst.idx.add.f32.msk $0xffff, v1  }
0x2ed: {  	[tilespmem:v9+s0+$0x0] =	vst.idx.add.f32.msk $0xffff, v1  }
0x2ee: {  	[tilespmem:v16+s0+$0x0] =	vst.idx.add.f32.msk $0xffff, v1  }
0x2ef: {  	[tilespmem:v10+s0+$0x0] =	vst.idx.add.f32.msk $0xffff, v1  }
0x2f0: {  	[tilespmem:v5+s0+$0x0] =	vst.idx.add.f32.msk $0xffff, v1  }
0x2f1: {  	[tilespmem:v11+s0+$0x0] =	vst.idx.add.f32.msk $0xffff, v1  }
0x2f2: {  	[tilespmem:v14+s0+$0x0] =	vst.idx.add.f32.msk $0xffff, v1  }
0x2f3: {  	[tilespmem:v7+s0+$0x0] =	vst.idx.add.f32.msk $0xffff, v1  }
0x2f4: {  	[tilespmem:v15+s0+$0x0] =	vst.idx.add.f32.msk $0xffff, v1  }
0x2f5: {  	[tilespmem:v12+s0+$0x0] =	vst.idx.add.f32.msk $0xffff, v1  }
0x2f6: {  	[tilespmem:v3+s0+$0x0] =	vst.idx.add.f32.msk $0xffff, v1  }
0x2f7: {  	v5 =	vld [tilespmem:s1+$0xFFFFFFF0]  }
0x2f8: {  	v4 =	vld [tilespmem:s1+$0x0]  }
0x2f9: {  	v7 =	vld [tilespmem:s1+$0x10]  }
0x2fa: {  	v6 =	vld [tilespmem:s1+$0x20]  }
0x2fb: {  	v8 =	vld [tilespmem:s1+$0xFFFFFF80]  }
0x2fc: {  	v9 =	vld [tilespmem:s1+$0x70]  }
0x2fd: {  	v15 =	vld [tilespmem:s1+$0xFFFFFF90]  }
0x2fe: {  	v3 =	vld [tilespmem:s1+$0xFFFFFFA0]  }
0x2ff: {  	v12 =	vld [tilespmem:s1+$0xFFFFFFB0]  }
0x300: {  	v10 =	vand.u32 $0xFFFF, v8;
	v11 =	vld [tilespmem:s1+$0xFFFFFFC0]  }
0x301: {  	v8 =	vshrl.u32 v8, $0x10;
	v13 =	vld [tilespmem:s1+$0x60];
	v14 =	vand.u32 $0xFFFF, v9  }
0x302: {  	v16 =	vld [tilespmem:s1+$0x50]  }
0x303: {  	v9 =	vshrl.u32 v9, $0x10;
	v17 =	vld [tilespmem:s1+$0x40]  }
0x304: {  	v18 =	vld [tilespmem:s1+$0x30]  }
0x305: {  	[tilespmem:v10+s0+$0x0] =	vst.idx.add.f32.msk $0xffff, v1  }
0x306: {  	[tilespmem:v8+s0+$0x0] =	vst.idx.add.f32.msk $0xffff, v1;
	v8 =	vand.u32 $0xFFFF, v13  }
0x307: {  	v13 =	vshrl.u32 v13, $0x10;
	v10 =	vand.u32 $0xFFFF, v16;
	[tilespmem:v14+s0+$0x0] =	vst.idx.add.f32.msk $0xffff, v1  }
0x308: {  	v16 =	vshrl.u32 v16, $0x10;
	v14 =	vand.u32 $0xFFFF, v17;
	[tilespmem:v9+s0+$0x0] =	vst.idx.add.f32.msk $0xffff, v1  }
0x309: {  	v17 =	vshrl.u32 v17, $0x10;
	v9 =	vld [tilespmem:s1+$0xFFFFFFE0];
	v19 =	vand.u32 $0xFFFF, v18  }
0x30a: {  	v21 =	vand.u32 $0xFFFF, v6;
	v20 =	vld [tilespmem:s1+$0xFFFFFFD0]  }
0x30b: {  	v22 =	vand.u32 $0xFFFF, v7;
	v23 =	vshrl.u32 v6, $0x10;
	v18 =	vshrl.u32 v18, $0x10;
	[tilespmem:v8+s0+$0x0] =	vst.idx.add.f32.msk $0xffff, v1  }
0x30c: {  	v24 =	vand.u32 $0xFFFF, v4;
	v25 =	vshrl.u32 v7, $0x10;
	v6 =	vshrl.u32 v4, $0x10;
	[tilespmem:v13+s0+$0x0] =	vst.idx.add.f32.msk $0xffff, v1  }
0x30d: {  	v26 =	vand.u32 $0xFFFF, v5;
	[tilespmem:v10+s0+$0x0] =	vst.idx.add.f32.msk $0xffff, v1  }
0x30e: {  	v13 =	vshrl.u32 v5, $0x10;
	v4 =	vshrl.u32 v9, $0x10;
	v8 =	vand.u32 $0xFFFF, v9;
	[tilespmem:v16+s0+$0x0] =	vst.idx.add.f32.msk $0xffff, v1  }
0x30f: {  	v9 =	vand.u32 $0xFFFF, v20;
	[tilespmem:v14+s0+$0x0] =	vst.idx.add.f32.msk $0xffff, v1  }
0x310: {  	v5 =	vshrl.u32 v11, $0x10;
	v10 =	vand.u32 $0xFFFF, v11;
	v16 =	vshrl.u32 v20, $0x10;
	[tilespmem:v17+s0+$0x0] =	vst.idx.add.f32.msk $0xffff, v1  }
0x311: {  	v11 =	vand.u32 $0xFFFF, v12;
	[tilespmem:v19+s0+$0x0] =	vst.idx.add.f32.msk $0xffff, v1  }
0x312: {  	v7 =	vand.u32 $0xFFFF, v3;
	v14 =	vshrl.u32 v12, $0x10;
	[tilespmem:v18+s0+$0x0] =	vst.idx.add.f32.msk $0xffff, v1  }
0x313: {  	v12 =	vshrl.u32 v15, $0x10;
	v15 =	vand.u32 $0xFFFF, v15;
	[tilespmem:v21+s0+$0x0] =	vst.idx.add.f32.msk $0xffff, v1  }
.Ltmp13:
0x314: {  	[tilespmem:v22+s0+$0x0] =	vst.idx.add.f32.msk $0xffff, v1;
	(pc) =	sbr.rel @p0 .LBB2_28-.Ltmp13, $4  }
0x315: {  	[tilespmem:v23+s0+$0x0] =	vst.idx.add.f32.msk $0xffff, v1  }
0x316: {  	[tilespmem:v24+s0+$0x0] =	vst.idx.add.f32.msk $0xffff, v1  }
0x317: {  	[tilespmem:v25+s0+$0x0] =	vst.idx.add.f32.msk $0xffff, v1  }
0x318: {  	[tilespmem:v26+s0+$0x0] =	vst.idx.add.f32.msk $0xffff, v1  }
0x319: {  	_ =	sdelay $0x3  }
0x31a: {  	[tilespmem:v6+s0+$0x0] =	vst.idx.add.f32.msk $0xffff, v1  }
0x31b: {  	[tilespmem:v13+s0+$0x0] =	vst.idx.add.f32.msk $0xffff, v1  }
0x31c: {  	[tilespmem:v8+s0+$0x0] =	vst.idx.add.f32.msk $0xffff, v1  }
0x31d: {  	[tilespmem:v9+s0+$0x0] =	vst.idx.add.f32.msk $0xffff, v1  }
0x31e: {  	[tilespmem:v10+s0+$0x0] =	vst.idx.add.f32.msk $0xffff, v1  }
0x31f: {  	[tilespmem:v11+s0+$0x0] =	vst.idx.add.f32.msk $0xffff, v1  }
0x320: {  	[tilespmem:v7+s0+$0x0] =	vst.idx.add.f32.msk $0xffff, v1  }
0x321: {  	[tilespmem:v15+s0+$0x0] =	vst.idx.add.f32.msk $0xffff, v1  }
0x322: {  	v3 =	vshrl.u32 v3, $0x10;
	[tilespmem:v4+s0+$0x0] =	vst.idx.add.f32.msk $0xffff, v1  }
0x323: {  	[tilespmem:v16+s0+$0x0] =	vst.idx.add.f32.msk $0xffff, v1  }
0x324: {  	[tilespmem:v5+s0+$0x0] =	vst.idx.add.f32.msk $0xffff, v1  }
0x325: {  	[tilespmem:v14+s0+$0x0] =	vst.idx.add.f32.msk $0xffff, v1  }
0x326: {  	[tilespmem:v12+s0+$0x0] =	vst.idx.add.f32.msk $0xffff, v1  }
0x327: {  	[tilespmem:v3+s0+$0x0] =	vst.idx.add.f32.msk $0xffff, v1  }
.LBB2_30:
0x328: {  	s1 =	sshra.s32 s0, $0x2  }
0x329: {  	v3 =	vld [tilespmem:s1+$0x6C00];
	_ =	sdelay $0x4  }
0x32a: {  	v4 =	vand.u32 $0xFFFF, v3  }
0x32b: {  	p0 =	sne.s32 s0, $0x1C0;
	v3 =	vshrl.u32 v3, $0x10  }
.Ltmp14:
0x32c: {  	_ = 	snop;
	(pc) =	sbr.rel @p0 .LBB2_30-.Ltmp14, $3  }
0x32d: {  	_ =	sdelay $0x1  }
0x32e: {  	[tilespmem:v4+s2+$0x0] =	vst.idx.add.f32.msk $0xffff, v1  }
0x32f: {  	s0 =	sadd.s32 $0x40, s0;
	[tilespmem:v3+s2+$0x0] =	vst.idx.add.f32.msk $0xffff, v1  }
0x330: {  	_ =	swait.ge [sflag:s26], $0x1880  }
0x331: {  	[sflag:s26] =	ssyncset.done $0x0  }
0x332: {  	s1 =	simm.s32 $0x6D00;
	[sflag:s26] =	ssyncadd.s32 $0xFFFFE780  }
0x333: {  	v5 =	vld [tilespmem:s1+$0xFFFFFFF0]  }
0x334: {  	v4 =	vld [tilespmem:s1+$0x0]  }
0x335: {  	v6 =	vld [tilespmem:s1+$0x10]  }
0x336: {  	v7 =	vld [tilespmem:s1+$0x20]  }
0x337: {  	v8 =	vld [tilespmem:s1+$0xFFFFFF80]  }
0x338: {  	v9 =	vld [tilespmem:s1+$0x70]  }
0x339: {  	v15 =	vld [tilespmem:s1+$0xFFFFFF90]  }
0x33a: {  	v3 =	vld [tilespmem:s1+$0xFFFFFFA0]  }
0x33b: {  	v12 =	vld [tilespmem:s1+$0xFFFFFFB0]  }
0x33c: {  	v11 =	vld [tilespmem:s1+$0xFFFFFFC0];
	v10 =	vand.u32 $0xFFFF, v8  }
0x33d: {  	v13 =	vld [tilespmem:s1+$0x60];
	v8 =	vshrl.u32 v8, $0x10  }
0x33e: {  	v16 =	vld [tilespmem:s1+$0x50];
	v14 =	vand.u32 $0xFFFF, v9  }
0x33f: {  	v17 =	vld [tilespmem:s1+$0x40];
	v9 =	vshrl.u32 v9, $0x10  }
0x340: {  	s0 =	simm.s32 $0x0;
	v18 =	vld [tilespmem:s1+$0x30]  }
0x341: {  	[tilespmem:v10+s0+$0x0] =	vst.idx.add.f32.msk $0xffff, v1  }
0x342: {  	[tilespmem:v8+s0+$0x0] =	vst.idx.add.f32.msk $0xffff, v1;
	v8 =	vand.u32 $0xFFFF, v13  }
0x343: {  	v10 =	vshrl.u32 v13, $0x10;
	[tilespmem:v14+s0+$0x0] =	vst.idx.add.f32.msk $0xffff, v1;
	v13 =	vand.u32 $0xFFFF, v16  }
0x344: {  	[tilespmem:v9+s0+$0x0] =	vst.idx.add.f32.msk $0xffff, v1;
	v9 =	vshrl.u32 v16, $0x10;
	v16 =	vand.u32 $0xFFFF, v17  }
0x345: {  	v19 =	vld [tilespmem:s1+$0xFFFFFFD0]  }
0x346: {  	v14 =	vld [tilespmem:s1+$0xFFFFFFE0]  }
0x347: {  	v17 =	vshrl.u32 v17, $0x10;
	[tilespmem:v8+s0+$0x0] =	vst.idx.add.f32.msk $0xffff, v1  }
0x348: {  	v8 =	vand.u32 $0xFFFF, v18;
	[tilespmem:v13+s0+$0x0] =	vst.idx.add.f32.msk $0xffff, v1  }
0x349: {  	v13 =	vand.u32 $0xFFFF, v7;
	[tilespmem:v16+s0+$0x0] =	vst.idx.add.f32.msk $0xffff, v1  }
0x34a: {  	v16 =	vand.u32 $0xFFFF, v4;
	[tilespmem:v10+s0+$0x0] =	vst.idx.add.f32.msk $0xffff, v1  }
0x34b: {  	v10 =	vshrl.u32 v18, $0x10;
	[tilespmem:v9+s0+$0x0] =	vst.idx.add.f32.msk $0xffff, v1  }
0x34c: {  	v9 =	vand.u32 $0xFFFF, v6;
	[tilespmem:v17+s0+$0x0] =	vst.idx.add.f32.msk $0xffff, v1  }
0x34d: {  	v7 =	vshrl.u32 v7, $0x10;
	[tilespmem:v8+s0+$0x0] =	vst.idx.add.f32.msk $0xffff, v1  }
0x34e: {  	v18 =	vand.u32 $0xFFFF, v5;
	[tilespmem:v13+s0+$0x0] =	vst.idx.add.f32.msk $0xffff, v1  }
0x34f: {  	v17 =	vshrl.u32 v6, $0x10;
	[tilespmem:v16+s0+$0x0] =	vst.idx.add.f32.msk $0xffff, v1  }
0x350: {  	v6 =	vshrl.u32 v4, $0x10;
	[tilespmem:v10+s0+$0x0] =	vst.idx.add.f32.msk $0xffff, v1  }
0x351: {  	v4 =	vshrl.u32 v14, $0x10;
	v8 =	vand.u32 $0xFFFF, v14;
	v13 =	vshrl.u32 v5, $0x10;
	[tilespmem:v9+s0+$0x0] =	vst.idx.add.f32.msk $0xffff, v1  }
0x352: {  	v5 =	vshrl.u32 v11, $0x10;
	v16 =	vshrl.u32 v19, $0x10;
	v14 =	vshrl.u32 v12, $0x10;
	[tilespmem:v7+s0+$0x0] =	vst.idx.add.f32.msk $0xffff, v1  }
0x353: {  	v9 =	vand.u32 $0xFFFF, v19;
	v10 =	vand.u32 $0xFFFF, v11;
	v11 =	vand.u32 $0xFFFF, v12;
	[tilespmem:v18+s0+$0x0] =	vst.idx.add.f32.msk $0xffff, v1  }
0x354: {  	s3 =	simm.s32 $0x0;
	v7 =	vand.u32 $0xFFFF, v3;
	v12 =	vshrl.u32 v15, $0x10;
	v15 =	vand.u32 $0xFFFF, v15;
	[tilespmem:v17+s0+$0x0] =	vst.idx.add.f32.msk $0xffff, v1  }
.LBB2_32:
0x355: {  	s3 =	sadd.s32 $0x10, s3;
	[tilespmem:v6+s0+$0x0] =	vst.idx.add.f32.msk $0xffff, v1;
	s1 =	sadd.s32 $0x100, s1  }
0x356: {  	p0 =	slt.u32 s3, $0x170;
	[tilespmem:v13+s0+$0x0] =	vst.idx.add.f32.msk $0xffff, v1  }
0x357: {  	[tilespmem:v8+s0+$0x0] =	vst.idx.add.f32.msk $0xffff, v1  }
0x358: {  	v3 =	vshrl.u32 v3, $0x10;
	[tilespmem:v4+s0+$0x0] =	vst.idx.add.f32.msk $0xffff, v1  }
0x359: {  	[tilespmem:v9+s0+$0x0] =	vst.idx.add.f32.msk $0xffff, v1  }
0x35a: {  	[tilespmem:v16+s0+$0x0] =	vst.idx.add.f32.msk $0xffff, v1  }
0x35b: {  	[tilespmem:v10+s0+$0x0] =	vst.idx.add.f32.msk $0xffff, v1  }
0x35c: {  	[tilespmem:v5+s0+$0x0] =	vst.idx.add.f32.msk $0xffff, v1  }
0x35d: {  	[tilespmem:v11+s0+$0x0] =	vst.idx.add.f32.msk $0xffff, v1  }
0x35e: {  	[tilespmem:v14+s0+$0x0] =	vst.idx.add.f32.msk $0xffff, v1  }
0x35f: {  	[tilespmem:v7+s0+$0x0] =	vst.idx.add.f32.msk $0xffff, v1  }
0x360: {  	[tilespmem:v15+s0+$0x0] =	vst.idx.add.f32.msk $0xffff, v1  }
0x361: {  	[tilespmem:v12+s0+$0x0] =	vst.idx.add.f32.msk $0xffff, v1  }
0x362: {  	[tilespmem:v3+s0+$0x0] =	vst.idx.add.f32.msk $0xffff, v1  }
0x363: {  	v5 =	vld [tilespmem:s1+$0xFFFFFFF0]  }
0x364: {  	v4 =	vld [tilespmem:s1+$0x0]  }
0x365: {  	v7 =	vld [tilespmem:s1+$0x10]  }
0x366: {  	v6 =	vld [tilespmem:s1+$0x20]  }
0x367: {  	v8 =	vld [tilespmem:s1+$0xFFFFFF80]  }
0x368: {  	v9 =	vld [tilespmem:s1+$0x70]  }
0x369: {  	v15 =	vld [tilespmem:s1+$0xFFFFFF90]  }
0x36a: {  	v3 =	vld [tilespmem:s1+$0xFFFFFFA0]  }
0x36b: {  	v12 =	vld [tilespmem:s1+$0xFFFFFFB0]  }
0x36c: {  	v10 =	vand.u32 $0xFFFF, v8;
	v11 =	vld [tilespmem:s1+$0xFFFFFFC0]  }
0x36d: {  	v8 =	vshrl.u32 v8, $0x10;
	v13 =	vld [tilespmem:s1+$0x60];
	v14 =	vand.u32 $0xFFFF, v9  }
0x36e: {  	v16 =	vld [tilespmem:s1+$0x50]  }
0x36f: {  	v9 =	vshrl.u32 v9, $0x10;
	v17 =	vld [tilespmem:s1+$0x40]  }
0x370: {  	v18 =	vld [tilespmem:s1+$0x30]  }
0x371: {  	[tilespmem:v10+s0+$0x0] =	vst.idx.add.f32.msk $0xffff, v1  }
0x372: {  	[tilespmem:v8+s0+$0x0] =	vst.idx.add.f32.msk $0xffff, v1;
	v8 =	vand.u32 $0xFFFF, v13  }
0x373: {  	v13 =	vshrl.u32 v13, $0x10;
	v10 =	vand.u32 $0xFFFF, v16;
	[tilespmem:v14+s0+$0x0] =	vst.idx.add.f32.msk $0xffff, v1  }
0x374: {  	v16 =	vshrl.u32 v16, $0x10;
	v14 =	vand.u32 $0xFFFF, v17;
	[tilespmem:v9+s0+$0x0] =	vst.idx.add.f32.msk $0xffff, v1  }
0x375: {  	v17 =	vshrl.u32 v17, $0x10;
	v9 =	vld [tilespmem:s1+$0xFFFFFFE0];
	v19 =	vand.u32 $0xFFFF, v18  }
0x376: {  	v21 =	vand.u32 $0xFFFF, v6;
	v20 =	vld [tilespmem:s1+$0xFFFFFFD0]  }
0x377: {  	v22 =	vand.u32 $0xFFFF, v7;
	v23 =	vshrl.u32 v6, $0x10;
	v18 =	vshrl.u32 v18, $0x10;
	[tilespmem:v8+s0+$0x0] =	vst.idx.add.f32.msk $0xffff, v1  }
0x378: {  	v24 =	vand.u32 $0xFFFF, v4;
	v25 =	vshrl.u32 v7, $0x10;
	v6 =	vshrl.u32 v4, $0x10;
	[tilespmem:v13+s0+$0x0] =	vst.idx.add.f32.msk $0xffff, v1  }
0x379: {  	v26 =	vand.u32 $0xFFFF, v5;
	[tilespmem:v10+s0+$0x0] =	vst.idx.add.f32.msk $0xffff, v1  }
0x37a: {  	v13 =	vshrl.u32 v5, $0x10;
	v4 =	vshrl.u32 v9, $0x10;
	v8 =	vand.u32 $0xFFFF, v9;
	[tilespmem:v16+s0+$0x0] =	vst.idx.add.f32.msk $0xffff, v1  }
0x37b: {  	v9 =	vand.u32 $0xFFFF, v20;
	[tilespmem:v14+s0+$0x0] =	vst.idx.add.f32.msk $0xffff, v1  }
0x37c: {  	v5 =	vshrl.u32 v11, $0x10;
	v10 =	vand.u32 $0xFFFF, v11;
	v16 =	vshrl.u32 v20, $0x10;
	[tilespmem:v17+s0+$0x0] =	vst.idx.add.f32.msk $0xffff, v1  }
0x37d: {  	v11 =	vand.u32 $0xFFFF, v12;
	[tilespmem:v19+s0+$0x0] =	vst.idx.add.f32.msk $0xffff, v1  }
0x37e: {  	v7 =	vand.u32 $0xFFFF, v3;
	v14 =	vshrl.u32 v12, $0x10;
	[tilespmem:v18+s0+$0x0] =	vst.idx.add.f32.msk $0xffff, v1  }
0x37f: {  	v12 =	vshrl.u32 v15, $0x10;
	v15 =	vand.u32 $0xFFFF, v15;
	[tilespmem:v21+s0+$0x0] =	vst.idx.add.f32.msk $0xffff, v1  }
.Ltmp15:
0x380: {  	[tilespmem:v22+s0+$0x0] =	vst.idx.add.f32.msk $0xffff, v1;
	(pc) =	sbr.rel @p0 .LBB2_32-.Ltmp15, $4  }
0x381: {  	[tilespmem:v23+s0+$0x0] =	vst.idx.add.f32.msk $0xffff, v1  }
0x382: {  	[tilespmem:v24+s0+$0x0] =	vst.idx.add.f32.msk $0xffff, v1  }
0x383: {  	[tilespmem:v25+s0+$0x0] =	vst.idx.add.f32.msk $0xffff, v1  }
0x384: {  	[tilespmem:v26+s0+$0x0] =	vst.idx.add.f32.msk $0xffff, v1  }
0x385: {  	_ =	sdelay $0x3  }
0x386: {  	[tilespmem:v6+s0+$0x0] =	vst.idx.add.f32.msk $0xffff, v1  }
0x387: {  	[tilespmem:v13+s0+$0x0] =	vst.idx.add.f32.msk $0xffff, v1  }
0x388: {  	[tilespmem:v8+s0+$0x0] =	vst.idx.add.f32.msk $0xffff, v1  }
0x389: {  	[tilespmem:v9+s0+$0x0] =	vst.idx.add.f32.msk $0xffff, v1  }
0x38a: {  	[tilespmem:v10+s0+$0x0] =	vst.idx.add.f32.msk $0xffff, v1  }
0x38b: {  	[tilespmem:v11+s0+$0x0] =	vst.idx.add.f32.msk $0xffff, v1  }
0x38c: {  	[tilespmem:v7+s0+$0x0] =	vst.idx.add.f32.msk $0xffff, v1  }
0x38d: {  	[tilespmem:v15+s0+$0x0] =	vst.idx.add.f32.msk $0xffff, v1  }
0x38e: {  	v3 =	vshrl.u32 v3, $0x10;
	[tilespmem:v4+s0+$0x0] =	vst.idx.add.f32.msk $0xffff, v1  }
0x38f: {  	[tilespmem:v16+s0+$0x0] =	vst.idx.add.f32.msk $0xffff, v1  }
0x390: {  	[tilespmem:v5+s0+$0x0] =	vst.idx.add.f32.msk $0xffff, v1  }
0x391: {  	[tilespmem:v14+s0+$0x0] =	vst.idx.add.f32.msk $0xffff, v1  }
0x392: {  	[tilespmem:v12+s0+$0x0] =	vst.idx.add.f32.msk $0xffff, v1  }
0x393: {  	s1 =	smov.u32 s0;
	[tilespmem:v3+s0+$0x0] =	vst.idx.add.f32.msk $0xffff, v1  }
.LBB2_34:
0x394: {  	s3 =	sshra.s32 s1, $0x2  }
0x395: {  	v3 =	vld [tilespmem:s3+$0x8480];
	_ =	sdelay $0x4  }
0x396: {  	v4 =	vand.u32 $0xFFFF, v3  }
0x397: {  	p0 =	sne.s32 s1, $0x1C0;
	v3 =	vshrl.u32 v3, $0x10  }
.Ltmp16:
0x398: {  	_ = 	snop;
	(pc) =	sbr.rel @p0 .LBB2_34-.Ltmp16, $3  }
0x399: {  	_ =	sdelay $0x1  }
0x39a: {  	[tilespmem:v4+s0+$0x0] =	vst.idx.add.f32.msk $0xffff, v1  }
0x39b: {  	s1 =	sadd.s32 $0x40, s1;
	[tilespmem:v3+s0+$0x0] =	vst.idx.add.f32.msk $0xffff, v1  }
0x39c: {  	v4 =	vld [tilespmem:s0+$0x0];
	s1 =	sand.u32 $0x3FC0, s0  }
0x39d: {  	v5 =	vld [tilespmem:s1+$0x2A00]  }
0x39e: {  	v8 =	vld [tilespmem:s0+$0x10]  }
0x39f: {  	v9 =	vld [tilespmem:s0+$0x2A10]  }
0x3a0: {  	v6 =	vld [tilespmem:s0+$0x20]  }
0x3a1: {  	v7 =	vld [tilespmem:s0+$0x2A20];
	v10 =	vimm.f32 $0.0e+00  }
0x3a2: {  	v3 =	vld [tilespmem:s0+$0x30];
	v11 =	vadd.f32 v4, v10;
	v10 =	vadd.f32 v5, v10  }
0x3a3: {  	s3 =	simm.s32 $0x40;
	s1 =	simm.s32 $0x0;
	v5 =	vld [tilespmem:s0+$0x2A30];
	s0 =	simm.s32 $0x40  }
.LBB2_36:
0x3a4: {  	v4 =	vld [tilespmem:s3+$0x0];
	s28 =	sand.u32 $0x3FC0, s0;
	s1 =	sadd.s32 $0x4, s1;
	v11 =	vadd.f32 v8, v11;
	v9 =	vadd.f32 v9, v10  }
0x3a5: {  	v10 =	vld [tilespmem:s28+$0x2A00];
	p0 =	slt.u32 s1, $0x29C  }
0x3a6: {  	v8 =	vld [tilespmem:s3+$0x10];
	v11 =	vadd.f32 v6, v11;
	v7 =	vadd.f32 v7, v9  }
.Ltmp17:
0x3a7: {  	v9 =	vld [tilespmem:s3+$0x2A10];
	(pc) =	sbr.rel @p0 .LBB2_36-.Ltmp17, $4  }
0x3a8: {  	v6 =	vld [tilespmem:s3+$0x20];
	v3 =	vadd.f32 v3, v11;
	v5 =	vadd.f32 v5, v7  }
0x3a9: {  	v7 =	vld [tilespmem:s3+$0x2A20]  }
0x3aa: {  	v11 =	vadd.f32 v4, v3;
	v10 =	vadd.f32 v10, v5;
	v3 =	vld [tilespmem:s3+$0x30]  }
0x3ab: {  	s0 =	sadd.s32 $0x40, s0;
	v5 =	vld [tilespmem:s3+$0x2A30];
	s3 =	sadd.s32 $0x40, s3  }
0x3ac: {  	s0 =	simm.s32 $0x2A0  }
0x3ad: {  	v4 =	vmul.u32 $0x10, v2;
	v12 =	vmov s0  }
0x3ae: {  	v12 =	vshll.u32 v12, $0x4  }
0x3af: {  	v12 =	vor.u32 v4, v12;
	_ =	sdelay $0x1  }
0x3b0: {  	v13 =	vor.u32 $0x1, v12;
	_ =	sdelay $0x1  }
0x3b1: {  	v14 =	vor.u32 $0x2, v12  }
0x3b2: {  	v15 =	vld.idx.msk [tilespmem:v12+s2+$0x0], $0xffff  }
0x3b3: {  	s4 =	simm.s32 $0x0;
	v16 =	vor.u32 $0x3, v12  }
0x3b4: {  	v18 =	vmov s4;
	v13 =	vld.idx.msk [tilespmem:v13+s2+$0x0], $0xffff  }
0x3b5: {  	v18 =	vshll.u32 v18, $0x4;
	v17 =	vor.u32 $0x4, v12  }
0x3b6: {  	v18 =	vor.u32 v4, v18;
	v14 =	vld.idx.msk [tilespmem:v14+s2+$0x0], $0xffff  }
0x3b7: {  	v19 =	vor.u32 $0x5, v12;
	v15 =	vadd.f32 $0.0e+00, v15  }
0x3b8: {  	v20 =	vor.u32 $0x6, v12;
	v16 =	vld.idx.msk [tilespmem:v16+s2+$0x0], $0xffff  }
0x3b9: {  	v13 =	vadd.f32 v13, v15;
	v15 =	vor.u32 $0x1, v18  }
0x3ba: {  	v21 =	vor.u32 $0x7, v12;
	v17 =	vld.idx.msk [tilespmem:v17+s2+$0x0], $0xffff  }
0x3bb: {  	v22 =	vld.idx.msk [tilespmem:v18+s2+$0x0], $0xffff;
	v13 =	vadd.f32 v14, v13;
	v14 =	vor.u32 $0x2, v18  }
0x3bc: {  	v23 =	vor.u32 $0x8, v12;
	v19 =	vld.idx.msk [tilespmem:v19+s2+$0x0], $0xffff  }
0x3bd: {  	v20 =	vld.idx.msk [tilespmem:v20+s2+$0x0], $0xffff;
	v13 =	vadd.f32 v16, v13;
	v16 =	vor.u32 $0x3, v18  }
0x3be: {  	v24 =	vor.u32 $0x9, v12;
	v15 =	vld.idx.msk [tilespmem:v15+s2+$0x0], $0xffff  }
0x3bf: {  	v13 =	vadd.f32 v17, v13;
	v17 =	vld.idx.msk [tilespmem:v21+s2+$0x0], $0xffff;
	v21 =	vor.u32 $0x4, v18  }
0x3c0: {  	v25 =	vor.u32 $0x5, v18;
	v14 =	vld.idx.msk [tilespmem:v14+s2+$0x0], $0xffff  }
0x3c1: {  	v23 =	vld.idx.msk [tilespmem:v23+s2+$0x0], $0xffff;
	v22 =	vadd.f32 $0.0e+00, v22;
	v13 =	vadd.f32 v19, v13;
	v19 =	vor.u32 $0xA, v12  }
0x3c2: {  	v8 =	vadd.f32 v8, v11;
	v9 =	vadd.f32 v9, v10;
	v26 =	vor.u32 $0x6, v18;
	v16 =	vld.idx.msk [tilespmem:v16+s2+$0x0], $0xffff  }
0x3c3: {  	v24 =	vld.idx.msk [tilespmem:v24+s2+$0x0], $0xffff;
	v13 =	vadd.f32 v20, v13;
	v20 =	vor.u32 $0xB, v12;
	v15 =	vadd.f32 v15, v22  }
0x3c4: {  	v6 =	vadd.f32 v6, v8;
	v7 =	vadd.f32 v7, v9;
	v10 =	vor.u32 $0x7, v18;
	v11 =	vld.idx.msk [tilespmem:v21+s2+$0x0], $0xffff  }
0x3c5: {  	v8 =	vld.idx.msk [tilespmem:v25+s2+$0x0], $0xffff;
	v13 =	vadd.f32 v17, v13;
	v17 =	vor.u32 $0xC, v12;
	v14 =	vadd.f32 v14, v15  }
0x3c6: {  	v3 =	vadd.f32 v3, v6;
	v5 =	vadd.f32 v5, v7;
	v7 =	vor.u32 $0x9, v18;
	v19 =	vld.idx.msk [tilespmem:v19+s2+$0x0], $0xffff  }
0x3c7: {  	v6 =	vld.idx.msk [tilespmem:v26+s2+$0x0], $0xffff;
	v15 =	vor.u32 $0xD, v12;
	v13 =	vadd.f32 v23, v13;
	v14 =	vadd.f32 v16, v14  }
0x3c8: {  	s5 =	simm.s32 $0x2B0;
	v9 =	vor.u32 $0x8, v18;
	v16 =	vor.u32 $0xE, v12;
	v20 =	vld.idx.msk [tilespmem:v20+s2+$0x0], $0xffff  }
0x3c9: {  	v10 =	vld.idx.msk [tilespmem:v10+s2+$0x0], $0xffff;
	v13 =	vadd.f32 v24, v13;
	v11 =	vadd.f32 v11, v14;
	v14 =	vmov s5  }
0x3ca: {  	(xrf2) =	vadd.scan.msk.f32 $0xffff, v3;
	v12 =	vor.u32 $0xF, v12;
	v17 =	vld.idx.msk [tilespmem:v17+s2+$0x0], $0xffff;
	v3 =	vshll.u32 v14, $0x4  }
0x3cb: {  	v7 =	vld.idx.msk [tilespmem:v7+s2+$0x0], $0xffff;
	v14 =	vor.u32 $0xA, v18;
	v13 =	vadd.f32 v19, v13;
	v8 =	vadd.f32 v8, v11  }
0x3cc: {  	v15 =	vld.idx.msk [tilespmem:v15+s2+$0x0], $0xffff;
	v24 =	vor.u32 v4, v3  }
0x3cd: {  	(xrf2) =	vadd.scan.msk.f32 $0xffff, v5;
	v3 =	vld.idx.msk [tilespmem:v9+s2+$0x0], $0xffff;
	v9 =	vor.u32 $0xB, v18;
	v5 =	vadd.f32 v20, v13;
	v6 =	vadd.f32 v6, v8  }
0x3ce: {  	v11 =	vor.u32 $0x1, v24;
	v8 =	vld.idx.msk [tilespmem:v16+s2+$0x0], $0xffff  }
0x3cf: {  	v13 =	vor.u32 $0xC, v18;
	v5 =	vadd.f32 v17, v5;
	v6 =	vadd.f32 v10, v6;
	v10 =	vld.idx.msk [tilespmem:v12+s2+$0x0], $0xffff  }
0x3d0: {  	v12 =	vor.u32 $0x2, v24;
	v14 =	vld.idx.msk [tilespmem:v14+s2+$0x0], $0xffff  }
0x3d1: {  	v17 =	vor.u32 $0x3, v24;
	v16 =	vld.idx.msk [tilespmem:v24+s2+$0x0], $0xffff;
	v5 =	vadd.f32 v15, v5  }
0x3d2: {  	v9 =	vld.idx.msk [tilespmem:v9+s2+$0x0], $0xffff;
	v15 =	vor.u32 $0xD, v18;
	v3 =	vadd.f32 v3, v6  }
0x3d3: {  	v19 =	vor.u32 $0xE, v18;
	v20 =	vld.idx.msk [tilespmem:v11+s2+$0x0], $0xffff;
	v5 =	vadd.f32 v8, v5  }
0x3d4: {  	s0 =	simm.s32 $0x10;
	v21 =	vor.u32 $0x4, v24;
	v13 =	vld.idx.msk [tilespmem:v13+s2+$0x0], $0xffff;
	v3 =	vadd.f32 v7, v3  }
0x3d5: {  	v6 =	vmov s0;
	v12 =	vld.idx.msk [tilespmem:v12+s2+$0x0], $0xffff;
	v8 =	vadd.f32 v10, v5  }
0x3d6: {  	v17 =	vld.idx.msk [tilespmem:v17+s2+$0x0], $0xffff;
	v3 =	vadd.f32 v14, v3;
	v14 =	vor.u32 $0x5, v24;
	v16 =	vadd.f32 $0.0e+00, v16  }
0x3d7: {  	v11 =	vshll.u32 v6, $0x4;
	v10 =	vor.u32 $0xF, v18;
	v15 =	vld.idx.msk [tilespmem:v15+s2+$0x0], $0xffff  }
0x3d8: {  	v18 =	vld.idx.msk [tilespmem:v19+s2+$0x0], $0xffff;
	v5, _, _ =	vpop (xrf2);
	(xrf2) =	vadd.scan.msk.f32 $0xffff, v8;
	v3 =	vadd.f32 v9, v3;
	v9 =	vor.u32 $0x6, v24;
	v16 =	vadd.f32 v20, v16  }
0x3d9: {  	v11 =	vor.u32 v4, v11;
	v20 =	vld.idx.msk [tilespmem:v21+s2+$0x0], $0xffff  }
0x3da: {  	v21 =	vor.u32 $0x7, v24;
	v13 =	vadd.f32 v13, v3;
	v16 =	vadd.f32 v12, v16  }
0x3db: {  	v26 =	vor.u32 $0x9, v24;
	v19 =	vor.u32 $0x1, v11;
	v14 =	vld.idx.msk [tilespmem:v14+s2+$0x0], $0xffff  }
0x3dc: {  	v10 =	vld.idx.msk [tilespmem:v10+s2+$0x0], $0xffff;
	v13 =	vadd.f32 v15, v13;
	v15 =	vor.u32 $0x8, v24;
	v16 =	vadd.f32 v17, v16  }
0x3dd: {  	s1 =	simm.s32 $0xD61;
	v34 =	vor.u32 $0xD, v24;
	v22 =	vor.u32 $0x2, v11;
	v25 =	vor.u32 $0x3, v11;
	v17 =	vld.idx.msk [tilespmem:v9+s2+$0x0], $0xffff  }
0x3de: {  	v23 =	vld.idx.msk [tilespmem:v11+s2+$0x0], $0xffff;
	v9 =	vadd.f32 v18, v13;
	v13 =	vmov s1;
	v16 =	vadd.f32 v20, v16  }
0x3df: {  	v29 =	vor.u32 $0x5, v11;
	v32 =	vor.u32 $0x6, v11;
	v20 =	vld.idx.msk [tilespmem:v21+s2+$0x0], $0xffff;
	v13 =	vshll.u32 v13, $0x12  }
0x3e0: {  	v33 =	vor.u32 $0x7, v11;
	v7, _, _ =	vpop (xrf2);
	v3 =	vmul.u32 $0x40000, v2;
	v27 =	vld.idx.msk [tilespmem:v19+s2+$0x0], $0xffff;
	v14 =	vadd.f32 v14, v16  }
0x3e1: {  	v5 =	vbroadcast v5, $0xF;
	v6 =	vbroadcast v7, $0xF;
	v9 =	vadd.f32 v10, v9;
	v28 =	vld.idx.msk [tilespmem:v15+s2+$0x0], $0xffff  }
0x3e2: {  	v26 =	vld.idx.msk [tilespmem:v26+s2+$0x0], $0xffff;
	v21 =	vor.u32 $0x4, v11;
	s1 =	simm.f32 $0.0e+00;
	v10 =	vadd.s32 v3, v13;
	v13, _, _ =	vpop (xrf2);
	v14 =	vadd.f32 v17, v14  }
0x3e3: {  	s31 =	simm.s32 $0x20;
	v7 =	vimm.f32 $0.0e+00;
	v22 =	vld.idx.msk [tilespmem:v22+s2+$0x0], $0xffff;
	v16 =	vor.u32 $0xA, v24;
	(xrf2) =	vadd.scan.msk.f32 $0xffff, v9;
	v30 =	vadd.f32 s1, v13  }
0x3e4: {  	v12 =	vmov s31;
	v23 =	vadd.f32 $0.0e+00, v23;
	v14 =	vadd.f32 v20, v14  }
0x3e5: {  	s3 =	simm.s32 $0x2C0;
	v31 =	vld.idx.msk [tilespmem:v25+s2+$0x0], $0xffff;
	v19 =	vor.u32 $0x9, v11;
	v17 =	vor.u32 $0xB, v24;
	v25 =	vsub.f32 v6, v30  }
0x3e6: {  	v18 =	vmov s3;
	v23 =	vadd.f32 v27, v23;
	v14 =	vadd.f32 v28, v14  }
0x3e7: {  	v27 =	vor.u32 $0xC, v24;
	v20 =	vmul.f32 $5.000000000e-01, v8;
	v30 =	vld.idx.msk [tilespmem:v21+s2+$0x0], $0xffff;
	v21 =	vadd.f32 v25, v5  }
0x3e8: {  	v18 =	vshll.u32 v18, $0x4;
	v22 =	vadd.f32 v22, v23;
	v16 =	vld.idx.msk [tilespmem:v16+s2+$0x0], $0xffff;
	v14 =	vadd.f32 v26, v14  }
0x3e9: {  	v29 =	vld.idx.msk [tilespmem:v29+s2+$0x0], $0xffff;
	v15 =	vor.u32 $0xD, v11;
	v23 =	vadd.f32 v21, v20;
	v28 =	vadd.f32 v21, v8  }
0x3ea: {  	v25 =	vor.u32 $0x8, v11;
	v26 =	vor.u32 $0xE, v24;
	v20 =	vld.idx.msk [tilespmem:v17+s2+$0x0], $0xffff;
	v17 =	vadd.f32 v31, v22  }
0x3eb: {  	v22 =	vld.idx.msk [tilespmem:v32+s2+$0x0], $0xffff;
	v31 =	vmax.f32 v21, $1.000000000e+00;
	v23 =	vmax.f32 v23, $1.000000000e+00;
	v28 =	vmax.f32 v28, $1.000000000e+00  }
0x3ec: {  	v21 =	vld.idx.msk [tilespmem:v27+s2+$0x0], $0xffff;
	v17 =	vadd.f32 v30, v17;
	v31 =	vmul.f32 v28, v31;
	(erf) = vrcp.f32 v23  }
0x3ed: {  	v27 =	vadd.f32 v16, v14;
	v30 =	vor.u32 $0xF, v24;
	v23 =	vld.idx.msk [tilespmem:v33+s2+$0x0], $0xffff;
	v28 =	vor.u32 $0xA, v11;
	v14, _, _ =	vpop (xrf2)  }
0x3ee: {  	s28 =	simm.f32 $0.0e+00;
	s3 =	simm.s32 $0x30;
	v24 =	vld.idx.msk [tilespmem:v34+s2+$0x0], $0xffff;
	v29 =	vadd.f32 v29, v17;
	v17 =	vadd.f32 s1, v14;
	(erf) = vrcp.f32 v31  }
.LBB2_38:
0x3ef: {  	p0 =	sne.s32 s3, $0x290;
	v16 =	vor.u32 v4, v18;
	v18 =	vld.idx.msk [tilespmem:v25+s2+$0x0], $0xffff;
	v25 =	vor.u32 $0xB, v11;
	v20 =	vadd.f32 v20, v27  }
0x3f0: {  	v27 =	vmul.f32 $5.000000000e-01, v9;
	v22 =	vadd.f32 v22, v29;
	v26 =	vld.idx.msk [tilespmem:v26+s2+$0x0], $0xffff;
	v17 =	vsub.f32 v5, v17  }
0x3f1: {  	v31 =	vor.u32 $0xC, v11;
	v29 =	vor.u32 $0x1, v16;
	v19 =	vld.idx.msk [tilespmem:v19+s2+$0x0], $0xffff;
	v20 =	vadd.f32 v21, v20  }
0x3f2: {  	v10 =	vor.u32 $0x20000, v10;
	v21 =	vadd.f32 v23, v22;
	v22 =	vld.idx.msk [tilespmem:v30+s2+$0x0], $0xffff;
	v17 =	vadd.f32 v17, v27  }
0x3f3: {  	v23 =	vor.u32 $0x2, v16;
	v27 =	vld.idx.msk [tilespmem:v28+s2+$0x0], $0xffff;
	v20 =	vadd.f32 v24, v20;
	(v2sf) =	vpush v13, $0xF  }
0x3f4: {  	v9 =	vmul.f32 v10, v9;
	v8 =	vmul.f32 v10, v8;
	v13 =	vld.idx.msk [tilespmem:v16+s2+$0x0], $0xffff;
	v10 =	vsub.f32 v5, v17  }
0x3f5: {  	v24 =	vor.u32 $0xE, v11;
	v17 =	vor.u32 $0x3, v16;
	v18 =	vadd.f32 v18, v21;
	v21 =	vld.idx.msk [tilespmem:v25+s2+$0x0], $0xffff;
	v25 =	vpop (erf)  }
0x3f6: {  	v20 =	vadd.f32 v26, v20;
	v28 =	vld.idx.msk [tilespmem:v29+s2+$0x0], $0xffff;
	v9 =	vmul.f32 v25, v9;
	v10 =	vmul.f32 v8, v10  }
0x3f7: {  	v26 =	vor.u32 $0xF, v11;
	v25 =	vor.u32 $0x4, v16;
	v18 =	vadd.f32 v19, v18;
	v19 =	vld.idx.msk [tilespmem:v31+s2+$0x0], $0xffff;
	v11 =	vpop (erf)  }
0x3f8: {  	v8 =	vadd.f32 v22, v20;
	v23 =	vld.idx.msk [tilespmem:v23+s2+$0x0], $0xffff;
	v10 =	vmul.f32 v11, v10;
	v7 =	vadd.f32 v9, v7  }
0x3f9: {  	v9 =	vshll.u32 v12, $0x4;
	v12 =	vor.u32 $0x5, v16;
	v18 =	vadd.f32 v27, v18;
	v15 =	vld.idx.msk [tilespmem:v15+s2+$0x0], $0xffff  }
0x3fa: {  	v11 =	vor.u32 v4, v9;
	v9 =	vadd.f32 $0.0e+00, v13;
	v13 =	vld.idx.msk [tilespmem:v17+s2+$0x0], $0xffff;
	(xrf2) =	vadd.scan.msk.f32 $0xffff, v8;
	v7 =	vadd.f32 v10, v7  }
0x3fb: {  	v10 =	vor.u32 $0x6, v16;
	v17 =	vadd.f32 v21, v18;
	v18 =	vld.idx.msk [tilespmem:v24+s2+$0x0], $0xffff  }
0x3fc: {  	v20 =	vor.u32 $0x1, v11;
	v9 =	vadd.f32 v28, v9;
	v21 =	vld.idx.msk [tilespmem:v25+s2+$0x0], $0xffff  }
0x3fd: {  	v22 =	vor.u32 $0x7, v16;
	v17 =	vadd.f32 v19, v17;
	v19 =	vld.idx.msk [tilespmem:v26+s2+$0x0], $0xffff  }
0x3fe: {  	v24 =	vor.u32 $0x2, v11;
	v9 =	vadd.f32 v23, v9;
	v23 =	vld.idx.msk [tilespmem:v12+s2+$0x0], $0xffff;
	(v2sf) =	vpush v14, $0xF  }
0x3ff: {  	v25 =	vor.u32 $0x8, v16;
	v12 =	vmov s3;
	v15 =	vadd.f32 v15, v17;
	v14 =	vld.idx.msk [tilespmem:v11+s2+$0x0], $0xffff  }
0x400: {  	s4 =	sadd.s32 $0xD61, s0;
	s0 =	smov.u32 s31;
	s31 =	smov.u32 s3;
	v17 =	vor.u32 $0x3, v11;
	v9 =	vadd.f32 v13, v9;
	v26 =	vld.idx.msk [tilespmem:v10+s2+$0x0], $0xffff  }
0x401: {  	s5 =	sadd.s32 $0x2A0, s3;
	v27 =	vor.u32 $0x9, v16;
	v13 =	vmov s4;
	v10 =	vadd.f32 v18, v15;
	v20 =	vld.idx.msk [tilespmem:v20+s2+$0x0], $0xffff  }
0x402: {  	v15 =	vmov s5;
	v29 =	vshll.u32 v13, $0x12;
	v21 =	vadd.f32 v21, v9;
	v22 =	vld.idx.msk [tilespmem:v22+s2+$0x0], $0xffff;
	s4 =	spop (v2sf)  }
0x403: {  	v28 =	vor.u32 $0x4, v11;
	v18 =	vshll.u32 v15, $0x4;
	v9 =	vadd.f32 v19, v10;
	v24 =	vld.idx.msk [tilespmem:v24+s2+$0x0], $0xffff;
	s1 =	sadd.f32 s4, s1  }
0x404: {  	v10 =	vadd.s32 v3, v29;
	v19 =	vadd.f32 v23, v21;
	v23 =	vor.u32 $0xA, v16;
	v21 =	vld.idx.msk [tilespmem:v25+s2+$0x0], $0xffff;
	v13, _, _ =	vpop (xrf2)  }
0x405: {  	v15 =	vor.u32 $0xD, v11;
	v25 =	vor.u32 $0x5, v11;
	v17 =	vld.idx.msk [tilespmem:v17+s2+$0x0], $0xffff;
	v29 =	vadd.f32 s1, v13;
	(xrf2) =	vadd.scan.msk.f32 $0xffff, v9  }
0x406: {  	v30 =	vor.u32 $0xB, v16;
	v14 =	vadd.f32 $0.0e+00, v14;
	v26 =	vadd.f32 v26, v19;
	v27 =	vld.idx.msk [tilespmem:v27+s2+$0x0], $0xffff  }
0x407: {  	v31 =	vor.u32 $0x6, v11;
	v19 =	vor.u32 $0x9, v11;
	v29 =	vsub.f32 v6, v29  }
0x408: {  	v32 =	vor.u32 $0xC, v16;
	v14 =	vadd.f32 v20, v14;
	v20 =	vadd.f32 v22, v26;
	v28 =	vld.idx.msk [tilespmem:v28+s2+$0x0], $0xffff  }
0x409: {  	v33 =	vor.u32 $0x7, v11;
	v22 =	vmul.f32 $5.000000000e-01, v8;
	v34 =	vld.idx.msk [tilespmem:v23+s2+$0x0], $0xffff;
	v23 =	vadd.f32 v29, v5  }
0x40a: {  	v14 =	vadd.f32 v24, v14;
	v24 =	vor.u32 $0xD, v16;
	v21 =	vadd.f32 v21, v20;
	v29 =	vld.idx.msk [tilespmem:v25+s2+$0x0], $0xffff  }
0x40b: {  	v25 =	vor.u32 $0x8, v11;
	v20 =	vld.idx.msk [tilespmem:v30+s2+$0x0], $0xffff;
	v30 =	vadd.f32 v23, v22;
	v35 =	vadd.f32 v23, v8  }
.Ltmp18:
0x40c: {  	v26 =	vor.u32 $0xE, v16;
	v36 =	vadd.f32 v17, v14;
	v17 =	vadd.f32 v27, v21;
	v22 =	vld.idx.msk [tilespmem:v31+s2+$0x0], $0xffff;
	(pc) =	sbr.rel @p0 .LBB2_38-.Ltmp18, $4  }
0x40d: {  	v21 =	vld.idx.msk [tilespmem:v32+s2+$0x0], $0xffff;
	v27 =	vmax.f32 v30, $1.000000000e+00;
	v30 =	vmax.f32 v23, $1.000000000e+00;
	v31 =	vmax.f32 v35, $1.000000000e+00;
	s4 =	spop (v2sf)  }
0x40e: {  	v32 =	vadd.f32 v28, v36;
	v23 =	vld.idx.msk [tilespmem:v33+s2+$0x0], $0xffff;
	v31 =	vmul.f32 v31, v30;
	(erf) = vrcp.f32 v27;
	s28 =	sadd.f32 s4, s28  }
0x40f: {  	v28 =	vor.u32 $0xA, v11;
	v27 =	vadd.f32 v34, v17;
	v30 =	vor.u32 $0xF, v16;
	v24 =	vld.idx.msk [tilespmem:v24+s2+$0x0], $0xffff;
	v14, _, _ =	vpop (xrf2)  }
0x410: {  	s3 =	sadd.s32 $0x10, s3;
	v29 =	vadd.f32 v29, v32;
	v17 =	vadd.f32 s28, v14;
	(erf) = vrcp.f32 v31  }
0x411: {  	_ =	sdelay $0x3  }
0x412: {  	v16 =	vor.u32 v4, v18;
	v49 =	vld.idx.msk [tilespmem:v25+s2+$0x0], $0xffff  }
0x413: {  	v26 =	vld.idx.msk [tilespmem:v26+s2+$0x0], $0xffff  }
0x414: {  	v19 =	vld.idx.msk [tilespmem:v19+s2+$0x0], $0xffff;
	v31 =	vor.u32 $0x1, v16  }
0x415: {  	v50 =	vor.u32 $0xB, v11;
	v30 =	vld.idx.msk [tilespmem:v30+s2+$0x0], $0xffff  }
0x416: {  	v28 =	vld.idx.msk [tilespmem:v28+s2+$0x0], $0xffff;
	v33 =	vor.u32 $0x2, v16  }
0x417: {  	v32 =	vor.u32 $0xC, v11;
	v34 =	vld.idx.msk [tilespmem:v16+s2+$0x0], $0xffff  }
0x418: {  	v15 =	vld.idx.msk [tilespmem:v15+s2+$0x0], $0xffff;
	v35 =	vor.u32 $0x3, v16  }
0x419: {  	v36 =	vor.u32 $0xE, v11;
	v31 =	vld.idx.msk [tilespmem:v31+s2+$0x0], $0xffff  }
0x41a: {  	v37 =	vor.u32 $0x4, v16;
	v25 =	vld.idx.msk [tilespmem:v50+s2+$0x0], $0xffff  }
0x41b: {  	v12 =	vshll.u32 v12, $0x4;
	v38 =	vor.u32 $0x5, v16;
	v33 =	vld.idx.msk [tilespmem:v33+s2+$0x0], $0xffff  }
0x41c: {  	v12 =	vor.u32 v4, v12;
	v32 =	vld.idx.msk [tilespmem:v32+s2+$0x0], $0xffff;
	v34 =	vadd.f32 $0.0e+00, v34  }
0x41d: {  	v39 =	vor.u32 $0x6, v16;
	v35 =	vld.idx.msk [tilespmem:v35+s2+$0x0], $0xffff  }
0x41e: {  	v59 =	vor.u32 $0x8, v16;
	v36 =	vld.idx.msk [tilespmem:v36+s2+$0x0], $0xffff;
	v31 =	vadd.f32 v31, v34  }
0x41f: {  	v52 =	vor.u32 $0x1, v12;
	v37 =	vld.idx.msk [tilespmem:v37+s2+$0x0], $0xffff  }
0x420: {  	v20 =	vadd.f32 v20, v27;
	v54 =	vor.u32 $0x7, v16;
	v57 =	vld.idx.msk [tilespmem:v38+s2+$0x0], $0xffff;
	v53 =	vadd.f32 v33, v31  }
0x421: {  	v55 =	vadd.f32 v22, v29;
	v56 =	vor.u32 $0x2, v12;
	v58 =	vld.idx.msk [tilespmem:v12+s2+$0x0], $0xffff  }
0x422: {  	v63 =	vor.u32 $0x9, v16;
	v20 =	vadd.f32 v21, v20;
	v61 =	vld.idx.msk [tilespmem:v39+s2+$0x0], $0xffff;
	v27 =	vadd.f32 v35, v53  }
0x423: {  	v51 =	vor.u32 $0xF, v11;
	v60 =	vor.u32 $0x3, v12;
	v11 =	vadd.f32 v23, v55;
	v42 =	vld.idx.msk [tilespmem:v59+s2+$0x0], $0xffff  }
0x424: {  	v41 =	vor.u32 $0xA, v16;
	v20 =	vadd.f32 v24, v20;
	v62 =	vld.idx.msk [tilespmem:v52+s2+$0x0], $0xffff;
	v27 =	vadd.f32 v37, v27  }
0x425: {  	v11 =	vadd.f32 v49, v11;
	v39 =	vor.u32 $0x4, v12;
	v37 =	vld.idx.msk [tilespmem:v54+s2+$0x0], $0xffff  }
0x426: {  	v20 =	vadd.f32 v26, v20;
	v22 =	vld.idx.msk [tilespmem:v56+s2+$0x0], $0xffff;
	v40 =	vadd.f32 v57, v27  }
0x427: {  	v43 =	vor.u32 $0x5, v12;
	v47 =	vld.idx.msk [tilespmem:v63+s2+$0x0], $0xffff;
	v19 =	vadd.f32 v19, v11;
	v21 =	vadd.f32 $0.0e+00, v58  }
0x428: {  	v46 =	vor.u32 $0xB, v16;
	v44 =	vld.idx.msk [tilespmem:v60+s2+$0x0], $0xffff;
	v11 =	vadd.f32 v30, v20;
	v45 =	vadd.f32 v61, v40  }
0x429: {  	v48 =	vor.u32 $0x6, v12;
	v52 =	vld.idx.msk [tilespmem:v41+s2+$0x0], $0xffff;
	v19 =	vadd.f32 v28, v19;
	v21 =	vadd.f32 v62, v21  }
0x42a: {  	v50 =	vor.u32 $0xC, v16;
	(xrf2) =	vadd.scan.msk.f32 $0xffff, v11;
	v49 =	vld.idx.msk [tilespmem:v39+s2+$0x0], $0xffff;
	v18 =	vadd.f32 v37, v45  }
0x42b: {  	v19 =	vadd.f32 v25, v19;
	v33 =	vld.idx.msk [tilespmem:v51+s2+$0x0], $0xffff;
	v51 =	vor.u32 $0x7, v12;
	v21 =	vadd.f32 v22, v21  }
0x42c: {  	v53 =	vld.idx.msk [tilespmem:v43+s2+$0x0], $0xffff;
	v54 =	vor.u32 $0xD, v16;
	v18 =	vadd.f32 v42, v18  }
0x42d: {  	v55 =	vor.u32 $0x8, v12;
	v26 =	vld.idx.msk [tilespmem:v46+s2+$0x0], $0xffff;
	v19 =	vadd.f32 v32, v19;
	v20 =	vadd.f32 v44, v21  }
0x42e: {  	(v2sf) =	vpush v13, $0xF;
	v56 =	vld.idx.msk [tilespmem:v48+s2+$0x0], $0xffff;
	v57 =	vor.u32 $0xE, v16;
	v18 =	vadd.f32 v47, v18  }
0x42f: {  	v23 =	vld.idx.msk [tilespmem:v50+s2+$0x0], $0xffff;
	v58 =	vor.u32 $0x9, v12;
	v15 =	vadd.f32 v15, v19;
	v20 =	vadd.f32 v49, v20  }
0x430: {  	v22 =	vld.idx.msk [tilespmem:v51+s2+$0x0], $0xffff;
	v16 =	vor.u32 $0xF, v16;
	v18 =	vadd.f32 v52, v18  }
0x431: {  	v59 =	vor.u32 $0xA, v12;
	v15 =	vadd.f32 v36, v15;
	v20 =	vadd.f32 v53, v20;
	v60 =	vld.idx.msk [tilespmem:v54+s2+$0x0], $0xffff  }
0x432: {  	v21 =	vld.idx.msk [tilespmem:v55+s2+$0x0], $0xffff;
	v18 =	vadd.f32 v26, v18  }
0x433: {  	v15 =	vadd.f32 v33, v15;
	v61 =	vor.u32 $0xB, v12;
	v13 =	vadd.f32 v56, v20;
	v62 =	vld.idx.msk [tilespmem:v57+s2+$0x0], $0xffff  }
0x434: {  	(v2sf) =	vpush v14, $0xF;
	v19 =	vld.idx.msk [tilespmem:v58+s2+$0x0], $0xffff;
	v63, _, _ =	vpop (xrf2);
	v18 =	vadd.f32 v23, v18  }
0x435: {  	v29 =	vor.u32 $0xC, v12;
	(xrf2) =	vadd.scan.msk.f32 $0xffff, v15;
	(v2sf) =	vpush v63, $0xF;
	v13 =	vadd.f32 v22, v13;
	v16 =	vld.idx.msk [tilespmem:v16+s2+$0x0], $0xffff  }
0x436: {  	v30 =	vld.idx.msk [tilespmem:v59+s2+$0x0], $0xffff;
	v18 =	vadd.f32 v60, v18  }
0x437: {  	v31 =	vor.u32 $0xD, v12;
	v13 =	vadd.f32 v21, v13  }
0x438: {  	v32 =	vld.idx.msk [tilespmem:v61+s2+$0x0], $0xffff;
	v18 =	vadd.f32 v62, v18  }
0x439: {  	v33 =	vor.u32 $0xE, v12;
	v13 =	vadd.f32 v19, v13  }
0x43a: {  	v34 =	vld.idx.msk [tilespmem:v29+s2+$0x0], $0xffff;
	v16 =	vadd.f32 v16, v18  }
0x43b: {  	v12 =	vor.u32 $0xF, v12;
	v13 =	vadd.f32 v30, v13  }
0x43c: {  	v35 =	vld.idx.msk [tilespmem:v31+s2+$0x0], $0xffff;
	(xrf2) =	vadd.scan.msk.f32 $0xffff, v16  }
0x43d: {  	v13 =	vadd.f32 v32, v13  }
0x43e: {  	s3 =	spop (v2sf);
	v20 =	vld.idx.msk [tilespmem:v33+s2+$0x0], $0xffff  }
0x43f: {  	s1 =	sadd.f32 s3, s1;
	v36, _, _ =	vpop (xrf2);
	v13 =	vadd.f32 v34, v13  }
0x440: {  	v12 =	vld.idx.msk [tilespmem:v12+s2+$0x0], $0xffff;
	(v2sf) =	vpush v36, $0xF  }
0x441: {  	v14 =	vadd.f32 s1, v63;
	v13 =	vadd.f32 v35, v13;
	_ =	sdelay $0x1  }
0x442: {  	v10 =	vor.u32 $0x20000, v10;
	s5 =	spop (v2sf);
	v14 =	vsub.f32 v6, v14;
	v13 =	vadd.f32 v20, v13  }
0x443: {  	v17 =	vsub.f32 v5, v17;
	v39 =	vmul.f32 v10, v9;
	v37 =	vmul.f32 $5.000000000e-01, v9;
	s4 =	spop (v2sf)  }
0x444: {  	v43 =	vpop (erf);
	v40 =	vmul.f32 $5.000000000e-01, v11;
	v14 =	vadd.f32 v14, v5;
	s1 =	sadd.f32 s4, s1;
	v12 =	vadd.f32 v12, v13  }
0x445: {  	v8 =	vmul.f32 v10, v8;
	s3 =	sadd.f32 s5, s28;
	s5 =	sadd.s32 $0xD61, s31;
	v9 =	vmul.f32 v43, v39;
	v38 =	vadd.f32 v17, v37;
	v41, _, _ =	vpop (xrf2)  }
0x446: {  	v58 =	vmov s5;
	v45 =	vadd.f32 v14, v40;
	(xrf2) =	vadd.scan.msk.f32 $0xffff, v12;
	v42 =	vadd.f32 s1, v41  }
0x447: {  	v53 =	vmul.f32 $5.000000000e-01, v15;
	v7 =	vadd.f32 v9, v7;
	v44 =	vadd.f32 v14, v11  }
0x448: {  	v14 =	vmax.f32 v14, $1.000000000e+00;
	v10 =	vmax.f32 v45, $1.000000000e+00;
	v6 =	vsub.f32 v6, v42  }
0x449: {  	v48 =	vpop (erf);
	v46 =	vmax.f32 v44, $1.000000000e+00;
	(erf) = vrcp.f32 v10;
	v13 =	vsub.f32 v5, v38  }
0x44a: {  	s0 =	sadd.s32 $0xD61, s0;
	v47 =	vmul.f32 v46, v14;
	v49 =	vmul.f32 $5.000000000e-01, v16;
	v6 =	vadd.f32 v6, v5  }
0x44b: {  	v52 =	vmov s0;
	v50 =	vadd.f32 s3, v36;
	v8 =	vmul.f32 v8, v13  }
0x44c: {  	v14 =	vshll.u32 v52, $0x12;
	v10 =	vadd.f32 v6, v49;
	v51 =	vadd.f32 v6, v16  }
0x44d: {  	(erf) = vrcp.f32 v47;
	v9 =	vsub.f32 v5, v50;
	v8 =	vmul.f32 v48, v8  }
0x44e: {  	s4 =	spop (v2sf);
	v6 =	vmax.f32 v6, $1.000000000e+00;
	v10 =	vmax.f32 v10, $1.000000000e+00;
	v13 =	vmax.f32 v51, $1.000000000e+00  }
0x44f: {  	v54 =	vadd.s32 v3, v14;
	s0 =	sadd.f32 s4, s3;
	v6 =	vmul.f32 v13, v6;
	(erf) = vrcp.f32 v10  }
0x450: {  	v9 =	vadd.f32 v9, v53;
	v7 =	vadd.f32 v8, v7;
	v8 =	vor.u32 $0x20000, v54;
	v55, _, _ =	vpop (xrf2)  }
0x451: {  	v56 =	vadd.f32 s0, v55;
	(erf) = vrcp.f32 v6;
	v6 =	vmul.f32 v8, v15  }
0x452: {  	v60 =	vshll.u32 v58, $0x12;
	v9 =	vsub.f32 v5, v9;
	v57 =	vpop (erf);
	v8 =	vmul.f32 v8, v11  }
0x453: {  	v59 =	vmul.f32 $5.000000000e-01, v12;
	v13 =	vsub.f32 v5, v56;
	v6 =	vmul.f32 v57, v6  }
0x454: {  	v8 =	vmul.f32 v8, v9;
	v9 =	vadd.s32 v3, v60  }
0x455: {  	v13 =	vadd.f32 v13, v59;
	v6 =	vadd.f32 v6, v7;
	v7 =	vor.u32 $0x20000, v9  }
0x456: {  	v61 =	vpop (erf);
	v9 =	vmul.f32 v7, v12;
	v7 =	vmul.f32 v7, v16  }
0x457: {  	v5 =	vsub.f32 v5, v13;
	v8 =	vmul.f32 v61, v8  }
0x458: {  	v62 =	vpop (erf)  }
0x459: {  	v6 =	vadd.f32 v8, v6;
	v5 =	vmul.f32 v7, v5;
	v63 =	vmul.f32 v62, v9  }
0x45a: {  	v7 =	vpop (erf)  }
0x45b: {  	v5 =	vmul.f32 v7, v5;
	v6 =	vadd.f32 v63, v6;
	_ =	sdelay $0x1  }
0x45c: {  	v5 =	vadd.f32 v5, v6;
	_ =	sdelay $0x1  }
0x45d: {  	(xrf2) =	vadd.scan.msk.f32 $0xffff, v5;
	_ =	sdelay $0x6  }
0x45e: {  	(v2sf) =	vpush v41, $0xF  }
0x45f: {  	(v2sf) =	vpush v55, $0xF  }
0x460: {  	v5 =	vld [tilespmem:$0x8500]  }
0x461: {  	v6, _, _ =	vpop (xrf2)  }
0x462: {  	v6 =	vbroadcast v6, $0xF;
	_ =	sdelay $0x1  }
0x463: {  	v6 =	vnsel vm1, $0x0, v6  }
0x464: {  	v5 =	vadd.f32 v5, v6;
	_ =	sdelay $0x1  }
0x465: {  	s0 =	simm.s32 $0x40;
	[tilespmem:$0x8500] =	vst v5  }
0x466: {  	[tilespmem:s0+$0xFFFFFFC0] =	vst v0  }
0x467: {  	[tilespmem:s0+$0x30] =	vst v0  }
0x468: {  	[tilespmem:s0+$0x20] =	vst v0  }
0x469: {  	[tilespmem:s0+$0x10] =	vst v0  }
0x46a: {  	[tilespmem:s0+$0x0] =	vst v0  }
0x46b: {  	s28 =	spop (v2sf);
	[tilespmem:s0+$0xFFFFFFF0] =	vst v0  }
0x46c: {  	s1 =	simm.s32 $0x0;
	s31 =	spop (v2sf);
	[tilespmem:s0+$0xFFFFFFE0] =	vst v0  }
.LBB2_40:
0x46d: {  	s1 =	sadd.s32 $0x8, s1;
	[tilespmem:s0+$0xFFFFFFD0] =	vst v0;
	s0 =	sadd.s32 $0x80, s0  }
0x46e: {  	[tilespmem:s0+$0xFFFFFFC0] =	vst v0;
	p0 =	slt.u32 s1, $0x538  }
0x46f: {  	[tilespmem:s0+$0x30] =	vst v0  }
.Ltmp19:
0x470: {  	[tilespmem:s0+$0x20] =	vst v0;
	(pc) =	sbr.rel @p0 .LBB2_40-.Ltmp19, $4  }
0x471: {  	[tilespmem:s0+$0x10] =	vst v0  }
0x472: {  	[tilespmem:s0+$0x0] =	vst v0  }
0x473: {  	[tilespmem:s0+$0xFFFFFFF0] =	vst v0  }
0x474: {  	[tilespmem:s0+$0xFFFFFFE0] =	vst v0  }
0x475: {  	[tilespmem:s0+$0xFFFFFFD0] =	vst v0  }
0x476: {  	[tilespmem:s23], [sflag:$0x1] =	stream.strided.gather [hbm4b:s11+s21], $0x1880, s22, s21, $0x38;
	[tilespmem:$0x8580] =	vst v63  }
0x477: {  	_ = 	snop  }
0x478: {  	[tilespmem:s24], [sflag:$0x2] =	stream.strided.gather [hbm4b:s12+s21], $0x1880, s22, s21, $0x38;
	[tilespmem:$0x8580] =	vst v63  }
0x479: {  	_ =	swait.ge [sflag:s25], $0x1880  }
0x47a: {  	[sflag:s25] =	ssyncset.done $0x0  }
0x47b: {  	s1 =	simm.s32 $0x5480;
	[sflag:s25] =	ssyncadd.s32 $0xFFFFE780  }
0x47c: {  	v7 =	vld [tilespmem:s1+$0xFFFFFFF0]  }
0x47d: {  	v6 =	vld [tilespmem:s1+$0x0]  }
0x47e: {  	v8 =	vld [tilespmem:s1+$0x10]  }
0x47f: {  	v9 =	vld [tilespmem:s1+$0x20]  }
0x480: {  	v10 =	vld [tilespmem:s1+$0xFFFFFF80]  }
0x481: {  	v11 =	vld [tilespmem:s1+$0x70]  }
0x482: {  	v17 =	vld [tilespmem:s1+$0xFFFFFF90]  }
0x483: {  	v5 =	vld [tilespmem:s1+$0xFFFFFFA0]  }
0x484: {  	v14 =	vld [tilespmem:s1+$0xFFFFFFB0]  }
0x485: {  	v13 =	vld [tilespmem:s1+$0xFFFFFFC0];
	v12 =	vand.u32 $0xFFFF, v10  }
0x486: {  	v15 =	vld [tilespmem:s1+$0x60];
	v10 =	vshrl.u32 v10, $0x10  }
0x487: {  	v18 =	vld [tilespmem:s1+$0x50];
	v16 =	vand.u32 $0xFFFF, v11  }
0x488: {  	v19 =	vld [tilespmem:s1+$0x40];
	v11 =	vshrl.u32 v11, $0x10  }
0x489: {  	s0 =	simm.s32 $0x0;
	v20 =	vld [tilespmem:s1+$0x30]  }
0x48a: {  	[tilespmem:v12+s0+$0x0] =	vst.idx.add.f32.msk $0xffff, v1  }
0x48b: {  	[tilespmem:v10+s0+$0x0] =	vst.idx.add.f32.msk $0xffff, v1;
	v10 =	vand.u32 $0xFFFF, v15  }
0x48c: {  	v12 =	vshrl.u32 v15, $0x10;
	[tilespmem:v16+s0+$0x0] =	vst.idx.add.f32.msk $0xffff, v1;
	v15 =	vand.u32 $0xFFFF, v18  }
0x48d: {  	[tilespmem:v11+s0+$0x0] =	vst.idx.add.f32.msk $0xffff, v1;
	v11 =	vshrl.u32 v18, $0x10;
	v18 =	vand.u32 $0xFFFF, v19  }
0x48e: {  	v21 =	vld [tilespmem:s1+$0xFFFFFFD0]  }
0x48f: {  	v16 =	vld [tilespmem:s1+$0xFFFFFFE0]  }
0x490: {  	v19 =	vshrl.u32 v19, $0x10;
	[tilespmem:v10+s0+$0x0] =	vst.idx.add.f32.msk $0xffff, v1  }
0x491: {  	v10 =	vand.u32 $0xFFFF, v20;
	[tilespmem:v15+s0+$0x0] =	vst.idx.add.f32.msk $0xffff, v1  }
0x492: {  	v15 =	vand.u32 $0xFFFF, v9;
	[tilespmem:v18+s0+$0x0] =	vst.idx.add.f32.msk $0xffff, v1  }
0x493: {  	v18 =	vand.u32 $0xFFFF, v6;
	[tilespmem:v12+s0+$0x0] =	vst.idx.add.f32.msk $0xffff, v1  }
0x494: {  	v12 =	vshrl.u32 v20, $0x10;
	[tilespmem:v11+s0+$0x0] =	vst.idx.add.f32.msk $0xffff, v1  }
0x495: {  	v11 =	vand.u32 $0xFFFF, v8;
	[tilespmem:v19+s0+$0x0] =	vst.idx.add.f32.msk $0xffff, v1  }
0x496: {  	v9 =	vshrl.u32 v9, $0x10;
	[tilespmem:v10+s0+$0x0] =	vst.idx.add.f32.msk $0xffff, v1  }
0x497: {  	v20 =	vand.u32 $0xFFFF, v7;
	[tilespmem:v15+s0+$0x0] =	vst.idx.add.f32.msk $0xffff, v1  }
0x498: {  	v19 =	vshrl.u32 v8, $0x10;
	[tilespmem:v18+s0+$0x0] =	vst.idx.add.f32.msk $0xffff, v1  }
0x499: {  	v8 =	vshrl.u32 v6, $0x10;
	[tilespmem:v12+s0+$0x0] =	vst.idx.add.f32.msk $0xffff, v1  }
0x49a: {  	v6 =	vshrl.u32 v16, $0x10;
	v10 =	vand.u32 $0xFFFF, v16;
	v15 =	vshrl.u32 v7, $0x10;
	[tilespmem:v11+s0+$0x0] =	vst.idx.add.f32.msk $0xffff, v1  }
0x49b: {  	v7 =	vshrl.u32 v13, $0x10;
	v18 =	vshrl.u32 v21, $0x10;
	v16 =	vshrl.u32 v14, $0x10;
	[tilespmem:v9+s0+$0x0] =	vst.idx.add.f32.msk $0xffff, v1  }
0x49c: {  	v11 =	vand.u32 $0xFFFF, v21;
	v12 =	vand.u32 $0xFFFF, v13;
	v13 =	vand.u32 $0xFFFF, v14;
	[tilespmem:v20+s0+$0x0] =	vst.idx.add.f32.msk $0xffff, v1  }
0x49d: {  	s3 =	simm.s32 $0x0;
	v9 =	vand.u32 $0xFFFF, v5;
	v14 =	vshrl.u32 v17, $0x10;
	v17 =	vand.u32 $0xFFFF, v17;
	[tilespmem:v19+s0+$0x0] =	vst.idx.add.f32.msk $0xffff, v1  }
.LBB2_42:
0x49e: {  	s3 =	sadd.s32 $0x10, s3;
	[tilespmem:v8+s0+$0x0] =	vst.idx.add.f32.msk $0xffff, v1;
	s1 =	sadd.s32 $0x100, s1  }
0x49f: {  	p0 =	slt.u32 s3, $0x170;
	[tilespmem:v15+s0+$0x0] =	vst.idx.add.f32.msk $0xffff, v1  }
0x4a0: {  	[tilespmem:v10+s0+$0x0] =	vst.idx.add.f32.msk $0xffff, v1  }
0x4a1: {  	v5 =	vshrl.u32 v5, $0x10;
	[tilespmem:v6+s0+$0x0] =	vst.idx.add.f32.msk $0xffff, v1  }
0x4a2: {  	[tilespmem:v11+s0+$0x0] =	vst.idx.add.f32.msk $0xffff, v1  }
0x4a3: {  	[tilespmem:v18+s0+$0x0] =	vst.idx.add.f32.msk $0xffff, v1  }
0x4a4: {  	[tilespmem:v12+s0+$0x0] =	vst.idx.add.f32.msk $0xffff, v1  }
0x4a5: {  	[tilespmem:v7+s0+$0x0] =	vst.idx.add.f32.msk $0xffff, v1  }
0x4a6: {  	[tilespmem:v13+s0+$0x0] =	vst.idx.add.f32.msk $0xffff, v1  }
0x4a7: {  	[tilespmem:v16+s0+$0x0] =	vst.idx.add.f32.msk $0xffff, v1  }
0x4a8: {  	[tilespmem:v9+s0+$0x0] =	vst.idx.add.f32.msk $0xffff, v1  }
0x4a9: {  	[tilespmem:v17+s0+$0x0] =	vst.idx.add.f32.msk $0xffff, v1  }
0x4aa: {  	[tilespmem:v14+s0+$0x0] =	vst.idx.add.f32.msk $0xffff, v1  }
0x4ab: {  	[tilespmem:v5+s0+$0x0] =	vst.idx.add.f32.msk $0xffff, v1  }
0x4ac: {  	v7 =	vld [tilespmem:s1+$0xFFFFFFF0]  }
0x4ad: {  	v6 =	vld [tilespmem:s1+$0x0]  }
0x4ae: {  	v9 =	vld [tilespmem:s1+$0x10]  }
0x4af: {  	v8 =	vld [tilespmem:s1+$0x20]  }
0x4b0: {  	v10 =	vld [tilespmem:s1+$0xFFFFFF80]  }
0x4b1: {  	v11 =	vld [tilespmem:s1+$0x70]  }
0x4b2: {  	v17 =	vld [tilespmem:s1+$0xFFFFFF90]  }
0x4b3: {  	v5 =	vld [tilespmem:s1+$0xFFFFFFA0]  }
0x4b4: {  	v14 =	vld [tilespmem:s1+$0xFFFFFFB0]  }
0x4b5: {  	v12 =	vand.u32 $0xFFFF, v10;
	v13 =	vld [tilespmem:s1+$0xFFFFFFC0]  }
0x4b6: {  	v10 =	vshrl.u32 v10, $0x10;
	v15 =	vld [tilespmem:s1+$0x60];
	v16 =	vand.u32 $0xFFFF, v11  }
0x4b7: {  	v18 =	vld [tilespmem:s1+$0x50]  }
0x4b8: {  	v11 =	vshrl.u32 v11, $0x10;
	v19 =	vld [tilespmem:s1+$0x40]  }
0x4b9: {  	v20 =	vld [tilespmem:s1+$0x30]  }
0x4ba: {  	[tilespmem:v12+s0+$0x0] =	vst.idx.add.f32.msk $0xffff, v1  }
0x4bb: {  	[tilespmem:v10+s0+$0x0] =	vst.idx.add.f32.msk $0xffff, v1;
	v10 =	vand.u32 $0xFFFF, v15  }
0x4bc: {  	v15 =	vshrl.u32 v15, $0x10;
	v12 =	vand.u32 $0xFFFF, v18;
	[tilespmem:v16+s0+$0x0] =	vst.idx.add.f32.msk $0xffff, v1  }
0x4bd: {  	v18 =	vshrl.u32 v18, $0x10;
	v16 =	vand.u32 $0xFFFF, v19;
	[tilespmem:v11+s0+$0x0] =	vst.idx.add.f32.msk $0xffff, v1  }
0x4be: {  	v19 =	vshrl.u32 v19, $0x10;
	v11 =	vld [tilespmem:s1+$0xFFFFFFE0];
	v21 =	vand.u32 $0xFFFF, v20  }
0x4bf: {  	v23 =	vand.u32 $0xFFFF, v8;
	v22 =	vld [tilespmem:s1+$0xFFFFFFD0]  }
0x4c0: {  	v24 =	vand.u32 $0xFFFF, v9;
	v25 =	vshrl.u32 v8, $0x10;
	v20 =	vshrl.u32 v20, $0x10;
	[tilespmem:v10+s0+$0x0] =	vst.idx.add.f32.msk $0xffff, v1  }
0x4c1: {  	v26 =	vand.u32 $0xFFFF, v6;
	v27 =	vshrl.u32 v9, $0x10;
	v8 =	vshrl.u32 v6, $0x10;
	[tilespmem:v15+s0+$0x0] =	vst.idx.add.f32.msk $0xffff, v1  }
0x4c2: {  	v28 =	vand.u32 $0xFFFF, v7;
	[tilespmem:v12+s0+$0x0] =	vst.idx.add.f32.msk $0xffff, v1  }
0x4c3: {  	v15 =	vshrl.u32 v7, $0x10;
	v6 =	vshrl.u32 v11, $0x10;
	v10 =	vand.u32 $0xFFFF, v11;
	[tilespmem:v18+s0+$0x0] =	vst.idx.add.f32.msk $0xffff, v1  }
0x4c4: {  	v11 =	vand.u32 $0xFFFF, v22;
	[tilespmem:v16+s0+$0x0] =	vst.idx.add.f32.msk $0xffff, v1  }
0x4c5: {  	v7 =	vshrl.u32 v13, $0x10;
	v12 =	vand.u32 $0xFFFF, v13;
	v18 =	vshrl.u32 v22, $0x10;
	[tilespmem:v19+s0+$0x0] =	vst.idx.add.f32.msk $0xffff, v1  }
0x4c6: {  	v13 =	vand.u32 $0xFFFF, v14;
	[tilespmem:v21+s0+$0x0] =	vst.idx.add.f32.msk $0xffff, v1  }
0x4c7: {  	v9 =	vand.u32 $0xFFFF, v5;
	v16 =	vshrl.u32 v14, $0x10;
	[tilespmem:v20+s0+$0x0] =	vst.idx.add.f32.msk $0xffff, v1  }
0x4c8: {  	v14 =	vshrl.u32 v17, $0x10;
	v17 =	vand.u32 $0xFFFF, v17;
	[tilespmem:v23+s0+$0x0] =	vst.idx.add.f32.msk $0xffff, v1  }
.Ltmp20:
0x4c9: {  	[tilespmem:v24+s0+$0x0] =	vst.idx.add.f32.msk $0xffff, v1;
	(pc) =	sbr.rel @p0 .LBB2_42-.Ltmp20, $4  }
0x4ca: {  	[tilespmem:v25+s0+$0x0] =	vst.idx.add.f32.msk $0xffff, v1  }
0x4cb: {  	[tilespmem:v26+s0+$0x0] =	vst.idx.add.f32.msk $0xffff, v1  }
0x4cc: {  	[tilespmem:v27+s0+$0x0] =	vst.idx.add.f32.msk $0xffff, v1  }
0x4cd: {  	[tilespmem:v28+s0+$0x0] =	vst.idx.add.f32.msk $0xffff, v1  }
0x4ce: {  	_ =	sdelay $0x3  }
0x4cf: {  	[tilespmem:v8+s0+$0x0] =	vst.idx.add.f32.msk $0xffff, v1  }
0x4d0: {  	[tilespmem:v15+s0+$0x0] =	vst.idx.add.f32.msk $0xffff, v1  }
0x4d1: {  	[tilespmem:v10+s0+$0x0] =	vst.idx.add.f32.msk $0xffff, v1  }
0x4d2: {  	[tilespmem:v11+s0+$0x0] =	vst.idx.add.f32.msk $0xffff, v1  }
0x4d3: {  	[tilespmem:v12+s0+$0x0] =	vst.idx.add.f32.msk $0xffff, v1  }
0x4d4: {  	[tilespmem:v13+s0+$0x0] =	vst.idx.add.f32.msk $0xffff, v1  }
0x4d5: {  	[tilespmem:v9+s0+$0x0] =	vst.idx.add.f32.msk $0xffff, v1  }
0x4d6: {  	[tilespmem:v17+s0+$0x0] =	vst.idx.add.f32.msk $0xffff, v1  }
0x4d7: {  	v5 =	vshrl.u32 v5, $0x10;
	[tilespmem:v6+s0+$0x0] =	vst.idx.add.f32.msk $0xffff, v1  }
0x4d8: {  	[tilespmem:v18+s0+$0x0] =	vst.idx.add.f32.msk $0xffff, v1  }
0x4d9: {  	[tilespmem:v7+s0+$0x0] =	vst.idx.add.f32.msk $0xffff, v1  }
0x4da: {  	[tilespmem:v16+s0+$0x0] =	vst.idx.add.f32.msk $0xffff, v1  }
0x4db: {  	[tilespmem:v14+s0+$0x0] =	vst.idx.add.f32.msk $0xffff, v1  }
0x4dc: {  	[tilespmem:v5+s0+$0x0] =	vst.idx.add.f32.msk $0xffff, v1  }
.LBB2_44:
0x4dd: {  	s1 =	sshra.s32 s0, $0x2  }
0x4de: {  	v5 =	vld [tilespmem:s1+$0x6C00];
	_ =	sdelay $0x4  }
0x4df: {  	v6 =	vand.u32 $0xFFFF, v5  }
0x4e0: {  	p0 =	sne.s32 s0, $0x1C0;
	v5 =	vshrl.u32 v5, $0x10  }
.Ltmp21:
0x4e1: {  	_ = 	snop;
	(pc) =	sbr.rel @p0 .LBB2_44-.Ltmp21, $3  }
0x4e2: {  	_ =	sdelay $0x1  }
0x4e3: {  	[tilespmem:v6+s2+$0x0] =	vst.idx.add.f32.msk $0xffff, v1  }
0x4e4: {  	s0 =	sadd.s32 $0x40, s0;
	[tilespmem:v5+s2+$0x0] =	vst.idx.add.f32.msk $0xffff, v1  }
0x4e5: {  	[tilespmem:s23], [sflag:$0x1] =	stream.strided.gather [hbm4b:s13+s21], $0x1880, s22, s21, $0x38;
	[tilespmem:$0x8580] =	vst v63  }
0x4e6: {  	_ =	swait.ge [sflag:s26], $0x1880  }
0x4e7: {  	[sflag:s26] =	ssyncset.done $0x0  }
0x4e8: {  	s1 =	simm.s32 $0x6D00;
	[sflag:s26] =	ssyncadd.s32 $0xFFFFE780  }
0x4e9: {  	v7 =	vld [tilespmem:s1+$0xFFFFFFF0]  }
0x4ea: {  	v6 =	vld [tilespmem:s1+$0x0]  }
0x4eb: {  	v8 =	vld [tilespmem:s1+$0x10]  }
0x4ec: {  	v9 =	vld [tilespmem:s1+$0x20]  }
0x4ed: {  	v10 =	vld [tilespmem:s1+$0xFFFFFF80]  }
0x4ee: {  	v11 =	vld [tilespmem:s1+$0x70]  }
0x4ef: {  	v17 =	vld [tilespmem:s1+$0xFFFFFF90]  }
0x4f0: {  	v5 =	vld [tilespmem:s1+$0xFFFFFFA0]  }
0x4f1: {  	v14 =	vld [tilespmem:s1+$0xFFFFFFB0]  }
0x4f2: {  	v13 =	vld [tilespmem:s1+$0xFFFFFFC0];
	v12 =	vand.u32 $0xFFFF, v10  }
0x4f3: {  	v15 =	vld [tilespmem:s1+$0x60];
	v10 =	vshrl.u32 v10, $0x10  }
0x4f4: {  	v18 =	vld [tilespmem:s1+$0x50];
	v16 =	vand.u32 $0xFFFF, v11  }
0x4f5: {  	v19 =	vld [tilespmem:s1+$0x40];
	v11 =	vshrl.u32 v11, $0x10  }
0x4f6: {  	s0 =	simm.s32 $0x0;
	v20 =	vld [tilespmem:s1+$0x30]  }
0x4f7: {  	[tilespmem:v12+s0+$0x0] =	vst.idx.add.f32.msk $0xffff, v1  }
0x4f8: {  	[tilespmem:v10+s0+$0x0] =	vst.idx.add.f32.msk $0xffff, v1;
	v10 =	vand.u32 $0xFFFF, v15  }
0x4f9: {  	v12 =	vshrl.u32 v15, $0x10;
	[tilespmem:v16+s0+$0x0] =	vst.idx.add.f32.msk $0xffff, v1;
	v15 =	vand.u32 $0xFFFF, v18  }
0x4fa: {  	[tilespmem:v11+s0+$0x0] =	vst.idx.add.f32.msk $0xffff, v1;
	v11 =	vshrl.u32 v18, $0x10;
	v18 =	vand.u32 $0xFFFF, v19  }
0x4fb: {  	v21 =	vld [tilespmem:s1+$0xFFFFFFD0]  }
0x4fc: {  	v16 =	vld [tilespmem:s1+$0xFFFFFFE0]  }
0x4fd: {  	v19 =	vshrl.u32 v19, $0x10;
	[tilespmem:v10+s0+$0x0] =	vst.idx.add.f32.msk $0xffff, v1  }
0x4fe: {  	v10 =	vand.u32 $0xFFFF, v20;
	[tilespmem:v15+s0+$0x0] =	vst.idx.add.f32.msk $0xffff, v1  }
0x4ff: {  	v15 =	vand.u32 $0xFFFF, v9;
	[tilespmem:v18+s0+$0x0] =	vst.idx.add.f32.msk $0xffff, v1  }
0x500: {  	v18 =	vand.u32 $0xFFFF, v6;
	[tilespmem:v12+s0+$0x0] =	vst.idx.add.f32.msk $0xffff, v1  }
0x501: {  	v12 =	vshrl.u32 v20, $0x10;
	[tilespmem:v11+s0+$0x0] =	vst.idx.add.f32.msk $0xffff, v1  }
0x502: {  	v11 =	vand.u32 $0xFFFF, v8;
	[tilespmem:v19+s0+$0x0] =	vst.idx.add.f32.msk $0xffff, v1  }
0x503: {  	v9 =	vshrl.u32 v9, $0x10;
	[tilespmem:v10+s0+$0x0] =	vst.idx.add.f32.msk $0xffff, v1  }
0x504: {  	v20 =	vand.u32 $0xFFFF, v7;
	[tilespmem:v15+s0+$0x0] =	vst.idx.add.f32.msk $0xffff, v1  }
0x505: {  	v19 =	vshrl.u32 v8, $0x10;
	[tilespmem:v18+s0+$0x0] =	vst.idx.add.f32.msk $0xffff, v1  }
0x506: {  	v8 =	vshrl.u32 v6, $0x10;
	[tilespmem:v12+s0+$0x0] =	vst.idx.add.f32.msk $0xffff, v1  }
0x507: {  	v6 =	vshrl.u32 v16, $0x10;
	v10 =	vand.u32 $0xFFFF, v16;
	v15 =	vshrl.u32 v7, $0x10;
	[tilespmem:v11+s0+$0x0] =	vst.idx.add.f32.msk $0xffff, v1  }
0x508: {  	v7 =	vshrl.u32 v13, $0x10;
	v18 =	vshrl.u32 v21, $0x10;
	v16 =	vshrl.u32 v14, $0x10;
	[tilespmem:v9+s0+$0x0] =	vst.idx.add.f32.msk $0xffff, v1  }
0x509: {  	v11 =	vand.u32 $0xFFFF, v21;
	v12 =	vand.u32 $0xFFFF, v13;
	v13 =	vand.u32 $0xFFFF, v14;
	[tilespmem:v20+s0+$0x0] =	vst.idx.add.f32.msk $0xffff, v1  }
0x50a: {  	s3 =	simm.s32 $0x0;
	v9 =	vand.u32 $0xFFFF, v5;
	v14 =	vshrl.u32 v17, $0x10;
	v17 =	vand.u32 $0xFFFF, v17;
	[tilespmem:v19+s0+$0x0] =	vst.idx.add.f32.msk $0xffff, v1  }
.LBB2_46:
0x50b: {  	s3 =	sadd.s32 $0x10, s3;
	[tilespmem:v8+s0+$0x0] =	vst.idx.add.f32.msk $0xffff, v1;
	s1 =	sadd.s32 $0x100, s1  }
0x50c: {  	p0 =	slt.u32 s3, $0x170;
	[tilespmem:v15+s0+$0x0] =	vst.idx.add.f32.msk $0xffff, v1  }
0x50d: {  	[tilespmem:v10+s0+$0x0] =	vst.idx.add.f32.msk $0xffff, v1  }
0x50e: {  	v5 =	vshrl.u32 v5, $0x10;
	[tilespmem:v6+s0+$0x0] =	vst.idx.add.f32.msk $0xffff, v1  }
0x50f: {  	[tilespmem:v11+s0+$0x0] =	vst.idx.add.f32.msk $0xffff, v1  }
0x510: {  	[tilespmem:v18+s0+$0x0] =	vst.idx.add.f32.msk $0xffff, v1  }
0x511: {  	[tilespmem:v12+s0+$0x0] =	vst.idx.add.f32.msk $0xffff, v1  }
0x512: {  	[tilespmem:v7+s0+$0x0] =	vst.idx.add.f32.msk $0xffff, v1  }
0x513: {  	[tilespmem:v13+s0+$0x0] =	vst.idx.add.f32.msk $0xffff, v1  }
0x514: {  	[tilespmem:v16+s0+$0x0] =	vst.idx.add.f32.msk $0xffff, v1  }
0x515: {  	[tilespmem:v9+s0+$0x0] =	vst.idx.add.f32.msk $0xffff, v1  }
0x516: {  	[tilespmem:v17+s0+$0x0] =	vst.idx.add.f32.msk $0xffff, v1  }
0x517: {  	[tilespmem:v14+s0+$0x0] =	vst.idx.add.f32.msk $0xffff, v1  }
0x518: {  	[tilespmem:v5+s0+$0x0] =	vst.idx.add.f32.msk $0xffff, v1  }
0x519: {  	v7 =	vld [tilespmem:s1+$0xFFFFFFF0]  }
0x51a: {  	v6 =	vld [tilespmem:s1+$0x0]  }
0x51b: {  	v9 =	vld [tilespmem:s1+$0x10]  }
0x51c: {  	v8 =	vld [tilespmem:s1+$0x20]  }
0x51d: {  	v10 =	vld [tilespmem:s1+$0xFFFFFF80]  }
0x51e: {  	v11 =	vld [tilespmem:s1+$0x70]  }
0x51f: {  	v17 =	vld [tilespmem:s1+$0xFFFFFF90]  }
0x520: {  	v5 =	vld [tilespmem:s1+$0xFFFFFFA0]  }
0x521: {  	v14 =	vld [tilespmem:s1+$0xFFFFFFB0]  }
0x522: {  	v12 =	vand.u32 $0xFFFF, v10;
	v13 =	vld [tilespmem:s1+$0xFFFFFFC0]  }
0x523: {  	v10 =	vshrl.u32 v10, $0x10;
	v15 =	vld [tilespmem:s1+$0x60];
	v16 =	vand.u32 $0xFFFF, v11  }
0x524: {  	v18 =	vld [tilespmem:s1+$0x50]  }
0x525: {  	v11 =	vshrl.u32 v11, $0x10;
	v19 =	vld [tilespmem:s1+$0x40]  }
0x526: {  	v20 =	vld [tilespmem:s1+$0x30]  }
0x527: {  	[tilespmem:v12+s0+$0x0] =	vst.idx.add.f32.msk $0xffff, v1  }
0x528: {  	[tilespmem:v10+s0+$0x0] =	vst.idx.add.f32.msk $0xffff, v1;
	v10 =	vand.u32 $0xFFFF, v15  }
0x529: {  	v15 =	vshrl.u32 v15, $0x10;
	v12 =	vand.u32 $0xFFFF, v18;
	[tilespmem:v16+s0+$0x0] =	vst.idx.add.f32.msk $0xffff, v1  }
0x52a: {  	v18 =	vshrl.u32 v18, $0x10;
	v16 =	vand.u32 $0xFFFF, v19;
	[tilespmem:v11+s0+$0x0] =	vst.idx.add.f32.msk $0xffff, v1  }
0x52b: {  	v19 =	vshrl.u32 v19, $0x10;
	v11 =	vld [tilespmem:s1+$0xFFFFFFE0];
	v21 =	vand.u32 $0xFFFF, v20  }
0x52c: {  	v23 =	vand.u32 $0xFFFF, v8;
	v22 =	vld [tilespmem:s1+$0xFFFFFFD0]  }
0x52d: {  	v24 =	vand.u32 $0xFFFF, v9;
	v25 =	vshrl.u32 v8, $0x10;
	v20 =	vshrl.u32 v20, $0x10;
	[tilespmem:v10+s0+$0x0] =	vst.idx.add.f32.msk $0xffff, v1  }
0x52e: {  	v26 =	vand.u32 $0xFFFF, v6;
	v27 =	vshrl.u32 v9, $0x10;
	v8 =	vshrl.u32 v6, $0x10;
	[tilespmem:v15+s0+$0x0] =	vst.idx.add.f32.msk $0xffff, v1  }
0x52f: {  	v28 =	vand.u32 $0xFFFF, v7;
	[tilespmem:v12+s0+$0x0] =	vst.idx.add.f32.msk $0xffff, v1  }
0x530: {  	v15 =	vshrl.u32 v7, $0x10;
	v6 =	vshrl.u32 v11, $0x10;
	v10 =	vand.u32 $0xFFFF, v11;
	[tilespmem:v18+s0+$0x0] =	vst.idx.add.f32.msk $0xffff, v1  }
0x531: {  	v11 =	vand.u32 $0xFFFF, v22;
	[tilespmem:v16+s0+$0x0] =	vst.idx.add.f32.msk $0xffff, v1  }
0x532: {  	v7 =	vshrl.u32 v13, $0x10;
	v12 =	vand.u32 $0xFFFF, v13;
	v18 =	vshrl.u32 v22, $0x10;
	[tilespmem:v19+s0+$0x0] =	vst.idx.add.f32.msk $0xffff, v1  }
0x533: {  	v13 =	vand.u32 $0xFFFF, v14;
	[tilespmem:v21+s0+$0x0] =	vst.idx.add.f32.msk $0xffff, v1  }
0x534: {  	v9 =	vand.u32 $0xFFFF, v5;
	v16 =	vshrl.u32 v14, $0x10;
	[tilespmem:v20+s0+$0x0] =	vst.idx.add.f32.msk $0xffff, v1  }
0x535: {  	v14 =	vshrl.u32 v17, $0x10;
	v17 =	vand.u32 $0xFFFF, v17;
	[tilespmem:v23+s0+$0x0] =	vst.idx.add.f32.msk $0xffff, v1  }
.Ltmp22:
0x536: {  	[tilespmem:v24+s0+$0x0] =	vst.idx.add.f32.msk $0xffff, v1;
	(pc) =	sbr.rel @p0 .LBB2_46-.Ltmp22, $4  }
0x537: {  	[tilespmem:v25+s0+$0x0] =	vst.idx.add.f32.msk $0xffff, v1  }
0x538: {  	[tilespmem:v26+s0+$0x0] =	vst.idx.add.f32.msk $0xffff, v1  }
0x539: {  	[tilespmem:v27+s0+$0x0] =	vst.idx.add.f32.msk $0xffff, v1  }
0x53a: {  	[tilespmem:v28+s0+$0x0] =	vst.idx.add.f32.msk $0xffff, v1  }
0x53b: {  	_ =	sdelay $0x3  }
0x53c: {  	[tilespmem:v8+s0+$0x0] =	vst.idx.add.f32.msk $0xffff, v1  }
0x53d: {  	[tilespmem:v15+s0+$0x0] =	vst.idx.add.f32.msk $0xffff, v1  }
0x53e: {  	[tilespmem:v10+s0+$0x0] =	vst.idx.add.f32.msk $0xffff, v1  }
0x53f: {  	[tilespmem:v11+s0+$0x0] =	vst.idx.add.f32.msk $0xffff, v1  }
0x540: {  	[tilespmem:v12+s0+$0x0] =	vst.idx.add.f32.msk $0xffff, v1  }
0x541: {  	[tilespmem:v13+s0+$0x0] =	vst.idx.add.f32.msk $0xffff, v1  }
0x542: {  	[tilespmem:v9+s0+$0x0] =	vst.idx.add.f32.msk $0xffff, v1  }
0x543: {  	[tilespmem:v17+s0+$0x0] =	vst.idx.add.f32.msk $0xffff, v1  }
0x544: {  	v5 =	vshrl.u32 v5, $0x10;
	[tilespmem:v6+s0+$0x0] =	vst.idx.add.f32.msk $0xffff, v1  }
0x545: {  	[tilespmem:v18+s0+$0x0] =	vst.idx.add.f32.msk $0xffff, v1  }
0x546: {  	[tilespmem:v7+s0+$0x0] =	vst.idx.add.f32.msk $0xffff, v1  }
0x547: {  	[tilespmem:v16+s0+$0x0] =	vst.idx.add.f32.msk $0xffff, v1  }
0x548: {  	[tilespmem:v14+s0+$0x0] =	vst.idx.add.f32.msk $0xffff, v1  }
0x549: {  	[tilespmem:v5+s0+$0x0] =	vst.idx.add.f32.msk $0xffff, v1  }
.LBB2_48:
0x54a: {  	s1 =	sshra.s32 s0, $0x2  }
0x54b: {  	v5 =	vld [tilespmem:s1+$0x8480];
	_ =	sdelay $0x4  }
0x54c: {  	v6 =	vand.u32 $0xFFFF, v5  }
0x54d: {  	p0 =	sne.s32 s0, $0x1C0;
	v5 =	vshrl.u32 v5, $0x10  }
.Ltmp23:
0x54e: {  	_ = 	snop;
	(pc) =	sbr.rel @p0 .LBB2_48-.Ltmp23, $3  }
0x54f: {  	_ =	sdelay $0x1  }
0x550: {  	[tilespmem:v6+s2+$0x0] =	vst.idx.add.f32.msk $0xffff, v1  }
0x551: {  	s0 =	sadd.s32 $0x40, s0;
	[tilespmem:v5+s2+$0x0] =	vst.idx.add.f32.msk $0xffff, v1  }
0x552: {  	[tilespmem:s24], [sflag:$0x2] =	stream.strided.gather [hbm4b:s14+s21], $0x1880, s22, s21, $0x38;
	[tilespmem:$0x8580] =	vst v63  }
0x553: {  	_ =	swait.ge [sflag:s25], $0x1880  }
0x554: {  	[sflag:s25] =	ssyncset.done $0x0  }
0x555: {  	s1 =	simm.s32 $0x5480;
	[sflag:s25] =	ssyncadd.s32 $0xFFFFE780  }
0x556: {  	v7 =	vld [tilespmem:s1+$0xFFFFFFF0]  }
0x557: {  	v6 =	vld [tilespmem:s1+$0x0]  }
0x558: {  	v8 =	vld [tilespmem:s1+$0x10]  }
0x559: {  	v9 =	vld [tilespmem:s1+$0x20]  }
0x55a: {  	v10 =	vld [tilespmem:s1+$0xFFFFFF80]  }
0x55b: {  	v11 =	vld [tilespmem:s1+$0x70]  }
0x55c: {  	v17 =	vld [tilespmem:s1+$0xFFFFFF90]  }
0x55d: {  	v5 =	vld [tilespmem:s1+$0xFFFFFFA0]  }
0x55e: {  	v14 =	vld [tilespmem:s1+$0xFFFFFFB0]  }
0x55f: {  	v13 =	vld [tilespmem:s1+$0xFFFFFFC0];
	v12 =	vand.u32 $0xFFFF, v10  }
0x560: {  	v15 =	vld [tilespmem:s1+$0x60];
	v10 =	vshrl.u32 v10, $0x10  }
0x561: {  	v18 =	vld [tilespmem:s1+$0x50];
	v16 =	vand.u32 $0xFFFF, v11  }
0x562: {  	v19 =	vld [tilespmem:s1+$0x40];
	v11 =	vshrl.u32 v11, $0x10  }
0x563: {  	s0 =	simm.s32 $0x0;
	v20 =	vld [tilespmem:s1+$0x30]  }
0x564: {  	[tilespmem:v12+s0+$0x0] =	vst.idx.add.f32.msk $0xffff, v1  }
0x565: {  	[tilespmem:v10+s0+$0x0] =	vst.idx.add.f32.msk $0xffff, v1;
	v10 =	vand.u32 $0xFFFF, v15  }
0x566: {  	v12 =	vshrl.u32 v15, $0x10;
	[tilespmem:v16+s0+$0x0] =	vst.idx.add.f32.msk $0xffff, v1;
	v15 =	vand.u32 $0xFFFF, v18  }
0x567: {  	[tilespmem:v11+s0+$0x0] =	vst.idx.add.f32.msk $0xffff, v1;
	v11 =	vshrl.u32 v18, $0x10;
	v18 =	vand.u32 $0xFFFF, v19  }
0x568: {  	v21 =	vld [tilespmem:s1+$0xFFFFFFD0]  }
0x569: {  	v16 =	vld [tilespmem:s1+$0xFFFFFFE0]  }
0x56a: {  	v19 =	vshrl.u32 v19, $0x10;
	[tilespmem:v10+s0+$0x0] =	vst.idx.add.f32.msk $0xffff, v1  }
0x56b: {  	v10 =	vand.u32 $0xFFFF, v20;
	[tilespmem:v15+s0+$0x0] =	vst.idx.add.f32.msk $0xffff, v1  }
0x56c: {  	v15 =	vand.u32 $0xFFFF, v9;
	[tilespmem:v18+s0+$0x0] =	vst.idx.add.f32.msk $0xffff, v1  }
0x56d: {  	v18 =	vand.u32 $0xFFFF, v6;
	[tilespmem:v12+s0+$0x0] =	vst.idx.add.f32.msk $0xffff, v1  }
0x56e: {  	v12 =	vshrl.u32 v20, $0x10;
	[tilespmem:v11+s0+$0x0] =	vst.idx.add.f32.msk $0xffff, v1  }
0x56f: {  	v11 =	vand.u32 $0xFFFF, v8;
	[tilespmem:v19+s0+$0x0] =	vst.idx.add.f32.msk $0xffff, v1  }
0x570: {  	v9 =	vshrl.u32 v9, $0x10;
	[tilespmem:v10+s0+$0x0] =	vst.idx.add.f32.msk $0xffff, v1  }
0x571: {  	v20 =	vand.u32 $0xFFFF, v7;
	[tilespmem:v15+s0+$0x0] =	vst.idx.add.f32.msk $0xffff, v1  }
0x572: {  	v19 =	vshrl.u32 v8, $0x10;
	[tilespmem:v18+s0+$0x0] =	vst.idx.add.f32.msk $0xffff, v1  }
0x573: {  	v8 =	vshrl.u32 v6, $0x10;
	[tilespmem:v12+s0+$0x0] =	vst.idx.add.f32.msk $0xffff, v1  }
0x574: {  	v6 =	vshrl.u32 v16, $0x10;
	v10 =	vand.u32 $0xFFFF, v16;
	v15 =	vshrl.u32 v7, $0x10;
	[tilespmem:v11+s0+$0x0] =	vst.idx.add.f32.msk $0xffff, v1  }
0x575: {  	v7 =	vshrl.u32 v13, $0x10;
	v18 =	vshrl.u32 v21, $0x10;
	v16 =	vshrl.u32 v14, $0x10;
	[tilespmem:v9+s0+$0x0] =	vst.idx.add.f32.msk $0xffff, v1  }
0x576: {  	v11 =	vand.u32 $0xFFFF, v21;
	v12 =	vand.u32 $0xFFFF, v13;
	v13 =	vand.u32 $0xFFFF, v14;
	[tilespmem:v20+s0+$0x0] =	vst.idx.add.f32.msk $0xffff, v1  }
0x577: {  	s3 =	simm.s32 $0x0;
	v9 =	vand.u32 $0xFFFF, v5;
	v14 =	vshrl.u32 v17, $0x10;
	v17 =	vand.u32 $0xFFFF, v17;
	[tilespmem:v19+s0+$0x0] =	vst.idx.add.f32.msk $0xffff, v1  }
.LBB2_50:
0x578: {  	s3 =	sadd.s32 $0x10, s3;
	[tilespmem:v8+s0+$0x0] =	vst.idx.add.f32.msk $0xffff, v1;
	s1 =	sadd.s32 $0x100, s1  }
0x579: {  	p0 =	slt.u32 s3, $0x170;
	[tilespmem:v15+s0+$0x0] =	vst.idx.add.f32.msk $0xffff, v1  }
0x57a: {  	[tilespmem:v10+s0+$0x0] =	vst.idx.add.f32.msk $0xffff, v1  }
0x57b: {  	v5 =	vshrl.u32 v5, $0x10;
	[tilespmem:v6+s0+$0x0] =	vst.idx.add.f32.msk $0xffff, v1  }
0x57c: {  	[tilespmem:v11+s0+$0x0] =	vst.idx.add.f32.msk $0xffff, v1  }
0x57d: {  	[tilespmem:v18+s0+$0x0] =	vst.idx.add.f32.msk $0xffff, v1  }
0x57e: {  	[tilespmem:v12+s0+$0x0] =	vst.idx.add.f32.msk $0xffff, v1  }
0x57f: {  	[tilespmem:v7+s0+$0x0] =	vst.idx.add.f32.msk $0xffff, v1  }
0x580: {  	[tilespmem:v13+s0+$0x0] =	vst.idx.add.f32.msk $0xffff, v1  }
0x581: {  	[tilespmem:v16+s0+$0x0] =	vst.idx.add.f32.msk $0xffff, v1  }
0x582: {  	[tilespmem:v9+s0+$0x0] =	vst.idx.add.f32.msk $0xffff, v1  }
0x583: {  	[tilespmem:v17+s0+$0x0] =	vst.idx.add.f32.msk $0xffff, v1  }
0x584: {  	[tilespmem:v14+s0+$0x0] =	vst.idx.add.f32.msk $0xffff, v1  }
0x585: {  	[tilespmem:v5+s0+$0x0] =	vst.idx.add.f32.msk $0xffff, v1  }
0x586: {  	v7 =	vld [tilespmem:s1+$0xFFFFFFF0]  }
0x587: {  	v6 =	vld [tilespmem:s1+$0x0]  }
0x588: {  	v9 =	vld [tilespmem:s1+$0x10]  }
0x589: {  	v8 =	vld [tilespmem:s1+$0x20]  }
0x58a: {  	v10 =	vld [tilespmem:s1+$0xFFFFFF80]  }
0x58b: {  	v11 =	vld [tilespmem:s1+$0x70]  }
0x58c: {  	v17 =	vld [tilespmem:s1+$0xFFFFFF90]  }
0x58d: {  	v5 =	vld [tilespmem:s1+$0xFFFFFFA0]  }
0x58e: {  	v14 =	vld [tilespmem:s1+$0xFFFFFFB0]  }
0x58f: {  	v12 =	vand.u32 $0xFFFF, v10;
	v13 =	vld [tilespmem:s1+$0xFFFFFFC0]  }
0x590: {  	v10 =	vshrl.u32 v10, $0x10;
	v15 =	vld [tilespmem:s1+$0x60];
	v16 =	vand.u32 $0xFFFF, v11  }
0x591: {  	v18 =	vld [tilespmem:s1+$0x50]  }
0x592: {  	v11 =	vshrl.u32 v11, $0x10;
	v19 =	vld [tilespmem:s1+$0x40]  }
0x593: {  	v20 =	vld [tilespmem:s1+$0x30]  }
0x594: {  	[tilespmem:v12+s0+$0x0] =	vst.idx.add.f32.msk $0xffff, v1  }
0x595: {  	[tilespmem:v10+s0+$0x0] =	vst.idx.add.f32.msk $0xffff, v1;
	v10 =	vand.u32 $0xFFFF, v15  }
0x596: {  	v15 =	vshrl.u32 v15, $0x10;
	v12 =	vand.u32 $0xFFFF, v18;
	[tilespmem:v16+s0+$0x0] =	vst.idx.add.f32.msk $0xffff, v1  }
0x597: {  	v18 =	vshrl.u32 v18, $0x10;
	v16 =	vand.u32 $0xFFFF, v19;
	[tilespmem:v11+s0+$0x0] =	vst.idx.add.f32.msk $0xffff, v1  }
0x598: {  	v19 =	vshrl.u32 v19, $0x10;
	v11 =	vld [tilespmem:s1+$0xFFFFFFE0];
	v21 =	vand.u32 $0xFFFF, v20  }
0x599: {  	v23 =	vand.u32 $0xFFFF, v8;
	v22 =	vld [tilespmem:s1+$0xFFFFFFD0]  }
0x59a: {  	v24 =	vand.u32 $0xFFFF, v9;
	v25 =	vshrl.u32 v8, $0x10;
	v20 =	vshrl.u32 v20, $0x10;
	[tilespmem:v10+s0+$0x0] =	vst.idx.add.f32.msk $0xffff, v1  }
0x59b: {  	v26 =	vand.u32 $0xFFFF, v6;
	v27 =	vshrl.u32 v9, $0x10;
	v8 =	vshrl.u32 v6, $0x10;
	[tilespmem:v15+s0+$0x0] =	vst.idx.add.f32.msk $0xffff, v1  }
0x59c: {  	v28 =	vand.u32 $0xFFFF, v7;
	[tilespmem:v12+s0+$0x0] =	vst.idx.add.f32.msk $0xffff, v1  }
0x59d: {  	v15 =	vshrl.u32 v7, $0x10;
	v6 =	vshrl.u32 v11, $0x10;
	v10 =	vand.u32 $0xFFFF, v11;
	[tilespmem:v18+s0+$0x0] =	vst.idx.add.f32.msk $0xffff, v1  }
0x59e: {  	v11 =	vand.u32 $0xFFFF, v22;
	[tilespmem:v16+s0+$0x0] =	vst.idx.add.f32.msk $0xffff, v1  }
0x59f: {  	v7 =	vshrl.u32 v13, $0x10;
	v12 =	vand.u32 $0xFFFF, v13;
	v18 =	vshrl.u32 v22, $0x10;
	[tilespmem:v19+s0+$0x0] =	vst.idx.add.f32.msk $0xffff, v1  }
0x5a0: {  	v13 =	vand.u32 $0xFFFF, v14;
	[tilespmem:v21+s0+$0x0] =	vst.idx.add.f32.msk $0xffff, v1  }
0x5a1: {  	v9 =	vand.u32 $0xFFFF, v5;
	v16 =	vshrl.u32 v14, $0x10;
	[tilespmem:v20+s0+$0x0] =	vst.idx.add.f32.msk $0xffff, v1  }
0x5a2: {  	v14 =	vshrl.u32 v17, $0x10;
	v17 =	vand.u32 $0xFFFF, v17;
	[tilespmem:v23+s0+$0x0] =	vst.idx.add.f32.msk $0xffff, v1  }
.Ltmp24:
0x5a3: {  	[tilespmem:v24+s0+$0x0] =	vst.idx.add.f32.msk $0xffff, v1;
	(pc) =	sbr.rel @p0 .LBB2_50-.Ltmp24, $4  }
0x5a4: {  	[tilespmem:v25+s0+$0x0] =	vst.idx.add.f32.msk $0xffff, v1  }
0x5a5: {  	[tilespmem:v26+s0+$0x0] =	vst.idx.add.f32.msk $0xffff, v1  }
0x5a6: {  	[tilespmem:v27+s0+$0x0] =	vst.idx.add.f32.msk $0xffff, v1  }
0x5a7: {  	[tilespmem:v28+s0+$0x0] =	vst.idx.add.f32.msk $0xffff, v1  }
0x5a8: {  	_ =	sdelay $0x3  }
0x5a9: {  	[tilespmem:v8+s0+$0x0] =	vst.idx.add.f32.msk $0xffff, v1  }
0x5aa: {  	[tilespmem:v15+s0+$0x0] =	vst.idx.add.f32.msk $0xffff, v1  }
0x5ab: {  	[tilespmem:v10+s0+$0x0] =	vst.idx.add.f32.msk $0xffff, v1  }
0x5ac: {  	[tilespmem:v11+s0+$0x0] =	vst.idx.add.f32.msk $0xffff, v1  }
0x5ad: {  	[tilespmem:v12+s0+$0x0] =	vst.idx.add.f32.msk $0xffff, v1  }
0x5ae: {  	[tilespmem:v13+s0+$0x0] =	vst.idx.add.f32.msk $0xffff, v1  }
0x5af: {  	[tilespmem:v9+s0+$0x0] =	vst.idx.add.f32.msk $0xffff, v1  }
0x5b0: {  	[tilespmem:v17+s0+$0x0] =	vst.idx.add.f32.msk $0xffff, v1  }
0x5b1: {  	v5 =	vshrl.u32 v5, $0x10;
	[tilespmem:v6+s0+$0x0] =	vst.idx.add.f32.msk $0xffff, v1  }
0x5b2: {  	[tilespmem:v18+s0+$0x0] =	vst.idx.add.f32.msk $0xffff, v1  }
0x5b3: {  	[tilespmem:v7+s0+$0x0] =	vst.idx.add.f32.msk $0xffff, v1  }
0x5b4: {  	[tilespmem:v16+s0+$0x0] =	vst.idx.add.f32.msk $0xffff, v1  }
0x5b5: {  	[tilespmem:v14+s0+$0x0] =	vst.idx.add.f32.msk $0xffff, v1  }
0x5b6: {  	[tilespmem:v5+s0+$0x0] =	vst.idx.add.f32.msk $0xffff, v1  }
.LBB2_52:
0x5b7: {  	s1 =	sshra.s32 s0, $0x2  }
0x5b8: {  	v5 =	vld [tilespmem:s1+$0x6C00];
	_ =	sdelay $0x4  }
0x5b9: {  	v6 =	vand.u32 $0xFFFF, v5  }
0x5ba: {  	p0 =	sne.s32 s0, $0x1C0;
	v5 =	vshrl.u32 v5, $0x10  }
.Ltmp25:
0x5bb: {  	_ = 	snop;
	(pc) =	sbr.rel @p0 .LBB2_52-.Ltmp25, $3  }
0x5bc: {  	_ =	sdelay $0x1  }
0x5bd: {  	[tilespmem:v6+s2+$0x0] =	vst.idx.add.f32.msk $0xffff, v1  }
0x5be: {  	s0 =	sadd.s32 $0x40, s0;
	[tilespmem:v5+s2+$0x0] =	vst.idx.add.f32.msk $0xffff, v1  }
0x5bf: {  	[tilespmem:s23], [sflag:$0x1] =	stream.strided.gather [hbm4b:s15+s21], $0x1880, s22, s21, $0x38;
	[tilespmem:$0x8580] =	vst v63  }
0x5c0: {  	_ =	swait.ge [sflag:s26], $0x1880  }
0x5c1: {  	[sflag:s26] =	ssyncset.done $0x0  }
0x5c2: {  	s1 =	simm.s32 $0x6D00;
	[sflag:s26] =	ssyncadd.s32 $0xFFFFE780  }
0x5c3: {  	v7 =	vld [tilespmem:s1+$0xFFFFFFF0]  }
0x5c4: {  	v6 =	vld [tilespmem:s1+$0x0]  }
0x5c5: {  	v8 =	vld [tilespmem:s1+$0x10]  }
0x5c6: {  	v9 =	vld [tilespmem:s1+$0x20]  }
0x5c7: {  	v10 =	vld [tilespmem:s1+$0xFFFFFF80]  }
0x5c8: {  	v11 =	vld [tilespmem:s1+$0x70]  }
0x5c9: {  	v17 =	vld [tilespmem:s1+$0xFFFFFF90]  }
0x5ca: {  	v5 =	vld [tilespmem:s1+$0xFFFFFFA0]  }
0x5cb: {  	v14 =	vld [tilespmem:s1+$0xFFFFFFB0]  }
0x5cc: {  	v13 =	vld [tilespmem:s1+$0xFFFFFFC0];
	v12 =	vand.u32 $0xFFFF, v10  }
0x5cd: {  	v15 =	vld [tilespmem:s1+$0x60];
	v10 =	vshrl.u32 v10, $0x10  }
0x5ce: {  	v18 =	vld [tilespmem:s1+$0x50];
	v16 =	vand.u32 $0xFFFF, v11  }
0x5cf: {  	v19 =	vld [tilespmem:s1+$0x40];
	v11 =	vshrl.u32 v11, $0x10  }
0x5d0: {  	s0 =	simm.s32 $0x0;
	v20 =	vld [tilespmem:s1+$0x30]  }
0x5d1: {  	[tilespmem:v12+s0+$0x0] =	vst.idx.add.f32.msk $0xffff, v1  }
0x5d2: {  	[tilespmem:v10+s0+$0x0] =	vst.idx.add.f32.msk $0xffff, v1;
	v10 =	vand.u32 $0xFFFF, v15  }
0x5d3: {  	v12 =	vshrl.u32 v15, $0x10;
	[tilespmem:v16+s0+$0x0] =	vst.idx.add.f32.msk $0xffff, v1;
	v15 =	vand.u32 $0xFFFF, v18  }
0x5d4: {  	[tilespmem:v11+s0+$0x0] =	vst.idx.add.f32.msk $0xffff, v1;
	v11 =	vshrl.u32 v18, $0x10;
	v18 =	vand.u32 $0xFFFF, v19  }
0x5d5: {  	v21 =	vld [tilespmem:s1+$0xFFFFFFD0]  }
0x5d6: {  	v16 =	vld [tilespmem:s1+$0xFFFFFFE0]  }
0x5d7: {  	v19 =	vshrl.u32 v19, $0x10;
	[tilespmem:v10+s0+$0x0] =	vst.idx.add.f32.msk $0xffff, v1  }
0x5d8: {  	v10 =	vand.u32 $0xFFFF, v20;
	[tilespmem:v15+s0+$0x0] =	vst.idx.add.f32.msk $0xffff, v1  }
0x5d9: {  	v15 =	vand.u32 $0xFFFF, v9;
	[tilespmem:v18+s0+$0x0] =	vst.idx.add.f32.msk $0xffff, v1  }
0x5da: {  	v18 =	vand.u32 $0xFFFF, v6;
	[tilespmem:v12+s0+$0x0] =	vst.idx.add.f32.msk $0xffff, v1  }
0x5db: {  	v12 =	vshrl.u32 v20, $0x10;
	[tilespmem:v11+s0+$0x0] =	vst.idx.add.f32.msk $0xffff, v1  }
0x5dc: {  	v11 =	vand.u32 $0xFFFF, v8;
	[tilespmem:v19+s0+$0x0] =	vst.idx.add.f32.msk $0xffff, v1  }
0x5dd: {  	v9 =	vshrl.u32 v9, $0x10;
	[tilespmem:v10+s0+$0x0] =	vst.idx.add.f32.msk $0xffff, v1  }
0x5de: {  	v20 =	vand.u32 $0xFFFF, v7;
	[tilespmem:v15+s0+$0x0] =	vst.idx.add.f32.msk $0xffff, v1  }
0x5df: {  	v19 =	vshrl.u32 v8, $0x10;
	[tilespmem:v18+s0+$0x0] =	vst.idx.add.f32.msk $0xffff, v1  }
0x5e0: {  	v8 =	vshrl.u32 v6, $0x10;
	[tilespmem:v12+s0+$0x0] =	vst.idx.add.f32.msk $0xffff, v1  }
0x5e1: {  	v6 =	vshrl.u32 v16, $0x10;
	v10 =	vand.u32 $0xFFFF, v16;
	v15 =	vshrl.u32 v7, $0x10;
	[tilespmem:v11+s0+$0x0] =	vst.idx.add.f32.msk $0xffff, v1  }
0x5e2: {  	v7 =	vshrl.u32 v13, $0x10;
	v18 =	vshrl.u32 v21, $0x10;
	v16 =	vshrl.u32 v14, $0x10;
	[tilespmem:v9+s0+$0x0] =	vst.idx.add.f32.msk $0xffff, v1  }
0x5e3: {  	v11 =	vand.u32 $0xFFFF, v21;
	v12 =	vand.u32 $0xFFFF, v13;
	v13 =	vand.u32 $0xFFFF, v14;
	[tilespmem:v20+s0+$0x0] =	vst.idx.add.f32.msk $0xffff, v1  }
0x5e4: {  	s3 =	simm.s32 $0x0;
	v9 =	vand.u32 $0xFFFF, v5;
	v14 =	vshrl.u32 v17, $0x10;
	v17 =	vand.u32 $0xFFFF, v17;
	[tilespmem:v19+s0+$0x0] =	vst.idx.add.f32.msk $0xffff, v1  }
.LBB2_54:
0x5e5: {  	s3 =	sadd.s32 $0x10, s3;
	[tilespmem:v8+s0+$0x0] =	vst.idx.add.f32.msk $0xffff, v1;
	s1 =	sadd.s32 $0x100, s1  }
0x5e6: {  	p0 =	slt.u32 s3, $0x170;
	[tilespmem:v15+s0+$0x0] =	vst.idx.add.f32.msk $0xffff, v1  }
0x5e7: {  	[tilespmem:v10+s0+$0x0] =	vst.idx.add.f32.msk $0xffff, v1  }
0x5e8: {  	v5 =	vshrl.u32 v5, $0x10;
	[tilespmem:v6+s0+$0x0] =	vst.idx.add.f32.msk $0xffff, v1  }
0x5e9: {  	[tilespmem:v11+s0+$0x0] =	vst.idx.add.f32.msk $0xffff, v1  }
0x5ea: {  	[tilespmem:v18+s0+$0x0] =	vst.idx.add.f32.msk $0xffff, v1  }
0x5eb: {  	[tilespmem:v12+s0+$0x0] =	vst.idx.add.f32.msk $0xffff, v1  }
0x5ec: {  	[tilespmem:v7+s0+$0x0] =	vst.idx.add.f32.msk $0xffff, v1  }
0x5ed: {  	[tilespmem:v13+s0+$0x0] =	vst.idx.add.f32.msk $0xffff, v1  }
0x5ee: {  	[tilespmem:v16+s0+$0x0] =	vst.idx.add.f32.msk $0xffff, v1  }
0x5ef: {  	[tilespmem:v9+s0+$0x0] =	vst.idx.add.f32.msk $0xffff, v1  }
0x5f0: {  	[tilespmem:v17+s0+$0x0] =	vst.idx.add.f32.msk $0xffff, v1  }
0x5f1: {  	[tilespmem:v14+s0+$0x0] =	vst.idx.add.f32.msk $0xffff, v1  }
0x5f2: {  	[tilespmem:v5+s0+$0x0] =	vst.idx.add.f32.msk $0xffff, v1  }
0x5f3: {  	v7 =	vld [tilespmem:s1+$0xFFFFFFF0]  }
0x5f4: {  	v6 =	vld [tilespmem:s1+$0x0]  }
0x5f5: {  	v9 =	vld [tilespmem:s1+$0x10]  }
0x5f6: {  	v8 =	vld [tilespmem:s1+$0x20]  }
0x5f7: {  	v10 =	vld [tilespmem:s1+$0xFFFFFF80]  }
0x5f8: {  	v11 =	vld [tilespmem:s1+$0x70]  }
0x5f9: {  	v17 =	vld [tilespmem:s1+$0xFFFFFF90]  }
0x5fa: {  	v5 =	vld [tilespmem:s1+$0xFFFFFFA0]  }
0x5fb: {  	v14 =	vld [tilespmem:s1+$0xFFFFFFB0]  }
0x5fc: {  	v12 =	vand.u32 $0xFFFF, v10;
	v13 =	vld [tilespmem:s1+$0xFFFFFFC0]  }
0x5fd: {  	v10 =	vshrl.u32 v10, $0x10;
	v15 =	vld [tilespmem:s1+$0x60];
	v16 =	vand.u32 $0xFFFF, v11  }
0x5fe: {  	v18 =	vld [tilespmem:s1+$0x50]  }
0x5ff: {  	v11 =	vshrl.u32 v11, $0x10;
	v19 =	vld [tilespmem:s1+$0x40]  }
0x600: {  	v20 =	vld [tilespmem:s1+$0x30]  }
0x601: {  	[tilespmem:v12+s0+$0x0] =	vst.idx.add.f32.msk $0xffff, v1  }
0x602: {  	[tilespmem:v10+s0+$0x0] =	vst.idx.add.f32.msk $0xffff, v1;
	v10 =	vand.u32 $0xFFFF, v15  }
0x603: {  	v15 =	vshrl.u32 v15, $0x10;
	v12 =	vand.u32 $0xFFFF, v18;
	[tilespmem:v16+s0+$0x0] =	vst.idx.add.f32.msk $0xffff, v1  }
0x604: {  	v18 =	vshrl.u32 v18, $0x10;
	v16 =	vand.u32 $0xFFFF, v19;
	[tilespmem:v11+s0+$0x0] =	vst.idx.add.f32.msk $0xffff, v1  }
0x605: {  	v19 =	vshrl.u32 v19, $0x10;
	v11 =	vld [tilespmem:s1+$0xFFFFFFE0];
	v21 =	vand.u32 $0xFFFF, v20  }
0x606: {  	v23 =	vand.u32 $0xFFFF, v8;
	v22 =	vld [tilespmem:s1+$0xFFFFFFD0]  }
0x607: {  	v24 =	vand.u32 $0xFFFF, v9;
	v25 =	vshrl.u32 v8, $0x10;
	v20 =	vshrl.u32 v20, $0x10;
	[tilespmem:v10+s0+$0x0] =	vst.idx.add.f32.msk $0xffff, v1  }
0x608: {  	v26 =	vand.u32 $0xFFFF, v6;
	v27 =	vshrl.u32 v9, $0x10;
	v8 =	vshrl.u32 v6, $0x10;
	[tilespmem:v15+s0+$0x0] =	vst.idx.add.f32.msk $0xffff, v1  }
0x609: {  	v28 =	vand.u32 $0xFFFF, v7;
	[tilespmem:v12+s0+$0x0] =	vst.idx.add.f32.msk $0xffff, v1  }
0x60a: {  	v15 =	vshrl.u32 v7, $0x10;
	v6 =	vshrl.u32 v11, $0x10;
	v10 =	vand.u32 $0xFFFF, v11;
	[tilespmem:v18+s0+$0x0] =	vst.idx.add.f32.msk $0xffff, v1  }
0x60b: {  	v11 =	vand.u32 $0xFFFF, v22;
	[tilespmem:v16+s0+$0x0] =	vst.idx.add.f32.msk $0xffff, v1  }
0x60c: {  	v7 =	vshrl.u32 v13, $0x10;
	v12 =	vand.u32 $0xFFFF, v13;
	v18 =	vshrl.u32 v22, $0x10;
	[tilespmem:v19+s0+$0x0] =	vst.idx.add.f32.msk $0xffff, v1  }
0x60d: {  	v13 =	vand.u32 $0xFFFF, v14;
	[tilespmem:v21+s0+$0x0] =	vst.idx.add.f32.msk $0xffff, v1  }
0x60e: {  	v9 =	vand.u32 $0xFFFF, v5;
	v16 =	vshrl.u32 v14, $0x10;
	[tilespmem:v20+s0+$0x0] =	vst.idx.add.f32.msk $0xffff, v1  }
0x60f: {  	v14 =	vshrl.u32 v17, $0x10;
	v17 =	vand.u32 $0xFFFF, v17;
	[tilespmem:v23+s0+$0x0] =	vst.idx.add.f32.msk $0xffff, v1  }
.Ltmp26:
0x610: {  	[tilespmem:v24+s0+$0x0] =	vst.idx.add.f32.msk $0xffff, v1;
	(pc) =	sbr.rel @p0 .LBB2_54-.Ltmp26, $4  }
0x611: {  	[tilespmem:v25+s0+$0x0] =	vst.idx.add.f32.msk $0xffff, v1  }
0x612: {  	[tilespmem:v26+s0+$0x0] =	vst.idx.add.f32.msk $0xffff, v1  }
0x613: {  	[tilespmem:v27+s0+$0x0] =	vst.idx.add.f32.msk $0xffff, v1  }
0x614: {  	[tilespmem:v28+s0+$0x0] =	vst.idx.add.f32.msk $0xffff, v1  }
0x615: {  	_ =	sdelay $0x3  }
0x616: {  	[tilespmem:v8+s0+$0x0] =	vst.idx.add.f32.msk $0xffff, v1  }
0x617: {  	[tilespmem:v15+s0+$0x0] =	vst.idx.add.f32.msk $0xffff, v1  }
0x618: {  	[tilespmem:v10+s0+$0x0] =	vst.idx.add.f32.msk $0xffff, v1  }
0x619: {  	[tilespmem:v11+s0+$0x0] =	vst.idx.add.f32.msk $0xffff, v1  }
0x61a: {  	[tilespmem:v12+s0+$0x0] =	vst.idx.add.f32.msk $0xffff, v1  }
0x61b: {  	[tilespmem:v13+s0+$0x0] =	vst.idx.add.f32.msk $0xffff, v1  }
0x61c: {  	[tilespmem:v9+s0+$0x0] =	vst.idx.add.f32.msk $0xffff, v1  }
0x61d: {  	[tilespmem:v17+s0+$0x0] =	vst.idx.add.f32.msk $0xffff, v1  }
0x61e: {  	v5 =	vshrl.u32 v5, $0x10;
	[tilespmem:v6+s0+$0x0] =	vst.idx.add.f32.msk $0xffff, v1  }
0x61f: {  	[tilespmem:v18+s0+$0x0] =	vst.idx.add.f32.msk $0xffff, v1  }
0x620: {  	[tilespmem:v7+s0+$0x0] =	vst.idx.add.f32.msk $0xffff, v1  }
0x621: {  	[tilespmem:v16+s0+$0x0] =	vst.idx.add.f32.msk $0xffff, v1  }
0x622: {  	[tilespmem:v14+s0+$0x0] =	vst.idx.add.f32.msk $0xffff, v1  }
0x623: {  	[tilespmem:v5+s0+$0x0] =	vst.idx.add.f32.msk $0xffff, v1  }
.LBB2_56:
0x624: {  	s1 =	sshra.s32 s0, $0x2  }
0x625: {  	v5 =	vld [tilespmem:s1+$0x8480];
	_ =	sdelay $0x4  }
0x626: {  	v6 =	vand.u32 $0xFFFF, v5  }
0x627: {  	p0 =	sne.s32 s0, $0x1C0;
	v5 =	vshrl.u32 v5, $0x10  }
.Ltmp27:
0x628: {  	_ = 	snop;
	(pc) =	sbr.rel @p0 .LBB2_56-.Ltmp27, $3  }
0x629: {  	_ =	sdelay $0x1  }
0x62a: {  	[tilespmem:v6+s2+$0x0] =	vst.idx.add.f32.msk $0xffff, v1  }
0x62b: {  	s0 =	sadd.s32 $0x40, s0;
	[tilespmem:v5+s2+$0x0] =	vst.idx.add.f32.msk $0xffff, v1  }
0x62c: {  	[tilespmem:s24], [sflag:$0x2] =	stream.strided.gather [hbm4b:s16+s21], $0x1880, s22, s21, $0x38;
	[tilespmem:$0x8580] =	vst v63  }
0x62d: {  	_ =	swait.ge [sflag:s25], $0x1880  }
0x62e: {  	[sflag:s25] =	ssyncset.done $0x0  }
0x62f: {  	s1 =	simm.s32 $0x5480;
	[sflag:s25] =	ssyncadd.s32 $0xFFFFE780  }
0x630: {  	v7 =	vld [tilespmem:s1+$0xFFFFFFF0]  }
0x631: {  	v6 =	vld [tilespmem:s1+$0x0]  }
0x632: {  	v8 =	vld [tilespmem:s1+$0x10]  }
0x633: {  	v9 =	vld [tilespmem:s1+$0x20]  }
0x634: {  	v10 =	vld [tilespmem:s1+$0xFFFFFF80]  }
0x635: {  	v11 =	vld [tilespmem:s1+$0x70]  }
0x636: {  	v17 =	vld [tilespmem:s1+$0xFFFFFF90]  }
0x637: {  	v5 =	vld [tilespmem:s1+$0xFFFFFFA0]  }
0x638: {  	v14 =	vld [tilespmem:s1+$0xFFFFFFB0]  }
0x639: {  	v13 =	vld [tilespmem:s1+$0xFFFFFFC0];
	v12 =	vand.u32 $0xFFFF, v10  }
0x63a: {  	v15 =	vld [tilespmem:s1+$0x60];
	v10 =	vshrl.u32 v10, $0x10  }
0x63b: {  	v18 =	vld [tilespmem:s1+$0x50];
	v16 =	vand.u32 $0xFFFF, v11  }
0x63c: {  	v19 =	vld [tilespmem:s1+$0x40];
	v11 =	vshrl.u32 v11, $0x10  }
0x63d: {  	s0 =	simm.s32 $0x0;
	v20 =	vld [tilespmem:s1+$0x30]  }
0x63e: {  	[tilespmem:v12+s0+$0x0] =	vst.idx.add.f32.msk $0xffff, v1  }
0x63f: {  	[tilespmem:v10+s0+$0x0] =	vst.idx.add.f32.msk $0xffff, v1;
	v10 =	vand.u32 $0xFFFF, v15  }
0x640: {  	v12 =	vshrl.u32 v15, $0x10;
	[tilespmem:v16+s0+$0x0] =	vst.idx.add.f32.msk $0xffff, v1;
	v15 =	vand.u32 $0xFFFF, v18  }
0x641: {  	[tilespmem:v11+s0+$0x0] =	vst.idx.add.f32.msk $0xffff, v1;
	v11 =	vshrl.u32 v18, $0x10;
	v18 =	vand.u32 $0xFFFF, v19  }
0x642: {  	v21 =	vld [tilespmem:s1+$0xFFFFFFD0]  }
0x643: {  	v16 =	vld [tilespmem:s1+$0xFFFFFFE0]  }
0x644: {  	v19 =	vshrl.u32 v19, $0x10;
	[tilespmem:v10+s0+$0x0] =	vst.idx.add.f32.msk $0xffff, v1  }
0x645: {  	v10 =	vand.u32 $0xFFFF, v20;
	[tilespmem:v15+s0+$0x0] =	vst.idx.add.f32.msk $0xffff, v1  }
0x646: {  	v15 =	vand.u32 $0xFFFF, v9;
	[tilespmem:v18+s0+$0x0] =	vst.idx.add.f32.msk $0xffff, v1  }
0x647: {  	v18 =	vand.u32 $0xFFFF, v6;
	[tilespmem:v12+s0+$0x0] =	vst.idx.add.f32.msk $0xffff, v1  }
0x648: {  	v12 =	vshrl.u32 v20, $0x10;
	[tilespmem:v11+s0+$0x0] =	vst.idx.add.f32.msk $0xffff, v1  }
0x649: {  	v11 =	vand.u32 $0xFFFF, v8;
	[tilespmem:v19+s0+$0x0] =	vst.idx.add.f32.msk $0xffff, v1  }
0x64a: {  	v9 =	vshrl.u32 v9, $0x10;
	[tilespmem:v10+s0+$0x0] =	vst.idx.add.f32.msk $0xffff, v1  }
0x64b: {  	v20 =	vand.u32 $0xFFFF, v7;
	[tilespmem:v15+s0+$0x0] =	vst.idx.add.f32.msk $0xffff, v1  }
0x64c: {  	v19 =	vshrl.u32 v8, $0x10;
	[tilespmem:v18+s0+$0x0] =	vst.idx.add.f32.msk $0xffff, v1  }
0x64d: {  	v8 =	vshrl.u32 v6, $0x10;
	[tilespmem:v12+s0+$0x0] =	vst.idx.add.f32.msk $0xffff, v1  }
0x64e: {  	v6 =	vshrl.u32 v16, $0x10;
	v10 =	vand.u32 $0xFFFF, v16;
	v15 =	vshrl.u32 v7, $0x10;
	[tilespmem:v11+s0+$0x0] =	vst.idx.add.f32.msk $0xffff, v1  }
0x64f: {  	v7 =	vshrl.u32 v13, $0x10;
	v18 =	vshrl.u32 v21, $0x10;
	v16 =	vshrl.u32 v14, $0x10;
	[tilespmem:v9+s0+$0x0] =	vst.idx.add.f32.msk $0xffff, v1  }
0x650: {  	v11 =	vand.u32 $0xFFFF, v21;
	v12 =	vand.u32 $0xFFFF, v13;
	v13 =	vand.u32 $0xFFFF, v14;
	[tilespmem:v20+s0+$0x0] =	vst.idx.add.f32.msk $0xffff, v1  }
0x651: {  	s3 =	simm.s32 $0x0;
	v9 =	vand.u32 $0xFFFF, v5;
	v14 =	vshrl.u32 v17, $0x10;
	v17 =	vand.u32 $0xFFFF, v17;
	[tilespmem:v19+s0+$0x0] =	vst.idx.add.f32.msk $0xffff, v1  }
.LBB2_58:
0x652: {  	s3 =	sadd.s32 $0x10, s3;
	[tilespmem:v8+s0+$0x0] =	vst.idx.add.f32.msk $0xffff, v1;
	s1 =	sadd.s32 $0x100, s1  }
0x653: {  	p0 =	slt.u32 s3, $0x170;
	[tilespmem:v15+s0+$0x0] =	vst.idx.add.f32.msk $0xffff, v1  }
0x654: {  	[tilespmem:v10+s0+$0x0] =	vst.idx.add.f32.msk $0xffff, v1  }
0x655: {  	v5 =	vshrl.u32 v5, $0x10;
	[tilespmem:v6+s0+$0x0] =	vst.idx.add.f32.msk $0xffff, v1  }
0x656: {  	[tilespmem:v11+s0+$0x0] =	vst.idx.add.f32.msk $0xffff, v1  }
0x657: {  	[tilespmem:v18+s0+$0x0] =	vst.idx.add.f32.msk $0xffff, v1  }
0x658: {  	[tilespmem:v12+s0+$0x0] =	vst.idx.add.f32.msk $0xffff, v1  }
0x659: {  	[tilespmem:v7+s0+$0x0] =	vst.idx.add.f32.msk $0xffff, v1  }
0x65a: {  	[tilespmem:v13+s0+$0x0] =	vst.idx.add.f32.msk $0xffff, v1  }
0x65b: {  	[tilespmem:v16+s0+$0x0] =	vst.idx.add.f32.msk $0xffff, v1  }
0x65c: {  	[tilespmem:v9+s0+$0x0] =	vst.idx.add.f32.msk $0xffff, v1  }
0x65d: {  	[tilespmem:v17+s0+$0x0] =	vst.idx.add.f32.msk $0xffff, v1  }
0x65e: {  	[tilespmem:v14+s0+$0x0] =	vst.idx.add.f32.msk $0xffff, v1  }
0x65f: {  	[tilespmem:v5+s0+$0x0] =	vst.idx.add.f32.msk $0xffff, v1  }
0x660: {  	v7 =	vld [tilespmem:s1+$0xFFFFFFF0]  }
0x661: {  	v6 =	vld [tilespmem:s1+$0x0]  }
0x662: {  	v9 =	vld [tilespmem:s1+$0x10]  }
0x663: {  	v8 =	vld [tilespmem:s1+$0x20]  }
0x664: {  	v10 =	vld [tilespmem:s1+$0xFFFFFF80]  }
0x665: {  	v11 =	vld [tilespmem:s1+$0x70]  }
0x666: {  	v17 =	vld [tilespmem:s1+$0xFFFFFF90]  }
0x667: {  	v5 =	vld [tilespmem:s1+$0xFFFFFFA0]  }
0x668: {  	v14 =	vld [tilespmem:s1+$0xFFFFFFB0]  }
0x669: {  	v12 =	vand.u32 $0xFFFF, v10;
	v13 =	vld [tilespmem:s1+$0xFFFFFFC0]  }
0x66a: {  	v10 =	vshrl.u32 v10, $0x10;
	v15 =	vld [tilespmem:s1+$0x60];
	v16 =	vand.u32 $0xFFFF, v11  }
0x66b: {  	v18 =	vld [tilespmem:s1+$0x50]  }
0x66c: {  	v11 =	vshrl.u32 v11, $0x10;
	v19 =	vld [tilespmem:s1+$0x40]  }
0x66d: {  	v20 =	vld [tilespmem:s1+$0x30]  }
0x66e: {  	[tilespmem:v12+s0+$0x0] =	vst.idx.add.f32.msk $0xffff, v1  }
0x66f: {  	[tilespmem:v10+s0+$0x0] =	vst.idx.add.f32.msk $0xffff, v1;
	v10 =	vand.u32 $0xFFFF, v15  }
0x670: {  	v15 =	vshrl.u32 v15, $0x10;
	v12 =	vand.u32 $0xFFFF, v18;
	[tilespmem:v16+s0+$0x0] =	vst.idx.add.f32.msk $0xffff, v1  }
0x671: {  	v18 =	vshrl.u32 v18, $0x10;
	v16 =	vand.u32 $0xFFFF, v19;
	[tilespmem:v11+s0+$0x0] =	vst.idx.add.f32.msk $0xffff, v1  }
0x672: {  	v19 =	vshrl.u32 v19, $0x10;
	v11 =	vld [tilespmem:s1+$0xFFFFFFE0];
	v21 =	vand.u32 $0xFFFF, v20  }
0x673: {  	v23 =	vand.u32 $0xFFFF, v8;
	v22 =	vld [tilespmem:s1+$0xFFFFFFD0]  }
0x674: {  	v24 =	vand.u32 $0xFFFF, v9;
	v25 =	vshrl.u32 v8, $0x10;
	v20 =	vshrl.u32 v20, $0x10;
	[tilespmem:v10+s0+$0x0] =	vst.idx.add.f32.msk $0xffff, v1  }
0x675: {  	v26 =	vand.u32 $0xFFFF, v6;
	v27 =	vshrl.u32 v9, $0x10;
	v8 =	vshrl.u32 v6, $0x10;
	[tilespmem:v15+s0+$0x0] =	vst.idx.add.f32.msk $0xffff, v1  }
0x676: {  	v28 =	vand.u32 $0xFFFF, v7;
	[tilespmem:v12+s0+$0x0] =	vst.idx.add.f32.msk $0xffff, v1  }
0x677: {  	v15 =	vshrl.u32 v7, $0x10;
	v6 =	vshrl.u32 v11, $0x10;
	v10 =	vand.u32 $0xFFFF, v11;
	[tilespmem:v18+s0+$0x0] =	vst.idx.add.f32.msk $0xffff, v1  }
0x678: {  	v11 =	vand.u32 $0xFFFF, v22;
	[tilespmem:v16+s0+$0x0] =	vst.idx.add.f32.msk $0xffff, v1  }
0x679: {  	v7 =	vshrl.u32 v13, $0x10;
	v12 =	vand.u32 $0xFFFF, v13;
	v18 =	vshrl.u32 v22, $0x10;
	[tilespmem:v19+s0+$0x0] =	vst.idx.add.f32.msk $0xffff, v1  }
0x67a: {  	v13 =	vand.u32 $0xFFFF, v14;
	[tilespmem:v21+s0+$0x0] =	vst.idx.add.f32.msk $0xffff, v1  }
0x67b: {  	v9 =	vand.u32 $0xFFFF, v5;
	v16 =	vshrl.u32 v14, $0x10;
	[tilespmem:v20+s0+$0x0] =	vst.idx.add.f32.msk $0xffff, v1  }
0x67c: {  	v14 =	vshrl.u32 v17, $0x10;
	v17 =	vand.u32 $0xFFFF, v17;
	[tilespmem:v23+s0+$0x0] =	vst.idx.add.f32.msk $0xffff, v1  }
.Ltmp28:
0x67d: {  	[tilespmem:v24+s0+$0x0] =	vst.idx.add.f32.msk $0xffff, v1;
	(pc) =	sbr.rel @p0 .LBB2_58-.Ltmp28, $4  }
0x67e: {  	[tilespmem:v25+s0+$0x0] =	vst.idx.add.f32.msk $0xffff, v1  }
0x67f: {  	[tilespmem:v26+s0+$0x0] =	vst.idx.add.f32.msk $0xffff, v1  }
0x680: {  	[tilespmem:v27+s0+$0x0] =	vst.idx.add.f32.msk $0xffff, v1  }
0x681: {  	[tilespmem:v28+s0+$0x0] =	vst.idx.add.f32.msk $0xffff, v1  }
0x682: {  	_ =	sdelay $0x3  }
0x683: {  	[tilespmem:v8+s0+$0x0] =	vst.idx.add.f32.msk $0xffff, v1  }
0x684: {  	[tilespmem:v15+s0+$0x0] =	vst.idx.add.f32.msk $0xffff, v1  }
0x685: {  	[tilespmem:v10+s0+$0x0] =	vst.idx.add.f32.msk $0xffff, v1  }
0x686: {  	[tilespmem:v11+s0+$0x0] =	vst.idx.add.f32.msk $0xffff, v1  }
0x687: {  	[tilespmem:v12+s0+$0x0] =	vst.idx.add.f32.msk $0xffff, v1  }
0x688: {  	[tilespmem:v13+s0+$0x0] =	vst.idx.add.f32.msk $0xffff, v1  }
0x689: {  	[tilespmem:v9+s0+$0x0] =	vst.idx.add.f32.msk $0xffff, v1  }
0x68a: {  	[tilespmem:v17+s0+$0x0] =	vst.idx.add.f32.msk $0xffff, v1  }
0x68b: {  	v5 =	vshrl.u32 v5, $0x10;
	[tilespmem:v6+s0+$0x0] =	vst.idx.add.f32.msk $0xffff, v1  }
0x68c: {  	[tilespmem:v18+s0+$0x0] =	vst.idx.add.f32.msk $0xffff, v1  }
0x68d: {  	[tilespmem:v7+s0+$0x0] =	vst.idx.add.f32.msk $0xffff, v1  }
0x68e: {  	[tilespmem:v16+s0+$0x0] =	vst.idx.add.f32.msk $0xffff, v1  }
0x68f: {  	[tilespmem:v14+s0+$0x0] =	vst.idx.add.f32.msk $0xffff, v1  }
0x690: {  	[tilespmem:v5+s0+$0x0] =	vst.idx.add.f32.msk $0xffff, v1  }
.LBB2_60:
0x691: {  	s1 =	sshra.s32 s0, $0x2  }
0x692: {  	v5 =	vld [tilespmem:s1+$0x6C00];
	_ =	sdelay $0x4  }
0x693: {  	v6 =	vand.u32 $0xFFFF, v5  }
0x694: {  	p0 =	sne.s32 s0, $0x1C0;
	v5 =	vshrl.u32 v5, $0x10  }
.Ltmp29:
0x695: {  	_ = 	snop;
	(pc) =	sbr.rel @p0 .LBB2_60-.Ltmp29, $3  }
0x696: {  	_ =	sdelay $0x1  }
0x697: {  	[tilespmem:v6+s2+$0x0] =	vst.idx.add.f32.msk $0xffff, v1  }
0x698: {  	s0 =	sadd.s32 $0x40, s0;
	[tilespmem:v5+s2+$0x0] =	vst.idx.add.f32.msk $0xffff, v1  }
0x699: {  	[tilespmem:s23], [sflag:$0x1] =	stream.strided.gather [hbm4b:s17+s21], $0x1880, s22, s21, $0x38;
	[tilespmem:$0x8580] =	vst v63  }
0x69a: {  	_ =	swait.ge [sflag:s26], $0x1880  }
0x69b: {  	[sflag:s26] =	ssyncset.done $0x0  }
0x69c: {  	s1 =	simm.s32 $0x6D00;
	[sflag:s26] =	ssyncadd.s32 $0xFFFFE780  }
0x69d: {  	v7 =	vld [tilespmem:s1+$0xFFFFFFF0]  }
0x69e: {  	v6 =	vld [tilespmem:s1+$0x0]  }
0x69f: {  	v8 =	vld [tilespmem:s1+$0x10]  }
0x6a0: {  	v9 =	vld [tilespmem:s1+$0x20]  }
0x6a1: {  	v10 =	vld [tilespmem:s1+$0xFFFFFF80]  }
0x6a2: {  	v11 =	vld [tilespmem:s1+$0x70]  }
0x6a3: {  	v17 =	vld [tilespmem:s1+$0xFFFFFF90]  }
0x6a4: {  	v5 =	vld [tilespmem:s1+$0xFFFFFFA0]  }
0x6a5: {  	v14 =	vld [tilespmem:s1+$0xFFFFFFB0]  }
0x6a6: {  	v13 =	vld [tilespmem:s1+$0xFFFFFFC0];
	v12 =	vand.u32 $0xFFFF, v10  }
0x6a7: {  	v15 =	vld [tilespmem:s1+$0x60];
	v10 =	vshrl.u32 v10, $0x10  }
0x6a8: {  	v18 =	vld [tilespmem:s1+$0x50];
	v16 =	vand.u32 $0xFFFF, v11  }
0x6a9: {  	v19 =	vld [tilespmem:s1+$0x40];
	v11 =	vshrl.u32 v11, $0x10  }
0x6aa: {  	s0 =	simm.s32 $0x0;
	v20 =	vld [tilespmem:s1+$0x30]  }
0x6ab: {  	[tilespmem:v12+s0+$0x0] =	vst.idx.add.f32.msk $0xffff, v1  }
0x6ac: {  	[tilespmem:v10+s0+$0x0] =	vst.idx.add.f32.msk $0xffff, v1;
	v10 =	vand.u32 $0xFFFF, v15  }
0x6ad: {  	v12 =	vshrl.u32 v15, $0x10;
	[tilespmem:v16+s0+$0x0] =	vst.idx.add.f32.msk $0xffff, v1;
	v15 =	vand.u32 $0xFFFF, v18  }
0x6ae: {  	[tilespmem:v11+s0+$0x0] =	vst.idx.add.f32.msk $0xffff, v1;
	v11 =	vshrl.u32 v18, $0x10;
	v18 =	vand.u32 $0xFFFF, v19  }
0x6af: {  	v21 =	vld [tilespmem:s1+$0xFFFFFFD0]  }
0x6b0: {  	v16 =	vld [tilespmem:s1+$0xFFFFFFE0]  }
0x6b1: {  	v19 =	vshrl.u32 v19, $0x10;
	[tilespmem:v10+s0+$0x0] =	vst.idx.add.f32.msk $0xffff, v1  }
0x6b2: {  	v10 =	vand.u32 $0xFFFF, v20;
	[tilespmem:v15+s0+$0x0] =	vst.idx.add.f32.msk $0xffff, v1  }
0x6b3: {  	v15 =	vand.u32 $0xFFFF, v9;
	[tilespmem:v18+s0+$0x0] =	vst.idx.add.f32.msk $0xffff, v1  }
0x6b4: {  	v18 =	vand.u32 $0xFFFF, v6;
	[tilespmem:v12+s0+$0x0] =	vst.idx.add.f32.msk $0xffff, v1  }
0x6b5: {  	v12 =	vshrl.u32 v20, $0x10;
	[tilespmem:v11+s0+$0x0] =	vst.idx.add.f32.msk $0xffff, v1  }
0x6b6: {  	v11 =	vand.u32 $0xFFFF, v8;
	[tilespmem:v19+s0+$0x0] =	vst.idx.add.f32.msk $0xffff, v1  }
0x6b7: {  	v9 =	vshrl.u32 v9, $0x10;
	[tilespmem:v10+s0+$0x0] =	vst.idx.add.f32.msk $0xffff, v1  }
0x6b8: {  	v20 =	vand.u32 $0xFFFF, v7;
	[tilespmem:v15+s0+$0x0] =	vst.idx.add.f32.msk $0xffff, v1  }
0x6b9: {  	v19 =	vshrl.u32 v8, $0x10;
	[tilespmem:v18+s0+$0x0] =	vst.idx.add.f32.msk $0xffff, v1  }
0x6ba: {  	v8 =	vshrl.u32 v6, $0x10;
	[tilespmem:v12+s0+$0x0] =	vst.idx.add.f32.msk $0xffff, v1  }
0x6bb: {  	v6 =	vshrl.u32 v16, $0x10;
	v10 =	vand.u32 $0xFFFF, v16;
	v15 =	vshrl.u32 v7, $0x10;
	[tilespmem:v11+s0+$0x0] =	vst.idx.add.f32.msk $0xffff, v1  }
0x6bc: {  	v7 =	vshrl.u32 v13, $0x10;
	v18 =	vshrl.u32 v21, $0x10;
	v16 =	vshrl.u32 v14, $0x10;
	[tilespmem:v9+s0+$0x0] =	vst.idx.add.f32.msk $0xffff, v1  }
0x6bd: {  	v11 =	vand.u32 $0xFFFF, v21;
	v12 =	vand.u32 $0xFFFF, v13;
	v13 =	vand.u32 $0xFFFF, v14;
	[tilespmem:v20+s0+$0x0] =	vst.idx.add.f32.msk $0xffff, v1  }
0x6be: {  	s3 =	simm.s32 $0x0;
	v9 =	vand.u32 $0xFFFF, v5;
	v14 =	vshrl.u32 v17, $0x10;
	v17 =	vand.u32 $0xFFFF, v17;
	[tilespmem:v19+s0+$0x0] =	vst.idx.add.f32.msk $0xffff, v1  }
.LBB2_62:
0x6bf: {  	s3 =	sadd.s32 $0x10, s3;
	[tilespmem:v8+s0+$0x0] =	vst.idx.add.f32.msk $0xffff, v1;
	s1 =	sadd.s32 $0x100, s1  }
0x6c0: {  	p0 =	slt.u32 s3, $0x170;
	[tilespmem:v15+s0+$0x0] =	vst.idx.add.f32.msk $0xffff, v1  }
0x6c1: {  	[tilespmem:v10+s0+$0x0] =	vst.idx.add.f32.msk $0xffff, v1  }
0x6c2: {  	v5 =	vshrl.u32 v5, $0x10;
	[tilespmem:v6+s0+$0x0] =	vst.idx.add.f32.msk $0xffff, v1  }
0x6c3: {  	[tilespmem:v11+s0+$0x0] =	vst.idx.add.f32.msk $0xffff, v1  }
0x6c4: {  	[tilespmem:v18+s0+$0x0] =	vst.idx.add.f32.msk $0xffff, v1  }
0x6c5: {  	[tilespmem:v12+s0+$0x0] =	vst.idx.add.f32.msk $0xffff, v1  }
0x6c6: {  	[tilespmem:v7+s0+$0x0] =	vst.idx.add.f32.msk $0xffff, v1  }
0x6c7: {  	[tilespmem:v13+s0+$0x0] =	vst.idx.add.f32.msk $0xffff, v1  }
0x6c8: {  	[tilespmem:v16+s0+$0x0] =	vst.idx.add.f32.msk $0xffff, v1  }
0x6c9: {  	[tilespmem:v9+s0+$0x0] =	vst.idx.add.f32.msk $0xffff, v1  }
0x6ca: {  	[tilespmem:v17+s0+$0x0] =	vst.idx.add.f32.msk $0xffff, v1  }
0x6cb: {  	[tilespmem:v14+s0+$0x0] =	vst.idx.add.f32.msk $0xffff, v1  }
0x6cc: {  	[tilespmem:v5+s0+$0x0] =	vst.idx.add.f32.msk $0xffff, v1  }
0x6cd: {  	v7 =	vld [tilespmem:s1+$0xFFFFFFF0]  }
0x6ce: {  	v6 =	vld [tilespmem:s1+$0x0]  }
0x6cf: {  	v9 =	vld [tilespmem:s1+$0x10]  }
0x6d0: {  	v8 =	vld [tilespmem:s1+$0x20]  }
0x6d1: {  	v10 =	vld [tilespmem:s1+$0xFFFFFF80]  }
0x6d2: {  	v11 =	vld [tilespmem:s1+$0x70]  }
0x6d3: {  	v17 =	vld [tilespmem:s1+$0xFFFFFF90]  }
0x6d4: {  	v5 =	vld [tilespmem:s1+$0xFFFFFFA0]  }
0x6d5: {  	v14 =	vld [tilespmem:s1+$0xFFFFFFB0]  }
0x6d6: {  	v12 =	vand.u32 $0xFFFF, v10;
	v13 =	vld [tilespmem:s1+$0xFFFFFFC0]  }
0x6d7: {  	v10 =	vshrl.u32 v10, $0x10;
	v15 =	vld [tilespmem:s1+$0x60];
	v16 =	vand.u32 $0xFFFF, v11  }
0x6d8: {  	v18 =	vld [tilespmem:s1+$0x50]  }
0x6d9: {  	v11 =	vshrl.u32 v11, $0x10;
	v19 =	vld [tilespmem:s1+$0x40]  }
0x6da: {  	v20 =	vld [tilespmem:s1+$0x30]  }
0x6db: {  	[tilespmem:v12+s0+$0x0] =	vst.idx.add.f32.msk $0xffff, v1  }
0x6dc: {  	[tilespmem:v10+s0+$0x0] =	vst.idx.add.f32.msk $0xffff, v1;
	v10 =	vand.u32 $0xFFFF, v15  }
0x6dd: {  	v15 =	vshrl.u32 v15, $0x10;
	v12 =	vand.u32 $0xFFFF, v18;
	[tilespmem:v16+s0+$0x0] =	vst.idx.add.f32.msk $0xffff, v1  }
0x6de: {  	v18 =	vshrl.u32 v18, $0x10;
	v16 =	vand.u32 $0xFFFF, v19;
	[tilespmem:v11+s0+$0x0] =	vst.idx.add.f32.msk $0xffff, v1  }
0x6df: {  	v19 =	vshrl.u32 v19, $0x10;
	v11 =	vld [tilespmem:s1+$0xFFFFFFE0];
	v21 =	vand.u32 $0xFFFF, v20  }
0x6e0: {  	v23 =	vand.u32 $0xFFFF, v8;
	v22 =	vld [tilespmem:s1+$0xFFFFFFD0]  }
0x6e1: {  	v24 =	vand.u32 $0xFFFF, v9;
	v25 =	vshrl.u32 v8, $0x10;
	v20 =	vshrl.u32 v20, $0x10;
	[tilespmem:v10+s0+$0x0] =	vst.idx.add.f32.msk $0xffff, v1  }
0x6e2: {  	v26 =	vand.u32 $0xFFFF, v6;
	v27 =	vshrl.u32 v9, $0x10;
	v8 =	vshrl.u32 v6, $0x10;
	[tilespmem:v15+s0+$0x0] =	vst.idx.add.f32.msk $0xffff, v1  }
0x6e3: {  	v28 =	vand.u32 $0xFFFF, v7;
	[tilespmem:v12+s0+$0x0] =	vst.idx.add.f32.msk $0xffff, v1  }
0x6e4: {  	v15 =	vshrl.u32 v7, $0x10;
	v6 =	vshrl.u32 v11, $0x10;
	v10 =	vand.u32 $0xFFFF, v11;
	[tilespmem:v18+s0+$0x0] =	vst.idx.add.f32.msk $0xffff, v1  }
0x6e5: {  	v11 =	vand.u32 $0xFFFF, v22;
	[tilespmem:v16+s0+$0x0] =	vst.idx.add.f32.msk $0xffff, v1  }
0x6e6: {  	v7 =	vshrl.u32 v13, $0x10;
	v12 =	vand.u32 $0xFFFF, v13;
	v18 =	vshrl.u32 v22, $0x10;
	[tilespmem:v19+s0+$0x0] =	vst.idx.add.f32.msk $0xffff, v1  }
0x6e7: {  	v13 =	vand.u32 $0xFFFF, v14;
	[tilespmem:v21+s0+$0x0] =	vst.idx.add.f32.msk $0xffff, v1  }
0x6e8: {  	v9 =	vand.u32 $0xFFFF, v5;
	v16 =	vshrl.u32 v14, $0x10;
	[tilespmem:v20+s0+$0x0] =	vst.idx.add.f32.msk $0xffff, v1  }
0x6e9: {  	v14 =	vshrl.u32 v17, $0x10;
	v17 =	vand.u32 $0xFFFF, v17;
	[tilespmem:v23+s0+$0x0] =	vst.idx.add.f32.msk $0xffff, v1  }
.Ltmp30:
0x6ea: {  	[tilespmem:v24+s0+$0x0] =	vst.idx.add.f32.msk $0xffff, v1;
	(pc) =	sbr.rel @p0 .LBB2_62-.Ltmp30, $4  }
0x6eb: {  	[tilespmem:v25+s0+$0x0] =	vst.idx.add.f32.msk $0xffff, v1  }
0x6ec: {  	[tilespmem:v26+s0+$0x0] =	vst.idx.add.f32.msk $0xffff, v1  }
0x6ed: {  	[tilespmem:v27+s0+$0x0] =	vst.idx.add.f32.msk $0xffff, v1  }
0x6ee: {  	[tilespmem:v28+s0+$0x0] =	vst.idx.add.f32.msk $0xffff, v1  }
0x6ef: {  	_ =	sdelay $0x3  }
0x6f0: {  	[tilespmem:v8+s0+$0x0] =	vst.idx.add.f32.msk $0xffff, v1  }
0x6f1: {  	[tilespmem:v15+s0+$0x0] =	vst.idx.add.f32.msk $0xffff, v1  }
0x6f2: {  	[tilespmem:v10+s0+$0x0] =	vst.idx.add.f32.msk $0xffff, v1  }
0x6f3: {  	[tilespmem:v11+s0+$0x0] =	vst.idx.add.f32.msk $0xffff, v1  }
0x6f4: {  	[tilespmem:v12+s0+$0x0] =	vst.idx.add.f32.msk $0xffff, v1  }
0x6f5: {  	[tilespmem:v13+s0+$0x0] =	vst.idx.add.f32.msk $0xffff, v1  }
0x6f6: {  	[tilespmem:v9+s0+$0x0] =	vst.idx.add.f32.msk $0xffff, v1  }
0x6f7: {  	[tilespmem:v17+s0+$0x0] =	vst.idx.add.f32.msk $0xffff, v1  }
0x6f8: {  	v5 =	vshrl.u32 v5, $0x10;
	[tilespmem:v6+s0+$0x0] =	vst.idx.add.f32.msk $0xffff, v1  }
0x6f9: {  	[tilespmem:v18+s0+$0x0] =	vst.idx.add.f32.msk $0xffff, v1  }
0x6fa: {  	[tilespmem:v7+s0+$0x0] =	vst.idx.add.f32.msk $0xffff, v1  }
0x6fb: {  	[tilespmem:v16+s0+$0x0] =	vst.idx.add.f32.msk $0xffff, v1  }
0x6fc: {  	[tilespmem:v14+s0+$0x0] =	vst.idx.add.f32.msk $0xffff, v1  }
0x6fd: {  	[tilespmem:v5+s0+$0x0] =	vst.idx.add.f32.msk $0xffff, v1  }
.LBB2_64:
0x6fe: {  	s1 =	sshra.s32 s0, $0x2  }
0x6ff: {  	v5 =	vld [tilespmem:s1+$0x8480];
	_ =	sdelay $0x4  }
0x700: {  	v6 =	vand.u32 $0xFFFF, v5  }
0x701: {  	p0 =	sne.s32 s0, $0x1C0;
	v5 =	vshrl.u32 v5, $0x10  }
.Ltmp31:
0x702: {  	_ = 	snop;
	(pc) =	sbr.rel @p0 .LBB2_64-.Ltmp31, $3  }
0x703: {  	_ =	sdelay $0x1  }
0x704: {  	[tilespmem:v6+s2+$0x0] =	vst.idx.add.f32.msk $0xffff, v1  }
0x705: {  	s0 =	sadd.s32 $0x40, s0;
	[tilespmem:v5+s2+$0x0] =	vst.idx.add.f32.msk $0xffff, v1  }
0x706: {  	[tilespmem:s24], [sflag:$0x2] =	stream.strided.gather [hbm4b:s18+s21], $0x1880, s22, s21, $0x38;
	[tilespmem:$0x8580] =	vst v63  }
0x707: {  	_ =	swait.ge [sflag:s25], $0x1880  }
0x708: {  	[sflag:s25] =	ssyncset.done $0x0  }
0x709: {  	s1 =	simm.s32 $0x5480;
	[sflag:s25] =	ssyncadd.s32 $0xFFFFE780  }
0x70a: {  	v7 =	vld [tilespmem:s1+$0xFFFFFFF0]  }
0x70b: {  	v6 =	vld [tilespmem:s1+$0x0]  }
0x70c: {  	v8 =	vld [tilespmem:s1+$0x10]  }
0x70d: {  	v9 =	vld [tilespmem:s1+$0x20]  }
0x70e: {  	v10 =	vld [tilespmem:s1+$0xFFFFFF80]  }
0x70f: {  	v11 =	vld [tilespmem:s1+$0x70]  }
0x710: {  	v17 =	vld [tilespmem:s1+$0xFFFFFF90]  }
0x711: {  	v5 =	vld [tilespmem:s1+$0xFFFFFFA0]  }
0x712: {  	v14 =	vld [tilespmem:s1+$0xFFFFFFB0]  }
0x713: {  	v13 =	vld [tilespmem:s1+$0xFFFFFFC0];
	v12 =	vand.u32 $0xFFFF, v10  }
0x714: {  	v15 =	vld [tilespmem:s1+$0x60];
	v10 =	vshrl.u32 v10, $0x10  }
0x715: {  	v18 =	vld [tilespmem:s1+$0x50];
	v16 =	vand.u32 $0xFFFF, v11  }
0x716: {  	v19 =	vld [tilespmem:s1+$0x40];
	v11 =	vshrl.u32 v11, $0x10  }
0x717: {  	s0 =	simm.s32 $0x0;
	v20 =	vld [tilespmem:s1+$0x30]  }
0x718: {  	[tilespmem:v12+s0+$0x0] =	vst.idx.add.f32.msk $0xffff, v1  }
0x719: {  	[tilespmem:v10+s0+$0x0] =	vst.idx.add.f32.msk $0xffff, v1;
	v10 =	vand.u32 $0xFFFF, v15  }
0x71a: {  	v12 =	vshrl.u32 v15, $0x10;
	[tilespmem:v16+s0+$0x0] =	vst.idx.add.f32.msk $0xffff, v1;
	v15 =	vand.u32 $0xFFFF, v18  }
0x71b: {  	[tilespmem:v11+s0+$0x0] =	vst.idx.add.f32.msk $0xffff, v1;
	v11 =	vshrl.u32 v18, $0x10;
	v18 =	vand.u32 $0xFFFF, v19  }
0x71c: {  	v21 =	vld [tilespmem:s1+$0xFFFFFFD0]  }
0x71d: {  	v16 =	vld [tilespmem:s1+$0xFFFFFFE0]  }
0x71e: {  	v19 =	vshrl.u32 v19, $0x10;
	[tilespmem:v10+s0+$0x0] =	vst.idx.add.f32.msk $0xffff, v1  }
0x71f: {  	v10 =	vand.u32 $0xFFFF, v20;
	[tilespmem:v15+s0+$0x0] =	vst.idx.add.f32.msk $0xffff, v1  }
0x720: {  	v15 =	vand.u32 $0xFFFF, v9;
	[tilespmem:v18+s0+$0x0] =	vst.idx.add.f32.msk $0xffff, v1  }
0x721: {  	v18 =	vand.u32 $0xFFFF, v6;
	[tilespmem:v12+s0+$0x0] =	vst.idx.add.f32.msk $0xffff, v1  }
0x722: {  	v12 =	vshrl.u32 v20, $0x10;
	[tilespmem:v11+s0+$0x0] =	vst.idx.add.f32.msk $0xffff, v1  }
0x723: {  	v11 =	vand.u32 $0xFFFF, v8;
	[tilespmem:v19+s0+$0x0] =	vst.idx.add.f32.msk $0xffff, v1  }
0x724: {  	v9 =	vshrl.u32 v9, $0x10;
	[tilespmem:v10+s0+$0x0] =	vst.idx.add.f32.msk $0xffff, v1  }
0x725: {  	v20 =	vand.u32 $0xFFFF, v7;
	[tilespmem:v15+s0+$0x0] =	vst.idx.add.f32.msk $0xffff, v1  }
0x726: {  	v19 =	vshrl.u32 v8, $0x10;
	[tilespmem:v18+s0+$0x0] =	vst.idx.add.f32.msk $0xffff, v1  }
0x727: {  	v8 =	vshrl.u32 v6, $0x10;
	[tilespmem:v12+s0+$0x0] =	vst.idx.add.f32.msk $0xffff, v1  }
0x728: {  	v6 =	vshrl.u32 v16, $0x10;
	v10 =	vand.u32 $0xFFFF, v16;
	v15 =	vshrl.u32 v7, $0x10;
	[tilespmem:v11+s0+$0x0] =	vst.idx.add.f32.msk $0xffff, v1  }
0x729: {  	v7 =	vshrl.u32 v13, $0x10;
	v18 =	vshrl.u32 v21, $0x10;
	v16 =	vshrl.u32 v14, $0x10;
	[tilespmem:v9+s0+$0x0] =	vst.idx.add.f32.msk $0xffff, v1  }
0x72a: {  	v11 =	vand.u32 $0xFFFF, v21;
	v12 =	vand.u32 $0xFFFF, v13;
	v13 =	vand.u32 $0xFFFF, v14;
	[tilespmem:v20+s0+$0x0] =	vst.idx.add.f32.msk $0xffff, v1  }
0x72b: {  	s3 =	simm.s32 $0x0;
	v9 =	vand.u32 $0xFFFF, v5;
	v14 =	vshrl.u32 v17, $0x10;
	v17 =	vand.u32 $0xFFFF, v17;
	[tilespmem:v19+s0+$0x0] =	vst.idx.add.f32.msk $0xffff, v1  }
.LBB2_66:
0x72c: {  	s3 =	sadd.s32 $0x10, s3;
	[tilespmem:v8+s0+$0x0] =	vst.idx.add.f32.msk $0xffff, v1;
	s1 =	sadd.s32 $0x100, s1  }
0x72d: {  	p0 =	slt.u32 s3, $0x170;
	[tilespmem:v15+s0+$0x0] =	vst.idx.add.f32.msk $0xffff, v1  }
0x72e: {  	[tilespmem:v10+s0+$0x0] =	vst.idx.add.f32.msk $0xffff, v1  }
0x72f: {  	v5 =	vshrl.u32 v5, $0x10;
	[tilespmem:v6+s0+$0x0] =	vst.idx.add.f32.msk $0xffff, v1  }
0x730: {  	[tilespmem:v11+s0+$0x0] =	vst.idx.add.f32.msk $0xffff, v1  }
0x731: {  	[tilespmem:v18+s0+$0x0] =	vst.idx.add.f32.msk $0xffff, v1  }
0x732: {  	[tilespmem:v12+s0+$0x0] =	vst.idx.add.f32.msk $0xffff, v1  }
0x733: {  	[tilespmem:v7+s0+$0x0] =	vst.idx.add.f32.msk $0xffff, v1  }
0x734: {  	[tilespmem:v13+s0+$0x0] =	vst.idx.add.f32.msk $0xffff, v1  }
0x735: {  	[tilespmem:v16+s0+$0x0] =	vst.idx.add.f32.msk $0xffff, v1  }
0x736: {  	[tilespmem:v9+s0+$0x0] =	vst.idx.add.f32.msk $0xffff, v1  }
0x737: {  	[tilespmem:v17+s0+$0x0] =	vst.idx.add.f32.msk $0xffff, v1  }
0x738: {  	[tilespmem:v14+s0+$0x0] =	vst.idx.add.f32.msk $0xffff, v1  }
0x739: {  	[tilespmem:v5+s0+$0x0] =	vst.idx.add.f32.msk $0xffff, v1  }
0x73a: {  	v7 =	vld [tilespmem:s1+$0xFFFFFFF0]  }
0x73b: {  	v6 =	vld [tilespmem:s1+$0x0]  }
0x73c: {  	v9 =	vld [tilespmem:s1+$0x10]  }
0x73d: {  	v8 =	vld [tilespmem:s1+$0x20]  }
0x73e: {  	v10 =	vld [tilespmem:s1+$0xFFFFFF80]  }
0x73f: {  	v11 =	vld [tilespmem:s1+$0x70]  }
0x740: {  	v17 =	vld [tilespmem:s1+$0xFFFFFF90]  }
0x741: {  	v5 =	vld [tilespmem:s1+$0xFFFFFFA0]  }
0x742: {  	v14 =	vld [tilespmem:s1+$0xFFFFFFB0]  }
0x743: {  	v12 =	vand.u32 $0xFFFF, v10;
	v13 =	vld [tilespmem:s1+$0xFFFFFFC0]  }
0x744: {  	v10 =	vshrl.u32 v10, $0x10;
	v15 =	vld [tilespmem:s1+$0x60];
	v16 =	vand.u32 $0xFFFF, v11  }
0x745: {  	v18 =	vld [tilespmem:s1+$0x50]  }
0x746: {  	v11 =	vshrl.u32 v11, $0x10;
	v19 =	vld [tilespmem:s1+$0x40]  }
0x747: {  	v20 =	vld [tilespmem:s1+$0x30]  }
0x748: {  	[tilespmem:v12+s0+$0x0] =	vst.idx.add.f32.msk $0xffff, v1  }
0x749: {  	[tilespmem:v10+s0+$0x0] =	vst.idx.add.f32.msk $0xffff, v1;
	v10 =	vand.u32 $0xFFFF, v15  }
0x74a: {  	v15 =	vshrl.u32 v15, $0x10;
	v12 =	vand.u32 $0xFFFF, v18;
	[tilespmem:v16+s0+$0x0] =	vst.idx.add.f32.msk $0xffff, v1  }
0x74b: {  	v18 =	vshrl.u32 v18, $0x10;
	v16 =	vand.u32 $0xFFFF, v19;
	[tilespmem:v11+s0+$0x0] =	vst.idx.add.f32.msk $0xffff, v1  }
0x74c: {  	v19 =	vshrl.u32 v19, $0x10;
	v11 =	vld [tilespmem:s1+$0xFFFFFFE0];
	v21 =	vand.u32 $0xFFFF, v20  }
0x74d: {  	v23 =	vand.u32 $0xFFFF, v8;
	v22 =	vld [tilespmem:s1+$0xFFFFFFD0]  }
0x74e: {  	v24 =	vand.u32 $0xFFFF, v9;
	v25 =	vshrl.u32 v8, $0x10;
	v20 =	vshrl.u32 v20, $0x10;
	[tilespmem:v10+s0+$0x0] =	vst.idx.add.f32.msk $0xffff, v1  }
0x74f: {  	v26 =	vand.u32 $0xFFFF, v6;
	v27 =	vshrl.u32 v9, $0x10;
	v8 =	vshrl.u32 v6, $0x10;
	[tilespmem:v15+s0+$0x0] =	vst.idx.add.f32.msk $0xffff, v1  }
0x750: {  	v28 =	vand.u32 $0xFFFF, v7;
	[tilespmem:v12+s0+$0x0] =	vst.idx.add.f32.msk $0xffff, v1  }
0x751: {  	v15 =	vshrl.u32 v7, $0x10;
	v6 =	vshrl.u32 v11, $0x10;
	v10 =	vand.u32 $0xFFFF, v11;
	[tilespmem:v18+s0+$0x0] =	vst.idx.add.f32.msk $0xffff, v1  }
0x752: {  	v11 =	vand.u32 $0xFFFF, v22;
	[tilespmem:v16+s0+$0x0] =	vst.idx.add.f32.msk $0xffff, v1  }
0x753: {  	v7 =	vshrl.u32 v13, $0x10;
	v12 =	vand.u32 $0xFFFF, v13;
	v18 =	vshrl.u32 v22, $0x10;
	[tilespmem:v19+s0+$0x0] =	vst.idx.add.f32.msk $0xffff, v1  }
0x754: {  	v13 =	vand.u32 $0xFFFF, v14;
	[tilespmem:v21+s0+$0x0] =	vst.idx.add.f32.msk $0xffff, v1  }
0x755: {  	v9 =	vand.u32 $0xFFFF, v5;
	v16 =	vshrl.u32 v14, $0x10;
	[tilespmem:v20+s0+$0x0] =	vst.idx.add.f32.msk $0xffff, v1  }
0x756: {  	v14 =	vshrl.u32 v17, $0x10;
	v17 =	vand.u32 $0xFFFF, v17;
	[tilespmem:v23+s0+$0x0] =	vst.idx.add.f32.msk $0xffff, v1  }
.Ltmp32:
0x757: {  	[tilespmem:v24+s0+$0x0] =	vst.idx.add.f32.msk $0xffff, v1;
	(pc) =	sbr.rel @p0 .LBB2_66-.Ltmp32, $4  }
0x758: {  	[tilespmem:v25+s0+$0x0] =	vst.idx.add.f32.msk $0xffff, v1  }
0x759: {  	[tilespmem:v26+s0+$0x0] =	vst.idx.add.f32.msk $0xffff, v1  }
0x75a: {  	[tilespmem:v27+s0+$0x0] =	vst.idx.add.f32.msk $0xffff, v1  }
0x75b: {  	[tilespmem:v28+s0+$0x0] =	vst.idx.add.f32.msk $0xffff, v1  }
0x75c: {  	_ =	sdelay $0x3  }
0x75d: {  	[tilespmem:v8+s0+$0x0] =	vst.idx.add.f32.msk $0xffff, v1  }
0x75e: {  	[tilespmem:v15+s0+$0x0] =	vst.idx.add.f32.msk $0xffff, v1  }
0x75f: {  	[tilespmem:v10+s0+$0x0] =	vst.idx.add.f32.msk $0xffff, v1  }
0x760: {  	[tilespmem:v11+s0+$0x0] =	vst.idx.add.f32.msk $0xffff, v1  }
0x761: {  	[tilespmem:v12+s0+$0x0] =	vst.idx.add.f32.msk $0xffff, v1  }
0x762: {  	[tilespmem:v13+s0+$0x0] =	vst.idx.add.f32.msk $0xffff, v1  }
0x763: {  	[tilespmem:v9+s0+$0x0] =	vst.idx.add.f32.msk $0xffff, v1  }
0x764: {  	[tilespmem:v17+s0+$0x0] =	vst.idx.add.f32.msk $0xffff, v1  }
0x765: {  	v5 =	vshrl.u32 v5, $0x10;
	[tilespmem:v6+s0+$0x0] =	vst.idx.add.f32.msk $0xffff, v1  }
0x766: {  	[tilespmem:v18+s0+$0x0] =	vst.idx.add.f32.msk $0xffff, v1  }
0x767: {  	[tilespmem:v7+s0+$0x0] =	vst.idx.add.f32.msk $0xffff, v1  }
0x768: {  	[tilespmem:v16+s0+$0x0] =	vst.idx.add.f32.msk $0xffff, v1  }
0x769: {  	[tilespmem:v14+s0+$0x0] =	vst.idx.add.f32.msk $0xffff, v1  }
0x76a: {  	[tilespmem:v5+s0+$0x0] =	vst.idx.add.f32.msk $0xffff, v1  }
.LBB2_68:
0x76b: {  	s1 =	sshra.s32 s0, $0x2  }
0x76c: {  	v5 =	vld [tilespmem:s1+$0x6C00];
	_ =	sdelay $0x4  }
0x76d: {  	v6 =	vand.u32 $0xFFFF, v5  }
0x76e: {  	p0 =	sne.s32 s0, $0x1C0;
	v5 =	vshrl.u32 v5, $0x10  }
.Ltmp33:
0x76f: {  	_ = 	snop;
	(pc) =	sbr.rel @p0 .LBB2_68-.Ltmp33, $3  }
0x770: {  	_ =	sdelay $0x1  }
0x771: {  	[tilespmem:v6+s2+$0x0] =	vst.idx.add.f32.msk $0xffff, v1  }
0x772: {  	s0 =	sadd.s32 $0x40, s0;
	[tilespmem:v5+s2+$0x0] =	vst.idx.add.f32.msk $0xffff, v1  }
0x773: {  	_ =	swait.ge [sflag:s26], $0x1880  }
0x774: {  	[sflag:s26] =	ssyncset.done $0x0  }
0x775: {  	s1 =	simm.s32 $0x6D00;
	[sflag:s26] =	ssyncadd.s32 $0xFFFFE780  }
0x776: {  	v7 =	vld [tilespmem:s1+$0xFFFFFFF0]  }
0x777: {  	v6 =	vld [tilespmem:s1+$0x0]  }
0x778: {  	v8 =	vld [tilespmem:s1+$0x10]  }
0x779: {  	v9 =	vld [tilespmem:s1+$0x20]  }
0x77a: {  	v10 =	vld [tilespmem:s1+$0xFFFFFF80]  }
0x77b: {  	v11 =	vld [tilespmem:s1+$0x70]  }
0x77c: {  	v17 =	vld [tilespmem:s1+$0xFFFFFF90]  }
0x77d: {  	v5 =	vld [tilespmem:s1+$0xFFFFFFA0]  }
0x77e: {  	v14 =	vld [tilespmem:s1+$0xFFFFFFB0]  }
0x77f: {  	v13 =	vld [tilespmem:s1+$0xFFFFFFC0];
	v12 =	vand.u32 $0xFFFF, v10  }
0x780: {  	v15 =	vld [tilespmem:s1+$0x60];
	v10 =	vshrl.u32 v10, $0x10  }
0x781: {  	v18 =	vld [tilespmem:s1+$0x50];
	v16 =	vand.u32 $0xFFFF, v11  }
0x782: {  	v19 =	vld [tilespmem:s1+$0x40];
	v11 =	vshrl.u32 v11, $0x10  }
0x783: {  	s0 =	simm.s32 $0x0;
	v20 =	vld [tilespmem:s1+$0x30]  }
0x784: {  	[tilespmem:v12+s0+$0x0] =	vst.idx.add.f32.msk $0xffff, v1  }
0x785: {  	[tilespmem:v10+s0+$0x0] =	vst.idx.add.f32.msk $0xffff, v1;
	v10 =	vand.u32 $0xFFFF, v15  }
0x786: {  	v12 =	vshrl.u32 v15, $0x10;
	[tilespmem:v16+s0+$0x0] =	vst.idx.add.f32.msk $0xffff, v1;
	v15 =	vand.u32 $0xFFFF, v18  }
0x787: {  	[tilespmem:v11+s0+$0x0] =	vst.idx.add.f32.msk $0xffff, v1;
	v11 =	vshrl.u32 v18, $0x10;
	v18 =	vand.u32 $0xFFFF, v19  }
0x788: {  	v21 =	vld [tilespmem:s1+$0xFFFFFFD0]  }
0x789: {  	v16 =	vld [tilespmem:s1+$0xFFFFFFE0]  }
0x78a: {  	v19 =	vshrl.u32 v19, $0x10;
	[tilespmem:v10+s0+$0x0] =	vst.idx.add.f32.msk $0xffff, v1  }
0x78b: {  	v10 =	vand.u32 $0xFFFF, v20;
	[tilespmem:v15+s0+$0x0] =	vst.idx.add.f32.msk $0xffff, v1  }
0x78c: {  	v15 =	vand.u32 $0xFFFF, v9;
	[tilespmem:v18+s0+$0x0] =	vst.idx.add.f32.msk $0xffff, v1  }
0x78d: {  	v18 =	vand.u32 $0xFFFF, v6;
	[tilespmem:v12+s0+$0x0] =	vst.idx.add.f32.msk $0xffff, v1  }
0x78e: {  	v12 =	vshrl.u32 v20, $0x10;
	[tilespmem:v11+s0+$0x0] =	vst.idx.add.f32.msk $0xffff, v1  }
0x78f: {  	v11 =	vand.u32 $0xFFFF, v8;
	[tilespmem:v19+s0+$0x0] =	vst.idx.add.f32.msk $0xffff, v1  }
0x790: {  	v9 =	vshrl.u32 v9, $0x10;
	[tilespmem:v10+s0+$0x0] =	vst.idx.add.f32.msk $0xffff, v1  }
0x791: {  	v20 =	vand.u32 $0xFFFF, v7;
	[tilespmem:v15+s0+$0x0] =	vst.idx.add.f32.msk $0xffff, v1  }
0x792: {  	v19 =	vshrl.u32 v8, $0x10;
	[tilespmem:v18+s0+$0x0] =	vst.idx.add.f32.msk $0xffff, v1  }
0x793: {  	v8 =	vshrl.u32 v6, $0x10;
	[tilespmem:v12+s0+$0x0] =	vst.idx.add.f32.msk $0xffff, v1  }
0x794: {  	v6 =	vshrl.u32 v16, $0x10;
	v10 =	vand.u32 $0xFFFF, v16;
	v15 =	vshrl.u32 v7, $0x10;
	[tilespmem:v11+s0+$0x0] =	vst.idx.add.f32.msk $0xffff, v1  }
0x795: {  	v7 =	vshrl.u32 v13, $0x10;
	v18 =	vshrl.u32 v21, $0x10;
	v16 =	vshrl.u32 v14, $0x10;
	[tilespmem:v9+s0+$0x0] =	vst.idx.add.f32.msk $0xffff, v1  }
0x796: {  	v11 =	vand.u32 $0xFFFF, v21;
	v12 =	vand.u32 $0xFFFF, v13;
	v13 =	vand.u32 $0xFFFF, v14;
	[tilespmem:v20+s0+$0x0] =	vst.idx.add.f32.msk $0xffff, v1  }
0x797: {  	s3 =	simm.s32 $0x0;
	v9 =	vand.u32 $0xFFFF, v5;
	v14 =	vshrl.u32 v17, $0x10;
	v17 =	vand.u32 $0xFFFF, v17;
	[tilespmem:v19+s0+$0x0] =	vst.idx.add.f32.msk $0xffff, v1  }
.LBB2_70:
0x798: {  	s3 =	sadd.s32 $0x10, s3;
	[tilespmem:v8+s0+$0x0] =	vst.idx.add.f32.msk $0xffff, v1;
	s1 =	sadd.s32 $0x100, s1  }
0x799: {  	p0 =	slt.u32 s3, $0x170;
	[tilespmem:v15+s0+$0x0] =	vst.idx.add.f32.msk $0xffff, v1  }
0x79a: {  	[tilespmem:v10+s0+$0x0] =	vst.idx.add.f32.msk $0xffff, v1  }
0x79b: {  	v5 =	vshrl.u32 v5, $0x10;
	[tilespmem:v6+s0+$0x0] =	vst.idx.add.f32.msk $0xffff, v1  }
0x79c: {  	[tilespmem:v11+s0+$0x0] =	vst.idx.add.f32.msk $0xffff, v1  }
0x79d: {  	[tilespmem:v18+s0+$0x0] =	vst.idx.add.f32.msk $0xffff, v1  }
0x79e: {  	[tilespmem:v12+s0+$0x0] =	vst.idx.add.f32.msk $0xffff, v1  }
0x79f: {  	[tilespmem:v7+s0+$0x0] =	vst.idx.add.f32.msk $0xffff, v1  }
0x7a0: {  	[tilespmem:v13+s0+$0x0] =	vst.idx.add.f32.msk $0xffff, v1  }
0x7a1: {  	[tilespmem:v16+s0+$0x0] =	vst.idx.add.f32.msk $0xffff, v1  }
0x7a2: {  	[tilespmem:v9+s0+$0x0] =	vst.idx.add.f32.msk $0xffff, v1  }
0x7a3: {  	[tilespmem:v17+s0+$0x0] =	vst.idx.add.f32.msk $0xffff, v1  }
0x7a4: {  	[tilespmem:v14+s0+$0x0] =	vst.idx.add.f32.msk $0xffff, v1  }
0x7a5: {  	[tilespmem:v5+s0+$0x0] =	vst.idx.add.f32.msk $0xffff, v1  }
0x7a6: {  	v7 =	vld [tilespmem:s1+$0xFFFFFFF0]  }
0x7a7: {  	v6 =	vld [tilespmem:s1+$0x0]  }
0x7a8: {  	v9 =	vld [tilespmem:s1+$0x10]  }
0x7a9: {  	v8 =	vld [tilespmem:s1+$0x20]  }
0x7aa: {  	v10 =	vld [tilespmem:s1+$0xFFFFFF80]  }
0x7ab: {  	v11 =	vld [tilespmem:s1+$0x70]  }
0x7ac: {  	v17 =	vld [tilespmem:s1+$0xFFFFFF90]  }
0x7ad: {  	v5 =	vld [tilespmem:s1+$0xFFFFFFA0]  }
0x7ae: {  	v14 =	vld [tilespmem:s1+$0xFFFFFFB0]  }
0x7af: {  	v12 =	vand.u32 $0xFFFF, v10;
	v13 =	vld [tilespmem:s1+$0xFFFFFFC0]  }
0x7b0: {  	v10 =	vshrl.u32 v10, $0x10;
	v15 =	vld [tilespmem:s1+$0x60];
	v16 =	vand.u32 $0xFFFF, v11  }
0x7b1: {  	v18 =	vld [tilespmem:s1+$0x50]  }
0x7b2: {  	v11 =	vshrl.u32 v11, $0x10;
	v19 =	vld [tilespmem:s1+$0x40]  }
0x7b3: {  	v20 =	vld [tilespmem:s1+$0x30]  }
0x7b4: {  	[tilespmem:v12+s0+$0x0] =	vst.idx.add.f32.msk $0xffff, v1  }
0x7b5: {  	[tilespmem:v10+s0+$0x0] =	vst.idx.add.f32.msk $0xffff, v1;
	v10 =	vand.u32 $0xFFFF, v15  }
0x7b6: {  	v15 =	vshrl.u32 v15, $0x10;
	v12 =	vand.u32 $0xFFFF, v18;
	[tilespmem:v16+s0+$0x0] =	vst.idx.add.f32.msk $0xffff, v1  }
0x7b7: {  	v18 =	vshrl.u32 v18, $0x10;
	v16 =	vand.u32 $0xFFFF, v19;
	[tilespmem:v11+s0+$0x0] =	vst.idx.add.f32.msk $0xffff, v1  }
0x7b8: {  	v19 =	vshrl.u32 v19, $0x10;
	v11 =	vld [tilespmem:s1+$0xFFFFFFE0];
	v21 =	vand.u32 $0xFFFF, v20  }
0x7b9: {  	v23 =	vand.u32 $0xFFFF, v8;
	v22 =	vld [tilespmem:s1+$0xFFFFFFD0]  }
0x7ba: {  	v24 =	vand.u32 $0xFFFF, v9;
	v25 =	vshrl.u32 v8, $0x10;
	v20 =	vshrl.u32 v20, $0x10;
	[tilespmem:v10+s0+$0x0] =	vst.idx.add.f32.msk $0xffff, v1  }
0x7bb: {  	v26 =	vand.u32 $0xFFFF, v6;
	v27 =	vshrl.u32 v9, $0x10;
	v8 =	vshrl.u32 v6, $0x10;
	[tilespmem:v15+s0+$0x0] =	vst.idx.add.f32.msk $0xffff, v1  }
0x7bc: {  	v28 =	vand.u32 $0xFFFF, v7;
	[tilespmem:v12+s0+$0x0] =	vst.idx.add.f32.msk $0xffff, v1  }
0x7bd: {  	v15 =	vshrl.u32 v7, $0x10;
	v6 =	vshrl.u32 v11, $0x10;
	v10 =	vand.u32 $0xFFFF, v11;
	[tilespmem:v18+s0+$0x0] =	vst.idx.add.f32.msk $0xffff, v1  }
0x7be: {  	v11 =	vand.u32 $0xFFFF, v22;
	[tilespmem:v16+s0+$0x0] =	vst.idx.add.f32.msk $0xffff, v1  }
0x7bf: {  	v7 =	vshrl.u32 v13, $0x10;
	v12 =	vand.u32 $0xFFFF, v13;
	v18 =	vshrl.u32 v22, $0x10;
	[tilespmem:v19+s0+$0x0] =	vst.idx.add.f32.msk $0xffff, v1  }
0x7c0: {  	v13 =	vand.u32 $0xFFFF, v14;
	[tilespmem:v21+s0+$0x0] =	vst.idx.add.f32.msk $0xffff, v1  }
0x7c1: {  	v9 =	vand.u32 $0xFFFF, v5;
	v16 =	vshrl.u32 v14, $0x10;
	[tilespmem:v20+s0+$0x0] =	vst.idx.add.f32.msk $0xffff, v1  }
0x7c2: {  	v14 =	vshrl.u32 v17, $0x10;
	v17 =	vand.u32 $0xFFFF, v17;
	[tilespmem:v23+s0+$0x0] =	vst.idx.add.f32.msk $0xffff, v1  }
.Ltmp34:
0x7c3: {  	[tilespmem:v24+s0+$0x0] =	vst.idx.add.f32.msk $0xffff, v1;
	(pc) =	sbr.rel @p0 .LBB2_70-.Ltmp34, $4  }
0x7c4: {  	[tilespmem:v25+s0+$0x0] =	vst.idx.add.f32.msk $0xffff, v1  }
0x7c5: {  	[tilespmem:v26+s0+$0x0] =	vst.idx.add.f32.msk $0xffff, v1  }
0x7c6: {  	[tilespmem:v27+s0+$0x0] =	vst.idx.add.f32.msk $0xffff, v1  }
0x7c7: {  	[tilespmem:v28+s0+$0x0] =	vst.idx.add.f32.msk $0xffff, v1  }
0x7c8: {  	_ =	sdelay $0x3  }
0x7c9: {  	[tilespmem:v8+s0+$0x0] =	vst.idx.add.f32.msk $0xffff, v1  }
0x7ca: {  	[tilespmem:v15+s0+$0x0] =	vst.idx.add.f32.msk $0xffff, v1  }
0x7cb: {  	[tilespmem:v10+s0+$0x0] =	vst.idx.add.f32.msk $0xffff, v1  }
0x7cc: {  	[tilespmem:v11+s0+$0x0] =	vst.idx.add.f32.msk $0xffff, v1  }
0x7cd: {  	[tilespmem:v12+s0+$0x0] =	vst.idx.add.f32.msk $0xffff, v1  }
0x7ce: {  	[tilespmem:v13+s0+$0x0] =	vst.idx.add.f32.msk $0xffff, v1  }
0x7cf: {  	[tilespmem:v9+s0+$0x0] =	vst.idx.add.f32.msk $0xffff, v1  }
0x7d0: {  	[tilespmem:v17+s0+$0x0] =	vst.idx.add.f32.msk $0xffff, v1  }
0x7d1: {  	v5 =	vshrl.u32 v5, $0x10;
	[tilespmem:v6+s0+$0x0] =	vst.idx.add.f32.msk $0xffff, v1  }
0x7d2: {  	[tilespmem:v18+s0+$0x0] =	vst.idx.add.f32.msk $0xffff, v1  }
0x7d3: {  	[tilespmem:v7+s0+$0x0] =	vst.idx.add.f32.msk $0xffff, v1  }
0x7d4: {  	[tilespmem:v16+s0+$0x0] =	vst.idx.add.f32.msk $0xffff, v1  }
0x7d5: {  	[tilespmem:v14+s0+$0x0] =	vst.idx.add.f32.msk $0xffff, v1  }
0x7d6: {  	s1 =	smov.u32 s0;
	[tilespmem:v5+s0+$0x0] =	vst.idx.add.f32.msk $0xffff, v1  }
.LBB2_72:
0x7d7: {  	s3 =	sshra.s32 s1, $0x2  }
0x7d8: {  	v5 =	vld [tilespmem:s3+$0x8480];
	_ =	sdelay $0x4  }
0x7d9: {  	v6 =	vand.u32 $0xFFFF, v5  }
0x7da: {  	p0 =	sne.s32 s1, $0x1C0;
	v5 =	vshrl.u32 v5, $0x10  }
.Ltmp35:
0x7db: {  	_ = 	snop;
	(pc) =	sbr.rel @p0 .LBB2_72-.Ltmp35, $3  }
0x7dc: {  	_ =	sdelay $0x1  }
0x7dd: {  	[tilespmem:v6+s0+$0x0] =	vst.idx.add.f32.msk $0xffff, v1  }
0x7de: {  	s1 =	sadd.s32 $0x40, s1;
	[tilespmem:v5+s0+$0x0] =	vst.idx.add.f32.msk $0xffff, v1  }
0x7df: {  	v6 =	vld [tilespmem:s0+$0x0];
	s1 =	sand.u32 $0x3FC0, s0  }
0x7e0: {  	v11 =	vld [tilespmem:s1+$0x2A00]  }
0x7e1: {  	v9 =	vld [tilespmem:s0+$0x10]  }
0x7e2: {  	v10 =	vld [tilespmem:s0+$0x2A10]  }
0x7e3: {  	v7 =	vld [tilespmem:s0+$0x20]  }
0x7e4: {  	v8 =	vld [tilespmem:s0+$0x2A20];
	v13 =	vimm.f32 $0.0e+00  }
0x7e5: {  	v5 =	vld [tilespmem:s0+$0x30];
	v12 =	vadd.f32 v6, v13;
	v11 =	vadd.f32 v11, v13  }
0x7e6: {  	s3 =	simm.s32 $0x40;
	s1 =	simm.s32 $0x0;
	v6 =	vld [tilespmem:s0+$0x2A30];
	s0 =	simm.s32 $0x40  }
.LBB2_74:
0x7e7: {  	v13 =	vld [tilespmem:s3+$0x0];
	s4 =	sand.u32 $0x3FC0, s0;
	s1 =	sadd.s32 $0x4, s1;
	v12 =	vadd.f32 v9, v12;
	v10 =	vadd.f32 v10, v11  }
0x7e8: {  	v11 =	vld [tilespmem:s4+$0x2A00];
	p0 =	slt.u32 s1, $0x29C  }
0x7e9: {  	v9 =	vld [tilespmem:s3+$0x10];
	v12 =	vadd.f32 v7, v12;
	v8 =	vadd.f32 v8, v10  }
.Ltmp36:
0x7ea: {  	v10 =	vld [tilespmem:s3+$0x2A10];
	(pc) =	sbr.rel @p0 .LBB2_74-.Ltmp36, $4  }
0x7eb: {  	v7 =	vld [tilespmem:s3+$0x20];
	v5 =	vadd.f32 v5, v12;
	v6 =	vadd.f32 v6, v8  }
0x7ec: {  	v8 =	vld [tilespmem:s3+$0x2A20]  }
0x7ed: {  	v12 =	vadd.f32 v13, v5;
	v11 =	vadd.f32 v11, v6;
	v5 =	vld [tilespmem:s3+$0x30]  }
0x7ee: {  	s0 =	sadd.s32 $0x40, s0;
	v6 =	vld [tilespmem:s3+$0x2A30];
	s3 =	sadd.s32 $0x40, s3  }
0x7ef: {  	s0 =	simm.s32 $0x2A0  }
0x7f0: {  	v13 =	vmov s0  }
0x7f1: {  	v13 =	vshll.u32 v13, $0x4  }
0x7f2: {  	v13 =	vor.u32 v4, v13;
	_ =	sdelay $0x1  }
0x7f3: {  	s3 =	simm.s32 $0x0;
	v14 =	vor.u32 $0x1, v13  }
0x7f4: {  	v18 =	vmov s3  }
0x7f5: {  	v18 =	vshll.u32 v18, $0x4;
	v15 =	vor.u32 $0x2, v13  }
0x7f6: {  	v18 =	vor.u32 v4, v18;
	v16 =	vld.idx.msk [tilespmem:v13+s2+$0x0], $0xffff  }
0x7f7: {  	v17 =	vor.u32 $0x3, v13  }
0x7f8: {  	v19 =	vor.u32 $0x4, v13;
	v14 =	vld.idx.msk [tilespmem:v14+s2+$0x0], $0xffff  }
0x7f9: {  	v21 =	vor.u32 $0x1, v18  }
0x7fa: {  	v15 =	vld.idx.msk [tilespmem:v15+s2+$0x0], $0xffff  }
0x7fb: {  	v20 =	vor.u32 $0x5, v13;
	v23 =	vld.idx.msk [tilespmem:v18+s2+$0x0], $0xffff;
	v16 =	vadd.f32 $0.0e+00, v16  }
0x7fc: {  	v22 =	vor.u32 $0x6, v13;
	v17 =	vld.idx.msk [tilespmem:v17+s2+$0x0], $0xffff  }
0x7fd: {  	v25 =	vor.u32 $0x8, v13;
	v19 =	vld.idx.msk [tilespmem:v19+s2+$0x0], $0xffff;
	v14 =	vadd.f32 v14, v16  }
0x7fe: {  	v21 =	vld.idx.msk [tilespmem:v21+s2+$0x0], $0xffff;
	v16 =	vor.u32 $0x2, v18  }
0x7ff: {  	v24 =	vor.u32 $0x7, v13;
	v14 =	vadd.f32 v15, v14  }
0x800: {  	v9 =	vadd.f32 v9, v12;
	v26 =	vor.u32 $0x9, v13;
	v20 =	vld.idx.msk [tilespmem:v20+s2+$0x0], $0xffff  }
0x801: {  	v22 =	vld.idx.msk [tilespmem:v22+s2+$0x0], $0xffff;
	v12 =	vadd.f32 $0.0e+00, v23;
	v15 =	vor.u32 $0x3, v18;
	v14 =	vadd.f32 v17, v14  }
0x802: {  	v7 =	vadd.f32 v7, v9;
	v23 =	vld.idx.msk [tilespmem:v25+s2+$0x0], $0xffff;
	v17 =	vor.u32 $0x4, v18  }
0x803: {  	v9 =	vadd.f32 v21, v12;
	v21 =	vor.u32 $0x7, v18;
	v16 =	vld.idx.msk [tilespmem:v16+s2+$0x0], $0xffff;
	v14 =	vadd.f32 v19, v14  }
0x804: {  	v10 =	vadd.f32 v10, v11;
	v19 =	vld.idx.msk [tilespmem:v24+s2+$0x0], $0xffff;
	v24 =	vor.u32 $0x5, v18  }
0x805: {  	v12 =	vld.idx.msk [tilespmem:v26+s2+$0x0], $0xffff;
	v14 =	vadd.f32 v20, v14;
	v20 =	vor.u32 $0xA, v13  }
0x806: {  	v8 =	vadd.f32 v8, v10;
	v5 =	vadd.f32 v5, v7;
	v25 =	vor.u32 $0x6, v18;
	v15 =	vld.idx.msk [tilespmem:v15+s2+$0x0], $0xffff  }
0x807: {  	s31 =	simm.s32 $0x10;
	v11 =	vld.idx.msk [tilespmem:v17+s2+$0x0], $0xffff;
	v17 =	vor.u32 $0xB, v13;
	v14 =	vadd.f32 v22, v14  }
0x808: {  	v6 =	vadd.f32 v6, v8;
	(xrf2) =	vadd.scan.msk.f32 $0xffff, v5;
	v5 =	vor.u32 $0x9, v18;
	v8 =	vld.idx.msk [tilespmem:v21+s2+$0x0], $0xffff;
	v22 =	vmov s31  }
0x809: {  	v16 =	vadd.f32 v16, v9;
	v10 =	vld.idx.msk [tilespmem:v24+s2+$0x0], $0xffff;
	v14 =	vadd.f32 v19, v14;
	v19 =	vor.u32 $0xC, v13  }
0x80a: {  	v24 =	vor.u32 $0x8, v18;
	v9 =	vshll.u32 v22, $0x4;
	v20 =	vld.idx.msk [tilespmem:v20+s2+$0x0], $0xffff  }
0x80b: {  	s4 =	simm.s32 $0x2B0;
	v22 =	vld.idx.msk [tilespmem:v25+s2+$0x0], $0xffff;
	v7 =	vadd.f32 v15, v16;
	v14 =	vadd.f32 v23, v14;
	v23 =	vor.u32 $0xD, v13  }
0x80c: {  	(xrf2) =	vadd.scan.msk.f32 $0xffff, v6;
	v6 =	vmov s4;
	v21 =	vor.u32 $0xE, v18;
	v15 =	vld.idx.msk [tilespmem:v17+s2+$0x0], $0xffff  }
0x80d: {  	v5 =	vld.idx.msk [tilespmem:v5+s2+$0x0], $0xffff;
	v7 =	vadd.f32 v11, v7;
	v12 =	vadd.f32 v12, v14;
	v14 =	vor.u32 $0xE, v13  }
0x80e: {  	v6 =	vshll.u32 v6, $0x4;
	v13 =	vor.u32 $0xF, v13;
	v11 =	vld.idx.msk [tilespmem:v19+s2+$0x0], $0xffff  }
0x80f: {  	v31 =	vor.u32 v4, v6;
	v16 =	vld.idx.msk [tilespmem:v24+s2+$0x0], $0xffff;
	v7 =	vadd.f32 v10, v7;
	v12 =	vadd.f32 v20, v12  }
0x810: {  	v10 =	vor.u32 $0xA, v18;
	v17 =	vld.idx.msk [tilespmem:v23+s2+$0x0], $0xffff  }
0x811: {  	v21 =	vld.idx.msk [tilespmem:v21+s2+$0x0], $0xffff;
	v7 =	vadd.f32 v22, v7;
	v6 =	vadd.f32 v15, v12;
	v15 =	vor.u32 $0x1, v31  }
0x812: {  	v12 =	vor.u32 $0xB, v18;
	v14 =	vld.idx.msk [tilespmem:v14+s2+$0x0], $0xffff  }
0x813: {  	v7 =	vadd.f32 v8, v7;
	v8 =	vld.idx.msk [tilespmem:v13+s2+$0x0], $0xffff;
	v13 =	vor.u32 $0x2, v31;
	v6 =	vadd.f32 v11, v6  }
0x814: {  	v20 =	vld.idx.msk [tilespmem:v31+s2+$0x0], $0xffff;
	v11 =	vor.u32 $0xC, v18  }
0x815: {  	v10 =	vld.idx.msk [tilespmem:v10+s2+$0x0], $0xffff;
	v7 =	vadd.f32 v16, v7;
	v16 =	vor.u32 $0x3, v31;
	v6 =	vadd.f32 v17, v6  }
0x816: {  	v17 =	vor.u32 $0xD, v18;
	v15 =	vld.idx.msk [tilespmem:v15+s2+$0x0], $0xffff  }
0x817: {  	v22 =	vor.u32 $0x4, v31;
	v12 =	vld.idx.msk [tilespmem:v12+s2+$0x0], $0xffff;
	v6 =	vadd.f32 v14, v6  }
0x818: {  	v9 =	vor.u32 v4, v9;
	v5 =	vadd.f32 v5, v7;
	v13 =	vld.idx.msk [tilespmem:v13+s2+$0x0], $0xffff  }
0x819: {  	v20 =	vadd.f32 $0.0e+00, v20;
	v11 =	vld.idx.msk [tilespmem:v11+s2+$0x0], $0xffff;
	v8 =	vadd.f32 v8, v6  }
0x81a: {  	v18 =	vor.u32 $0xF, v18;
	v14, _, _ =	vpop (xrf2);
	v10 =	vadd.f32 v10, v5;
	v16 =	vld.idx.msk [tilespmem:v16+s2+$0x0], $0xffff  }
0x81b: {  	v5 =	vbroadcast v14, $0xF;
	v14 =	vor.u32 $0x5, v31;
	v17 =	vld.idx.msk [tilespmem:v17+s2+$0x0], $0xffff;
	(xrf2) =	vadd.scan.msk.f32 $0xffff, v8;
	v15 =	vadd.f32 v15, v20  }
0x81c: {  	v28 =	vor.u32 $0x9, v31;
	v23 =	vor.u32 $0x1, v9;
	v22 =	vld.idx.msk [tilespmem:v22+s2+$0x0], $0xffff;
	v10 =	vadd.f32 v12, v10  }
0x81d: {  	v30 =	vor.u32 $0xB, v31;
	v19 =	vld.idx.msk [tilespmem:v9+s2+$0x0], $0xffff;
	v12 =	vor.u32 $0x6, v31;
	v13 =	vadd.f32 v13, v15  }
0x81e: {  	s0 =	simm.s32 $0x20;
	v25 =	vor.u32 $0x7, v31;
	v20 =	vor.u32 $0x2, v9;
	v10 =	vadd.f32 v11, v10  }
0x81f: {  	v26 =	vor.u32 $0x3, v9;
	v24 =	vmov s0;
	v11 =	vld.idx.msk [tilespmem:v18+s2+$0x0], $0xffff;
	v13 =	vadd.f32 v16, v13  }
0x820: {  	v14 =	vld.idx.msk [tilespmem:v14+s2+$0x0], $0xffff;
	v15 =	vshll.u32 v24, $0x4;
	v24 =	vor.u32 $0x8, v31;
	v10 =	vadd.f32 v17, v10  }
0x821: {  	s1 =	simm.s32 $0xD61;
	v27 =	vor.u32 $0x4, v9;
	v32 =	vor.u32 $0x7, v9;
	v17 =	vld.idx.msk [tilespmem:v23+s2+$0x0], $0xffff;
	v13 =	vadd.f32 v22, v13  }
0x822: {  	s5 =	simm.s32 $0x2C0;
	v19 =	vadd.f32 $0.0e+00, v19;
	v7, _, _ =	vpop (xrf2);
	v18 =	vmov s1;
	v16 =	vld.idx.msk [tilespmem:v12+s2+$0x0], $0xffff;
	v12 =	vadd.f32 v21, v10  }
0x823: {  	v6 =	vbroadcast v7, $0xF;
	v23 =	vmov s5;
	v20 =	vld.idx.msk [tilespmem:v20+s2+$0x0], $0xffff;
	v21 =	vshll.u32 v18, $0x12  }
0x824: {  	v10 =	vor.u32 v4, v15;
	v15 =	vld.idx.msk [tilespmem:v25+s2+$0x0], $0xffff;
	v22 =	vor.u32 $0x5, v9;
	v11 =	vadd.f32 v11, v12  }
0x825: {  	s1 =	simm.f32 $0.0e+00;
	v18 =	vshll.u32 v23, $0x4;
	v25 =	vor.u32 $0xA, v31;
	v24 =	vld.idx.msk [tilespmem:v24+s2+$0x0], $0xffff;
	v23 =	vadd.f32 v14, v13;
	v13, _, _ =	vpop (xrf2)  }
0x826: {  	v12 =	vadd.s32 v3, v21;
	v21 =	vld.idx.msk [tilespmem:v26+s2+$0x0], $0xffff;
	v26 =	vor.u32 $0x6, v9;
	(xrf2) =	vadd.scan.msk.f32 $0xffff, v11;
	v29 =	vadd.f32 s1, v13  }
0x827: {  	v28 =	vld.idx.msk [tilespmem:v28+s2+$0x0], $0xffff;
	v7 =	vimm.f32 $0.0e+00;
	v19 =	vadd.f32 v17, v19;
	v16 =	vadd.f32 v16, v23  }
0x828: {  	v27 =	vld.idx.msk [tilespmem:v27+s2+$0x0], $0xffff;
	v14 =	vor.u32 $0xD, v9;
	v17 =	vor.u32 $0xC, v9;
	v29 =	vsub.f32 v6, v29  }
0x829: {  	v20 =	vadd.f32 v20, v19;
	v19 =	vld.idx.msk [tilespmem:v22+s2+$0x0], $0xffff;
	v15 =	vadd.f32 v15, v16;
	v16 =	vor.u32 $0xC, v31  }
0x82a: {  	v22 =	vor.u32 $0x8, v9;
	v23 =	vld.idx.msk [tilespmem:v25+s2+$0x0], $0xffff;
	v25 =	vmul.f32 $5.000000000e-01, v8;
	v33 =	vadd.f32 v29, v5  }
0x82b: {  	v21 =	vadd.f32 v21, v20;
	v20 =	vld.idx.msk [tilespmem:v26+s2+$0x0], $0xffff;
	v15 =	vadd.f32 v24, v15;
	v29 =	vor.u32 $0xD, v31  }
0x82c: {  	v26 =	vor.u32 $0x9, v9;
	v24 =	vld.idx.msk [tilespmem:v30+s2+$0x0], $0xffff;
	v34 =	vadd.f32 v33, v25;
	v35 =	vadd.f32 v33, v8  }
0x82d: {  	v30 =	vor.u32 $0xE, v31;
	v27 =	vadd.f32 v27, v21;
	v21 =	vld.idx.msk [tilespmem:v32+s2+$0x0], $0xffff;
	v28 =	vadd.f32 v28, v15  }
0x82e: {  	v25 =	vld.idx.msk [tilespmem:v16+s2+$0x0], $0xffff;
	v16 =	vmax.f32 v33, $1.000000000e+00;
	v15 =	vmax.f32 v34, $1.000000000e+00;
	v63 =	vmax.f32 v35, $1.000000000e+00  }
0x82f: {  	s28 =	simm.f32 $0.0e+00;
	s3 =	simm.s32 $0x30;
	v31 =	vor.u32 $0xF, v31;
	v22 =	vld.idx.msk [tilespmem:v22+s2+$0x0], $0xffff;
	v16 =	vmul.f32 v63, v16;
	(erf) = vrcp.f32 v15  }
.LBB2_76:
0x830: {  	p0 =	sne.s32 s3, $0x290;
	v19 =	vadd.f32 v19, v27;
	v27 =	vor.u32 $0xA, v9;
	v23 =	vadd.f32 v23, v28;
	v28 =	vld.idx.msk [tilespmem:v29+s2+$0x0], $0xffff;
	v29, _, _ =	vpop (xrf2)  }
0x831: {  	v15 =	vor.u32 v4, v18;
	v32 =	vld.idx.msk [tilespmem:v10+s2+$0x0], $0xffff;
	v18 =	vadd.f32 s1, v29;
	(erf) = vrcp.f32 v16  }
0x832: {  	v16 =	vadd.f32 v20, v19;
	v19 =	vor.u32 $0xB, v9;
	v20 =	vadd.f32 v24, v23;
	v23 =	vld.idx.msk [tilespmem:v30+s2+$0x0], $0xffff  }
0x833: {  	v24 =	vor.u32 $0x1, v15;
	v30 =	vmul.f32 $5.000000000e-01, v11;
	v26 =	vld.idx.msk [tilespmem:v26+s2+$0x0], $0xffff;
	v18 =	vsub.f32 v5, v18  }
0x834: {  	v12 =	vor.u32 $0x20000, v12;
	v16 =	vadd.f32 v21, v16;
	v20 =	vadd.f32 v25, v20;
	v21 =	vld.idx.msk [tilespmem:v31+s2+$0x0], $0xffff  }
0x835: {  	v25 =	vor.u32 $0x2, v15;
	v27 =	vld.idx.msk [tilespmem:v27+s2+$0x0], $0xffff;
	v18 =	vadd.f32 v18, v30;
	(v2sf) =	vpush v13, $0xF  }
0x836: {  	v30 =	vor.u32 $0x3, v15;
	v13 =	vld.idx.msk [tilespmem:v15+s2+$0x0], $0xffff;
	v16 =	vadd.f32 v22, v16;
	v20 =	vadd.f32 v28, v20  }
0x837: {  	v8 =	vmul.f32 v12, v8;
	v11 =	vmul.f32 v12, v11;
	v19 =	vld.idx.msk [tilespmem:v19+s2+$0x0], $0xffff;
	v12 =	vsub.f32 v5, v18  }
0x838: {  	v22 =	vor.u32 $0x4, v15;
	v18 =	vld.idx.msk [tilespmem:v24+s2+$0x0], $0xffff;
	v24 =	vor.u32 $0xE, v9;
	v20 =	vadd.f32 v23, v20;
	v23 =	vpop (erf)  }
0x839: {  	v16 =	vadd.f32 v26, v16;
	v17 =	vld.idx.msk [tilespmem:v17+s2+$0x0], $0xffff;
	v11 =	vmul.f32 v23, v11;
	v12 =	vmul.f32 v8, v12  }
0x83a: {  	v26 =	vor.u32 $0xF, v9;
	v23 =	vld.idx.msk [tilespmem:v25+s2+$0x0], $0xffff;
	v25 =	vor.u32 $0x5, v15;
	v8 =	vadd.f32 v21, v20;
	v9 =	vpop (erf)  }
0x83b: {  	v16 =	vadd.f32 v27, v16;
	v14 =	vld.idx.msk [tilespmem:v14+s2+$0x0], $0xffff;
	v12 =	vmul.f32 v9, v12;
	v7 =	vadd.f32 v11, v7  }
0x83c: {  	v11 =	vor.u32 $0x1, v10;
	v13 =	vadd.f32 $0.0e+00, v13;
	v9 =	vmovc v10;
	v20 =	vld.idx.msk [tilespmem:v30+s2+$0x0], $0xffff;
	(xrf2) =	vadd.scan.msk.f32 $0xffff, v8  }
0x83d: {  	v10 =	vor.u32 $0x6, v15;
	v16 =	vadd.f32 v19, v16;
	v19 =	vld.idx.msk [tilespmem:v24+s2+$0x0], $0xffff;
	v7 =	vadd.f32 v12, v7  }
0x83e: {  	s4 =	sadd.s32 $0xD61, s31;
	s31 =	smov.u32 s0;
	s0 =	smov.u32 s3;
	v21 =	vor.u32 $0x2, v9;
	v12 =	vmov s3;
	v13 =	vadd.f32 v18, v13;
	v22 =	vld.idx.msk [tilespmem:v22+s2+$0x0], $0xffff  }
0x83f: {  	v24 =	vor.u32 $0x7, v15;
	v18 =	vmov s4;
	v16 =	vadd.f32 v17, v16;
	v17 =	vld.idx.msk [tilespmem:v26+s2+$0x0], $0xffff  }
0x840: {  	v26 =	vor.u32 $0x3, v9;
	v13 =	vadd.f32 v23, v13;
	v23 =	vld.idx.msk [tilespmem:v25+s2+$0x0], $0xffff;
	(v2sf) =	vpush v29, $0xF  }
0x841: {  	v27 =	vor.u32 $0x8, v15;
	s4 =	sadd.s32 $0x2A0, s3;
	v12 =	vshll.u32 v12, $0x4;
	v25 =	vld.idx.msk [tilespmem:v11+s2+$0x0], $0xffff;
	v11 =	vadd.f32 v14, v16  }
0x842: {  	v14 =	vmov s4;
	v16 =	vor.u32 $0x4, v9;
	v13 =	vadd.f32 v20, v13;
	v20 =	vld.idx.msk [tilespmem:v10+s2+$0x0], $0xffff  }
0x843: {  	v28 =	vor.u32 $0x9, v15;
	v21 =	vld.idx.msk [tilespmem:v21+s2+$0x0], $0xffff;
	v11 =	vadd.f32 v19, v11;
	v19 =	vshll.u32 v18, $0x12  }
0x844: {  	v10 =	vor.u32 v4, v12;
	v18 =	vshll.u32 v14, $0x4;
	v14 =	vadd.f32 v22, v13;
	v22 =	vld.idx.msk [tilespmem:v24+s2+$0x0], $0xffff;
	s4 =	spop (v2sf)  }
0x845: {  	v12 =	vadd.s32 v3, v19;
	v24 =	vld.idx.msk [tilespmem:v26+s2+$0x0], $0xffff;
	v26 =	vor.u32 $0x5, v9;
	v11 =	vadd.f32 v17, v11;
	s28 =	sadd.f32 s4, s28  }
0x846: {  	v17 =	vadd.f32 $0.0e+00, v32;
	v19 =	vadd.f32 v23, v14;
	v23 =	vor.u32 $0xA, v15;
	v27 =	vld.idx.msk [tilespmem:v27+s2+$0x0], $0xffff;
	v13, _, _ =	vpop (xrf2)  }
0x847: {  	v29 =	vor.u32 $0x6, v9;
	v14 =	vor.u32 $0xD, v9;
	v16 =	vld.idx.msk [tilespmem:v16+s2+$0x0], $0xffff;
	v30 =	vadd.f32 s28, v13;
	(xrf2) =	vadd.scan.msk.f32 $0xffff, v11  }
0x848: {  	v31 =	vor.u32 $0xB, v15;
	v25 =	vadd.f32 v25, v17;
	v20 =	vadd.f32 v20, v19;
	v28 =	vld.idx.msk [tilespmem:v28+s2+$0x0], $0xffff  }
0x849: {  	v32 =	vor.u32 $0x7, v9;
	v17 =	vor.u32 $0xC, v9;
	v30 =	vsub.f32 v6, v30  }
0x84a: {  	v21 =	vadd.f32 v21, v25;
	v22 =	vadd.f32 v22, v20;
	v25 =	vor.u32 $0xC, v15;
	v19 =	vld.idx.msk [tilespmem:v26+s2+$0x0], $0xffff  }
0x84b: {  	v33 =	vor.u32 $0x8, v9;
	v23 =	vld.idx.msk [tilespmem:v23+s2+$0x0], $0xffff;
	v34 =	vadd.f32 v30, v5;
	v30 =	vmul.f32 $5.000000000e-01, v8  }
.Ltmp37:
0x84c: {  	v21 =	vadd.f32 v24, v21;
	v22 =	vadd.f32 v27, v22;
	v20 =	vld.idx.msk [tilespmem:v29+s2+$0x0], $0xffff;
	v29 =	vor.u32 $0xD, v15;
	(pc) =	sbr.rel @p0 .LBB2_76-.Ltmp37, $4  }
0x84d: {  	v26 =	vor.u32 $0x9, v9;
	v24 =	vld.idx.msk [tilespmem:v31+s2+$0x0], $0xffff;
	v31 =	vadd.f32 v34, v30;
	v35 =	vadd.f32 v34, v8  }
0x84e: {  	v27 =	vadd.f32 v16, v21;
	v28 =	vadd.f32 v28, v22;
	v30 =	vor.u32 $0xE, v15;
	v21 =	vld.idx.msk [tilespmem:v32+s2+$0x0], $0xffff  }
0x84f: {  	v16 =	vmax.f32 v34, $1.000000000e+00;
	v25 =	vld.idx.msk [tilespmem:v25+s2+$0x0], $0xffff;
	v32 =	vmax.f32 v31, $1.000000000e+00;
	v34 =	vmax.f32 v35, $1.000000000e+00;
	s4 =	spop (v2sf)  }
0x850: {  	s3 =	sadd.s32 $0x10, s3;
	v31 =	vor.u32 $0xF, v15;
	v22 =	vld.idx.msk [tilespmem:v33+s2+$0x0], $0xffff;
	v16 =	vmul.f32 v34, v16;
	(erf) = vrcp.f32 v32;
	s1 =	sadd.f32 s4, s1  }
0x851: {  	_ =	sdelay $0x3  }
0x852: {  	v15 =	vld.idx.msk [tilespmem:v29+s2+$0x0], $0xffff;
	v18 =	vor.u32 v4, v18  }
0x853: {  	v43 =	vld.idx.msk [tilespmem:v10+s2+$0x0], $0xffff  }
0x854: {  	v30 =	vld.idx.msk [tilespmem:v30+s2+$0x0], $0xffff;
	v32 =	vor.u32 $0x1, v18  }
0x855: {  	v26 =	vld.idx.msk [tilespmem:v26+s2+$0x0], $0xffff  }
0x856: {  	v31 =	vld.idx.msk [tilespmem:v31+s2+$0x0], $0xffff;
	v34 =	vor.u32 $0x2, v18  }
0x857: {  	v42 =	vor.u32 $0xA, v9;
	v35 =	vld.idx.msk [tilespmem:v18+s2+$0x0], $0xffff  }
0x858: {  	v17 =	vld.idx.msk [tilespmem:v17+s2+$0x0], $0xffff;
	v44 =	vor.u32 $0x3, v18  }
0x859: {  	v33 =	vor.u32 $0xB, v9;
	v32 =	vld.idx.msk [tilespmem:v32+s2+$0x0], $0xffff  }
0x85a: {  	v14 =	vld.idx.msk [tilespmem:v14+s2+$0x0], $0xffff;
	v37 =	vor.u32 $0x4, v18  }
0x85b: {  	v38 =	vor.u32 $0xE, v9;
	v34 =	vld.idx.msk [tilespmem:v34+s2+$0x0], $0xffff  }
0x85c: {  	v39 =	vor.u32 $0x5, v18;
	v36 =	vld.idx.msk [tilespmem:v42+s2+$0x0], $0xffff;
	v35 =	vadd.f32 $0.0e+00, v35  }
0x85d: {  	v45 =	vor.u32 $0xF, v9;
	v4 =	vld.idx.msk [tilespmem:v44+s2+$0x0], $0xffff  }
0x85e: {  	v23 =	vadd.f32 v23, v28;
	v47 =	vor.u32 $0x6, v18;
	v33 =	vld.idx.msk [tilespmem:v33+s2+$0x0], $0xffff;
	v46 =	vadd.f32 v32, v35  }
0x85f: {  	v19 =	vadd.f32 v19, v27;
	v48 =	vor.u32 $0x1, v10;
	v49 =	vld.idx.msk [tilespmem:v37+s2+$0x0], $0xffff  }
0x860: {  	v51 =	vor.u32 $0x7, v18;
	v23 =	vadd.f32 v24, v23;
	v50 =	vld.idx.msk [tilespmem:v38+s2+$0x0], $0xffff;
	v28 =	vadd.f32 v34, v46  }
0x861: {  	v52 =	vor.u32 $0x2, v10;
	v19 =	vadd.f32 v20, v19;
	v53 =	vld.idx.msk [tilespmem:v39+s2+$0x0], $0xffff  }
0x862: {  	v54 =	vor.u32 $0x8, v18;
	v23 =	vadd.f32 v25, v23;
	v9 =	vld.idx.msk [tilespmem:v45+s2+$0x0], $0xffff;
	v4 =	vadd.f32 v4, v28  }
0x863: {  	v55 =	vor.u32 $0x3, v10;
	v19 =	vadd.f32 v21, v19;
	v56 =	vld.idx.msk [tilespmem:v47+s2+$0x0], $0xffff  }
0x864: {  	v58 =	vor.u32 $0x9, v18;
	v57 =	vld.idx.msk [tilespmem:v48+s2+$0x0], $0xffff;
	v15 =	vadd.f32 v15, v23;
	v4 =	vadd.f32 v49, v4  }
0x865: {  	v59 =	vor.u32 $0x4, v10;
	v19 =	vadd.f32 v22, v19;
	v60 =	vld.idx.msk [tilespmem:v51+s2+$0x0], $0xffff  }
0x866: {  	v62 =	vor.u32 $0xA, v18;
	v20 =	vld.idx.msk [tilespmem:v52+s2+$0x0], $0xffff;
	v15 =	vadd.f32 v30, v15;
	v61 =	vadd.f32 v53, v4  }
0x867: {  	v63 =	vor.u32 $0x5, v10;
	v29 =	vadd.f32 $0.0e+00, v43;
	v25 =	vld.idx.msk [tilespmem:v54+s2+$0x0], $0xffff;
	v19 =	vadd.f32 v26, v19  }
0x868: {  	v38 =	vor.u32 $0xB, v18;
	v35 =	vld.idx.msk [tilespmem:v55+s2+$0x0], $0xffff;
	v4 =	vadd.f32 v31, v15;
	v37 =	vadd.f32 v56, v61  }
0x869: {  	v39 =	vor.u32 $0x6, v10;
	v27 =	vld.idx.msk [tilespmem:v58+s2+$0x0], $0xffff;
	v19 =	vadd.f32 v36, v19;
	v23 =	vadd.f32 v57, v29  }
0x86a: {  	v40 =	vor.u32 $0xC, v18;
	v22 =	vld.idx.msk [tilespmem:v59+s2+$0x0], $0xffff;
	(xrf2) =	vadd.scan.msk.f32 $0xffff, v4;
	v21 =	vadd.f32 v60, v37  }
0x86b: {  	v41 =	vor.u32 $0x7, v10;
	v42 =	vld.idx.msk [tilespmem:v62+s2+$0x0], $0xffff;
	v19 =	vadd.f32 v33, v19;
	v20 =	vadd.f32 v20, v23  }
0x86c: {  	v43 =	vor.u32 $0xD, v18;
	v26 =	vld.idx.msk [tilespmem:v63+s2+$0x0], $0xffff;
	v21 =	vadd.f32 v25, v21  }
0x86d: {  	v44 =	vor.u32 $0x8, v10;
	v45 =	vld.idx.msk [tilespmem:v38+s2+$0x0], $0xffff;
	v17 =	vadd.f32 v17, v19;
	v15 =	vadd.f32 v35, v20  }
0x86e: {  	v47 =	vor.u32 $0xE, v18;
	v46 =	vld.idx.msk [tilespmem:v39+s2+$0x0], $0xffff;
	v21 =	vadd.f32 v27, v21  }
0x86f: {  	v48 =	vor.u32 $0x9, v10;
	v14 =	vadd.f32 v14, v17;
	v49 =	vld.idx.msk [tilespmem:v40+s2+$0x0], $0xffff;
	v15 =	vadd.f32 v22, v15  }
0x870: {  	(v2sf) =	vpush v13, $0xF;
	v18 =	vor.u32 $0xF, v18;
	v23 =	vld.idx.msk [tilespmem:v41+s2+$0x0], $0xffff;
	v21 =	vadd.f32 v42, v21  }
0x871: {  	v51, _, _ =	vpop (xrf2);
	v14 =	vadd.f32 v50, v14;
	v50 =	vor.u32 $0xA, v10;
	v15 =	vadd.f32 v26, v15;
	v25 =	vld.idx.msk [tilespmem:v43+s2+$0x0], $0xffff  }
0x872: {  	(v2sf) =	vpush v51, $0xF;
	v19 =	vld.idx.msk [tilespmem:v44+s2+$0x0], $0xffff;
	v20 =	vadd.f32 v45, v21  }
0x873: {  	v52 =	vor.u32 $0xB, v10;
	v9 =	vadd.f32 v9, v14;
	v53 =	vld.idx.msk [tilespmem:v47+s2+$0x0], $0xffff;
	v13 =	vadd.f32 v46, v15  }
0x874: {  	v17 =	vld.idx.msk [tilespmem:v48+s2+$0x0], $0xffff;
	v54, _, _ =	vpop (xrf2);
	v20 =	vadd.f32 v49, v20  }
0x875: {  	v18 =	vld.idx.msk [tilespmem:v18+s2+$0x0], $0xffff;
	v55 =	vor.u32 $0xC, v10;
	(xrf2) =	vadd.scan.msk.f32 $0xffff, v9;
	v13 =	vadd.f32 v23, v13;
	(v2sf) =	vpush v54, $0xF  }
0x876: {  	v56 =	vld.idx.msk [tilespmem:v50+s2+$0x0], $0xffff;
	v20 =	vadd.f32 v25, v20  }
0x877: {  	v57 =	vor.u32 $0xD, v10;
	v13 =	vadd.f32 v19, v13  }
0x878: {  	v14 =	vld.idx.msk [tilespmem:v52+s2+$0x0], $0xffff;
	v15 =	vadd.f32 v53, v20  }
0x879: {  	v58 =	vor.u32 $0xE, v10;
	v13 =	vadd.f32 v17, v13  }
0x87a: {  	v59 =	vld.idx.msk [tilespmem:v55+s2+$0x0], $0xffff;
	v15 =	vadd.f32 v18, v15  }
0x87b: {  	v60 =	vor.u32 $0xF, v10;
	v13 =	vadd.f32 v56, v13  }
0x87c: {  	v61 =	vld.idx.msk [tilespmem:v57+s2+$0x0], $0xffff;
	(xrf2) =	vadd.scan.msk.f32 $0xffff, v15  }
0x87d: {  	v13 =	vadd.f32 v14, v13  }
0x87e: {  	v62 =	vld.idx.msk [tilespmem:v58+s2+$0x0], $0xffff  }
0x87f: {  	v12 =	vor.u32 $0x20000, v12;
	s3 =	spop (v2sf);
	v63, _, _ =	vpop (xrf2);
	v13 =	vadd.f32 v59, v13  }
0x880: {  	v30 =	vmul.f32 v12, v11;
	s3 =	sadd.f32 s3, s28;
	v10 =	vld.idx.msk [tilespmem:v60+s2+$0x0], $0xffff;
	(v2sf) =	vpush v63, $0xF  }
0x881: {  	v34 =	vpop (erf);
	v13 =	vadd.f32 v61, v13  }
0x882: {  	v28 =	vmul.f32 $5.000000000e-01, v11;
	v11 =	vmul.f32 v34, v30;
	s4 =	spop (v2sf);
	v24 =	vadd.f32 s3, v54  }
0x883: {  	s28 =	sadd.f32 s4, s1;
	v13 =	vadd.f32 v62, v13  }
0x884: {  	(erf) = vrcp.f32 v16;
	v7 =	vadd.f32 v11, v7;
	v26 =	vsub.f32 v6, v24;
	s5 =	spop (v2sf)  }
0x885: {  	v8 =	vmul.f32 v12, v8;
	v43 =	vadd.f32 s28, v63;
	v10 =	vadd.f32 v10, v13;
	s3 =	sadd.f32 s5, s3  }
0x886: {  	v31 =	vmul.f32 $5.000000000e-01, v4;
	v25 =	vadd.f32 s1, v51;
	v16 =	vadd.f32 v26, v5;
	v32, _, _ =	vpop (xrf2)  }
0x887: {  	s4 =	sadd.s32 $0xD61, s31;
	v46 =	vmul.f32 $5.000000000e-01, v9;
	v11 =	vsub.f32 v5, v43;
	(xrf2) =	vadd.scan.msk.f32 $0xffff, v10;
	v33 =	vadd.f32 s3, v32  }
0x888: {  	v45 =	vmov s4;
	v27 =	vsub.f32 v5, v25;
	v35 =	vadd.f32 v16, v4  }
0x889: {  	v14 =	vshll.u32 v45, $0x12;
	v36 =	vadd.f32 v16, v31;
	v39 =	vsub.f32 v6, v33  }
0x88a: {  	v37 =	vmax.f32 v16, $1.000000000e+00;
	v29 =	vadd.f32 v27, v28;
	v38 =	vmax.f32 v35, $1.000000000e+00  }
0x88b: {  	v12 =	vmax.f32 v36, $1.000000000e+00;
	v42 =	vmul.f32 $5.000000000e-01, v15;
	v6 =	vadd.f32 v39, v5  }
0x88c: {  	v40 =	vmul.f32 v38, v37;
	(erf) = vrcp.f32 v12;
	v13 =	vsub.f32 v5, v29  }
0x88d: {  	v47 =	vadd.s32 v3, v14;
	v12 =	vadd.f32 v6, v42;
	v44 =	vadd.f32 v6, v15  }
0x88e: {  	v41 =	vpop (erf);
	v11 =	vadd.f32 v11, v46;
	(erf) = vrcp.f32 v40;
	v8 =	vmul.f32 v8, v13  }
0x88f: {  	s0 =	sadd.s32 $0xD61, s0;
	s5 =	spop (v2sf);
	v6 =	vmax.f32 v6, $1.000000000e+00;
	v12 =	vmax.f32 v12, $1.000000000e+00;
	v13 =	vmax.f32 v44, $1.000000000e+00  }
0x890: {  	v53 =	vmov s0;
	s1 =	sadd.f32 s5, s28;
	v6 =	vmul.f32 v13, v6;
	(erf) = vrcp.f32 v12  }
0x891: {  	v55 =	vshll.u32 v53, $0x12;
	v51 =	vsub.f32 v5, v11;
	v8 =	vmul.f32 v41, v8;
	v48, _, _ =	vpop (xrf2)  }
0x892: {  	v3 =	vadd.s32 v3, v55;
	v49 =	vadd.f32 s1, v48;
	(erf) = vrcp.f32 v6  }
0x893: {  	v54 =	vmul.f32 $5.000000000e-01, v10;
	v7 =	vadd.f32 v8, v7;
	v8 =	vor.u32 $0x20000, v47  }
0x894: {  	v50 =	vmul.f32 v8, v9;
	v4 =	vmul.f32 v8, v4;
	v13 =	vsub.f32 v5, v49  }
0x895: {  	v3 =	vor.u32 $0x20000, v3;
	v52 =	vpop (erf)  }
0x896: {  	v4 =	vmul.f32 v4, v51;
	v6 =	vmul.f32 v52, v50;
	v57 =	vadd.f32 v13, v54  }
0x897: {  	v58 =	vmul.f32 v3, v10;
	v3 =	vmul.f32 v3, v15;
	v56 =	vpop (erf)  }
0x898: {  	v4 =	vmul.f32 v56, v4;
	v6 =	vadd.f32 v6, v7;
	v59 =	vsub.f32 v5, v57  }
0x899: {  	v60 =	vpop (erf)  }
0x89a: {  	v4 =	vadd.f32 v4, v6;
	v3 =	vmul.f32 v3, v59;
	v61 =	vmul.f32 v60, v58  }
0x89b: {  	v62 =	vpop (erf)  }
0x89c: {  	v3 =	vmul.f32 v62, v3;
	v4 =	vadd.f32 v61, v4;
	_ =	sdelay $0x1  }
0x89d: {  	v3 =	vadd.f32 v3, v4;
	_ =	sdelay $0x1  }
0x89e: {  	(v2sf) =	vpush v32, $0xF;
	(xrf2) =	vadd.scan.msk.f32 $0xffff, v3  }
0x89f: {  	(v2sf) =	vpush v48, $0xF;
	_ =	sdelay $0x7  }
0x8a0: {  	v3 =	vld [tilespmem:$0x8500]  }
0x8a1: {  	v63, _, _ =	vpop (xrf2)  }
0x8a2: {  	v4 =	vbroadcast v63, $0xF;
	_ =	sdelay $0x1  }
0x8a3: {  	v4 =	vnsel vm0, $0x0, v4  }
0x8a4: {  	s30 =	sadd.s32 $0x1, s30;
	v3 =	vadd.f32 v3, v4  }
0x8a5: {  	p0 =	sne.s32 s30, s20;
	s28 =	spop (v2sf)  }
.Ltmp38:
0x8a6: {  	s0 =	simm.s32 $0x8500;
	s31 =	spop (v2sf);
	[tilespmem:$0x8500] =	vst v3;
	(pc) =	sbr.rel @p0 .LBB2_1-.Ltmp38, $4  }
0x8a7: {  	[hbm4b:s19+s2] =	stream.linear.scatter [tilespmem:s0], [sflag:$0x3], $0x80, $0x38;
	[tilespmem:$0x8580] =	vst v63  }
0x8a8: {  	_ =	swait.ge [sflag:s29], $0x80  }
0x8a9: {  	[sflag:s29] =	ssyncset.done $0x0  }
0x8aa: {  	[sflag:s29] =	ssyncadd.s32 $0xFFFFFF80  }
0x8ab: {  	_ =	sfence.sel $0x180000  }
0x8ac: {  	[bflag:$0x0] =	sbarrier.arrive $0xFFFF  }
0x8ad: {  	_ =	strace $0x90000047  }
0x8ae: {  	s0 =	stileid.u32;
	[bflag:$0x2] =	sbarrier.arrive $0xFFFF  }
0x8af: {  	p0 =	sne.s32 s0, $0x0;
	s0 =	rddreg [dreg:$0x1]  }
0x8b0: {  	s0 =	sadd.s32 @!p0 $0x100000, s0  }
0x8b1: {  	[sflag:s0] =	ssyncadd.tile.s32 @!p0 $0x1;
	_ =	shalt  }
.Lfunc_end2:
_tile_overlayer_lowered:
.L_overlay_start_2:
0x8b2: {  	(tag) =	ssettag $0x2  }
0x8b3: {  	s0 =	rddreg [dreg:$0x0];
	s2 =	stileid.u32  }
0x8b4: {  	s1 =	rddreg [dreg:$0x1];
	p0 =	sne.s32 s2, $0x0  }
0x8b5: {  	s3 =	rddreg [dreg:$0x2];
	[bflag:$0x3] =	sbarrier.arrive $0xFFFF;
	s2 =	simm.s32 @!p0 $0x1C03  }
0x8b6: {  	[timem:s3], [sflag:s2] =	dma.local @!p0 [hbm:s0], s1  }
0x8b7: {  	s0 =	simm.s32 @!p0 $0x3  }
0x8b8: {  	_ =	swait.ge @!p0 [sflag:s0], s1  }
0x8b9: {  	s1 =	ssub.s32 @!p0 $0x0, s1;
	[sflag:s0] =	ssyncset.done @!p0 $0x0  }
0x8ba: {  	[sflag:s0] =	ssyncadd.s32 @!p0 s1  }
0x8bb: {  	[bflag:$0x3] =	sbarrier.arrive $0xFFFF  }
0x8bc: {  	_ =	shalt  }

</sc_bundles>
